<compile_context>
chip_gen: v7x
topology: tpu7x:2x2x1
jax: 0.10.2.dev20260603
libtpu: 0.0.44.dev20260713+nightly
codegen_flags: <defaults>
</compile_context>

<pallas_src>
import functools

import jax
import jax.numpy as jnp
from jax import lax
from jax.experimental import pallas as pl
from jax.experimental.pallas import tpu as pltpu
from jax.experimental.pallas import tpu_sc as plsc

_RADIUS = 3.0
_NCELL = 16
_NSTEPS = 50
_NCORES = 2
_NSUB = 16
_NW = _NCORES * _NSUB
_LANES = 16
_U = 16
_STEP_UNROLL = 5
_BLK = _U * _LANES
_TC_ROWS = 2880
_TC_BR = 320


def _prep_tables(theta, ba, bb, time):
    c = theta.shape[0]

    def body(time_ref, theta_ref, ba_ref, bb_ref, a_ref, b_ref, s_ref):
        dt = time_ref[0] / jnp.float32(_NSTEPS)
        dn = (((1,), (1,)), ((), ()))
        a = lax.dot_general(ba_ref[...], theta_ref[...], dn,
                            preferred_element_type=jnp.float32)
        b = lax.dot_general(bb_ref[...], theta_ref[...], dn,
                            preferred_element_type=jnp.float32)
        a_ref[...] = jnp.float32(1.0) + dt * a
        b_ref[...] = (jnp.float32(16.0) * dt) * b
        shifted = jnp.concatenate(
            [jnp.zeros((1, c), jnp.float32), a[:_NCELL - 1, :]], axis=0)
        rowid = lax.broadcasted_iota(jnp.int32, (_NCELL, c), 0)
        s_ref[...] = dt * (a - shifted) + jnp.where(
            rowid == 0, jnp.float32(1.0), jnp.float32(0.0))

    return pl.pallas_call(
        body,
        in_specs=[
            pl.BlockSpec(memory_space=pltpu.SMEM),
            pl.BlockSpec(memory_space=pltpu.VMEM),
            pl.BlockSpec(memory_space=pltpu.VMEM),
            pl.BlockSpec(memory_space=pltpu.VMEM),
        ],
        out_specs=[
            pl.BlockSpec(memory_space=pltpu.VMEM),
            pl.BlockSpec(memory_space=pltpu.VMEM),
            pl.BlockSpec(memory_space=pltpu.VMEM),
        ],
        out_shape=[
            jax.ShapeDtypeStruct((_NCELL, c), jnp.float32),
            jax.ShapeDtypeStruct((_NCELL, c), jnp.float32),
            jax.ShapeDtypeStruct((_NCELL, c), jnp.float32),
        ],
    )(time, theta, ba, bb)


def _tc_transform(x2d, s0e):
    r, c = x2d.shape
    br = _TC_BR
    assert r % br == 0

    def body(s_ref, x_ref, o_ref):
        coef = s_ref[...]
        xv = x_ref[...]
        xs = (xv + _RADIUS) * jnp.float32(1.0 / (2.0 * _RADIUS))
        z0 = xs * jnp.float32(_NCELL)
        s0 = coef[0:1, :]

        def step(i, z):
            parts = [z * s0, None, None, None]
            for k in range(1, _NCELL):
                t = coef[k:k + 1, :] * jnp.maximum(
                    z - jnp.float32(k), jnp.float32(0.0))
                j = k % 4
                parts[j] = t if parts[j] is None else parts[j] + t
            return (parts[0] + parts[1]) + (parts[2] + parts[3])

        zf = lax.fori_loop(0, _NSTEPS, step, z0)
        res = zf * jnp.float32(2.0 * _RADIUS / _NCELL) - jnp.float32(_RADIUS)
        msk = jnp.logical_or(xs >= 1.0, xs <= 0.0)
        o_ref[...] = jnp.where(msk, xv, res)

    return pl.pallas_call(
        body,
        grid=(r // br,),
        in_specs=[
            pl.BlockSpec((_NCELL, c), lambda i: (0, 0)),
            pl.BlockSpec((br, c), lambda i: (i, 0)),
        ],
        out_specs=pl.BlockSpec((br, c), lambda i: (i, 0)),
        out_shape=jax.ShapeDtypeStruct((r, c), jnp.float32),
    )(s0e, x2d)


def _sc_transform(xflat, a1flat, b16flat, nchan):
    n_elem = xflat.shape[0]
    nblk = n_elem // _BLK
    assert nblk * _BLK == n_elem
    base_blocks = nblk // _NW
    extra = nblk - base_blocks * _NW
    buf_words = (base_blocks + (1 if extra else 0)) * _BLK

    mesh = plsc.VectorSubcoreMesh(
        core_axis_name="c", subcore_axis_name="s",
        num_cores=_NCORES, num_subcores=_NSUB)

    @functools.partial(
        pl.kernel,
        mesh=mesh,
        compiler_params=pltpu.CompilerParams(needs_layout_passes=False),
        out_type=jax.ShapeDtypeStruct((n_elem,), jnp.float32),
        scratch_types=[
            pltpu.VMEM((buf_words,), jnp.float32),
            pltpu.VMEM((buf_words,), jnp.float32),
            pltpu.VMEM((nchan * _NCELL,), jnp.float32),
            pltpu.VMEM((nchan * _NCELL,), jnp.float32),
        ],
    )
    def run(x_hbm, a_hbm, b_hbm, out_hbm, xin, xout, atab, btab):
        wid = lax.axis_index("s") * _NCORES + lax.axis_index("c")
        is_big = wid < extra
        myblocks = base_blocks + jnp.where(is_big, 1, 0)
        start = wid * base_blocks + jnp.minimum(wid, extra)
        base = start * _BLK

        @pl.when(is_big)
        def _():
            pltpu.sync_copy(x_hbm.at[pl.ds(base, buf_words)], xin)

        @pl.when(jnp.logical_not(is_big))
        def _():
            pltpu.sync_copy(
                x_hbm.at[pl.ds(base, base_blocks * _BLK)],
                xin.at[pl.ds(0, base_blocks * _BLK)])

        pltpu.sync_copy(a_hbm, atab)
        pltpu.sync_copy(b_hbm, btab)

        iota = lax.iota(jnp.int32, _LANES)
        ib8 = [iota + (16 * j % nchan) for j in range(8)]

        def group(g, _):
            offs = g * _BLK
            z = []
            for u in range(_U):
                xs = (xin[pl.ds(offs + u * _LANES, _LANES)]
                      + _RADIUS) * jnp.float32(1.0 / (2.0 * _RADIUS))
                z.append(xs * jnp.float32(_NCELL))

            def step(i, zs):
                zs = list(zs)
                for _ in range(_STEP_UNROLL):
                    out = []
                    for u in range(_U):
                        zu = zs[u]
                        cell = jnp.minimum(
                            jnp.maximum(zu, jnp.float32(0.0)),
                            jnp.float32(_NCELL - 1)).astype(jnp.int32)
                        idx = cell * nchan + ib8[u % 8]
                        ac = plsc.load_gather(atab, [idx])
                        bc = plsc.load_gather(btab, [idx])
                        out.append(ac * zu + bc)
                    zs = out
                return tuple(zs)

            zf = lax.fori_loop(0, _NSTEPS // _STEP_UNROLL, step, tuple(z))

            scale = jnp.float32(2.0 * _RADIUS / _NCELL)
            for u in range(_U):
                xv = xin[pl.ds(offs + u * _LANES, _LANES)]
                xs = (xv + _RADIUS) * jnp.float32(1.0 / (2.0 * _RADIUS))
                msk = jnp.logical_or(xs >= 1.0, xs <= 0.0)
                res = zf[u] * scale - jnp.float32(_RADIUS)
                xout[pl.ds(offs + u * _LANES, _LANES)] = jnp.where(msk, xv, res)
            return 0

        lax.fori_loop(0, myblocks, group, 0)

        @pl.when(is_big)
        def _():
            pltpu.sync_copy(xout, out_hbm.at[pl.ds(base, buf_words)])

        @pl.when(jnp.logical_not(is_big))
        def _():
            pltpu.sync_copy(
                xout.at[pl.ds(0, base_blocks * _BLK)],
                out_hbm.at[pl.ds(base, base_blocks * _BLK)])

    return run(xflat, a1flat, b16flat)


def kernel(x, edge_index, edge_attr, batch, time, theta, B):
    n, nchan = x.shape
    ba = B[0::2, :]
    bb = B[1::2, :]
    a1, b16, s0e = _prep_tables(theta, ba, bb, time)
    y_sc = _sc_transform(x[_TC_ROWS:].reshape(-1),
                         a1.reshape(-1), b16.reshape(-1), nchan)
    y_tc = _tc_transform(x[:_TC_ROWS], s0e)
    out = jnp.concatenate([y_tc, y_sc.reshape(n - _TC_ROWS, nchan)], axis=0)
    return (out, theta)

# --- scband reference (transcript-rebuilt; emitter-appended) ---
"""Pipeline reference for scband-cpabactivation-different-53197464928907 (READ-ONLY COPY).

The authoritative reference and input builder live on the scoring server;
editing this copy changes nothing except your own understanding.
"""

import jax, jax.numpy as jnp
import numpy as np

NC = 16
RADIUS = 3.0
N_NODES = 10000
N_EDGES = 320000
CHANNEL = 128
N_STEPS = 50


def _make_basis(nc):
    # CPA velocity field basis for 1D tessellation on [0,1], zero boundary,
    # continuity at internal knots. Per-cell params [a_c, b_c] at indices 2c, 2c+1.
    D = 2 * nc
    rows = []
    for k in range(1, nc):
        xk = k / nc
        r = np.zeros(D)
        c = k - 1
        r[2 * c] = xk
        r[2 * c + 1] = 1.0
        r[2 * c + 2] = -xk
        r[2 * c + 3] = -1.0
        rows.append(r)
    r = np.zeros(D)
    r[1] = 1.0
    rows.append(r)  # v(0) = 0
    r = np.zeros(D)
    r[2 * (nc - 1)] = 1.0
    r[2 * nc - 1] = 1.0
    rows.append(r)  # v(1) = 0
    L = np.stack(rows)
    _, s, vt = np.linalg.svd(L)
    rank = int(np.sum(s > 1e-10))
    B = vt[rank:].T  # null-space basis [D, d], d = nc - 1
    return B.astype(np.float32)


def setup_inputs(seed: int = 0):
    key = jax.random.key(seed)
    k1, k2, k3, k4, k5 = jax.random.split(key, 5)
    x = jax.random.normal(k1, (N_NODES, CHANNEL), dtype=jnp.float32)
    edge_index = jax.random.randint(k2, (2, N_EDGES), 0, N_NODES)
    edge_attr = jax.random.normal(k3, (N_EDGES, 4), dtype=jnp.float32)
    batch = jnp.sort(jax.random.randint(k4, (N_NODES,), 0, 16))
    time = jnp.ones((1,), dtype=jnp.float32)
    theta = 0.1 * jax.random.normal(k5, (CHANNEL, NC - 1), dtype=jnp.float32)
    B = jnp.asarray(_make_basis(NC))
    return {"x": x, "edge_index": edge_index, "edge_attr": edge_attr, "batch": batch, "time": time, "theta": theta, "B": B}


def reference(x, edge_index, edge_attr, batch, time, theta, B):
    # transform_theta assumed False (attribute undefined in original __init__)
    x_r = x.T  # [C, N]
    perm = jnp.argsort(x_r, axis=1)
    x_sorted = jnp.take_along_axis(x_r, perm, axis=1)
    x_before = x_sorted
    xs = (x_sorted + RADIUS) / (2.0 * RADIUS)
    not_in = jnp.logical_or(xs >= 1.0, xs <= 0.0)
    # per-channel CPA velocity field coefficients
    A = theta @ B.T  # [C, 2*NC]
    a = A[:, 0::2]  # [C, NC]
    b = A[:, 1::2]  # [C, NC]
    dt = time[0] / N_STEPS
    y = xs
    for _ in range(N_STEPS):
        c = jnp.clip(jnp.floor(y * NC).astype(jnp.int32), 0, NC - 1)
        a_c = jnp.take_along_axis(a, c, axis=1)
        b_c = jnp.take_along_axis(b, c, axis=1)
        y = y + dt * (a_c * y + b_c)
    x_t = y * 2.0 * RADIUS - RADIUS
    x_t = jnp.where(not_in, x_before, x_t)
    inv = jnp.argsort(perm, axis=1)
    unsorted = jnp.take_along_axis(x_t, inv, axis=1)
    return (unsorted.T, theta)

if __name__ == "__main__":
    import jax
    _d = setup_inputs()
    print(jax.jit(kernel)(*tuple(_d.values())))

</pallas_src>

<mosaic_0001>
#map = affine_map<(d0, d1) -> (0)>
module attributes {stable_mosaic.version = 14 : i64} {
  func.func @run(%arg0: i32, %arg1: i32, %arg2: memref<911360xf32, #tpu.memory_space<hbm>>, %arg3: memref<2048xf32, #tpu.memory_space<hbm>>, %arg4: memref<2048xf32, #tpu.memory_space<hbm>>, %arg5: memref<911360xf32, #tpu.memory_space<hbm>>, %arg6: memref<28672xf32, #tpu.memory_space<vmem>>, %arg7: memref<28672xf32, #tpu.memory_space<vmem>>, %arg8: memref<2048xf32, #tpu.memory_space<vmem>>, %arg9: memref<2048xf32, #tpu.memory_space<vmem>>) attributes {dimension_semantics = [#tpu.dimension_semantics<core_parallel>, #tpu.dimension_semantics<subcore_parallel>], iteration_bounds = array<i64: 2, 16>, scalar_prefetch = 0 : i64, scratch_operands = 4 : i64, tpu.core_type = #tpu.core_type<sc_vector_subcore>, window_params = [{transform_indices = #map}, {transform_indices = #map}, {transform_indices = #map}, {transform_indices = #map}]} {
    %mul3A = arith.constant 2 : i32
    %mul3A_0 = arith.muli %arg1, %mul3A : i32
    %add3A = arith.addi %mul3A_0, %arg0 : i32
    %lt3A = arith.constant 8 : i32
    %lt3A_1 = arith.cmpi slt, %add3A, %lt3A : i32
    %jit3A = arith.constant 1 : i32
    %jit3A_2 = arith.constant 0 : i32
    %select_n3A = arith.select %lt3A_1, %jit3A, %jit3A_2 : i32
    %add3A_3 = arith.constant 111 : i32
    %add3A_4 = arith.addi %add3A_3, %select_n3A : i32
    %mul3A_5 = arith.constant 111 : i32
    %mul3A_6 = arith.muli %add3A, %mul3A_5 : i32
    %min3A = arith.constant 8 : i32
    %min3A_7 = arith.minsi %add3A, %min3A : i32
    %add3A_8 = arith.addi %mul3A_6, %min3A_7 : i32
    %mul3A_9 = arith.constant 256 : i32
    %mul3A_10 = arith.muli %add3A_8, %mul3A_9 : i32
    %convert_element_type3A = arith.extui %lt3A_1 : i1 to i32
    %cond3A = arith.constant 0 : i32
    %cond3A_11 = arith.cmpi ne, %convert_element_type3A, %cond3A : i32
    scf.if %cond3A_11 {
      "tpu.region"() ({
        %run_scoped3A = tpu.sem_alloc : memref<!tpu.dma_semaphore, #tpu.memory_space<semaphore_mem>>
        %dma_start3A = tpu.memref_slice %arg2[%mul3A_10] : memref<911360xf32, #tpu.memory_space<hbm>> -> memref<28672xf32, #tpu.memory_space<hbm>>
        %dma_start3A_59 = tpu.memref_slice %arg2[%mul3A_10] : memref<911360xf32, #tpu.memory_space<hbm>> -> memref<28672xf32, #tpu.memory_space<hbm>>
        tpu.enqueue_dma source(%dma_start3A_59 : memref<28672xf32, #tpu.memory_space<hbm>>) target(%arg6 : memref<28672xf32, #tpu.memory_space<vmem>>) target_semaphore(%run_scoped3A : memref<!tpu.dma_semaphore, #tpu.memory_space<semaphore_mem>>)
        %dma_wait3A = tpu.memref_slice %arg2[%mul3A_10] : memref<911360xf32, #tpu.memory_space<hbm>> -> memref<28672xf32, #tpu.memory_space<hbm>>
        %dma_wait3A_60 = tpu.memref_slice %arg2[%mul3A_10] : memref<911360xf32, #tpu.memory_space<hbm>> -> memref<28672xf32, #tpu.memory_space<hbm>>
        tpu.wait_dma2 semaphore(%run_scoped3A : memref<!tpu.dma_semaphore, #tpu.memory_space<semaphore_mem>>) src(%dma_wait3A_60 : memref<28672xf32, #tpu.memory_space<hbm>>) dst(%arg6 : memref<28672xf32, #tpu.memory_space<vmem>>)
        tpu.yield
      }) : () -> ()
    } else {
    }
    %not3A = arith.constant true
    %not3A_12 = arith.xori %lt3A_1, %not3A : i1
    %convert_element_type3A_13 = arith.extui %not3A_12 : i1 to i32
    %cond3A_14 = arith.constant 0 : i32
    %cond3A_15 = arith.cmpi ne, %convert_element_type3A_13, %cond3A_14 : i32
    scf.if %cond3A_15 {
      "tpu.region"() ({
        %run_scoped3A = tpu.sem_alloc : memref<!tpu.dma_semaphore, #tpu.memory_space<semaphore_mem>>
        %dma_start3A = arith.constant 0 : i32
        %dma_start3A_59 = tpu.memref_slice %arg6[%dma_start3A] : memref<28672xf32, #tpu.memory_space<vmem>> -> memref<28416xf32, #tpu.memory_space<vmem>>
        %dma_start3A_60 = tpu.memref_slice %arg2[%mul3A_10] : memref<911360xf32, #tpu.memory_space<hbm>> -> memref<28416xf32, #tpu.memory_space<hbm>>
        %dma_start3A_61 = arith.constant 0 : i32
        %dma_start3A_62 = tpu.memref_slice %arg6[%dma_start3A_61] : memref<28672xf32, #tpu.memory_space<vmem>> -> memref<28416xf32, #tpu.memory_space<vmem>>
        %dma_start3A_63 = tpu.memref_slice %arg2[%mul3A_10] : memref<911360xf32, #tpu.memory_space<hbm>> -> memref<28416xf32, #tpu.memory_space<hbm>>
        tpu.enqueue_dma source(%dma_start3A_63 : memref<28416xf32, #tpu.memory_space<hbm>>) target(%dma_start3A_62 : memref<28416xf32, #tpu.memory_space<vmem>>) target_semaphore(%run_scoped3A : memref<!tpu.dma_semaphore, #tpu.memory_space<semaphore_mem>>)
        %dma_wait3A = arith.constant 0 : i32
        %dma_wait3A_64 = tpu.memref_slice %arg6[%dma_wait3A] : memref<28672xf32, #tpu.memory_space<vmem>> -> memref<28416xf32, #tpu.memory_space<vmem>>
        %dma_wait3A_65 = tpu.memref_slice %arg2[%mul3A_10] : memref<911360xf32, #tpu.memory_space<hbm>> -> memref<28416xf32, #tpu.memory_space<hbm>>
        %dma_wait3A_66 = arith.constant 0 : i32
        %dma_wait3A_67 = tpu.memref_slice %arg6[%dma_wait3A_66] : memref<28672xf32, #tpu.memory_space<vmem>> -> memref<28416xf32, #tpu.memory_space<vmem>>
        %dma_wait3A_68 = tpu.memref_slice %arg2[%mul3A_10] : memref<911360xf32, #tpu.memory_space<hbm>> -> memref<28416xf32, #tpu.memory_space<hbm>>
        tpu.wait_dma2 semaphore(%run_scoped3A : memref<!tpu.dma_semaphore, #tpu.memory_space<semaphore_mem>>) src(%dma_wait3A_68 : memref<28416xf32, #tpu.memory_space<hbm>>) dst(%dma_wait3A_67 : memref<28416xf32, #tpu.memory_space<vmem>>)
        tpu.yield
      }) : () -> ()
    } else {
    }
    "tpu.region"() ({
      %run_scoped3A = tpu.sem_alloc : memref<!tpu.dma_semaphore, #tpu.memory_space<semaphore_mem>>
      tpu.enqueue_dma source(%arg3 : memref<2048xf32, #tpu.memory_space<hbm>>) target(%arg8 : memref<2048xf32, #tpu.memory_space<vmem>>) target_semaphore(%run_scoped3A : memref<!tpu.dma_semaphore, #tpu.memory_space<semaphore_mem>>)
      tpu.wait_dma2 semaphore(%run_scoped3A : memref<!tpu.dma_semaphore, #tpu.memory_space<semaphore_mem>>) src(%arg3 : memref<2048xf32, #tpu.memory_space<hbm>>) dst(%arg8 : memref<2048xf32, #tpu.memory_space<vmem>>)
      tpu.yield
    }) : () -> ()
    "tpu.region"() ({
      %run_scoped3A = tpu.sem_alloc : memref<!tpu.dma_semaphore, #tpu.memory_space<semaphore_mem>>
      tpu.enqueue_dma source(%arg4 : memref<2048xf32, #tpu.memory_space<hbm>>) target(%arg9 : memref<2048xf32, #tpu.memory_space<vmem>>) target_semaphore(%run_scoped3A : memref<!tpu.dma_semaphore, #tpu.memory_space<semaphore_mem>>)
      tpu.wait_dma2 semaphore(%run_scoped3A : memref<!tpu.dma_semaphore, #tpu.memory_space<semaphore_mem>>) src(%arg4 : memref<2048xf32, #tpu.memory_space<hbm>>) dst(%arg9 : memref<2048xf32, #tpu.memory_space<vmem>>)
      tpu.yield
    }) : () -> ()
    %iota3A = tpu.iota {dimensions = array<i32: 0>} : vector<16xi32>
    %add3A_16 = arith.constant 0 : i32
    %add3A_17 = vector.broadcast %add3A_16 : i32 to vector<16xi32>
    %add3A_18 = arith.addi %iota3A, %add3A_17 : vector<16xi32>
    %add3A_19 = arith.constant 16 : i32
    %add3A_20 = vector.broadcast %add3A_19 : i32 to vector<16xi32>
    %add3A_21 = arith.addi %iota3A, %add3A_20 : vector<16xi32>
    %add3A_22 = arith.constant 32 : i32
    %add3A_23 = vector.broadcast %add3A_22 : i32 to vector<16xi32>
    %add3A_24 = arith.addi %iota3A, %add3A_23 : vector<16xi32>
    %add3A_25 = arith.constant 48 : i32
    %add3A_26 = vector.broadcast %add3A_25 : i32 to vector<16xi32>
    %add3A_27 = arith.addi %iota3A, %add3A_26 : vector<16xi32>
    %add3A_28 = arith.constant 64 : i32
    %add3A_29 = vector.broadcast %add3A_28 : i32 to vector<16xi32>
    %add3A_30 = arith.addi %iota3A, %add3A_29 : vector<16xi32>
    %add3A_31 = arith.constant 80 : i32
    %add3A_32 = vector.broadcast %add3A_31 : i32 to vector<16xi32>
    %add3A_33 = arith.addi %iota3A, %add3A_32 : vector<16xi32>
    %add3A_34 = arith.constant 96 : i32
    %add3A_35 = vector.broadcast %add3A_34 : i32 to vector<16xi32>
    %add3A_36 = arith.addi %iota3A, %add3A_35 : vector<16xi32>
    %add3A_37 = arith.constant 112 : i32
    %add3A_38 = vector.broadcast %add3A_37 : i32 to vector<16xi32>
    %add3A_39 = arith.addi %iota3A, %add3A_38 : vector<16xi32>
    %while3A = arith.constant 0 : i32
    %while3A_40 = arith.constant 0 : i32
    %while3A_41 = arith.subi %add3A_4, %while3A : i32
    %while3A_42 = arith.addi %while3A, %while3A_41 : i32
    %while3A_43 = arith.constant 1 : i32
    %while3A_44 = arith.divsi %while3A_41, %while3A_43 : i32
    %while3A_45 = arith.muli %while3A_44, %while3A_43 : i32
    %while3A_46 = arith.addi %while3A, %while3A_45 : i32
    %while3A_47 = arith.constant 1 : i32
    %while3A_48 = scf.for %while3A_59 = %while3A to %while3A_46 step %while3A_47 iter_args(%while3A_60 = %while3A_40) -> (i32)  : i32 {
      %mul3A_61 = arith.constant 256 : i32
      %mul3A_62 = arith.muli %while3A_59, %mul3A_61 : i32
      %add3A_63 = arith.constant 0 : i32
      %add3A_64 = arith.addi %mul3A_62, %add3A_63 : i32
      %get3A = arith.index_cast %add3A_64 : i32 to index
      %get3A_65 = tpu.vector_load %arg6[%get3A] {strides = array<i32>} : memref<28672xf32, #tpu.memory_space<vmem>>, vector<16xf32>,
      %add3A_66 = arith.constant 3.000000e+00 : f32
      %add3A_67 = vector.broadcast %add3A_66 : f32 to vector<16xf32>
      %add3A_68 = arith.addf %get3A_65, %add3A_67 : vector<16xf32>
      %mul3A_69 = arith.constant 0.166666672 : f32
      %mul3A_70 = vector.broadcast %mul3A_69 : f32 to vector<16xf32>
      %mul3A_71 = arith.mulf %add3A_68, %mul3A_70 : vector<16xf32>
      %mul3A_72 = arith.constant 1.600000e+01 : f32
      %mul3A_73 = vector.broadcast %mul3A_72 : f32 to vector<16xf32>
      %mul3A_74 = arith.mulf %mul3A_71, %mul3A_73 : vector<16xf32>
      %add3A_75 = arith.constant 16 : i32
      %add3A_76 = arith.addi %mul3A_62, %add3A_75 : i32
      %get3A_77 = arith.index_cast %add3A_76 : i32 to index
      %get3A_78 = tpu.vector_load %arg6[%get3A_77] {strides = array<i32>} : memref<28672xf32, #tpu.memory_space<vmem>>, vector<16xf32>,
      %add3A_79 = arith.constant 3.000000e+00 : f32
      %add3A_80 = vector.broadcast %add3A_79 : f32 to vector<16xf32>
      %add3A_81 = arith.addf %get3A_78, %add3A_80 : vector<16xf32>
      %mul3A_82 = arith.constant 0.166666672 : f32
      %mul3A_83 = vector.broadcast %mul3A_82 : f32 to vector<16xf32>
      %mul3A_84 = arith.mulf %add3A_81, %mul3A_83 : vector<16xf32>
      %mul3A_85 = arith.constant 1.600000e+01 : f32
      %mul3A_86 = vector.broadcast %mul3A_85 : f32 to vector<16xf32>
      %mul3A_87 = arith.mulf %mul3A_84, %mul3A_86 : vector<16xf32>
      %add3A_88 = arith.constant 32 : i32
      %add3A_89 = arith.addi %mul3A_62, %add3A_88 : i32
      %get3A_90 = arith.index_cast %add3A_89 : i32 to index
      %get3A_91 = tpu.vector_load %arg6[%get3A_90] {strides = array<i32>} : memref<28672xf32, #tpu.memory_space<vmem>>, vector<16xf32>,
      %add3A_92 = arith.constant 3.000000e+00 : f32
      %add3A_93 = vector.broadcast %add3A_92 : f32 to vector<16xf32>
      %add3A_94 = arith.addf %get3A_91, %add3A_93 : vector<16xf32>
      %mul3A_95 = arith.constant 0.166666672 : f32
      %mul3A_96 = vector.broadcast %mul3A_95 : f32 to vector<16xf32>
      %mul3A_97 = arith.mulf %add3A_94, %mul3A_96 : vector<16xf32>
      %mul3A_98 = arith.constant 1.600000e+01 : f32
      %mul3A_99 = vector.broadcast %mul3A_98 : f32 to vector<16xf32>
      %mul3A_100 = arith.mulf %mul3A_97, %mul3A_99 : vector<16xf32>
      %add3A_101 = arith.constant 48 : i32
      %add3A_102 = arith.addi %mul3A_62, %add3A_101 : i32
      %get3A_103 = arith.index_cast %add3A_102 : i32 to index
      %get3A_104 = tpu.vector_load %arg6[%get3A_103] {strides = array<i32>} : memref<28672xf32, #tpu.memory_space<vmem>>, vector<16xf32>,
      %add3A_105 = arith.constant 3.000000e+00 : f32
      %add3A_106 = vector.broadcast %add3A_105 : f32 to vector<16xf32>
      %add3A_107 = arith.addf %get3A_104, %add3A_106 : vector<16xf32>
      %mul3A_108 = arith.constant 0.166666672 : f32
      %mul3A_109 = vector.broadcast %mul3A_108 : f32 to vector<16xf32>
      %mul3A_110 = arith.mulf %add3A_107, %mul3A_109 : vector<16xf32>
      %mul3A_111 = arith.constant 1.600000e+01 : f32
      %mul3A_112 = vector.broadcast %mul3A_111 : f32 to vector<16xf32>
      %mul3A_113 = arith.mulf %mul3A_110, %mul3A_112 : vector<16xf32>
      %add3A_114 = arith.constant 64 : i32
      %add3A_115 = arith.addi %mul3A_62, %add3A_114 : i32
      %get3A_116 = arith.index_cast %add3A_115 : i32 to index
      %get3A_117 = tpu.vector_load %arg6[%get3A_116] {strides = array<i32>} : memref<28672xf32, #tpu.memory_space<vmem>>, vector<16xf32>,
      %add3A_118 = arith.constant 3.000000e+00 : f32
      %add3A_119 = vector.broadcast %add3A_118 : f32 to vector<16xf32>
      %add3A_120 = arith.addf %get3A_117, %add3A_119 : vector<16xf32>
      %mul3A_121 = arith.constant 0.166666672 : f32
      %mul3A_122 = vector.broadcast %mul3A_121 : f32 to vector<16xf32>
      %mul3A_123 = arith.mulf %add3A_120, %mul3A_122 : vector<16xf32>
      %mul3A_124 = arith.constant 1.600000e+01 : f32
      %mul3A_125 = vector.broadcast %mul3A_124 : f32 to vector<16xf32>
      %mul3A_126 = arith.mulf %mul3A_123, %mul3A_125 : vector<16xf32>
      %add3A_127 = arith.constant 80 : i32
      %add3A_128 = arith.addi %mul3A_62, %add3A_127 : i32
      %get3A_129 = arith.index_cast %add3A_128 : i32 to index
      %get3A_130 = tpu.vector_load %arg6[%get3A_129] {strides = array<i32>} : memref<28672xf32, #tpu.memory_space<vmem>>, vector<16xf32>,
      %add3A_131 = arith.constant 3.000000e+00 : f32
      %add3A_132 = vector.broadcast %add3A_131 : f32 to vector<16xf32>
      %add3A_133 = arith.addf %get3A_130, %add3A_132 : vector<16xf32>
      %mul3A_134 = arith.constant 0.166666672 : f32
      %mul3A_135 = vector.broadcast %mul3A_134 : f32 to vector<16xf32>
      %mul3A_136 = arith.mulf %add3A_133, %mul3A_135 : vector<16xf32>
      %mul3A_137 = arith.constant 1.600000e+01 : f32
      %mul3A_138 = vector.broadcast %mul3A_137 : f32 to vector<16xf32>
      %mul3A_139 = arith.mulf %mul3A_136, %mul3A_138 : vector<16xf32>
      %add3A_140 = arith.constant 96 : i32
      %add3A_141 = arith.addi %mul3A_62, %add3A_140 : i32
      %get3A_142 = arith.index_cast %add3A_141 : i32 to index
      %get3A_143 = tpu.vector_load %arg6[%get3A_142] {strides = array<i32>} : memref<28672xf32, #tpu.memory_space<vmem>>, vector<16xf32>,
      %add3A_144 = arith.constant 3.000000e+00 : f32
      %add3A_145 = vector.broadcast %add3A_144 : f32 to vector<16xf32>
      %add3A_146 = arith.addf %get3A_143, %add3A_145 : vector<16xf32>
      %mul3A_147 = arith.constant 0.166666672 : f32
      %mul3A_148 = vector.broadcast %mul3A_147 : f32 to vector<16xf32>
      %mul3A_149 = arith.mulf %add3A_146, %mul3A_148 : vector<16xf32>
      %mul3A_150 = arith.constant 1.600000e+01 : f32
      %mul3A_151 = vector.broadcast %mul3A_150 : f32 to vector<16xf32>
      %mul3A_152 = arith.mulf %mul3A_149, %mul3A_151 : vector<16xf32>
      %add3A_153 = arith.constant 112 : i32
      %add3A_154 = arith.addi %mul3A_62, %add3A_153 : i32
      %get3A_155 = arith.index_cast %add3A_154 : i32 to index
      %get3A_156 = tpu.vector_load %arg6[%get3A_155] {strides = array<i32>} : memref<28672xf32, #tpu.memory_space<vmem>>, vector<16xf32>,
      %add3A_157 = arith.constant 3.000000e+00 : f32
      %add3A_158 = vector.broadcast %add3A_157 : f32 to vector<16xf32>
      %add3A_159 = arith.addf %get3A_156, %add3A_158 : vector<16xf32>
      %mul3A_160 = arith.constant 0.166666672 : f32
      %mul3A_161 = vector.broadcast %mul3A_160 : f32 to vector<16xf32>
      %mul3A_162 = arith.mulf %add3A_159, %mul3A_161 : vector<16xf32>
      %mul3A_163 = arith.constant 1.600000e+01 : f32
      %mul3A_164 = vector.broadcast %mul3A_163 : f32 to vector<16xf32>
      %mul3A_165 = arith.mulf %mul3A_162, %mul3A_164 : vector<16xf32>
      %add3A_166 = arith.constant 128 : i32
      %add3A_167 = arith.addi %mul3A_62, %add3A_166 : i32
      %get3A_168 = arith.index_cast %add3A_167 : i32 to index
      %get3A_169 = tpu.vector_load %arg6[%get3A_168] {strides = array<i32>} : memref<28672xf32, #tpu.memory_space<vmem>>, vector<16xf32>,
      %add3A_170 = arith.constant 3.000000e+00 : f32
      %add3A_171 = vector.broadcast %add3A_170 : f32 to vector<16xf32>
      %add3A_172 = arith.addf %get3A_169, %add3A_171 : vector<16xf32>
      %mul3A_173 = arith.constant 0.166666672 : f32
      %mul3A_174 = vector.broadcast %mul3A_173 : f32 to vector<16xf32>
      %mul3A_175 = arith.mulf %add3A_172, %mul3A_174 : vector<16xf32>
      %mul3A_176 = arith.constant 1.600000e+01 : f32
      %mul3A_177 = vector.broadcast %mul3A_176 : f32 to vector<16xf32>
      %mul3A_178 = arith.mulf %mul3A_175, %mul3A_177 : vector<16xf32>
      %add3A_179 = arith.constant 144 : i32
      %add3A_180 = arith.addi %mul3A_62, %add3A_179 : i32
      %get3A_181 = arith.index_cast %add3A_180 : i32 to index
      %get3A_182 = tpu.vector_load %arg6[%get3A_181] {strides = array<i32>} : memref<28672xf32, #tpu.memory_space<vmem>>, vector<16xf32>,
      %add3A_183 = arith.constant 3.000000e+00 : f32
      %add3A_184 = vector.broadcast %add3A_183 : f32 to vector<16xf32>
      %add3A_185 = arith.addf %get3A_182, %add3A_184 : vector<16xf32>
      %mul3A_186 = arith.constant 0.166666672 : f32
      %mul3A_187 = vector.broadcast %mul3A_186 : f32 to vector<16xf32>
      %mul3A_188 = arith.mulf %add3A_185, %mul3A_187 : vector<16xf32>
      %mul3A_189 = arith.constant 1.600000e+01 : f32
      %mul3A_190 = vector.broadcast %mul3A_189 : f32 to vector<16xf32>
      %mul3A_191 = arith.mulf %mul3A_188, %mul3A_190 : vector<16xf32>
      %add3A_192 = arith.constant 160 : i32
      %add3A_193 = arith.addi %mul3A_62, %add3A_192 : i32
      %get3A_194 = arith.index_cast %add3A_193 : i32 to index
      %get3A_195 = tpu.vector_load %arg6[%get3A_194] {strides = array<i32>} : memref<28672xf32, #tpu.memory_space<vmem>>, vector<16xf32>,
      %add3A_196 = arith.constant 3.000000e+00 : f32
      %add3A_197 = vector.broadcast %add3A_196 : f32 to vector<16xf32>
      %add3A_198 = arith.addf %get3A_195, %add3A_197 : vector<16xf32>
      %mul3A_199 = arith.constant 0.166666672 : f32
      %mul3A_200 = vector.broadcast %mul3A_199 : f32 to vector<16xf32>
      %mul3A_201 = arith.mulf %add3A_198, %mul3A_200 : vector<16xf32>
      %mul3A_202 = arith.constant 1.600000e+01 : f32
      %mul3A_203 = vector.broadcast %mul3A_202 : f32 to vector<16xf32>
      %mul3A_204 = arith.mulf %mul3A_201, %mul3A_203 : vector<16xf32>
      %add3A_205 = arith.constant 176 : i32
      %add3A_206 = arith.addi %mul3A_62, %add3A_205 : i32
      %get3A_207 = arith.index_cast %add3A_206 : i32 to index
      %get3A_208 = tpu.vector_load %arg6[%get3A_207] {strides = array<i32>} : memref<28672xf32, #tpu.memory_space<vmem>>, vector<16xf32>,
      %add3A_209 = arith.constant 3.000000e+00 : f32
      %add3A_210 = vector.broadcast %add3A_209 : f32 to vector<16xf32>
      %add3A_211 = arith.addf %get3A_208, %add3A_210 : vector<16xf32>
      %mul3A_212 = arith.constant 0.166666672 : f32
      %mul3A_213 = vector.broadcast %mul3A_212 : f32 to vector<16xf32>
      %mul3A_214 = arith.mulf %add3A_211, %mul3A_213 : vector<16xf32>
      %mul3A_215 = arith.constant 1.600000e+01 : f32
      %mul3A_216 = vector.broadcast %mul3A_215 : f32 to vector<16xf32>
      %mul3A_217 = arith.mulf %mul3A_214, %mul3A_216 : vector<16xf32>
      %add3A_218 = arith.constant 192 : i32
      %add3A_219 = arith.addi %mul3A_62, %add3A_218 : i32
      %get3A_220 = arith.index_cast %add3A_219 : i32 to index
      %get3A_221 = tpu.vector_load %arg6[%get3A_220] {strides = array<i32>} : memref<28672xf32, #tpu.memory_space<vmem>>, vector<16xf32>,
      %add3A_222 = arith.constant 3.000000e+00 : f32
      %add3A_223 = vector.broadcast %add3A_222 : f32 to vector<16xf32>
      %add3A_224 = arith.addf %get3A_221, %add3A_223 : vector<16xf32>
      %mul3A_225 = arith.constant 0.166666672 : f32
      %mul3A_226 = vector.broadcast %mul3A_225 : f32 to vector<16xf32>
      %mul3A_227 = arith.mulf %add3A_224, %mul3A_226 : vector<16xf32>
      %mul3A_228 = arith.constant 1.600000e+01 : f32
      %mul3A_229 = vector.broadcast %mul3A_228 : f32 to vector<16xf32>
      %mul3A_230 = arith.mulf %mul3A_227, %mul3A_229 : vector<16xf32>
      %add3A_231 = arith.constant 208 : i32
      %add3A_232 = arith.addi %mul3A_62, %add3A_231 : i32
      %get3A_233 = arith.index_cast %add3A_232 : i32 to index
      %get3A_234 = tpu.vector_load %arg6[%get3A_233] {strides = array<i32>} : memref<28672xf32, #tpu.memory_space<vmem>>, vector<16xf32>,
      %add3A_235 = arith.constant 3.000000e+00 : f32
      %add3A_236 = vector.broadcast %add3A_235 : f32 to vector<16xf32>
      %add3A_237 = arith.addf %get3A_234, %add3A_236 : vector<16xf32>
      %mul3A_238 = arith.constant 0.166666672 : f32
      %mul3A_239 = vector.broadcast %mul3A_238 : f32 to vector<16xf32>
      %mul3A_240 = arith.mulf %add3A_237, %mul3A_239 : vector<16xf32>
      %mul3A_241 = arith.constant 1.600000e+01 : f32
      %mul3A_242 = vector.broadcast %mul3A_241 : f32 to vector<16xf32>
      %mul3A_243 = arith.mulf %mul3A_240, %mul3A_242 : vector<16xf32>
      %add3A_244 = arith.constant 224 : i32
      %add3A_245 = arith.addi %mul3A_62, %add3A_244 : i32
      %get3A_246 = arith.index_cast %add3A_245 : i32 to index
      %get3A_247 = tpu.vector_load %arg6[%get3A_246] {strides = array<i32>} : memref<28672xf32, #tpu.memory_space<vmem>>, vector<16xf32>,
      %add3A_248 = arith.constant 3.000000e+00 : f32
      %add3A_249 = vector.broadcast %add3A_248 : f32 to vector<16xf32>
      %add3A_250 = arith.addf %get3A_247, %add3A_249 : vector<16xf32>
      %mul3A_251 = arith.constant 0.166666672 : f32
      %mul3A_252 = vector.broadcast %mul3A_251 : f32 to vector<16xf32>
      %mul3A_253 = arith.mulf %add3A_250, %mul3A_252 : vector<16xf32>
      %mul3A_254 = arith.constant 1.600000e+01 : f32
      %mul3A_255 = vector.broadcast %mul3A_254 : f32 to vector<16xf32>
      %mul3A_256 = arith.mulf %mul3A_253, %mul3A_255 : vector<16xf32>
      %add3A_257 = arith.constant 240 : i32
      %add3A_258 = arith.addi %mul3A_62, %add3A_257 : i32
      %get3A_259 = arith.index_cast %add3A_258 : i32 to index
      %get3A_260 = tpu.vector_load %arg6[%get3A_259] {strides = array<i32>} : memref<28672xf32, #tpu.memory_space<vmem>>, vector<16xf32>,
      %add3A_261 = arith.constant 3.000000e+00 : f32
      %add3A_262 = vector.broadcast %add3A_261 : f32 to vector<16xf32>
      %add3A_263 = arith.addf %get3A_260, %add3A_262 : vector<16xf32>
      %mul3A_264 = arith.constant 0.166666672 : f32
      %mul3A_265 = vector.broadcast %mul3A_264 : f32 to vector<16xf32>
      %mul3A_266 = arith.mulf %add3A_263, %mul3A_265 : vector<16xf32>
      %mul3A_267 = arith.constant 1.600000e+01 : f32
      %mul3A_268 = vector.broadcast %mul3A_267 : f32 to vector<16xf32>
      %mul3A_269 = arith.mulf %mul3A_266, %mul3A_268 : vector<16xf32>
      %scan3A = arith.constant 0 : i32
      %scan3A_270 = arith.constant 10 : i32
      %scan3A_271 = arith.addi %scan3A, %scan3A_270 : i32
      %scan3A_272 = arith.constant 1 : i32
      %scan3A_273:16 = scf.for %scan3A_719 = %scan3A to %scan3A_271 step %scan3A_272 iter_args(%scan3A_720 = %mul3A_74, %scan3A_721 = %mul3A_87, %scan3A_722 = %mul3A_100, %scan3A_723 = %mul3A_113, %scan3A_724 = %mul3A_126, %scan3A_725 = %mul3A_139, %scan3A_726 = %mul3A_152, %scan3A_727 = %mul3A_165, %scan3A_728 = %mul3A_178, %scan3A_729 = %mul3A_191, %scan3A_730 = %mul3A_204, %scan3A_731 = %mul3A_217, %scan3A_732 = %mul3A_230, %scan3A_733 = %mul3A_243, %scan3A_734 = %mul3A_256, %scan3A_735 = %mul3A_269) -> (vector<16xf32>, vector<16xf32>, vector<16xf32>, vector<16xf32>, vector<16xf32>, vector<16xf32>, vector<16xf32>, vector<16xf32>, vector<16xf32>, vector<16xf32>, vector<16xf32>, vector<16xf32>, vector<16xf32>, vector<16xf32>, vector<16xf32>, vector<16xf32>)  : i32 {
        %max3A = arith.constant 0.000000e+00 : f32
        %max3A_736 = vector.broadcast %max3A : f32 to vector<16xf32>
        %max3A_737 = arith.maximumf %scan3A_720, %max3A_736 : vector<16xf32>
        %min3A_738 = arith.constant 1.500000e+01 : f32
        %min3A_739 = vector.broadcast %min3A_738 : f32 to vector<16xf32>
        %min3A_740 = arith.minimumf %max3A_737, %min3A_739 : vector<16xf32>
        %convert_element_type3A_741 = arith.fptosi %min3A_740 : vector<16xf32> to vector<16xi32>
        %mul3A_742 = arith.constant 128 : i32
        %mul3A_743 = vector.broadcast %mul3A_742 : i32 to vector<16xi32>
        %mul3A_744 = arith.muli %convert_element_type3A_741, %mul3A_743 : vector<16xi32>
        %add3A_745 = arith.addi %mul3A_744, %add3A_18 : vector<16xi32>
        %gather3A = tpu.vector_load_idx %arg8[%add3A_745] : memref<2048xf32, #tpu.memory_space<vmem>>[vector<16xi32>], vector<16xf32>,
        %gather3A_746 = tpu.vector_load_idx %arg9[%add3A_745] : memref<2048xf32, #tpu.memory_space<vmem>>[vector<16xi32>], vector<16xf32>,
        %mul3A_747 = arith.mulf %gather3A, %scan3A_720 : vector<16xf32>
        %add3A_748 = arith.addf %mul3A_747, %gather3A_746 : vector<16xf32>
        %max3A_749 = arith.constant 0.000000e+00 : f32
        %max3A_750 = vector.broadcast %max3A_749 : f32 to vector<16xf32>
        %max3A_751 = arith.maximumf %scan3A_721, %max3A_750 : vector<16xf32>
        %min3A_752 = arith.constant 1.500000e+01 : f32
        %min3A_753 = vector.broadcast %min3A_752 : f32 to vector<16xf32>
        %min3A_754 = arith.minimumf %max3A_751, %min3A_753 : vector<16xf32>
        %convert_element_type3A_755 = arith.fptosi %min3A_754 : vector<16xf32> to vector<16xi32>
        %mul3A_756 = arith.constant 128 : i32
        %mul3A_757 = vector.broadcast %mul3A_756 : i32 to vector<16xi32>
        %mul3A_758 = arith.muli %convert_element_type3A_755, %mul3A_757 : vector<16xi32>
        %add3A_759 = arith.addi %mul3A_758, %add3A_21 : vector<16xi32>
        %gather3A_760 = tpu.vector_load_idx %arg8[%add3A_759] : memref<2048xf32, #tpu.memory_space<vmem>>[vector<16xi32>], vector<16xf32>,
        %gather3A_761 = tpu.vector_load_idx %arg9[%add3A_759] : memref<2048xf32, #tpu.memory_space<vmem>>[vector<16xi32>], vector<16xf32>,
        %mul3A_762 = arith.mulf %gather3A_760, %scan3A_721 : vector<16xf32>
        %add3A_763 = arith.addf %mul3A_762, %gather3A_761 : vector<16xf32>
        %max3A_764 = arith.constant 0.000000e+00 : f32
        %max3A_765 = vector.broadcast %max3A_764 : f32 to vector<16xf32>
        %max3A_766 = arith.maximumf %scan3A_722, %max3A_765 : vector<16xf32>
        %min3A_767 = arith.constant 1.500000e+01 : f32
        %min3A_768 = vector.broadcast %min3A_767 : f32 to vector<16xf32>
        %min3A_769 = arith.minimumf %max3A_766, %min3A_768 : vector<16xf32>
        %convert_element_type3A_770 = arith.fptosi %min3A_769 : vector<16xf32> to vector<16xi32>
        %mul3A_771 = arith.constant 128 : i32
        %mul3A_772 = vector.broadcast %mul3A_771 : i32 to vector<16xi32>
        %mul3A_773 = arith.muli %convert_element_type3A_770, %mul3A_772 : vector<16xi32>
        %add3A_774 = arith.addi %mul3A_773, %add3A_24 : vector<16xi32>
        %gather3A_775 = tpu.vector_load_idx %arg8[%add3A_774] : memref<2048xf32, #tpu.memory_space<vmem>>[vector<16xi32>], vector<16xf32>,
        %gather3A_776 = tpu.vector_load_idx %arg9[%add3A_774] : memref<2048xf32, #tpu.memory_space<vmem>>[vector<16xi32>], vector<16xf32>,
        %mul3A_777 = arith.mulf %gather3A_775, %scan3A_722 : vector<16xf32>
        %add3A_778 = arith.addf %mul3A_777, %gather3A_776 : vector<16xf32>
        %max3A_779 = arith.constant 0.000000e+00 : f32
        %max3A_780 = vector.broadcast %max3A_779 : f32 to vector<16xf32>
        %max3A_781 = arith.maximumf %scan3A_723, %max3A_780 : vector<16xf32>
        %min3A_782 = arith.constant 1.500000e+01 : f32
        %min3A_783 = vector.broadcast %min3A_782 : f32 to vector<16xf32>
        %min3A_784 = arith.minimumf %max3A_781, %min3A_783 : vector<16xf32>
        %convert_element_type3A_785 = arith.fptosi %min3A_784 : vector<16xf32> to vector<16xi32>
        %mul3A_786 = arith.constant 128 : i32
        %mul3A_787 = vector.broadcast %mul3A_786 : i32 to vector<16xi32>
        %mul3A_788 = arith.muli %convert_element_type3A_785, %mul3A_787 : vector<16xi32>
        %add3A_789 = arith.addi %mul3A_788, %add3A_27 : vector<16xi32>
        %gather3A_790 = tpu.vector_load_idx %arg8[%add3A_789] : memref<2048xf32, #tpu.memory_space<vmem>>[vector<16xi32>], vector<16xf32>,
        %gather3A_791 = tpu.vector_load_idx %arg9[%add3A_789] : memref<2048xf32, #tpu.memory_space<vmem>>[vector<16xi32>], vector<16xf32>,
        %mul3A_792 = arith.mulf %gather3A_790, %scan3A_723 : vector<16xf32>
        %add3A_793 = arith.addf %mul3A_792, %gather3A_791 : vector<16xf32>
        %max3A_794 = arith.constant 0.000000e+00 : f32
        %max3A_795 = vector.broadcast %max3A_794 : f32 to vector<16xf32>
        %max3A_796 = arith.maximumf %scan3A_724, %max3A_795 : vector<16xf32>
        %min3A_797 = arith.constant 1.500000e+01 : f32
        %min3A_798 = vector.broadcast %min3A_797 : f32 to vector<16xf32>
        %min3A_799 = arith.minimumf %max3A_796, %min3A_798 : vector<16xf32>
        %convert_element_type3A_800 = arith.fptosi %min3A_799 : vector<16xf32> to vector<16xi32>
        %mul3A_801 = arith.constant 128 : i32
        %mul3A_802 = vector.broadcast %mul3A_801 : i32 to vector<16xi32>
        %mul3A_803 = arith.muli %convert_element_type3A_800, %mul3A_802 : vector<16xi32>
        %add3A_804 = arith.addi %mul3A_803, %add3A_30 : vector<16xi32>
        %gather3A_805 = tpu.vector_load_idx %arg8[%add3A_804] : memref<2048xf32, #tpu.memory_space<vmem>>[vector<16xi32>], vector<16xf32>,
        %gather3A_806 = tpu.vector_load_idx %arg9[%add3A_804] : memref<2048xf32, #tpu.memory_space<vmem>>[vector<16xi32>], vector<16xf32>,
        %mul3A_807 = arith.mulf %gather3A_805, %scan3A_724 : vector<16xf32>
        %add3A_808 = arith.addf %mul3A_807, %gather3A_806 : vector<16xf32>
        %max3A_809 = arith.constant 0.000000e+00 : f32
        %max3A_810 = vector.broadcast %max3A_809 : f32 to vector<16xf32>
        %max3A_811 = arith.maximumf %scan3A_725, %max3A_810 : vector<16xf32>
        %min3A_812 = arith.constant 1.500000e+01 : f32
        %min3A_813 = vector.broadcast %min3A_812 : f32 to vector<16xf32>
        %min3A_814 = arith.minimumf %max3A_811, %min3A_813 : vector<16xf32>
        %convert_element_type3A_815 = arith.fptosi %min3A_814 : vector<16xf32> to vector<16xi32>
        %mul3A_816 = arith.constant 128 : i32
        %mul3A_817 = vector.broadcast %mul3A_816 : i32 to vector<16xi32>
        %mul3A_818 = arith.muli %convert_element_type3A_815, %mul3A_817 : vector<16xi32>
        %add3A_819 = arith.addi %mul3A_818, %add3A_33 : vector<16xi32>
        %gather3A_820 = tpu.vector_load_idx %arg8[%add3A_819] : memref<2048xf32, #tpu.memory_space<vmem>>[vector<16xi32>], vector<16xf32>,
        %gather3A_821 = tpu.vector_load_idx %arg9[%add3A_819] : memref<2048xf32, #tpu.memory_space<vmem>>[vector<16xi32>], vector<16xf32>,
        %mul3A_822 = arith.mulf %gather3A_820, %scan3A_725 : vector<16xf32>
        %add3A_823 = arith.addf %mul3A_822, %gather3A_821 : vector<16xf32>
        %max3A_824 = arith.constant 0.000000e+00 : f32
        %max3A_825 = vector.broadcast %max3A_824 : f32 to vector<16xf32>
        %max3A_826 = arith.maximumf %scan3A_726, %max3A_825 : vector<16xf32>
        %min3A_827 = arith.constant 1.500000e+01 : f32
        %min3A_828 = vector.broadcast %min3A_827 : f32 to vector<16xf32>
        %min3A_829 = arith.minimumf %max3A_826, %min3A_828 : vector<16xf32>
        %convert_element_type3A_830 = arith.fptosi %min3A_829 : vector<16xf32> to vector<16xi32>
        %mul3A_831 = arith.constant 128 : i32
        %mul3A_832 = vector.broadcast %mul3A_831 : i32 to vector<16xi32>
        %mul3A_833 = arith.muli %convert_element_type3A_830, %mul3A_832 : vector<16xi32>
        %add3A_834 = arith.addi %mul3A_833, %add3A_36 : vector<16xi32>
        %gather3A_835 = tpu.vector_load_idx %arg8[%add3A_834] : memref<2048xf32, #tpu.memory_space<vmem>>[vector<16xi32>], vector<16xf32>,
        %gather3A_836 = tpu.vector_load_idx %arg9[%add3A_834] : memref<2048xf32, #tpu.memory_space<vmem>>[vector<16xi32>], vector<16xf32>,
        %mul3A_837 = arith.mulf %gather3A_835, %scan3A_726 : vector<16xf32>
        %add3A_838 = arith.addf %mul3A_837, %gather3A_836 : vector<16xf32>
        %max3A_839 = arith.constant 0.000000e+00 : f32
        %max3A_840 = vector.broadcast %max3A_839 : f32 to vector<16xf32>
        %max3A_841 = arith.maximumf %scan3A_727, %max3A_840 : vector<16xf32>
        %min3A_842 = arith.constant 1.500000e+01 : f32
        %min3A_843 = vector.broadcast %min3A_842 : f32 to vector<16xf32>
        %min3A_844 = arith.minimumf %max3A_841, %min3A_843 : vector<16xf32>
        %convert_element_type3A_845 = arith.fptosi %min3A_844 : vector<16xf32> to vector<16xi32>
        %mul3A_846 = arith.constant 128 : i32
        %mul3A_847 = vector.broadcast %mul3A_846 : i32 to vector<16xi32>
        %mul3A_848 = arith.muli %convert_element_type3A_845, %mul3A_847 : vector<16xi32>
        %add3A_849 = arith.addi %mul3A_848, %add3A_39 : vector<16xi32>
        %gather3A_850 = tpu.vector_load_idx %arg8[%add3A_849] : memref<2048xf32, #tpu.memory_space<vmem>>[vector<16xi32>], vector<16xf32>,
        %gather3A_851 = tpu.vector_load_idx %arg9[%add3A_849] : memref<2048xf32, #tpu.memory_space<vmem>>[vector<16xi32>], vector<16xf32>,
        %mul3A_852 = arith.mulf %gather3A_850, %scan3A_727 : vector<16xf32>
        %add3A_853 = arith.addf %mul3A_852, %gather3A_851 : vector<16xf32>
        %max3A_854 = arith.constant 0.000000e+00 : f32
        %max3A_855 = vector.broadcast %max3A_854 : f32 to vector<16xf32>
        %max3A_856 = arith.maximumf %scan3A_728, %max3A_855 : vector<16xf32>
        %min3A_857 = arith.constant 1.500000e+01 : f32
        %min3A_858 = vector.broadcast %min3A_857 : f32 to vector<16xf32>
        %min3A_859 = arith.minimumf %max3A_856, %min3A_858 : vector<16xf32>
        %convert_element_type3A_860 = arith.fptosi %min3A_859 : vector<16xf32> to vector<16xi32>
        %mul3A_861 = arith.constant 128 : i32
        %mul3A_862 = vector.broadcast %mul3A_861 : i32 to vector<16xi32>
        %mul3A_863 = arith.muli %convert_element_type3A_860, %mul3A_862 : vector<16xi32>
        %add3A_864 = arith.addi %mul3A_863, %add3A_18 : vector<16xi32>
        %gather3A_865 = tpu.vector_load_idx %arg8[%add3A_864] : memref<2048xf32, #tpu.memory_space<vmem>>[vector<16xi32>], vector<16xf32>,
        %gather3A_866 = tpu.vector_load_idx %arg9[%add3A_864] : memref<2048xf32, #tpu.memory_space<vmem>>[vector<16xi32>], vector<16xf32>,
        %mul3A_867 = arith.mulf %gather3A_865, %scan3A_728 : vector<16xf32>
        %add3A_868 = arith.addf %mul3A_867, %gather3A_866 : vector<16xf32>
        %max3A_869 = arith.constant 0.000000e+00 : f32
        %max3A_870 = vector.broadcast %max3A_869 : f32 to vector<16xf32>
        %max3A_871 = arith.maximumf %scan3A_729, %max3A_870 : vector<16xf32>
        %min3A_872 = arith.constant 1.500000e+01 : f32
        %min3A_873 = vector.broadcast %min3A_872 : f32 to vector<16xf32>
        %min3A_874 = arith.minimumf %max3A_871, %min3A_873 : vector<16xf32>
        %convert_element_type3A_875 = arith.fptosi %min3A_874 : vector<16xf32> to vector<16xi32>
        %mul3A_876 = arith.constant 128 : i32
        %mul3A_877 = vector.broadcast %mul3A_876 : i32 to vector<16xi32>
        %mul3A_878 = arith.muli %convert_element_type3A_875, %mul3A_877 : vector<16xi32>
        %add3A_879 = arith.addi %mul3A_878, %add3A_21 : vector<16xi32>
        %gather3A_880 = tpu.vector_load_idx %arg8[%add3A_879] : memref<2048xf32, #tpu.memory_space<vmem>>[vector<16xi32>], vector<16xf32>,
        %gather3A_881 = tpu.vector_load_idx %arg9[%add3A_879] : memref<2048xf32, #tpu.memory_space<vmem>>[vector<16xi32>], vector<16xf32>,
        %mul3A_882 = arith.mulf %gather3A_880, %scan3A_729 : vector<16xf32>
        %add3A_883 = arith.addf %mul3A_882, %gather3A_881 : vector<16xf32>
        %max3A_884 = arith.constant 0.000000e+00 : f32
        %max3A_885 = vector.broadcast %max3A_884 : f32 to vector<16xf32>
        %max3A_886 = arith.maximumf %scan3A_730, %max3A_885 : vector<16xf32>
        %min3A_887 = arith.constant 1.500000e+01 : f32
        %min3A_888 = vector.broadcast %min3A_887 : f32 to vector<16xf32>
        %min3A_889 = arith.minimumf %max3A_886, %min3A_888 : vector<16xf32>
        %convert_element_type3A_890 = arith.fptosi %min3A_889 : vector<16xf32> to vector<16xi32>
        %mul3A_891 = arith.constant 128 : i32
        %mul3A_892 = vector.broadcast %mul3A_891 : i32 to vector<16xi32>
        %mul3A_893 = arith.muli %convert_element_type3A_890, %mul3A_892 : vector<16xi32>
        %add3A_894 = arith.addi %mul3A_893, %add3A_24 : vector<16xi32>
        %gather3A_895 = tpu.vector_load_idx %arg8[%add3A_894] : memref<2048xf32, #tpu.memory_space<vmem>>[vector<16xi32>], vector<16xf32>,
        %gather3A_896 = tpu.vector_load_idx %arg9[%add3A_894] : memref<2048xf32, #tpu.memory_space<vmem>>[vector<16xi32>], vector<16xf32>,
        %mul3A_897 = arith.mulf %gather3A_895, %scan3A_730 : vector<16xf32>
        %add3A_898 = arith.addf %mul3A_897, %gather3A_896 : vector<16xf32>
        %max3A_899 = arith.constant 0.000000e+00 : f32
        %max3A_900 = vector.broadcast %max3A_899 : f32 to vector<16xf32>
        %max3A_901 = arith.maximumf %scan3A_731, %max3A_900 : vector<16xf32>
        %min3A_902 = arith.constant 1.500000e+01 : f32
        %min3A_903 = vector.broadcast %min3A_902 : f32 to vector<16xf32>
        %min3A_904 = arith.minimumf %max3A_901, %min3A_903 : vector<16xf32>
        %convert_element_type3A_905 = arith.fptosi %min3A_904 : vector<16xf32> to vector<16xi32>
        %mul3A_906 = arith.constant 128 : i32
        %mul3A_907 = vector.broadcast %mul3A_906 : i32 to vector<16xi32>
        %mul3A_908 = arith.muli %convert_element_type3A_905, %mul3A_907 : vector<16xi32>
        %add3A_909 = arith.addi %mul3A_908, %add3A_27 : vector<16xi32>
        %gather3A_910 = tpu.vector_load_idx %arg8[%add3A_909] : memref<2048xf32, #tpu.memory_space<vmem>>[vector<16xi32>], vector<16xf32>,
        %gather3A_911 = tpu.vector_load_idx %arg9[%add3A_909] : memref<2048xf32, #tpu.memory_space<vmem>>[vector<16xi32>], vector<16xf32>,
        %mul3A_912 = arith.mulf %gather3A_910, %scan3A_731 : vector<16xf32>
        %add3A_913 = arith.addf %mul3A_912, %gather3A_911 : vector<16xf32>
        %max3A_914 = arith.constant 0.000000e+00 : f32
        %max3A_915 = vector.broadcast %max3A_914 : f32 to vector<16xf32>
        %max3A_916 = arith.maximumf %scan3A_732, %max3A_915 : vector<16xf32>
        %min3A_917 = arith.constant 1.500000e+01 : f32
        %min3A_918 = vector.broadcast %min3A_917 : f32 to vector<16xf32>
        %min3A_919 = arith.minimumf %max3A_916, %min3A_918 : vector<16xf32>
        %convert_element_type3A_920 = arith.fptosi %min3A_919 : vector<16xf32> to vector<16xi32>
        %mul3A_921 = arith.constant 128 : i32
        %mul3A_922 = vector.broadcast %mul3A_921 : i32 to vector<16xi32>
        %mul3A_923 = arith.muli %convert_element_type3A_920, %mul3A_922 : vector<16xi32>
        %add3A_924 = arith.addi %mul3A_923, %add3A_30 : vector<16xi32>
        %gather3A_925 = tpu.vector_load_idx %arg8[%add3A_924] : memref<2048xf32, #tpu.memory_space<vmem>>[vector<16xi32>], vector<16xf32>,
        %gather3A_926 = tpu.vector_load_idx %arg9[%add3A_924] : memref<2048xf32, #tpu.memory_space<vmem>>[vector<16xi32>], vector<16xf32>,
        %mul3A_927 = arith.mulf %gather3A_925, %scan3A_732 : vector<16xf32>
        %add3A_928 = arith.addf %mul3A_927, %gather3A_926 : vector<16xf32>
        %max3A_929 = arith.constant 0.000000e+00 : f32
        %max3A_930 = vector.broadcast %max3A_929 : f32 to vector<16xf32>
        %max3A_931 = arith.maximumf %scan3A_733, %max3A_930 : vector<16xf32>
        %min3A_932 = arith.constant 1.500000e+01 : f32
        %min3A_933 = vector.broadcast %min3A_932 : f32 to vector<16xf32>
        %min3A_934 = arith.minimumf %max3A_931, %min3A_933 : vector<16xf32>
        %convert_element_type3A_935 = arith.fptosi %min3A_934 : vector<16xf32> to vector<16xi32>
        %mul3A_936 = arith.constant 128 : i32
        %mul3A_937 = vector.broadcast %mul3A_936 : i32 to vector<16xi32>
        %mul3A_938 = arith.muli %convert_element_type3A_935, %mul3A_937 : vector<16xi32>
        %add3A_939 = arith.addi %mul3A_938, %add3A_33 : vector<16xi32>
        %gather3A_940 = tpu.vector_load_idx %arg8[%add3A_939] : memref<2048xf32, #tpu.memory_space<vmem>>[vector<16xi32>], vector<16xf32>,
        %gather3A_941 = tpu.vector_load_idx %arg9[%add3A_939] : memref<2048xf32, #tpu.memory_space<vmem>>[vector<16xi32>], vector<16xf32>,
        %mul3A_942 = arith.mulf %gather3A_940, %scan3A_733 : vector<16xf32>
        %add3A_943 = arith.addf %mul3A_942, %gather3A_941 : vector<16xf32>
        %max3A_944 = arith.constant 0.000000e+00 : f32
        %max3A_945 = vector.broadcast %max3A_944 : f32 to vector<16xf32>
        %max3A_946 = arith.maximumf %scan3A_734, %max3A_945 : vector<16xf32>
        %min3A_947 = arith.constant 1.500000e+01 : f32
        %min3A_948 = vector.broadcast %min3A_947 : f32 to vector<16xf32>
        %min3A_949 = arith.minimumf %max3A_946, %min3A_948 : vector<16xf32>
        %convert_element_type3A_950 = arith.fptosi %min3A_949 : vector<16xf32> to vector<16xi32>
        %mul3A_951 = arith.constant 128 : i32
        %mul3A_952 = vector.broadcast %mul3A_951 : i32 to vector<16xi32>
        %mul3A_953 = arith.muli %convert_element_type3A_950, %mul3A_952 : vector<16xi32>
        %add3A_954 = arith.addi %mul3A_953, %add3A_36 : vector<16xi32>
        %gather3A_955 = tpu.vector_load_idx %arg8[%add3A_954] : memref<2048xf32, #tpu.memory_space<vmem>>[vector<16xi32>], vector<16xf32>,
        %gather3A_956 = tpu.vector_load_idx %arg9[%add3A_954] : memref<2048xf32, #tpu.memory_space<vmem>>[vector<16xi32>], vector<16xf32>,
        %mul3A_957 = arith.mulf %gather3A_955, %scan3A_734 : vector<16xf32>
        %add3A_958 = arith.addf %mul3A_957, %gather3A_956 : vector<16xf32>
        %max3A_959 = arith.constant 0.000000e+00 : f32
        %max3A_960 = vector.broadcast %max3A_959 : f32 to vector<16xf32>
        %max3A_961 = arith.maximumf %scan3A_735, %max3A_960 : vector<16xf32>
        %min3A_962 = arith.constant 1.500000e+01 : f32
        %min3A_963 = vector.broadcast %min3A_962 : f32 to vector<16xf32>
        %min3A_964 = arith.minimumf %max3A_961, %min3A_963 : vector<16xf32>
        %convert_element_type3A_965 = arith.fptosi %min3A_964 : vector<16xf32> to vector<16xi32>
        %mul3A_966 = arith.constant 128 : i32
        %mul3A_967 = vector.broadcast %mul3A_966 : i32 to vector<16xi32>
        %mul3A_968 = arith.muli %convert_element_type3A_965, %mul3A_967 : vector<16xi32>
        %add3A_969 = arith.addi %mul3A_968, %add3A_39 : vector<16xi32>
        %gather3A_970 = tpu.vector_load_idx %arg8[%add3A_969] : memref<2048xf32, #tpu.memory_space<vmem>>[vector<16xi32>], vector<16xf32>,
        %gather3A_971 = tpu.vector_load_idx %arg9[%add3A_969] : memref<2048xf32, #tpu.memory_space<vmem>>[vector<16xi32>], vector<16xf32>,
        %mul3A_972 = arith.mulf %gather3A_970, %scan3A_735 : vector<16xf32>
        %add3A_973 = arith.addf %mul3A_972, %gather3A_971 : vector<16xf32>
        %max3A_974 = arith.constant 0.000000e+00 : f32
        %max3A_975 = vector.broadcast %max3A_974 : f32 to vector<16xf32>
        %max3A_976 = arith.maximumf %add3A_748, %max3A_975 : vector<16xf32>
        %min3A_977 = arith.constant 1.500000e+01 : f32
        %min3A_978 = vector.broadcast %min3A_977 : f32 to vector<16xf32>
        %min3A_979 = arith.minimumf %max3A_976, %min3A_978 : vector<16xf32>
        %convert_element_type3A_980 = arith.fptosi %min3A_979 : vector<16xf32> to vector<16xi32>
        %mul3A_981 = arith.constant 128 : i32
        %mul3A_982 = vector.broadcast %mul3A_981 : i32 to vector<16xi32>
        %mul3A_983 = arith.muli %convert_element_type3A_980, %mul3A_982 : vector<16xi32>
        %add3A_984 = arith.addi %mul3A_983, %add3A_18 : vector<16xi32>
        %gather3A_985 = tpu.vector_load_idx %arg8[%add3A_984] : memref<2048xf32, #tpu.memory_space<vmem>>[vector<16xi32>], vector<16xf32>,
        %gather3A_986 = tpu.vector_load_idx %arg9[%add3A_984] : memref<2048xf32, #tpu.memory_space<vmem>>[vector<16xi32>], vector<16xf32>,
        %mul3A_987 = arith.mulf %gather3A_985, %add3A_748 : vector<16xf32>
        %add3A_988 = arith.addf %mul3A_987, %gather3A_986 : vector<16xf32>
        %max3A_989 = arith.constant 0.000000e+00 : f32
        %max3A_990 = vector.broadcast %max3A_989 : f32 to vector<16xf32>
        %max3A_991 = arith.maximumf %add3A_763, %max3A_990 : vector<16xf32>
        %min3A_992 = arith.constant 1.500000e+01 : f32
        %min3A_993 = vector.broadcast %min3A_992 : f32 to vector<16xf32>
        %min3A_994 = arith.minimumf %max3A_991, %min3A_993 : vector<16xf32>
        %convert_element_type3A_995 = arith.fptosi %min3A_994 : vector<16xf32> to vector<16xi32>
        %mul3A_996 = arith.constant 128 : i32
        %mul3A_997 = vector.broadcast %mul3A_996 : i32 to vector<16xi32>
        %mul3A_998 = arith.muli %convert_element_type3A_995, %mul3A_997 : vector<16xi32>
        %add3A_999 = arith.addi %mul3A_998, %add3A_21 : vector<16xi32>
        %gather3A_1000 = tpu.vector_load_idx %arg8[%add3A_999] : memref<2048xf32, #tpu.memory_space<vmem>>[vector<16xi32>], vector<16xf32>,
        %gather3A_1001 = tpu.vector_load_idx %arg9[%add3A_999] : memref<2048xf32, #tpu.memory_space<vmem>>[vector<16xi32>], vector<16xf32>,
        %mul3A_1002 = arith.mulf %gather3A_1000, %add3A_763 : vector<16xf32>
        %add3A_1003 = arith.addf %mul3A_1002, %gather3A_1001 : vector<16xf32>
        %max3A_1004 = arith.constant 0.000000e+00 : f32
        %max3A_1005 = vector.broadcast %max3A_1004 : f32 to vector<16xf32>
        %max3A_1006 = arith.maximumf %add3A_778, %max3A_1005 : vector<16xf32>
        %min3A_1007 = arith.constant 1.500000e+01 : f32
        %min3A_1008 = vector.broadcast %min3A_1007 : f32 to vector<16xf32>
        %min3A_1009 = arith.minimumf %max3A_1006, %min3A_1008 : vector<16xf32>
        %convert_element_type3A_1010 = arith.fptosi %min3A_1009 : vector<16xf32> to vector<16xi32>
        %mul3A_1011 = arith.constant 128 : i32
        %mul3A_1012 = vector.broadcast %mul3A_1011 : i32 to vector<16xi32>
        %mul3A_1013 = arith.muli %convert_element_type3A_1010, %mul3A_1012 : vector<16xi32>
        %add3A_1014 = arith.addi %mul3A_1013, %add3A_24 : vector<16xi32>
        %gather3A_1015 = tpu.vector_load_idx %arg8[%add3A_1014] : memref<2048xf32, #tpu.memory_space<vmem>>[vector<16xi32>], vector<16xf32>,
        %gather3A_1016 = tpu.vector_load_idx %arg9[%add3A_1014] : memref<2048xf32, #tpu.memory_space<vmem>>[vector<16xi32>], vector<16xf32>,
        %mul3A_1017 = arith.mulf %gather3A_1015, %add3A_778 : vector<16xf32>
        %add3A_1018 = arith.addf %mul3A_1017, %gather3A_1016 : vector<16xf32>
        %max3A_1019 = arith.constant 0.000000e+00 : f32
        %max3A_1020 = vector.broadcast %max3A_1019 : f32 to vector<16xf32>
        %max3A_1021 = arith.maximumf %add3A_793, %max3A_1020 : vector<16xf32>
        %min3A_1022 = arith.constant 1.500000e+01 : f32
        %min3A_1023 = vector.broadcast %min3A_1022 : f32 to vector<16xf32>
        %min3A_1024 = arith.minimumf %max3A_1021, %min3A_1023 : vector<16xf32>
        %convert_element_type3A_1025 = arith.fptosi %min3A_1024 : vector<16xf32> to vector<16xi32>
        %mul3A_1026 = arith.constant 128 : i32
        %mul3A_1027 = vector.broadcast %mul3A_1026 : i32 to vector<16xi32>
        %mul3A_1028 = arith.muli %convert_element_type3A_1025, %mul3A_1027 : vector<16xi32>
        %add3A_1029 = arith.addi %mul3A_1028, %add3A_27 : vector<16xi32>
        %gather3A_1030 = tpu.vector_load_idx %arg8[%add3A_1029] : memref<2048xf32, #tpu.memory_space<vmem>>[vector<16xi32>], vector<16xf32>,
        %gather3A_1031 = tpu.vector_load_idx %arg9[%add3A_1029] : memref<2048xf32, #tpu.memory_space<vmem>>[vector<16xi32>], vector<16xf32>,
        %mul3A_1032 = arith.mulf %gather3A_1030, %add3A_793 : vector<16xf32>
        %add3A_1033 = arith.addf %mul3A_1032, %gather3A_1031 : vector<16xf32>
        %max3A_1034 = arith.constant 0.000000e+00 : f32
        %max3A_1035 = vector.broadcast %max3A_1034 : f32 to vector<16xf32>
        %max3A_1036 = arith.maximumf %add3A_808, %max3A_1035 : vector<16xf32>
        %min3A_1037 = arith.constant 1.500000e+01 : f32
        %min3A_1038 = vector.broadcast %min3A_1037 : f32 to vector<16xf32>
        %min3A_1039 = arith.minimumf %max3A_1036, %min3A_1038 : vector<16xf32>
        %convert_element_type3A_1040 = arith.fptosi %min3A_1039 : vector<16xf32> to vector<16xi32>
        %mul3A_1041 = arith.constant 128 : i32
        %mul3A_1042 = vector.broadcast %mul3A_1041 : i32 to vector<16xi32>
        %mul3A_1043 = arith.muli %convert_element_type3A_1040, %mul3A_1042 : vector<16xi32>
        %add3A_1044 = arith.addi %mul3A_1043, %add3A_30 : vector<16xi32>
        %gather3A_1045 = tpu.vector_load_idx %arg8[%add3A_1044] : memref<2048xf32, #tpu.memory_space<vmem>>[vector<16xi32>], vector<16xf32>,
        %gather3A_1046 = tpu.vector_load_idx %arg9[%add3A_1044] : memref<2048xf32, #tpu.memory_space<vmem>>[vector<16xi32>], vector<16xf32>,
        %mul3A_1047 = arith.mulf %gather3A_1045, %add3A_808 : vector<16xf32>
        %add3A_1048 = arith.addf %mul3A_1047, %gather3A_1046 : vector<16xf32>
        %max3A_1049 = arith.constant 0.000000e+00 : f32
        %max3A_1050 = vector.broadcast %max3A_1049 : f32 to vector<16xf32>
        %max3A_1051 = arith.maximumf %add3A_823, %max3A_1050 : vector<16xf32>
        %min3A_1052 = arith.constant 1.500000e+01 : f32
        %min3A_1053 = vector.broadcast %min3A_1052 : f32 to vector<16xf32>
        %min3A_1054 = arith.minimumf %max3A_1051, %min3A_1053 : vector<16xf32>
        %convert_element_type3A_1055 = arith.fptosi %min3A_1054 : vector<16xf32> to vector<16xi32>
        %mul3A_1056 = arith.constant 128 : i32
        %mul3A_1057 = vector.broadcast %mul3A_1056 : i32 to vector<16xi32>
        %mul3A_1058 = arith.muli %convert_element_type3A_1055, %mul3A_1057 : vector<16xi32>
        %add3A_1059 = arith.addi %mul3A_1058, %add3A_33 : vector<16xi32>
        %gather3A_1060 = tpu.vector_load_idx %arg8[%add3A_1059] : memref<2048xf32, #tpu.memory_space<vmem>>[vector<16xi32>], vector<16xf32>,
        %gather3A_1061 = tpu.vector_load_idx %arg9[%add3A_1059] : memref<2048xf32, #tpu.memory_space<vmem>>[vector<16xi32>], vector<16xf32>,
        %mul3A_1062 = arith.mulf %gather3A_1060, %add3A_823 : vector<16xf32>
        %add3A_1063 = arith.addf %mul3A_1062, %gather3A_1061 : vector<16xf32>
        %max3A_1064 = arith.constant 0.000000e+00 : f32
        %max3A_1065 = vector.broadcast %max3A_1064 : f32 to vector<16xf32>
        %max3A_1066 = arith.maximumf %add3A_838, %max3A_1065 : vector<16xf32>
        %min3A_1067 = arith.constant 1.500000e+01 : f32
        %min3A_1068 = vector.broadcast %min3A_1067 : f32 to vector<16xf32>
        %min3A_1069 = arith.minimumf %max3A_1066, %min3A_1068 : vector<16xf32>
        %convert_element_type3A_1070 = arith.fptosi %min3A_1069 : vector<16xf32> to vector<16xi32>
        %mul3A_1071 = arith.constant 128 : i32
        %mul3A_1072 = vector.broadcast %mul3A_1071 : i32 to vector<16xi32>
        %mul3A_1073 = arith.muli %convert_element_type3A_1070, %mul3A_1072 : vector<16xi32>
        %add3A_1074 = arith.addi %mul3A_1073, %add3A_36 : vector<16xi32>
        %gather3A_1075 = tpu.vector_load_idx %arg8[%add3A_1074] : memref<2048xf32, #tpu.memory_space<vmem>>[vector<16xi32>], vector<16xf32>,
        %gather3A_1076 = tpu.vector_load_idx %arg9[%add3A_1074] : memref<2048xf32, #tpu.memory_space<vmem>>[vector<16xi32>], vector<16xf32>,
        %mul3A_1077 = arith.mulf %gather3A_1075, %add3A_838 : vector<16xf32>
        %add3A_1078 = arith.addf %mul3A_1077, %gather3A_1076 : vector<16xf32>
        %max3A_1079 = arith.constant 0.000000e+00 : f32
        %max3A_1080 = vector.broadcast %max3A_1079 : f32 to vector<16xf32>
        %max3A_1081 = arith.maximumf %add3A_853, %max3A_1080 : vector<16xf32>
        %min3A_1082 = arith.constant 1.500000e+01 : f32
        %min3A_1083 = vector.broadcast %min3A_1082 : f32 to vector<16xf32>
        %min3A_1084 = arith.minimumf %max3A_1081, %min3A_1083 : vector<16xf32>
        %convert_element_type3A_1085 = arith.fptosi %min3A_1084 : vector<16xf32> to vector<16xi32>
        %mul3A_1086 = arith.constant 128 : i32
        %mul3A_1087 = vector.broadcast %mul3A_1086 : i32 to vector<16xi32>
        %mul3A_1088 = arith.muli %convert_element_type3A_1085, %mul3A_1087 : vector<16xi32>
        %add3A_1089 = arith.addi %mul3A_1088, %add3A_39 : vector<16xi32>
        %gather3A_1090 = tpu.vector_load_idx %arg8[%add3A_1089] : memref<2048xf32, #tpu.memory_space<vmem>>[vector<16xi32>], vector<16xf32>,
        %gather3A_1091 = tpu.vector_load_idx %arg9[%add3A_1089] : memref<2048xf32, #tpu.memory_space<vmem>>[vector<16xi32>], vector<16xf32>,
        %mul3A_1092 = arith.mulf %gather3A_1090, %add3A_853 : vector<16xf32>
        %add3A_1093 = arith.addf %mul3A_1092, %gather3A_1091 : vector<16xf32>
        %max3A_1094 = arith.constant 0.000000e+00 : f32
        %max3A_1095 = vector.broadcast %max3A_1094 : f32 to vector<16xf32>
        %max3A_1096 = arith.maximumf %add3A_868, %max3A_1095 : vector<16xf32>
        %min3A_1097 = arith.constant 1.500000e+01 : f32
        %min3A_1098 = vector.broadcast %min3A_1097 : f32 to vector<16xf32>
        %min3A_1099 = arith.minimumf %max3A_1096, %min3A_1098 : vector<16xf32>
        %convert_element_type3A_1100 = arith.fptosi %min3A_1099 : vector<16xf32> to vector<16xi32>
        %mul3A_1101 = arith.constant 128 : i32
        %mul3A_1102 = vector.broadcast %mul3A_1101 : i32 to vector<16xi32>
        %mul3A_1103 = arith.muli %convert_element_type3A_1100, %mul3A_1102 : vector<16xi32>
        %add3A_1104 = arith.addi %mul3A_1103, %add3A_18 : vector<16xi32>
        %gather3A_1105 = tpu.vector_load_idx %arg8[%add3A_1104] : memref<2048xf32, #tpu.memory_space<vmem>>[vector<16xi32>], vector<16xf32>,
        %gather3A_1106 = tpu.vector_load_idx %arg9[%add3A_1104] : memref<2048xf32, #tpu.memory_space<vmem>>[vector<16xi32>], vector<16xf32>,
        %mul3A_1107 = arith.mulf %gather3A_1105, %add3A_868 : vector<16xf32>
        %add3A_1108 = arith.addf %mul3A_1107, %gather3A_1106 : vector<16xf32>
        %max3A_1109 = arith.constant 0.000000e+00 : f32
        %max3A_1110 = vector.broadcast %max3A_1109 : f32 to vector<16xf32>
        %max3A_1111 = arith.maximumf %add3A_883, %max3A_1110 : vector<16xf32>
        %min3A_1112 = arith.constant 1.500000e+01 : f32
        %min3A_1113 = vector.broadcast %min3A_1112 : f32 to vector<16xf32>
        %min3A_1114 = arith.minimumf %max3A_1111, %min3A_1113 : vector<16xf32>
        %convert_element_type3A_1115 = arith.fptosi %min3A_1114 : vector<16xf32> to vector<16xi32>
        %mul3A_1116 = arith.constant 128 : i32
        %mul3A_1117 = vector.broadcast %mul3A_1116 : i32 to vector<16xi32>
        %mul3A_1118 = arith.muli %convert_element_type3A_1115, %mul3A_1117 : vector<16xi32>
        %add3A_1119 = arith.addi %mul3A_1118, %add3A_21 : vector<16xi32>
        %gather3A_1120 = tpu.vector_load_idx %arg8[%add3A_1119] : memref<2048xf32, #tpu.memory_space<vmem>>[vector<16xi32>], vector<16xf32>,
        %gather3A_1121 = tpu.vector_load_idx %arg9[%add3A_1119] : memref<2048xf32, #tpu.memory_space<vmem>>[vector<16xi32>], vector<16xf32>,
        %mul3A_1122 = arith.mulf %gather3A_1120, %add3A_883 : vector<16xf32>
        %add3A_1123 = arith.addf %mul3A_1122, %gather3A_1121 : vector<16xf32>
        %max3A_1124 = arith.constant 0.000000e+00 : f32
        %max3A_1125 = vector.broadcast %max3A_1124 : f32 to vector<16xf32>
        %max3A_1126 = arith.maximumf %add3A_898, %max3A_1125 : vector<16xf32>
        %min3A_1127 = arith.constant 1.500000e+01 : f32
        %min3A_1128 = vector.broadcast %min3A_1127 : f32 to vector<16xf32>
        %min3A_1129 = arith.minimumf %max3A_1126, %min3A_1128 : vector<16xf32>
        %convert_element_type3A_1130 = arith.fptosi %min3A_1129 : vector<16xf32> to vector<16xi32>
        %mul3A_1131 = arith.constant 128 : i32
        %mul3A_1132 = vector.broadcast %mul3A_1131 : i32 to vector<16xi32>
        %mul3A_1133 = arith.muli %convert_element_type3A_1130, %mul3A_1132 : vector<16xi32>
        %add3A_1134 = arith.addi %mul3A_1133, %add3A_24 : vector<16xi32>
        %gather3A_1135 = tpu.vector_load_idx %arg8[%add3A_1134] : memref<2048xf32, #tpu.memory_space<vmem>>[vector<16xi32>], vector<16xf32>,
        %gather3A_1136 = tpu.vector_load_idx %arg9[%add3A_1134] : memref<2048xf32, #tpu.memory_space<vmem>>[vector<16xi32>], vector<16xf32>,
        %mul3A_1137 = arith.mulf %gather3A_1135, %add3A_898 : vector<16xf32>
        %add3A_1138 = arith.addf %mul3A_1137, %gather3A_1136 : vector<16xf32>
        %max3A_1139 = arith.constant 0.000000e+00 : f32
        %max3A_1140 = vector.broadcast %max3A_1139 : f32 to vector<16xf32>
        %max3A_1141 = arith.maximumf %add3A_913, %max3A_1140 : vector<16xf32>
        %min3A_1142 = arith.constant 1.500000e+01 : f32
        %min3A_1143 = vector.broadcast %min3A_1142 : f32 to vector<16xf32>
        %min3A_1144 = arith.minimumf %max3A_1141, %min3A_1143 : vector<16xf32>
        %convert_element_type3A_1145 = arith.fptosi %min3A_1144 : vector<16xf32> to vector<16xi32>
        %mul3A_1146 = arith.constant 128 : i32
        %mul3A_1147 = vector.broadcast %mul3A_1146 : i32 to vector<16xi32>
        %mul3A_1148 = arith.muli %convert_element_type3A_1145, %mul3A_1147 : vector<16xi32>
        %add3A_1149 = arith.addi %mul3A_1148, %add3A_27 : vector<16xi32>
        %gather3A_1150 = tpu.vector_load_idx %arg8[%add3A_1149] : memref<2048xf32, #tpu.memory_space<vmem>>[vector<16xi32>], vector<16xf32>,
        %gather3A_1151 = tpu.vector_load_idx %arg9[%add3A_1149] : memref<2048xf32, #tpu.memory_space<vmem>>[vector<16xi32>], vector<16xf32>,
        %mul3A_1152 = arith.mulf %gather3A_1150, %add3A_913 : vector<16xf32>
        %add3A_1153 = arith.addf %mul3A_1152, %gather3A_1151 : vector<16xf32>
        %max3A_1154 = arith.constant 0.000000e+00 : f32
        %max3A_1155 = vector.broadcast %max3A_1154 : f32 to vector<16xf32>
        %max3A_1156 = arith.maximumf %add3A_928, %max3A_1155 : vector<16xf32>
        %min3A_1157 = arith.constant 1.500000e+01 : f32
        %min3A_1158 = vector.broadcast %min3A_1157 : f32 to vector<16xf32>
        %min3A_1159 = arith.minimumf %max3A_1156, %min3A_1158 : vector<16xf32>
        %convert_element_type3A_1160 = arith.fptosi %min3A_1159 : vector<16xf32> to vector<16xi32>
        %mul3A_1161 = arith.constant 128 : i32
        %mul3A_1162 = vector.broadcast %mul3A_1161 : i32 to vector<16xi32>
        %mul3A_1163 = arith.muli %convert_element_type3A_1160, %mul3A_1162 : vector<16xi32>
        %add3A_1164 = arith.addi %mul3A_1163, %add3A_30 : vector<16xi32>
        %gather3A_1165 = tpu.vector_load_idx %arg8[%add3A_1164] : memref<2048xf32, #tpu.memory_space<vmem>>[vector<16xi32>], vector<16xf32>,
        %gather3A_1166 = tpu.vector_load_idx %arg9[%add3A_1164] : memref<2048xf32, #tpu.memory_space<vmem>>[vector<16xi32>], vector<16xf32>,
        %mul3A_1167 = arith.mulf %gather3A_1165, %add3A_928 : vector<16xf32>
        %add3A_1168 = arith.addf %mul3A_1167, %gather3A_1166 : vector<16xf32>
        %max3A_1169 = arith.constant 0.000000e+00 : f32
        %max3A_1170 = vector.broadcast %max3A_1169 : f32 to vector<16xf32>
        %max3A_1171 = arith.maximumf %add3A_943, %max3A_1170 : vector<16xf32>
        %min3A_1172 = arith.constant 1.500000e+01 : f32
        %min3A_1173 = vector.broadcast %min3A_1172 : f32 to vector<16xf32>
        %min3A_1174 = arith.minimumf %max3A_1171, %min3A_1173 : vector<16xf32>
        %convert_element_type3A_1175 = arith.fptosi %min3A_1174 : vector<16xf32> to vector<16xi32>
        %mul3A_1176 = arith.constant 128 : i32
        %mul3A_1177 = vector.broadcast %mul3A_1176 : i32 to vector<16xi32>
        %mul3A_1178 = arith.muli %convert_element_type3A_1175, %mul3A_1177 : vector<16xi32>
        %add3A_1179 = arith.addi %mul3A_1178, %add3A_33 : vector<16xi32>
        %gather3A_1180 = tpu.vector_load_idx %arg8[%add3A_1179] : memref<2048xf32, #tpu.memory_space<vmem>>[vector<16xi32>], vector<16xf32>,
        %gather3A_1181 = tpu.vector_load_idx %arg9[%add3A_1179] : memref<2048xf32, #tpu.memory_space<vmem>>[vector<16xi32>], vector<16xf32>,
        %mul3A_1182 = arith.mulf %gather3A_1180, %add3A_943 : vector<16xf32>
        %add3A_1183 = arith.addf %mul3A_1182, %gather3A_1181 : vector<16xf32>
        %max3A_1184 = arith.constant 0.000000e+00 : f32
        %max3A_1185 = vector.broadcast %max3A_1184 : f32 to vector<16xf32>
        %max3A_1186 = arith.maximumf %add3A_958, %max3A_1185 : vector<16xf32>
        %min3A_1187 = arith.constant 1.500000e+01 : f32
        %min3A_1188 = vector.broadcast %min3A_1187 : f32 to vector<16xf32>
        %min3A_1189 = arith.minimumf %max3A_1186, %min3A_1188 : vector<16xf32>
        %convert_element_type3A_1190 = arith.fptosi %min3A_1189 : vector<16xf32> to vector<16xi32>
        %mul3A_1191 = arith.constant 128 : i32
        %mul3A_1192 = vector.broadcast %mul3A_1191 : i32 to vector<16xi32>
        %mul3A_1193 = arith.muli %convert_element_type3A_1190, %mul3A_1192 : vector<16xi32>
        %add3A_1194 = arith.addi %mul3A_1193, %add3A_36 : vector<16xi32>
        %gather3A_1195 = tpu.vector_load_idx %arg8[%add3A_1194] : memref<2048xf32, #tpu.memory_space<vmem>>[vector<16xi32>], vector<16xf32>,
        %gather3A_1196 = tpu.vector_load_idx %arg9[%add3A_1194] : memref<2048xf32, #tpu.memory_space<vmem>>[vector<16xi32>], vector<16xf32>,
        %mul3A_1197 = arith.mulf %gather3A_1195, %add3A_958 : vector<16xf32>
        %add3A_1198 = arith.addf %mul3A_1197, %gather3A_1196 : vector<16xf32>
        %max3A_1199 = arith.constant 0.000000e+00 : f32
        %max3A_1200 = vector.broadcast %max3A_1199 : f32 to vector<16xf32>
        %max3A_1201 = arith.maximumf %add3A_973, %max3A_1200 : vector<16xf32>
        %min3A_1202 = arith.constant 1.500000e+01 : f32
        %min3A_1203 = vector.broadcast %min3A_1202 : f32 to vector<16xf32>
        %min3A_1204 = arith.minimumf %max3A_1201, %min3A_1203 : vector<16xf32>
        %convert_element_type3A_1205 = arith.fptosi %min3A_1204 : vector<16xf32> to vector<16xi32>
        %mul3A_1206 = arith.constant 128 : i32
        %mul3A_1207 = vector.broadcast %mul3A_1206 : i32 to vector<16xi32>
        %mul3A_1208 = arith.muli %convert_element_type3A_1205, %mul3A_1207 : vector<16xi32>
        %add3A_1209 = arith.addi %mul3A_1208, %add3A_39 : vector<16xi32>
        %gather3A_1210 = tpu.vector_load_idx %arg8[%add3A_1209] : memref<2048xf32, #tpu.memory_space<vmem>>[vector<16xi32>], vector<16xf32>,
        %gather3A_1211 = tpu.vector_load_idx %arg9[%add3A_1209] : memref<2048xf32, #tpu.memory_space<vmem>>[vector<16xi32>], vector<16xf32>,
        %mul3A_1212 = arith.mulf %gather3A_1210, %add3A_973 : vector<16xf32>
        %add3A_1213 = arith.addf %mul3A_1212, %gather3A_1211 : vector<16xf32>
        %max3A_1214 = arith.constant 0.000000e+00 : f32
        %max3A_1215 = vector.broadcast %max3A_1214 : f32 to vector<16xf32>
        %max3A_1216 = arith.maximumf %add3A_988, %max3A_1215 : vector<16xf32>
        %min3A_1217 = arith.constant 1.500000e+01 : f32
        %min3A_1218 = vector.broadcast %min3A_1217 : f32 to vector<16xf32>
        %min3A_1219 = arith.minimumf %max3A_1216, %min3A_1218 : vector<16xf32>
        %convert_element_type3A_1220 = arith.fptosi %min3A_1219 : vector<16xf32> to vector<16xi32>
        %mul3A_1221 = arith.constant 128 : i32
        %mul3A_1222 = vector.broadcast %mul3A_1221 : i32 to vector<16xi32>
        %mul3A_1223 = arith.muli %convert_element_type3A_1220, %mul3A_1222 : vector<16xi32>
        %add3A_1224 = arith.addi %mul3A_1223, %add3A_18 : vector<16xi32>
        %gather3A_1225 = tpu.vector_load_idx %arg8[%add3A_1224] : memref<2048xf32, #tpu.memory_space<vmem>>[vector<16xi32>], vector<16xf32>,
        %gather3A_1226 = tpu.vector_load_idx %arg9[%add3A_1224] : memref<2048xf32, #tpu.memory_space<vmem>>[vector<16xi32>], vector<16xf32>,
        %mul3A_1227 = arith.mulf %gather3A_1225, %add3A_988 : vector<16xf32>
        %add3A_1228 = arith.addf %mul3A_1227, %gather3A_1226 : vector<16xf32>
        %max3A_1229 = arith.constant 0.000000e+00 : f32
        %max3A_1230 = vector.broadcast %max3A_1229 : f32 to vector<16xf32>
        %max3A_1231 = arith.maximumf %add3A_1003, %max3A_1230 : vector<16xf32>
        %min3A_1232 = arith.constant 1.500000e+01 : f32
        %min3A_1233 = vector.broadcast %min3A_1232 : f32 to vector<16xf32>
        %min3A_1234 = arith.minimumf %max3A_1231, %min3A_1233 : vector<16xf32>
        %convert_element_type3A_1235 = arith.fptosi %min3A_1234 : vector<16xf32> to vector<16xi32>
        %mul3A_1236 = arith.constant 128 : i32
        %mul3A_1237 = vector.broadcast %mul3A_1236 : i32 to vector<16xi32>
        %mul3A_1238 = arith.muli %convert_element_type3A_1235, %mul3A_1237 : vector<16xi32>
        %add3A_1239 = arith.addi %mul3A_1238, %add3A_21 : vector<16xi32>
        %gather3A_1240 = tpu.vector_load_idx %arg8[%add3A_1239] : memref<2048xf32, #tpu.memory_space<vmem>>[vector<16xi32>], vector<16xf32>,
        %gather3A_1241 = tpu.vector_load_idx %arg9[%add3A_1239] : memref<2048xf32, #tpu.memory_space<vmem>>[vector<16xi32>], vector<16xf32>,
        %mul3A_1242 = arith.mulf %gather3A_1240, %add3A_1003 : vector<16xf32>
        %add3A_1243 = arith.addf %mul3A_1242, %gather3A_1241 : vector<16xf32>
        %max3A_1244 = arith.constant 0.000000e+00 : f32
        %max3A_1245 = vector.broadcast %max3A_1244 : f32 to vector<16xf32>
        %max3A_1246 = arith.maximumf %add3A_1018, %max3A_1245 : vector<16xf32>
        %min3A_1247 = arith.constant 1.500000e+01 : f32
        %min3A_1248 = vector.broadcast %min3A_1247 : f32 to vector<16xf32>
        %min3A_1249 = arith.minimumf %max3A_1246, %min3A_1248 : vector<16xf32>
        %convert_element_type3A_1250 = arith.fptosi %min3A_1249 : vector<16xf32> to vector<16xi32>
        %mul3A_1251 = arith.constant 128 : i32
        %mul3A_1252 = vector.broadcast %mul3A_1251 : i32 to vector<16xi32>
        %mul3A_1253 = arith.muli %convert_element_type3A_1250, %mul3A_1252 : vector<16xi32>
        %add3A_1254 = arith.addi %mul3A_1253, %add3A_24 : vector<16xi32>
        %gather3A_1255 = tpu.vector_load_idx %arg8[%add3A_1254] : memref<2048xf32, #tpu.memory_space<vmem>>[vector<16xi32>], vector<16xf32>,
        %gather3A_1256 = tpu.vector_load_idx %arg9[%add3A_1254] : memref<2048xf32, #tpu.memory_space<vmem>>[vector<16xi32>], vector<16xf32>,
        %mul3A_1257 = arith.mulf %gather3A_1255, %add3A_1018 : vector<16xf32>
        %add3A_1258 = arith.addf %mul3A_1257, %gather3A_1256 : vector<16xf32>
        %max3A_1259 = arith.constant 0.000000e+00 : f32
        %max3A_1260 = vector.broadcast %max3A_1259 : f32 to vector<16xf32>
        %max3A_1261 = arith.maximumf %add3A_1033, %max3A_1260 : vector<16xf32>
        %min3A_1262 = arith.constant 1.500000e+01 : f32
        %min3A_1263 = vector.broadcast %min3A_1262 : f32 to vector<16xf32>
        %min3A_1264 = arith.minimumf %max3A_1261, %min3A_1263 : vector<16xf32>
        %convert_element_type3A_1265 = arith.fptosi %min3A_1264 : vector<16xf32> to vector<16xi32>
        %mul3A_1266 = arith.constant 128 : i32
        %mul3A_1267 = vector.broadcast %mul3A_1266 : i32 to vector<16xi32>
        %mul3A_1268 = arith.muli %convert_element_type3A_1265, %mul3A_1267 : vector<16xi32>
        %add3A_1269 = arith.addi %mul3A_1268, %add3A_27 : vector<16xi32>
        %gather3A_1270 = tpu.vector_load_idx %arg8[%add3A_1269] : memref<2048xf32, #tpu.memory_space<vmem>>[vector<16xi32>], vector<16xf32>,
        %gather3A_1271 = tpu.vector_load_idx %arg9[%add3A_1269] : memref<2048xf32, #tpu.memory_space<vmem>>[vector<16xi32>], vector<16xf32>,
        %mul3A_1272 = arith.mulf %gather3A_1270, %add3A_1033 : vector<16xf32>
        %add3A_1273 = arith.addf %mul3A_1272, %gather3A_1271 : vector<16xf32>
        %max3A_1274 = arith.constant 0.000000e+00 : f32
        %max3A_1275 = vector.broadcast %max3A_1274 : f32 to vector<16xf32>
        %max3A_1276 = arith.maximumf %add3A_1048, %max3A_1275 : vector<16xf32>
        %min3A_1277 = arith.constant 1.500000e+01 : f32
        %min3A_1278 = vector.broadcast %min3A_1277 : f32 to vector<16xf32>
        %min3A_1279 = arith.minimumf %max3A_1276, %min3A_1278 : vector<16xf32>
        %convert_element_type3A_1280 = arith.fptosi %min3A_1279 : vector<16xf32> to vector<16xi32>
        %mul3A_1281 = arith.constant 128 : i32
        %mul3A_1282 = vector.broadcast %mul3A_1281 : i32 to vector<16xi32>
        %mul3A_1283 = arith.muli %convert_element_type3A_1280, %mul3A_1282 : vector<16xi32>
        %add3A_1284 = arith.addi %mul3A_1283, %add3A_30 : vector<16xi32>
        %gather3A_1285 = tpu.vector_load_idx %arg8[%add3A_1284] : memref<2048xf32, #tpu.memory_space<vmem>>[vector<16xi32>], vector<16xf32>,
        %gather3A_1286 = tpu.vector_load_idx %arg9[%add3A_1284] : memref<2048xf32, #tpu.memory_space<vmem>>[vector<16xi32>], vector<16xf32>,
        %mul3A_1287 = arith.mulf %gather3A_1285, %add3A_1048 : vector<16xf32>
        %add3A_1288 = arith.addf %mul3A_1287, %gather3A_1286 : vector<16xf32>
        %max3A_1289 = arith.constant 0.000000e+00 : f32
        %max3A_1290 = vector.broadcast %max3A_1289 : f32 to vector<16xf32>
        %max3A_1291 = arith.maximumf %add3A_1063, %max3A_1290 : vector<16xf32>
        %min3A_1292 = arith.constant 1.500000e+01 : f32
        %min3A_1293 = vector.broadcast %min3A_1292 : f32 to vector<16xf32>
        %min3A_1294 = arith.minimumf %max3A_1291, %min3A_1293 : vector<16xf32>
        %convert_element_type3A_1295 = arith.fptosi %min3A_1294 : vector<16xf32> to vector<16xi32>
        %mul3A_1296 = arith.constant 128 : i32
        %mul3A_1297 = vector.broadcast %mul3A_1296 : i32 to vector<16xi32>
        %mul3A_1298 = arith.muli %convert_element_type3A_1295, %mul3A_1297 : vector<16xi32>
        %add3A_1299 = arith.addi %mul3A_1298, %add3A_33 : vector<16xi32>
        %gather3A_1300 = tpu.vector_load_idx %arg8[%add3A_1299] : memref<2048xf32, #tpu.memory_space<vmem>>[vector<16xi32>], vector<16xf32>,
        %gather3A_1301 = tpu.vector_load_idx %arg9[%add3A_1299] : memref<2048xf32, #tpu.memory_space<vmem>>[vector<16xi32>], vector<16xf32>,
        %mul3A_1302 = arith.mulf %gather3A_1300, %add3A_1063 : vector<16xf32>
        %add3A_1303 = arith.addf %mul3A_1302, %gather3A_1301 : vector<16xf32>
        %max3A_1304 = arith.constant 0.000000e+00 : f32
        %max3A_1305 = vector.broadcast %max3A_1304 : f32 to vector<16xf32>
        %max3A_1306 = arith.maximumf %add3A_1078, %max3A_1305 : vector<16xf32>
        %min3A_1307 = arith.constant 1.500000e+01 : f32
        %min3A_1308 = vector.broadcast %min3A_1307 : f32 to vector<16xf32>
        %min3A_1309 = arith.minimumf %max3A_1306, %min3A_1308 : vector<16xf32>
        %convert_element_type3A_1310 = arith.fptosi %min3A_1309 : vector<16xf32> to vector<16xi32>
        %mul3A_1311 = arith.constant 128 : i32
        %mul3A_1312 = vector.broadcast %mul3A_1311 : i32 to vector<16xi32>
        %mul3A_1313 = arith.muli %convert_element_type3A_1310, %mul3A_1312 : vector<16xi32>
        %add3A_1314 = arith.addi %mul3A_1313, %add3A_36 : vector<16xi32>
        %gather3A_1315 = tpu.vector_load_idx %arg8[%add3A_1314] : memref<2048xf32, #tpu.memory_space<vmem>>[vector<16xi32>], vector<16xf32>,
        %gather3A_1316 = tpu.vector_load_idx %arg9[%add3A_1314] : memref<2048xf32, #tpu.memory_space<vmem>>[vector<16xi32>], vector<16xf32>,
        %mul3A_1317 = arith.mulf %gather3A_1315, %add3A_1078 : vector<16xf32>
        %add3A_1318 = arith.addf %mul3A_1317, %gather3A_1316 : vector<16xf32>
        %max3A_1319 = arith.constant 0.000000e+00 : f32
        %max3A_1320 = vector.broadcast %max3A_1319 : f32 to vector<16xf32>
        %max3A_1321 = arith.maximumf %add3A_1093, %max3A_1320 : vector<16xf32>
        %min3A_1322 = arith.constant 1.500000e+01 : f32
        %min3A_1323 = vector.broadcast %min3A_1322 : f32 to vector<16xf32>
        %min3A_1324 = arith.minimumf %max3A_1321, %min3A_1323 : vector<16xf32>
        %convert_element_type3A_1325 = arith.fptosi %min3A_1324 : vector<16xf32> to vector<16xi32>
        %mul3A_1326 = arith.constant 128 : i32
        %mul3A_1327 = vector.broadcast %mul3A_1326 : i32 to vector<16xi32>
        %mul3A_1328 = arith.muli %convert_element_type3A_1325, %mul3A_1327 : vector<16xi32>
        %add3A_1329 = arith.addi %mul3A_1328, %add3A_39 : vector<16xi32>
        %gather3A_1330 = tpu.vector_load_idx %arg8[%add3A_1329] : memref<2048xf32, #tpu.memory_space<vmem>>[vector<16xi32>], vector<16xf32>,
        %gather3A_1331 = tpu.vector_load_idx %arg9[%add3A_1329] : memref<2048xf32, #tpu.memory_space<vmem>>[vector<16xi32>], vector<16xf32>,
        %mul3A_1332 = arith.mulf %gather3A_1330, %add3A_1093 : vector<16xf32>
        %add3A_1333 = arith.addf %mul3A_1332, %gather3A_1331 : vector<16xf32>
        %max3A_1334 = arith.constant 0.000000e+00 : f32
        %max3A_1335 = vector.broadcast %max3A_1334 : f32 to vector<16xf32>
        %max3A_1336 = arith.maximumf %add3A_1108, %max3A_1335 : vector<16xf32>
        %min3A_1337 = arith.constant 1.500000e+01 : f32
        %min3A_1338 = vector.broadcast %min3A_1337 : f32 to vector<16xf32>
        %min3A_1339 = arith.minimumf %max3A_1336, %min3A_1338 : vector<16xf32>
        %convert_element_type3A_1340 = arith.fptosi %min3A_1339 : vector<16xf32> to vector<16xi32>
        %mul3A_1341 = arith.constant 128 : i32
        %mul3A_1342 = vector.broadcast %mul3A_1341 : i32 to vector<16xi32>
        %mul3A_1343 = arith.muli %convert_element_type3A_1340, %mul3A_1342 : vector<16xi32>
        %add3A_1344 = arith.addi %mul3A_1343, %add3A_18 : vector<16xi32>
        %gather3A_1345 = tpu.vector_load_idx %arg8[%add3A_1344] : memref<2048xf32, #tpu.memory_space<vmem>>[vector<16xi32>], vector<16xf32>,
        %gather3A_1346 = tpu.vector_load_idx %arg9[%add3A_1344] : memref<2048xf32, #tpu.memory_space<vmem>>[vector<16xi32>], vector<16xf32>,
        %mul3A_1347 = arith.mulf %gather3A_1345, %add3A_1108 : vector<16xf32>
        %add3A_1348 = arith.addf %mul3A_1347, %gather3A_1346 : vector<16xf32>
        %max3A_1349 = arith.constant 0.000000e+00 : f32
        %max3A_1350 = vector.broadcast %max3A_1349 : f32 to vector<16xf32>
        %max3A_1351 = arith.maximumf %add3A_1123, %max3A_1350 : vector<16xf32>
        %min3A_1352 = arith.constant 1.500000e+01 : f32
        %min3A_1353 = vector.broadcast %min3A_1352 : f32 to vector<16xf32>
        %min3A_1354 = arith.minimumf %max3A_1351, %min3A_1353 : vector<16xf32>
        %convert_element_type3A_1355 = arith.fptosi %min3A_1354 : vector<16xf32> to vector<16xi32>
        %mul3A_1356 = arith.constant 128 : i32
        %mul3A_1357 = vector.broadcast %mul3A_1356 : i32 to vector<16xi32>
        %mul3A_1358 = arith.muli %convert_element_type3A_1355, %mul3A_1357 : vector<16xi32>
        %add3A_1359 = arith.addi %mul3A_1358, %add3A_21 : vector<16xi32>
        %gather3A_1360 = tpu.vector_load_idx %arg8[%add3A_1359] : memref<2048xf32, #tpu.memory_space<vmem>>[vector<16xi32>], vector<16xf32>,
        %gather3A_1361 = tpu.vector_load_idx %arg9[%add3A_1359] : memref<2048xf32, #tpu.memory_space<vmem>>[vector<16xi32>], vector<16xf32>,
        %mul3A_1362 = arith.mulf %gather3A_1360, %add3A_1123 : vector<16xf32>
        %add3A_1363 = arith.addf %mul3A_1362, %gather3A_1361 : vector<16xf32>
        %max3A_1364 = arith.constant 0.000000e+00 : f32
        %max3A_1365 = vector.broadcast %max3A_1364 : f32 to vector<16xf32>
        %max3A_1366 = arith.maximumf %add3A_1138, %max3A_1365 : vector<16xf32>
        %min3A_1367 = arith.constant 1.500000e+01 : f32
        %min3A_1368 = vector.broadcast %min3A_1367 : f32 to vector<16xf32>
        %min3A_1369 = arith.minimumf %max3A_1366, %min3A_1368 : vector<16xf32>
        %convert_element_type3A_1370 = arith.fptosi %min3A_1369 : vector<16xf32> to vector<16xi32>
        %mul3A_1371 = arith.constant 128 : i32
        %mul3A_1372 = vector.broadcast %mul3A_1371 : i32 to vector<16xi32>
        %mul3A_1373 = arith.muli %convert_element_type3A_1370, %mul3A_1372 : vector<16xi32>
        %add3A_1374 = arith.addi %mul3A_1373, %add3A_24 : vector<16xi32>
        %gather3A_1375 = tpu.vector_load_idx %arg8[%add3A_1374] : memref<2048xf32, #tpu.memory_space<vmem>>[vector<16xi32>], vector<16xf32>,
        %gather3A_1376 = tpu.vector_load_idx %arg9[%add3A_1374] : memref<2048xf32, #tpu.memory_space<vmem>>[vector<16xi32>], vector<16xf32>,
        %mul3A_1377 = arith.mulf %gather3A_1375, %add3A_1138 : vector<16xf32>
        %add3A_1378 = arith.addf %mul3A_1377, %gather3A_1376 : vector<16xf32>
        %max3A_1379 = arith.constant 0.000000e+00 : f32
        %max3A_1380 = vector.broadcast %max3A_1379 : f32 to vector<16xf32>
        %max3A_1381 = arith.maximumf %add3A_1153, %max3A_1380 : vector<16xf32>
        %min3A_1382 = arith.constant 1.500000e+01 : f32
        %min3A_1383 = vector.broadcast %min3A_1382 : f32 to vector<16xf32>
        %min3A_1384 = arith.minimumf %max3A_1381, %min3A_1383 : vector<16xf32>
        %convert_element_type3A_1385 = arith.fptosi %min3A_1384 : vector<16xf32> to vector<16xi32>
        %mul3A_1386 = arith.constant 128 : i32
        %mul3A_1387 = vector.broadcast %mul3A_1386 : i32 to vector<16xi32>
        %mul3A_1388 = arith.muli %convert_element_type3A_1385, %mul3A_1387 : vector<16xi32>
        %add3A_1389 = arith.addi %mul3A_1388, %add3A_27 : vector<16xi32>
        %gather3A_1390 = tpu.vector_load_idx %arg8[%add3A_1389] : memref<2048xf32, #tpu.memory_space<vmem>>[vector<16xi32>], vector<16xf32>,
        %gather3A_1391 = tpu.vector_load_idx %arg9[%add3A_1389] : memref<2048xf32, #tpu.memory_space<vmem>>[vector<16xi32>], vector<16xf32>,
        %mul3A_1392 = arith.mulf %gather3A_1390, %add3A_1153 : vector<16xf32>
        %add3A_1393 = arith.addf %mul3A_1392, %gather3A_1391 : vector<16xf32>
        %max3A_1394 = arith.constant 0.000000e+00 : f32
        %max3A_1395 = vector.broadcast %max3A_1394 : f32 to vector<16xf32>
        %max3A_1396 = arith.maximumf %add3A_1168, %max3A_1395 : vector<16xf32>
        %min3A_1397 = arith.constant 1.500000e+01 : f32
        %min3A_1398 = vector.broadcast %min3A_1397 : f32 to vector<16xf32>
        %min3A_1399 = arith.minimumf %max3A_1396, %min3A_1398 : vector<16xf32>
        %convert_element_type3A_1400 = arith.fptosi %min3A_1399 : vector<16xf32> to vector<16xi32>
        %mul3A_1401 = arith.constant 128 : i32
        %mul3A_1402 = vector.broadcast %mul3A_1401 : i32 to vector<16xi32>
        %mul3A_1403 = arith.muli %convert_element_type3A_1400, %mul3A_1402 : vector<16xi32>
        %add3A_1404 = arith.addi %mul3A_1403, %add3A_30 : vector<16xi32>
        %gather3A_1405 = tpu.vector_load_idx %arg8[%add3A_1404] : memref<2048xf32, #tpu.memory_space<vmem>>[vector<16xi32>], vector<16xf32>,
        %gather3A_1406 = tpu.vector_load_idx %arg9[%add3A_1404] : memref<2048xf32, #tpu.memory_space<vmem>>[vector<16xi32>], vector<16xf32>,
        %mul3A_1407 = arith.mulf %gather3A_1405, %add3A_1168 : vector<16xf32>
        %add3A_1408 = arith.addf %mul3A_1407, %gather3A_1406 : vector<16xf32>
        %max3A_1409 = arith.constant 0.000000e+00 : f32
        %max3A_1410 = vector.broadcast %max3A_1409 : f32 to vector<16xf32>
        %max3A_1411 = arith.maximumf %add3A_1183, %max3A_1410 : vector<16xf32>
        %min3A_1412 = arith.constant 1.500000e+01 : f32
        %min3A_1413 = vector.broadcast %min3A_1412 : f32 to vector<16xf32>
        %min3A_1414 = arith.minimumf %max3A_1411, %min3A_1413 : vector<16xf32>
        %convert_element_type3A_1415 = arith.fptosi %min3A_1414 : vector<16xf32> to vector<16xi32>
        %mul3A_1416 = arith.constant 128 : i32
        %mul3A_1417 = vector.broadcast %mul3A_1416 : i32 to vector<16xi32>
        %mul3A_1418 = arith.muli %convert_element_type3A_1415, %mul3A_1417 : vector<16xi32>
        %add3A_1419 = arith.addi %mul3A_1418, %add3A_33 : vector<16xi32>
        %gather3A_1420 = tpu.vector_load_idx %arg8[%add3A_1419] : memref<2048xf32, #tpu.memory_space<vmem>>[vector<16xi32>], vector<16xf32>,
        %gather3A_1421 = tpu.vector_load_idx %arg9[%add3A_1419] : memref<2048xf32, #tpu.memory_space<vmem>>[vector<16xi32>], vector<16xf32>,
        %mul3A_1422 = arith.mulf %gather3A_1420, %add3A_1183 : vector<16xf32>
        %add3A_1423 = arith.addf %mul3A_1422, %gather3A_1421 : vector<16xf32>
        %max3A_1424 = arith.constant 0.000000e+00 : f32
        %max3A_1425 = vector.broadcast %max3A_1424 : f32 to vector<16xf32>
        %max3A_1426 = arith.maximumf %add3A_1198, %max3A_1425 : vector<16xf32>
        %min3A_1427 = arith.constant 1.500000e+01 : f32
        %min3A_1428 = vector.broadcast %min3A_1427 : f32 to vector<16xf32>
        %min3A_1429 = arith.minimumf %max3A_1426, %min3A_1428 : vector<16xf32>
        %convert_element_type3A_1430 = arith.fptosi %min3A_1429 : vector<16xf32> to vector<16xi32>
        %mul3A_1431 = arith.constant 128 : i32
        %mul3A_1432 = vector.broadcast %mul3A_1431 : i32 to vector<16xi32>
        %mul3A_1433 = arith.muli %convert_element_type3A_1430, %mul3A_1432 : vector<16xi32>
        %add3A_1434 = arith.addi %mul3A_1433, %add3A_36 : vector<16xi32>
        %gather3A_1435 = tpu.vector_load_idx %arg8[%add3A_1434] : memref<2048xf32, #tpu.memory_space<vmem>>[vector<16xi32>], vector<16xf32>,
        %gather3A_1436 = tpu.vector_load_idx %arg9[%add3A_1434] : memref<2048xf32, #tpu.memory_space<vmem>>[vector<16xi32>], vector<16xf32>,
        %mul3A_1437 = arith.mulf %gather3A_1435, %add3A_1198 : vector<16xf32>
        %add3A_1438 = arith.addf %mul3A_1437, %gather3A_1436 : vector<16xf32>
        %max3A_1439 = arith.constant 0.000000e+00 : f32
        %max3A_1440 = vector.broadcast %max3A_1439 : f32 to vector<16xf32>
        %max3A_1441 = arith.maximumf %add3A_1213, %max3A_1440 : vector<16xf32>
        %min3A_1442 = arith.constant 1.500000e+01 : f32
        %min3A_1443 = vector.broadcast %min3A_1442 : f32 to vector<16xf32>
        %min3A_1444 = arith.minimumf %max3A_1441, %min3A_1443 : vector<16xf32>
        %convert_element_type3A_1445 = arith.fptosi %min3A_1444 : vector<16xf32> to vector<16xi32>
        %mul3A_1446 = arith.constant 128 : i32
        %mul3A_1447 = vector.broadcast %mul3A_1446 : i32 to vector<16xi32>
        %mul3A_1448 = arith.muli %convert_element_type3A_1445, %mul3A_1447 : vector<16xi32>
        %add3A_1449 = arith.addi %mul3A_1448, %add3A_39 : vector<16xi32>
        %gather3A_1450 = tpu.vector_load_idx %arg8[%add3A_1449] : memref<2048xf32, #tpu.memory_space<vmem>>[vector<16xi32>], vector<16xf32>,
        %gather3A_1451 = tpu.vector_load_idx %arg9[%add3A_1449] : memref<2048xf32, #tpu.memory_space<vmem>>[vector<16xi32>], vector<16xf32>,
        %mul3A_1452 = arith.mulf %gather3A_1450, %add3A_1213 : vector<16xf32>
        %add3A_1453 = arith.addf %mul3A_1452, %gather3A_1451 : vector<16xf32>
        %max3A_1454 = arith.constant 0.000000e+00 : f32
        %max3A_1455 = vector.broadcast %max3A_1454 : f32 to vector<16xf32>
        %max3A_1456 = arith.maximumf %add3A_1228, %max3A_1455 : vector<16xf32>
        %min3A_1457 = arith.constant 1.500000e+01 : f32
        %min3A_1458 = vector.broadcast %min3A_1457 : f32 to vector<16xf32>
        %min3A_1459 = arith.minimumf %max3A_1456, %min3A_1458 : vector<16xf32>
        %convert_element_type3A_1460 = arith.fptosi %min3A_1459 : vector<16xf32> to vector<16xi32>
        %mul3A_1461 = arith.constant 128 : i32
        %mul3A_1462 = vector.broadcast %mul3A_1461 : i32 to vector<16xi32>
        %mul3A_1463 = arith.muli %convert_element_type3A_1460, %mul3A_1462 : vector<16xi32>
        %add3A_1464 = arith.addi %mul3A_1463, %add3A_18 : vector<16xi32>
        %gather3A_1465 = tpu.vector_load_idx %arg8[%add3A_1464] : memref<2048xf32, #tpu.memory_space<vmem>>[vector<16xi32>], vector<16xf32>,
        %gather3A_1466 = tpu.vector_load_idx %arg9[%add3A_1464] : memref<2048xf32, #tpu.memory_space<vmem>>[vector<16xi32>], vector<16xf32>,
        %mul3A_1467 = arith.mulf %gather3A_1465, %add3A_1228 : vector<16xf32>
        %add3A_1468 = arith.addf %mul3A_1467, %gather3A_1466 : vector<16xf32>
        %max3A_1469 = arith.constant 0.000000e+00 : f32
        %max3A_1470 = vector.broadcast %max3A_1469 : f32 to vector<16xf32>
        %max3A_1471 = arith.maximumf %add3A_1243, %max3A_1470 : vector<16xf32>
        %min3A_1472 = arith.constant 1.500000e+01 : f32
        %min3A_1473 = vector.broadcast %min3A_1472 : f32 to vector<16xf32>
        %min3A_1474 = arith.minimumf %max3A_1471, %min3A_1473 : vector<16xf32>
        %convert_element_type3A_1475 = arith.fptosi %min3A_1474 : vector<16xf32> to vector<16xi32>
        %mul3A_1476 = arith.constant 128 : i32
        %mul3A_1477 = vector.broadcast %mul3A_1476 : i32 to vector<16xi32>
        %mul3A_1478 = arith.muli %convert_element_type3A_1475, %mul3A_1477 : vector<16xi32>
        %add3A_1479 = arith.addi %mul3A_1478, %add3A_21 : vector<16xi32>
        %gather3A_1480 = tpu.vector_load_idx %arg8[%add3A_1479] : memref<2048xf32, #tpu.memory_space<vmem>>[vector<16xi32>], vector<16xf32>,
        %gather3A_1481 = tpu.vector_load_idx %arg9[%add3A_1479] : memref<2048xf32, #tpu.memory_space<vmem>>[vector<16xi32>], vector<16xf32>,
        %mul3A_1482 = arith.mulf %gather3A_1480, %add3A_1243 : vector<16xf32>
        %add3A_1483 = arith.addf %mul3A_1482, %gather3A_1481 : vector<16xf32>
        %max3A_1484 = arith.constant 0.000000e+00 : f32
        %max3A_1485 = vector.broadcast %max3A_1484 : f32 to vector<16xf32>
        %max3A_1486 = arith.maximumf %add3A_1258, %max3A_1485 : vector<16xf32>
        %min3A_1487 = arith.constant 1.500000e+01 : f32
        %min3A_1488 = vector.broadcast %min3A_1487 : f32 to vector<16xf32>
        %min3A_1489 = arith.minimumf %max3A_1486, %min3A_1488 : vector<16xf32>
        %convert_element_type3A_1490 = arith.fptosi %min3A_1489 : vector<16xf32> to vector<16xi32>
        %mul3A_1491 = arith.constant 128 : i32
        %mul3A_1492 = vector.broadcast %mul3A_1491 : i32 to vector<16xi32>
        %mul3A_1493 = arith.muli %convert_element_type3A_1490, %mul3A_1492 : vector<16xi32>
        %add3A_1494 = arith.addi %mul3A_1493, %add3A_24 : vector<16xi32>
        %gather3A_1495 = tpu.vector_load_idx %arg8[%add3A_1494] : memref<2048xf32, #tpu.memory_space<vmem>>[vector<16xi32>], vector<16xf32>,
        %gather3A_1496 = tpu.vector_load_idx %arg9[%add3A_1494] : memref<2048xf32, #tpu.memory_space<vmem>>[vector<16xi32>], vector<16xf32>,
        %mul3A_1497 = arith.mulf %gather3A_1495, %add3A_1258 : vector<16xf32>
        %add3A_1498 = arith.addf %mul3A_1497, %gather3A_1496 : vector<16xf32>
        %max3A_1499 = arith.constant 0.000000e+00 : f32
        %max3A_1500 = vector.broadcast %max3A_1499 : f32 to vector<16xf32>
        %max3A_1501 = arith.maximumf %add3A_1273, %max3A_1500 : vector<16xf32>
        %min3A_1502 = arith.constant 1.500000e+01 : f32
        %min3A_1503 = vector.broadcast %min3A_1502 : f32 to vector<16xf32>
        %min3A_1504 = arith.minimumf %max3A_1501, %min3A_1503 : vector<16xf32>
        %convert_element_type3A_1505 = arith.fptosi %min3A_1504 : vector<16xf32> to vector<16xi32>
        %mul3A_1506 = arith.constant 128 : i32
        %mul3A_1507 = vector.broadcast %mul3A_1506 : i32 to vector<16xi32>
        %mul3A_1508 = arith.muli %convert_element_type3A_1505, %mul3A_1507 : vector<16xi32>
        %add3A_1509 = arith.addi %mul3A_1508, %add3A_27 : vector<16xi32>
        %gather3A_1510 = tpu.vector_load_idx %arg8[%add3A_1509] : memref<2048xf32, #tpu.memory_space<vmem>>[vector<16xi32>], vector<16xf32>,
        %gather3A_1511 = tpu.vector_load_idx %arg9[%add3A_1509] : memref<2048xf32, #tpu.memory_space<vmem>>[vector<16xi32>], vector<16xf32>,
        %mul3A_1512 = arith.mulf %gather3A_1510, %add3A_1273 : vector<16xf32>
        %add3A_1513 = arith.addf %mul3A_1512, %gather3A_1511 : vector<16xf32>
        %max3A_1514 = arith.constant 0.000000e+00 : f32
        %max3A_1515 = vector.broadcast %max3A_1514 : f32 to vector<16xf32>
        %max3A_1516 = arith.maximumf %add3A_1288, %max3A_1515 : vector<16xf32>
        %min3A_1517 = arith.constant 1.500000e+01 : f32
        %min3A_1518 = vector.broadcast %min3A_1517 : f32 to vector<16xf32>
        %min3A_1519 = arith.minimumf %max3A_1516, %min3A_1518 : vector<16xf32>
        %convert_element_type3A_1520 = arith.fptosi %min3A_1519 : vector<16xf32> to vector<16xi32>
        %mul3A_1521 = arith.constant 128 : i32
        %mul3A_1522 = vector.broadcast %mul3A_1521 : i32 to vector<16xi32>
        %mul3A_1523 = arith.muli %convert_element_type3A_1520, %mul3A_1522 : vector<16xi32>
        %add3A_1524 = arith.addi %mul3A_1523, %add3A_30 : vector<16xi32>
        %gather3A_1525 = tpu.vector_load_idx %arg8[%add3A_1524] : memref<2048xf32, #tpu.memory_space<vmem>>[vector<16xi32>], vector<16xf32>,
        %gather3A_1526 = tpu.vector_load_idx %arg9[%add3A_1524] : memref<2048xf32, #tpu.memory_space<vmem>>[vector<16xi32>], vector<16xf32>,
        %mul3A_1527 = arith.mulf %gather3A_1525, %add3A_1288 : vector<16xf32>
        %add3A_1528 = arith.addf %mul3A_1527, %gather3A_1526 : vector<16xf32>
        %max3A_1529 = arith.constant 0.000000e+00 : f32
        %max3A_1530 = vector.broadcast %max3A_1529 : f32 to vector<16xf32>
        %max3A_1531 = arith.maximumf %add3A_1303, %max3A_1530 : vector<16xf32>
        %min3A_1532 = arith.constant 1.500000e+01 : f32
        %min3A_1533 = vector.broadcast %min3A_1532 : f32 to vector<16xf32>
        %min3A_1534 = arith.minimumf %max3A_1531, %min3A_1533 : vector<16xf32>
        %convert_element_type3A_1535 = arith.fptosi %min3A_1534 : vector<16xf32> to vector<16xi32>
        %mul3A_1536 = arith.constant 128 : i32
        %mul3A_1537 = vector.broadcast %mul3A_1536 : i32 to vector<16xi32>
        %mul3A_1538 = arith.muli %convert_element_type3A_1535, %mul3A_1537 : vector<16xi32>
        %add3A_1539 = arith.addi %mul3A_1538, %add3A_33 : vector<16xi32>
        %gather3A_1540 = tpu.vector_load_idx %arg8[%add3A_1539] : memref<2048xf32, #tpu.memory_space<vmem>>[vector<16xi32>], vector<16xf32>,
        %gather3A_1541 = tpu.vector_load_idx %arg9[%add3A_1539] : memref<2048xf32, #tpu.memory_space<vmem>>[vector<16xi32>], vector<16xf32>,
        %mul3A_1542 = arith.mulf %gather3A_1540, %add3A_1303 : vector<16xf32>
        %add3A_1543 = arith.addf %mul3A_1542, %gather3A_1541 : vector<16xf32>
        %max3A_1544 = arith.constant 0.000000e+00 : f32
        %max3A_1545 = vector.broadcast %max3A_1544 : f32 to vector<16xf32>
        %max3A_1546 = arith.maximumf %add3A_1318, %max3A_1545 : vector<16xf32>
        %min3A_1547 = arith.constant 1.500000e+01 : f32
        %min3A_1548 = vector.broadcast %min3A_1547 : f32 to vector<16xf32>
        %min3A_1549 = arith.minimumf %max3A_1546, %min3A_1548 : vector<16xf32>
        %convert_element_type3A_1550 = arith.fptosi %min3A_1549 : vector<16xf32> to vector<16xi32>
        %mul3A_1551 = arith.constant 128 : i32
        %mul3A_1552 = vector.broadcast %mul3A_1551 : i32 to vector<16xi32>
        %mul3A_1553 = arith.muli %convert_element_type3A_1550, %mul3A_1552 : vector<16xi32>
        %add3A_1554 = arith.addi %mul3A_1553, %add3A_36 : vector<16xi32>
        %gather3A_1555 = tpu.vector_load_idx %arg8[%add3A_1554] : memref<2048xf32, #tpu.memory_space<vmem>>[vector<16xi32>], vector<16xf32>,
        %gather3A_1556 = tpu.vector_load_idx %arg9[%add3A_1554] : memref<2048xf32, #tpu.memory_space<vmem>>[vector<16xi32>], vector<16xf32>,
        %mul3A_1557 = arith.mulf %gather3A_1555, %add3A_1318 : vector<16xf32>
        %add3A_1558 = arith.addf %mul3A_1557, %gather3A_1556 : vector<16xf32>
        %max3A_1559 = arith.constant 0.000000e+00 : f32
        %max3A_1560 = vector.broadcast %max3A_1559 : f32 to vector<16xf32>
        %max3A_1561 = arith.maximumf %add3A_1333, %max3A_1560 : vector<16xf32>
        %min3A_1562 = arith.constant 1.500000e+01 : f32
        %min3A_1563 = vector.broadcast %min3A_1562 : f32 to vector<16xf32>
        %min3A_1564 = arith.minimumf %max3A_1561, %min3A_1563 : vector<16xf32>
        %convert_element_type3A_1565 = arith.fptosi %min3A_1564 : vector<16xf32> to vector<16xi32>
        %mul3A_1566 = arith.constant 128 : i32
        %mul3A_1567 = vector.broadcast %mul3A_1566 : i32 to vector<16xi32>
        %mul3A_1568 = arith.muli %convert_element_type3A_1565, %mul3A_1567 : vector<16xi32>
        %add3A_1569 = arith.addi %mul3A_1568, %add3A_39 : vector<16xi32>
        %gather3A_1570 = tpu.vector_load_idx %arg8[%add3A_1569] : memref<2048xf32, #tpu.memory_space<vmem>>[vector<16xi32>], vector<16xf32>,
        %gather3A_1571 = tpu.vector_load_idx %arg9[%add3A_1569] : memref<2048xf32, #tpu.memory_space<vmem>>[vector<16xi32>], vector<16xf32>,
        %mul3A_1572 = arith.mulf %gather3A_1570, %add3A_1333 : vector<16xf32>
        %add3A_1573 = arith.addf %mul3A_1572, %gather3A_1571 : vector<16xf32>
        %max3A_1574 = arith.constant 0.000000e+00 : f32
        %max3A_1575 = vector.broadcast %max3A_1574 : f32 to vector<16xf32>
        %max3A_1576 = arith.maximumf %add3A_1348, %max3A_1575 : vector<16xf32>
        %min3A_1577 = arith.constant 1.500000e+01 : f32
        %min3A_1578 = vector.broadcast %min3A_1577 : f32 to vector<16xf32>
        %min3A_1579 = arith.minimumf %max3A_1576, %min3A_1578 : vector<16xf32>
        %convert_element_type3A_1580 = arith.fptosi %min3A_1579 : vector<16xf32> to vector<16xi32>
        %mul3A_1581 = arith.constant 128 : i32
        %mul3A_1582 = vector.broadcast %mul3A_1581 : i32 to vector<16xi32>
        %mul3A_1583 = arith.muli %convert_element_type3A_1580, %mul3A_1582 : vector<16xi32>
        %add3A_1584 = arith.addi %mul3A_1583, %add3A_18 : vector<16xi32>
        %gather3A_1585 = tpu.vector_load_idx %arg8[%add3A_1584] : memref<2048xf32, #tpu.memory_space<vmem>>[vector<16xi32>], vector<16xf32>,
        %gather3A_1586 = tpu.vector_load_idx %arg9[%add3A_1584] : memref<2048xf32, #tpu.memory_space<vmem>>[vector<16xi32>], vector<16xf32>,
        %mul3A_1587 = arith.mulf %gather3A_1585, %add3A_1348 : vector<16xf32>
        %add3A_1588 = arith.addf %mul3A_1587, %gather3A_1586 : vector<16xf32>
        %max3A_1589 = arith.constant 0.000000e+00 : f32
        %max3A_1590 = vector.broadcast %max3A_1589 : f32 to vector<16xf32>
        %max3A_1591 = arith.maximumf %add3A_1363, %max3A_1590 : vector<16xf32>
        %min3A_1592 = arith.constant 1.500000e+01 : f32
        %min3A_1593 = vector.broadcast %min3A_1592 : f32 to vector<16xf32>
        %min3A_1594 = arith.minimumf %max3A_1591, %min3A_1593 : vector<16xf32>
        %convert_element_type3A_1595 = arith.fptosi %min3A_1594 : vector<16xf32> to vector<16xi32>
        %mul3A_1596 = arith.constant 128 : i32
        %mul3A_1597 = vector.broadcast %mul3A_1596 : i32 to vector<16xi32>
        %mul3A_1598 = arith.muli %convert_element_type3A_1595, %mul3A_1597 : vector<16xi32>
        %add3A_1599 = arith.addi %mul3A_1598, %add3A_21 : vector<16xi32>
        %gather3A_1600 = tpu.vector_load_idx %arg8[%add3A_1599] : memref<2048xf32, #tpu.memory_space<vmem>>[vector<16xi32>], vector<16xf32>,
        %gather3A_1601 = tpu.vector_load_idx %arg9[%add3A_1599] : memref<2048xf32, #tpu.memory_space<vmem>>[vector<16xi32>], vector<16xf32>,
        %mul3A_1602 = arith.mulf %gather3A_1600, %add3A_1363 : vector<16xf32>
        %add3A_1603 = arith.addf %mul3A_1602, %gather3A_1601 : vector<16xf32>
        %max3A_1604 = arith.constant 0.000000e+00 : f32
        %max3A_1605 = vector.broadcast %max3A_1604 : f32 to vector<16xf32>
        %max3A_1606 = arith.maximumf %add3A_1378, %max3A_1605 : vector<16xf32>
        %min3A_1607 = arith.constant 1.500000e+01 : f32
        %min3A_1608 = vector.broadcast %min3A_1607 : f32 to vector<16xf32>
        %min3A_1609 = arith.minimumf %max3A_1606, %min3A_1608 : vector<16xf32>
        %convert_element_type3A_1610 = arith.fptosi %min3A_1609 : vector<16xf32> to vector<16xi32>
        %mul3A_1611 = arith.constant 128 : i32
        %mul3A_1612 = vector.broadcast %mul3A_1611 : i32 to vector<16xi32>
        %mul3A_1613 = arith.muli %convert_element_type3A_1610, %mul3A_1612 : vector<16xi32>
        %add3A_1614 = arith.addi %mul3A_1613, %add3A_24 : vector<16xi32>
        %gather3A_1615 = tpu.vector_load_idx %arg8[%add3A_1614] : memref<2048xf32, #tpu.memory_space<vmem>>[vector<16xi32>], vector<16xf32>,
        %gather3A_1616 = tpu.vector_load_idx %arg9[%add3A_1614] : memref<2048xf32, #tpu.memory_space<vmem>>[vector<16xi32>], vector<16xf32>,
        %mul3A_1617 = arith.mulf %gather3A_1615, %add3A_1378 : vector<16xf32>
        %add3A_1618 = arith.addf %mul3A_1617, %gather3A_1616 : vector<16xf32>
        %max3A_1619 = arith.constant 0.000000e+00 : f32
        %max3A_1620 = vector.broadcast %max3A_1619 : f32 to vector<16xf32>
        %max3A_1621 = arith.maximumf %add3A_1393, %max3A_1620 : vector<16xf32>
        %min3A_1622 = arith.constant 1.500000e+01 : f32
        %min3A_1623 = vector.broadcast %min3A_1622 : f32 to vector<16xf32>
        %min3A_1624 = arith.minimumf %max3A_1621, %min3A_1623 : vector<16xf32>
        %convert_element_type3A_1625 = arith.fptosi %min3A_1624 : vector<16xf32> to vector<16xi32>
        %mul3A_1626 = arith.constant 128 : i32
        %mul3A_1627 = vector.broadcast %mul3A_1626 : i32 to vector<16xi32>
        %mul3A_1628 = arith.muli %convert_element_type3A_1625, %mul3A_1627 : vector<16xi32>
        %add3A_1629 = arith.addi %mul3A_1628, %add3A_27 : vector<16xi32>
        %gather3A_1630 = tpu.vector_load_idx %arg8[%add3A_1629] : memref<2048xf32, #tpu.memory_space<vmem>>[vector<16xi32>], vector<16xf32>,
        %gather3A_1631 = tpu.vector_load_idx %arg9[%add3A_1629] : memref<2048xf32, #tpu.memory_space<vmem>>[vector<16xi32>], vector<16xf32>,
        %mul3A_1632 = arith.mulf %gather3A_1630, %add3A_1393 : vector<16xf32>
        %add3A_1633 = arith.addf %mul3A_1632, %gather3A_1631 : vector<16xf32>
        %max3A_1634 = arith.constant 0.000000e+00 : f32
        %max3A_1635 = vector.broadcast %max3A_1634 : f32 to vector<16xf32>
        %max3A_1636 = arith.maximumf %add3A_1408, %max3A_1635 : vector<16xf32>
        %min3A_1637 = arith.constant 1.500000e+01 : f32
        %min3A_1638 = vector.broadcast %min3A_1637 : f32 to vector<16xf32>
        %min3A_1639 = arith.minimumf %max3A_1636, %min3A_1638 : vector<16xf32>
        %convert_element_type3A_1640 = arith.fptosi %min3A_1639 : vector<16xf32> to vector<16xi32>
        %mul3A_1641 = arith.constant 128 : i32
        %mul3A_1642 = vector.broadcast %mul3A_1641 : i32 to vector<16xi32>
        %mul3A_1643 = arith.muli %convert_element_type3A_1640, %mul3A_1642 : vector<16xi32>
        %add3A_1644 = arith.addi %mul3A_1643, %add3A_30 : vector<16xi32>
        %gather3A_1645 = tpu.vector_load_idx %arg8[%add3A_1644] : memref<2048xf32, #tpu.memory_space<vmem>>[vector<16xi32>], vector<16xf32>,
        %gather3A_1646 = tpu.vector_load_idx %arg9[%add3A_1644] : memref<2048xf32, #tpu.memory_space<vmem>>[vector<16xi32>], vector<16xf32>,
        %mul3A_1647 = arith.mulf %gather3A_1645, %add3A_1408 : vector<16xf32>
        %add3A_1648 = arith.addf %mul3A_1647, %gather3A_1646 : vector<16xf32>
        %max3A_1649 = arith.constant 0.000000e+00 : f32
        %max3A_1650 = vector.broadcast %max3A_1649 : f32 to vector<16xf32>
        %max3A_1651 = arith.maximumf %add3A_1423, %max3A_1650 : vector<16xf32>
        %min3A_1652 = arith.constant 1.500000e+01 : f32
        %min3A_1653 = vector.broadcast %min3A_1652 : f32 to vector<16xf32>
        %min3A_1654 = arith.minimumf %max3A_1651, %min3A_1653 : vector<16xf32>
        %convert_element_type3A_1655 = arith.fptosi %min3A_1654 : vector<16xf32> to vector<16xi32>
        %mul3A_1656 = arith.constant 128 : i32
        %mul3A_1657 = vector.broadcast %mul3A_1656 : i32 to vector<16xi32>
        %mul3A_1658 = arith.muli %convert_element_type3A_1655, %mul3A_1657 : vector<16xi32>
        %add3A_1659 = arith.addi %mul3A_1658, %add3A_33 : vector<16xi32>
        %gather3A_1660 = tpu.vector_load_idx %arg8[%add3A_1659] : memref<2048xf32, #tpu.memory_space<vmem>>[vector<16xi32>], vector<16xf32>,
        %gather3A_1661 = tpu.vector_load_idx %arg9[%add3A_1659] : memref<2048xf32, #tpu.memory_space<vmem>>[vector<16xi32>], vector<16xf32>,
        %mul3A_1662 = arith.mulf %gather3A_1660, %add3A_1423 : vector<16xf32>
        %add3A_1663 = arith.addf %mul3A_1662, %gather3A_1661 : vector<16xf32>
        %max3A_1664 = arith.constant 0.000000e+00 : f32
        %max3A_1665 = vector.broadcast %max3A_1664 : f32 to vector<16xf32>
        %max3A_1666 = arith.maximumf %add3A_1438, %max3A_1665 : vector<16xf32>
        %min3A_1667 = arith.constant 1.500000e+01 : f32
        %min3A_1668 = vector.broadcast %min3A_1667 : f32 to vector<16xf32>
        %min3A_1669 = arith.minimumf %max3A_1666, %min3A_1668 : vector<16xf32>
        %convert_element_type3A_1670 = arith.fptosi %min3A_1669 : vector<16xf32> to vector<16xi32>
        %mul3A_1671 = arith.constant 128 : i32
        %mul3A_1672 = vector.broadcast %mul3A_1671 : i32 to vector<16xi32>
        %mul3A_1673 = arith.muli %convert_element_type3A_1670, %mul3A_1672 : vector<16xi32>
        %add3A_1674 = arith.addi %mul3A_1673, %add3A_36 : vector<16xi32>
        %gather3A_1675 = tpu.vector_load_idx %arg8[%add3A_1674] : memref<2048xf32, #tpu.memory_space<vmem>>[vector<16xi32>], vector<16xf32>,
        %gather3A_1676 = tpu.vector_load_idx %arg9[%add3A_1674] : memref<2048xf32, #tpu.memory_space<vmem>>[vector<16xi32>], vector<16xf32>,
        %mul3A_1677 = arith.mulf %gather3A_1675, %add3A_1438 : vector<16xf32>
        %add3A_1678 = arith.addf %mul3A_1677, %gather3A_1676 : vector<16xf32>
        %max3A_1679 = arith.constant 0.000000e+00 : f32
        %max3A_1680 = vector.broadcast %max3A_1679 : f32 to vector<16xf32>
        %max3A_1681 = arith.maximumf %add3A_1453, %max3A_1680 : vector<16xf32>
        %min3A_1682 = arith.constant 1.500000e+01 : f32
        %min3A_1683 = vector.broadcast %min3A_1682 : f32 to vector<16xf32>
        %min3A_1684 = arith.minimumf %max3A_1681, %min3A_1683 : vector<16xf32>
        %convert_element_type3A_1685 = arith.fptosi %min3A_1684 : vector<16xf32> to vector<16xi32>
        %mul3A_1686 = arith.constant 128 : i32
        %mul3A_1687 = vector.broadcast %mul3A_1686 : i32 to vector<16xi32>
        %mul3A_1688 = arith.muli %convert_element_type3A_1685, %mul3A_1687 : vector<16xi32>
        %add3A_1689 = arith.addi %mul3A_1688, %add3A_39 : vector<16xi32>
        %gather3A_1690 = tpu.vector_load_idx %arg8[%add3A_1689] : memref<2048xf32, #tpu.memory_space<vmem>>[vector<16xi32>], vector<16xf32>,
        %gather3A_1691 = tpu.vector_load_idx %arg9[%add3A_1689] : memref<2048xf32, #tpu.memory_space<vmem>>[vector<16xi32>], vector<16xf32>,
        %mul3A_1692 = arith.mulf %gather3A_1690, %add3A_1453 : vector<16xf32>
        %add3A_1693 = arith.addf %mul3A_1692, %gather3A_1691 : vector<16xf32>
        %max3A_1694 = arith.constant 0.000000e+00 : f32
        %max3A_1695 = vector.broadcast %max3A_1694 : f32 to vector<16xf32>
        %max3A_1696 = arith.maximumf %add3A_1468, %max3A_1695 : vector<16xf32>
        %min3A_1697 = arith.constant 1.500000e+01 : f32
        %min3A_1698 = vector.broadcast %min3A_1697 : f32 to vector<16xf32>
        %min3A_1699 = arith.minimumf %max3A_1696, %min3A_1698 : vector<16xf32>
        %convert_element_type3A_1700 = arith.fptosi %min3A_1699 : vector<16xf32> to vector<16xi32>
        %mul3A_1701 = arith.constant 128 : i32
        %mul3A_1702 = vector.broadcast %mul3A_1701 : i32 to vector<16xi32>
        %mul3A_1703 = arith.muli %convert_element_type3A_1700, %mul3A_1702 : vector<16xi32>
        %add3A_1704 = arith.addi %mul3A_1703, %add3A_18 : vector<16xi32>
        %gather3A_1705 = tpu.vector_load_idx %arg8[%add3A_1704] : memref<2048xf32, #tpu.memory_space<vmem>>[vector<16xi32>], vector<16xf32>,
        %gather3A_1706 = tpu.vector_load_idx %arg9[%add3A_1704] : memref<2048xf32, #tpu.memory_space<vmem>>[vector<16xi32>], vector<16xf32>,
        %mul3A_1707 = arith.mulf %gather3A_1705, %add3A_1468 : vector<16xf32>
        %add3A_1708 = arith.addf %mul3A_1707, %gather3A_1706 : vector<16xf32>
        %max3A_1709 = arith.constant 0.000000e+00 : f32
        %max3A_1710 = vector.broadcast %max3A_1709 : f32 to vector<16xf32>
        %max3A_1711 = arith.maximumf %add3A_1483, %max3A_1710 : vector<16xf32>
        %min3A_1712 = arith.constant 1.500000e+01 : f32
        %min3A_1713 = vector.broadcast %min3A_1712 : f32 to vector<16xf32>
        %min3A_1714 = arith.minimumf %max3A_1711, %min3A_1713 : vector<16xf32>
        %convert_element_type3A_1715 = arith.fptosi %min3A_1714 : vector<16xf32> to vector<16xi32>
        %mul3A_1716 = arith.constant 128 : i32
        %mul3A_1717 = vector.broadcast %mul3A_1716 : i32 to vector<16xi32>
        %mul3A_1718 = arith.muli %convert_element_type3A_1715, %mul3A_1717 : vector<16xi32>
        %add3A_1719 = arith.addi %mul3A_1718, %add3A_21 : vector<16xi32>
        %gather3A_1720 = tpu.vector_load_idx %arg8[%add3A_1719] : memref<2048xf32, #tpu.memory_space<vmem>>[vector<16xi32>], vector<16xf32>,
        %gather3A_1721 = tpu.vector_load_idx %arg9[%add3A_1719] : memref<2048xf32, #tpu.memory_space<vmem>>[vector<16xi32>], vector<16xf32>,
        %mul3A_1722 = arith.mulf %gather3A_1720, %add3A_1483 : vector<16xf32>
        %add3A_1723 = arith.addf %mul3A_1722, %gather3A_1721 : vector<16xf32>
        %max3A_1724 = arith.constant 0.000000e+00 : f32
        %max3A_1725 = vector.broadcast %max3A_1724 : f32 to vector<16xf32>
        %max3A_1726 = arith.maximumf %add3A_1498, %max3A_1725 : vector<16xf32>
        %min3A_1727 = arith.constant 1.500000e+01 : f32
        %min3A_1728 = vector.broadcast %min3A_1727 : f32 to vector<16xf32>
        %min3A_1729 = arith.minimumf %max3A_1726, %min3A_1728 : vector<16xf32>
        %convert_element_type3A_1730 = arith.fptosi %min3A_1729 : vector<16xf32> to vector<16xi32>
        %mul3A_1731 = arith.constant 128 : i32
        %mul3A_1732 = vector.broadcast %mul3A_1731 : i32 to vector<16xi32>
        %mul3A_1733 = arith.muli %convert_element_type3A_1730, %mul3A_1732 : vector<16xi32>
        %add3A_1734 = arith.addi %mul3A_1733, %add3A_24 : vector<16xi32>
        %gather3A_1735 = tpu.vector_load_idx %arg8[%add3A_1734] : memref<2048xf32, #tpu.memory_space<vmem>>[vector<16xi32>], vector<16xf32>,
        %gather3A_1736 = tpu.vector_load_idx %arg9[%add3A_1734] : memref<2048xf32, #tpu.memory_space<vmem>>[vector<16xi32>], vector<16xf32>,
        %mul3A_1737 = arith.mulf %gather3A_1735, %add3A_1498 : vector<16xf32>
        %add3A_1738 = arith.addf %mul3A_1737, %gather3A_1736 : vector<16xf32>
        %max3A_1739 = arith.constant 0.000000e+00 : f32
        %max3A_1740 = vector.broadcast %max3A_1739 : f32 to vector<16xf32>
        %max3A_1741 = arith.maximumf %add3A_1513, %max3A_1740 : vector<16xf32>
        %min3A_1742 = arith.constant 1.500000e+01 : f32
        %min3A_1743 = vector.broadcast %min3A_1742 : f32 to vector<16xf32>
        %min3A_1744 = arith.minimumf %max3A_1741, %min3A_1743 : vector<16xf32>
        %convert_element_type3A_1745 = arith.fptosi %min3A_1744 : vector<16xf32> to vector<16xi32>
        %mul3A_1746 = arith.constant 128 : i32
        %mul3A_1747 = vector.broadcast %mul3A_1746 : i32 to vector<16xi32>
        %mul3A_1748 = arith.muli %convert_element_type3A_1745, %mul3A_1747 : vector<16xi32>
        %add3A_1749 = arith.addi %mul3A_1748, %add3A_27 : vector<16xi32>
        %gather3A_1750 = tpu.vector_load_idx %arg8[%add3A_1749] : memref<2048xf32, #tpu.memory_space<vmem>>[vector<16xi32>], vector<16xf32>,
        %gather3A_1751 = tpu.vector_load_idx %arg9[%add3A_1749] : memref<2048xf32, #tpu.memory_space<vmem>>[vector<16xi32>], vector<16xf32>,
        %mul3A_1752 = arith.mulf %gather3A_1750, %add3A_1513 : vector<16xf32>
        %add3A_1753 = arith.addf %mul3A_1752, %gather3A_1751 : vector<16xf32>
        %max3A_1754 = arith.constant 0.000000e+00 : f32
        %max3A_1755 = vector.broadcast %max3A_1754 : f32 to vector<16xf32>
        %max3A_1756 = arith.maximumf %add3A_1528, %max3A_1755 : vector<16xf32>
        %min3A_1757 = arith.constant 1.500000e+01 : f32
        %min3A_1758 = vector.broadcast %min3A_1757 : f32 to vector<16xf32>
        %min3A_1759 = arith.minimumf %max3A_1756, %min3A_1758 : vector<16xf32>
        %convert_element_type3A_1760 = arith.fptosi %min3A_1759 : vector<16xf32> to vector<16xi32>
        %mul3A_1761 = arith.constant 128 : i32
        %mul3A_1762 = vector.broadcast %mul3A_1761 : i32 to vector<16xi32>
        %mul3A_1763 = arith.muli %convert_element_type3A_1760, %mul3A_1762 : vector<16xi32>
        %add3A_1764 = arith.addi %mul3A_1763, %add3A_30 : vector<16xi32>
        %gather3A_1765 = tpu.vector_load_idx %arg8[%add3A_1764] : memref<2048xf32, #tpu.memory_space<vmem>>[vector<16xi32>], vector<16xf32>,
        %gather3A_1766 = tpu.vector_load_idx %arg9[%add3A_1764] : memref<2048xf32, #tpu.memory_space<vmem>>[vector<16xi32>], vector<16xf32>,
        %mul3A_1767 = arith.mulf %gather3A_1765, %add3A_1528 : vector<16xf32>
        %add3A_1768 = arith.addf %mul3A_1767, %gather3A_1766 : vector<16xf32>
        %max3A_1769 = arith.constant 0.000000e+00 : f32
        %max3A_1770 = vector.broadcast %max3A_1769 : f32 to vector<16xf32>
        %max3A_1771 = arith.maximumf %add3A_1543, %max3A_1770 : vector<16xf32>
        %min3A_1772 = arith.constant 1.500000e+01 : f32
        %min3A_1773 = vector.broadcast %min3A_1772 : f32 to vector<16xf32>
        %min3A_1774 = arith.minimumf %max3A_1771, %min3A_1773 : vector<16xf32>
        %convert_element_type3A_1775 = arith.fptosi %min3A_1774 : vector<16xf32> to vector<16xi32>
        %mul3A_1776 = arith.constant 128 : i32
        %mul3A_1777 = vector.broadcast %mul3A_1776 : i32 to vector<16xi32>
        %mul3A_1778 = arith.muli %convert_element_type3A_1775, %mul3A_1777 : vector<16xi32>
        %add3A_1779 = arith.addi %mul3A_1778, %add3A_33 : vector<16xi32>
        %gather3A_1780 = tpu.vector_load_idx %arg8[%add3A_1779] : memref<2048xf32, #tpu.memory_space<vmem>>[vector<16xi32>], vector<16xf32>,
        %gather3A_1781 = tpu.vector_load_idx %arg9[%add3A_1779] : memref<2048xf32, #tpu.memory_space<vmem>>[vector<16xi32>], vector<16xf32>,
        %mul3A_1782 = arith.mulf %gather3A_1780, %add3A_1543 : vector<16xf32>
        %add3A_1783 = arith.addf %mul3A_1782, %gather3A_1781 : vector<16xf32>
        %max3A_1784 = arith.constant 0.000000e+00 : f32
        %max3A_1785 = vector.broadcast %max3A_1784 : f32 to vector<16xf32>
        %max3A_1786 = arith.maximumf %add3A_1558, %max3A_1785 : vector<16xf32>
        %min3A_1787 = arith.constant 1.500000e+01 : f32
        %min3A_1788 = vector.broadcast %min3A_1787 : f32 to vector<16xf32>
        %min3A_1789 = arith.minimumf %max3A_1786, %min3A_1788 : vector<16xf32>
        %convert_element_type3A_1790 = arith.fptosi %min3A_1789 : vector<16xf32> to vector<16xi32>
        %mul3A_1791 = arith.constant 128 : i32
        %mul3A_1792 = vector.broadcast %mul3A_1791 : i32 to vector<16xi32>
        %mul3A_1793 = arith.muli %convert_element_type3A_1790, %mul3A_1792 : vector<16xi32>
        %add3A_1794 = arith.addi %mul3A_1793, %add3A_36 : vector<16xi32>
        %gather3A_1795 = tpu.vector_load_idx %arg8[%add3A_1794] : memref<2048xf32, #tpu.memory_space<vmem>>[vector<16xi32>], vector<16xf32>,
        %gather3A_1796 = tpu.vector_load_idx %arg9[%add3A_1794] : memref<2048xf32, #tpu.memory_space<vmem>>[vector<16xi32>], vector<16xf32>,
        %mul3A_1797 = arith.mulf %gather3A_1795, %add3A_1558 : vector<16xf32>
        %add3A_1798 = arith.addf %mul3A_1797, %gather3A_1796 : vector<16xf32>
        %max3A_1799 = arith.constant 0.000000e+00 : f32
        %max3A_1800 = vector.broadcast %max3A_1799 : f32 to vector<16xf32>
        %max3A_1801 = arith.maximumf %add3A_1573, %max3A_1800 : vector<16xf32>
        %min3A_1802 = arith.constant 1.500000e+01 : f32
        %min3A_1803 = vector.broadcast %min3A_1802 : f32 to vector<16xf32>
        %min3A_1804 = arith.minimumf %max3A_1801, %min3A_1803 : vector<16xf32>
        %convert_element_type3A_1805 = arith.fptosi %min3A_1804 : vector<16xf32> to vector<16xi32>
        %mul3A_1806 = arith.constant 128 : i32
        %mul3A_1807 = vector.broadcast %mul3A_1806 : i32 to vector<16xi32>
        %mul3A_1808 = arith.muli %convert_element_type3A_1805, %mul3A_1807 : vector<16xi32>
        %add3A_1809 = arith.addi %mul3A_1808, %add3A_39 : vector<16xi32>
        %gather3A_1810 = tpu.vector_load_idx %arg8[%add3A_1809] : memref<2048xf32, #tpu.memory_space<vmem>>[vector<16xi32>], vector<16xf32>,
        %gather3A_1811 = tpu.vector_load_idx %arg9[%add3A_1809] : memref<2048xf32, #tpu.memory_space<vmem>>[vector<16xi32>], vector<16xf32>,
        %mul3A_1812 = arith.mulf %gather3A_1810, %add3A_1573 : vector<16xf32>
        %add3A_1813 = arith.addf %mul3A_1812, %gather3A_1811 : vector<16xf32>
        %max3A_1814 = arith.constant 0.000000e+00 : f32
        %max3A_1815 = vector.broadcast %max3A_1814 : f32 to vector<16xf32>
        %max3A_1816 = arith.maximumf %add3A_1588, %max3A_1815 : vector<16xf32>
        %min3A_1817 = arith.constant 1.500000e+01 : f32
        %min3A_1818 = vector.broadcast %min3A_1817 : f32 to vector<16xf32>
        %min3A_1819 = arith.minimumf %max3A_1816, %min3A_1818 : vector<16xf32>
        %convert_element_type3A_1820 = arith.fptosi %min3A_1819 : vector<16xf32> to vector<16xi32>
        %mul3A_1821 = arith.constant 128 : i32
        %mul3A_1822 = vector.broadcast %mul3A_1821 : i32 to vector<16xi32>
        %mul3A_1823 = arith.muli %convert_element_type3A_1820, %mul3A_1822 : vector<16xi32>
        %add3A_1824 = arith.addi %mul3A_1823, %add3A_18 : vector<16xi32>
        %gather3A_1825 = tpu.vector_load_idx %arg8[%add3A_1824] : memref<2048xf32, #tpu.memory_space<vmem>>[vector<16xi32>], vector<16xf32>,
        %gather3A_1826 = tpu.vector_load_idx %arg9[%add3A_1824] : memref<2048xf32, #tpu.memory_space<vmem>>[vector<16xi32>], vector<16xf32>,
        %mul3A_1827 = arith.mulf %gather3A_1825, %add3A_1588 : vector<16xf32>
        %add3A_1828 = arith.addf %mul3A_1827, %gather3A_1826 : vector<16xf32>
        %max3A_1829 = arith.constant 0.000000e+00 : f32
        %max3A_1830 = vector.broadcast %max3A_1829 : f32 to vector<16xf32>
        %max3A_1831 = arith.maximumf %add3A_1603, %max3A_1830 : vector<16xf32>
        %min3A_1832 = arith.constant 1.500000e+01 : f32
        %min3A_1833 = vector.broadcast %min3A_1832 : f32 to vector<16xf32>
        %min3A_1834 = arith.minimumf %max3A_1831, %min3A_1833 : vector<16xf32>
        %convert_element_type3A_1835 = arith.fptosi %min3A_1834 : vector<16xf32> to vector<16xi32>
        %mul3A_1836 = arith.constant 128 : i32
        %mul3A_1837 = vector.broadcast %mul3A_1836 : i32 to vector<16xi32>
        %mul3A_1838 = arith.muli %convert_element_type3A_1835, %mul3A_1837 : vector<16xi32>
        %add3A_1839 = arith.addi %mul3A_1838, %add3A_21 : vector<16xi32>
        %gather3A_1840 = tpu.vector_load_idx %arg8[%add3A_1839] : memref<2048xf32, #tpu.memory_space<vmem>>[vector<16xi32>], vector<16xf32>,
        %gather3A_1841 = tpu.vector_load_idx %arg9[%add3A_1839] : memref<2048xf32, #tpu.memory_space<vmem>>[vector<16xi32>], vector<16xf32>,
        %mul3A_1842 = arith.mulf %gather3A_1840, %add3A_1603 : vector<16xf32>
        %add3A_1843 = arith.addf %mul3A_1842, %gather3A_1841 : vector<16xf32>
        %max3A_1844 = arith.constant 0.000000e+00 : f32
        %max3A_1845 = vector.broadcast %max3A_1844 : f32 to vector<16xf32>
        %max3A_1846 = arith.maximumf %add3A_1618, %max3A_1845 : vector<16xf32>
        %min3A_1847 = arith.constant 1.500000e+01 : f32
        %min3A_1848 = vector.broadcast %min3A_1847 : f32 to vector<16xf32>
        %min3A_1849 = arith.minimumf %max3A_1846, %min3A_1848 : vector<16xf32>
        %convert_element_type3A_1850 = arith.fptosi %min3A_1849 : vector<16xf32> to vector<16xi32>
        %mul3A_1851 = arith.constant 128 : i32
        %mul3A_1852 = vector.broadcast %mul3A_1851 : i32 to vector<16xi32>
        %mul3A_1853 = arith.muli %convert_element_type3A_1850, %mul3A_1852 : vector<16xi32>
        %add3A_1854 = arith.addi %mul3A_1853, %add3A_24 : vector<16xi32>
        %gather3A_1855 = tpu.vector_load_idx %arg8[%add3A_1854] : memref<2048xf32, #tpu.memory_space<vmem>>[vector<16xi32>], vector<16xf32>,
        %gather3A_1856 = tpu.vector_load_idx %arg9[%add3A_1854] : memref<2048xf32, #tpu.memory_space<vmem>>[vector<16xi32>], vector<16xf32>,
        %mul3A_1857 = arith.mulf %gather3A_1855, %add3A_1618 : vector<16xf32>
        %add3A_1858 = arith.addf %mul3A_1857, %gather3A_1856 : vector<16xf32>
        %max3A_1859 = arith.constant 0.000000e+00 : f32
        %max3A_1860 = vector.broadcast %max3A_1859 : f32 to vector<16xf32>
        %max3A_1861 = arith.maximumf %add3A_1633, %max3A_1860 : vector<16xf32>
        %min3A_1862 = arith.constant 1.500000e+01 : f32
        %min3A_1863 = vector.broadcast %min3A_1862 : f32 to vector<16xf32>
        %min3A_1864 = arith.minimumf %max3A_1861, %min3A_1863 : vector<16xf32>
        %convert_element_type3A_1865 = arith.fptosi %min3A_1864 : vector<16xf32> to vector<16xi32>
        %mul3A_1866 = arith.constant 128 : i32
        %mul3A_1867 = vector.broadcast %mul3A_1866 : i32 to vector<16xi32>
        %mul3A_1868 = arith.muli %convert_element_type3A_1865, %mul3A_1867 : vector<16xi32>
        %add3A_1869 = arith.addi %mul3A_1868, %add3A_27 : vector<16xi32>
        %gather3A_1870 = tpu.vector_load_idx %arg8[%add3A_1869] : memref<2048xf32, #tpu.memory_space<vmem>>[vector<16xi32>], vector<16xf32>,
        %gather3A_1871 = tpu.vector_load_idx %arg9[%add3A_1869] : memref<2048xf32, #tpu.memory_space<vmem>>[vector<16xi32>], vector<16xf32>,
        %mul3A_1872 = arith.mulf %gather3A_1870, %add3A_1633 : vector<16xf32>
        %add3A_1873 = arith.addf %mul3A_1872, %gather3A_1871 : vector<16xf32>
        %max3A_1874 = arith.constant 0.000000e+00 : f32
        %max3A_1875 = vector.broadcast %max3A_1874 : f32 to vector<16xf32>
        %max3A_1876 = arith.maximumf %add3A_1648, %max3A_1875 : vector<16xf32>
        %min3A_1877 = arith.constant 1.500000e+01 : f32
        %min3A_1878 = vector.broadcast %min3A_1877 : f32 to vector<16xf32>
        %min3A_1879 = arith.minimumf %max3A_1876, %min3A_1878 : vector<16xf32>
        %convert_element_type3A_1880 = arith.fptosi %min3A_1879 : vector<16xf32> to vector<16xi32>
        %mul3A_1881 = arith.constant 128 : i32
        %mul3A_1882 = vector.broadcast %mul3A_1881 : i32 to vector<16xi32>
        %mul3A_1883 = arith.muli %convert_element_type3A_1880, %mul3A_1882 : vector<16xi32>
        %add3A_1884 = arith.addi %mul3A_1883, %add3A_30 : vector<16xi32>
        %gather3A_1885 = tpu.vector_load_idx %arg8[%add3A_1884] : memref<2048xf32, #tpu.memory_space<vmem>>[vector<16xi32>], vector<16xf32>,
        %gather3A_1886 = tpu.vector_load_idx %arg9[%add3A_1884] : memref<2048xf32, #tpu.memory_space<vmem>>[vector<16xi32>], vector<16xf32>,
        %mul3A_1887 = arith.mulf %gather3A_1885, %add3A_1648 : vector<16xf32>
        %add3A_1888 = arith.addf %mul3A_1887, %gather3A_1886 : vector<16xf32>
        %max3A_1889 = arith.constant 0.000000e+00 : f32
        %max3A_1890 = vector.broadcast %max3A_1889 : f32 to vector<16xf32>
        %max3A_1891 = arith.maximumf %add3A_1663, %max3A_1890 : vector<16xf32>
        %min3A_1892 = arith.constant 1.500000e+01 : f32
        %min3A_1893 = vector.broadcast %min3A_1892 : f32 to vector<16xf32>
        %min3A_1894 = arith.minimumf %max3A_1891, %min3A_1893 : vector<16xf32>
        %convert_element_type3A_1895 = arith.fptosi %min3A_1894 : vector<16xf32> to vector<16xi32>
        %mul3A_1896 = arith.constant 128 : i32
        %mul3A_1897 = vector.broadcast %mul3A_1896 : i32 to vector<16xi32>
        %mul3A_1898 = arith.muli %convert_element_type3A_1895, %mul3A_1897 : vector<16xi32>
        %add3A_1899 = arith.addi %mul3A_1898, %add3A_33 : vector<16xi32>
        %gather3A_1900 = tpu.vector_load_idx %arg8[%add3A_1899] : memref<2048xf32, #tpu.memory_space<vmem>>[vector<16xi32>], vector<16xf32>,
        %gather3A_1901 = tpu.vector_load_idx %arg9[%add3A_1899] : memref<2048xf32, #tpu.memory_space<vmem>>[vector<16xi32>], vector<16xf32>,
        %mul3A_1902 = arith.mulf %gather3A_1900, %add3A_1663 : vector<16xf32>
        %add3A_1903 = arith.addf %mul3A_1902, %gather3A_1901 : vector<16xf32>
        %max3A_1904 = arith.constant 0.000000e+00 : f32
        %max3A_1905 = vector.broadcast %max3A_1904 : f32 to vector<16xf32>
        %max3A_1906 = arith.maximumf %add3A_1678, %max3A_1905 : vector<16xf32>
        %min3A_1907 = arith.constant 1.500000e+01 : f32
        %min3A_1908 = vector.broadcast %min3A_1907 : f32 to vector<16xf32>
        %min3A_1909 = arith.minimumf %max3A_1906, %min3A_1908 : vector<16xf32>
        %convert_element_type3A_1910 = arith.fptosi %min3A_1909 : vector<16xf32> to vector<16xi32>
        %mul3A_1911 = arith.constant 128 : i32
        %mul3A_1912 = vector.broadcast %mul3A_1911 : i32 to vector<16xi32>
        %mul3A_1913 = arith.muli %convert_element_type3A_1910, %mul3A_1912 : vector<16xi32>
        %add3A_1914 = arith.addi %mul3A_1913, %add3A_36 : vector<16xi32>
        %gather3A_1915 = tpu.vector_load_idx %arg8[%add3A_1914] : memref<2048xf32, #tpu.memory_space<vmem>>[vector<16xi32>], vector<16xf32>,
        %gather3A_1916 = tpu.vector_load_idx %arg9[%add3A_1914] : memref<2048xf32, #tpu.memory_space<vmem>>[vector<16xi32>], vector<16xf32>,
        %mul3A_1917 = arith.mulf %gather3A_1915, %add3A_1678 : vector<16xf32>
        %add3A_1918 = arith.addf %mul3A_1917, %gather3A_1916 : vector<16xf32>
        %max3A_1919 = arith.constant 0.000000e+00 : f32
        %max3A_1920 = vector.broadcast %max3A_1919 : f32 to vector<16xf32>
        %max3A_1921 = arith.maximumf %add3A_1693, %max3A_1920 : vector<16xf32>
        %min3A_1922 = arith.constant 1.500000e+01 : f32
        %min3A_1923 = vector.broadcast %min3A_1922 : f32 to vector<16xf32>
        %min3A_1924 = arith.minimumf %max3A_1921, %min3A_1923 : vector<16xf32>
        %convert_element_type3A_1925 = arith.fptosi %min3A_1924 : vector<16xf32> to vector<16xi32>
        %mul3A_1926 = arith.constant 128 : i32
        %mul3A_1927 = vector.broadcast %mul3A_1926 : i32 to vector<16xi32>
        %mul3A_1928 = arith.muli %convert_element_type3A_1925, %mul3A_1927 : vector<16xi32>
        %add3A_1929 = arith.addi %mul3A_1928, %add3A_39 : vector<16xi32>
        %gather3A_1930 = tpu.vector_load_idx %arg8[%add3A_1929] : memref<2048xf32, #tpu.memory_space<vmem>>[vector<16xi32>], vector<16xf32>,
        %gather3A_1931 = tpu.vector_load_idx %arg9[%add3A_1929] : memref<2048xf32, #tpu.memory_space<vmem>>[vector<16xi32>], vector<16xf32>,
        %mul3A_1932 = arith.mulf %gather3A_1930, %add3A_1693 : vector<16xf32>
        %add3A_1933 = arith.addf %mul3A_1932, %gather3A_1931 : vector<16xf32>
        scf.yield %add3A_1708, %add3A_1723, %add3A_1738, %add3A_1753, %add3A_1768, %add3A_1783, %add3A_1798, %add3A_1813, %add3A_1828, %add3A_1843, %add3A_1858, %add3A_1873, %add3A_1888, %add3A_1903, %add3A_1918, %add3A_1933 : vector<16xf32>, vector<16xf32>, vector<16xf32>, vector<16xf32>, vector<16xf32>, vector<16xf32>, vector<16xf32>, vector<16xf32>, vector<16xf32>, vector<16xf32>, vector<16xf32>, vector<16xf32>, vector<16xf32>, vector<16xf32>, vector<16xf32>, vector<16xf32>
      }
      %scan3A_274 = arith.constant 10 : i32
      %add3A_275 = arith.constant 0 : i32
      %add3A_276 = arith.addi %mul3A_62, %add3A_275 : i32
      %get3A_277 = arith.index_cast %add3A_276 : i32 to index
      %get3A_278 = tpu.vector_load %arg6[%get3A_277] {strides = array<i32>} : memref<28672xf32, #tpu.memory_space<vmem>>, vector<16xf32>,
      %add3A_279 = arith.constant 3.000000e+00 : f32
      %add3A_280 = vector.broadcast %add3A_279 : f32 to vector<16xf32>
      %add3A_281 = arith.addf %get3A_278, %add3A_280 : vector<16xf32>
      %mul3A_282 = arith.constant 0.166666672 : f32
      %mul3A_283 = vector.broadcast %mul3A_282 : f32 to vector<16xf32>
      %mul3A_284 = arith.mulf %add3A_281, %mul3A_283 : vector<16xf32>
      %ge3A = arith.constant 1.000000e+00 : f32
      %ge3A_285 = vector.broadcast %ge3A : f32 to vector<16xf32>
      %ge3A_286 = arith.cmpf oge, %mul3A_284, %ge3A_285 : vector<16xf32>
      %le3A = arith.constant 0.000000e+00 : f32
      %le3A_287 = vector.broadcast %le3A : f32 to vector<16xf32>
      %le3A_288 = arith.cmpf ole, %mul3A_284, %le3A_287 : vector<16xf32>
      %or3A = arith.ori %ge3A_286, %le3A_288 : vector<16xi1>
      %mul3A_289 = arith.constant 3.750000e-01 : f32
      %mul3A_290 = vector.broadcast %mul3A_289 : f32 to vector<16xf32>
      %mul3A_291 = arith.mulf %scan3A_273#0, %mul3A_290 : vector<16xf32>
      %sub3A = arith.constant 3.000000e+00 : f32
      %sub3A_292 = vector.broadcast %sub3A : f32 to vector<16xf32>
      %sub3A_293 = arith.subf %mul3A_291, %sub3A_292 : vector<16xf32>
      %select_n3A_294 = arith.select %or3A, %get3A_278, %sub3A_293 : vector<16xi1>, vector<16xf32>
      %add3A_295 = arith.constant 0 : i32
      %add3A_296 = arith.addi %mul3A_62, %add3A_295 : i32
      %swap3A = arith.index_cast %add3A_296 : i32 to index
      %swap3A_297 = tpu.vector_load %arg7[%swap3A] {strides = array<i32>} : memref<28672xf32, #tpu.memory_space<vmem>>, vector<16xf32>,
      tpu.vector_store %arg7[%swap3A], %select_n3A_294 {strides = array<i32>} : memref<28672xf32, #tpu.memory_space<vmem>>, vector<16xf32>,
      %add3A_298 = arith.constant 16 : i32
      %add3A_299 = arith.addi %mul3A_62, %add3A_298 : i32
      %get3A_300 = arith.index_cast %add3A_299 : i32 to index
      %get3A_301 = tpu.vector_load %arg6[%get3A_300] {strides = array<i32>} : memref<28672xf32, #tpu.memory_space<vmem>>, vector<16xf32>,
      %add3A_302 = arith.constant 3.000000e+00 : f32
      %add3A_303 = vector.broadcast %add3A_302 : f32 to vector<16xf32>
      %add3A_304 = arith.addf %get3A_301, %add3A_303 : vector<16xf32>
      %mul3A_305 = arith.constant 0.166666672 : f32
      %mul3A_306 = vector.broadcast %mul3A_305 : f32 to vector<16xf32>
      %mul3A_307 = arith.mulf %add3A_304, %mul3A_306 : vector<16xf32>
      %ge3A_308 = arith.constant 1.000000e+00 : f32
      %ge3A_309 = vector.broadcast %ge3A_308 : f32 to vector<16xf32>
      %ge3A_310 = arith.cmpf oge, %mul3A_307, %ge3A_309 : vector<16xf32>
      %le3A_311 = arith.constant 0.000000e+00 : f32
      %le3A_312 = vector.broadcast %le3A_311 : f32 to vector<16xf32>
      %le3A_313 = arith.cmpf ole, %mul3A_307, %le3A_312 : vector<16xf32>
      %or3A_314 = arith.ori %ge3A_310, %le3A_313 : vector<16xi1>
      %mul3A_315 = arith.constant 3.750000e-01 : f32
      %mul3A_316 = vector.broadcast %mul3A_315 : f32 to vector<16xf32>
      %mul3A_317 = arith.mulf %scan3A_273#1, %mul3A_316 : vector<16xf32>
      %sub3A_318 = arith.constant 3.000000e+00 : f32
      %sub3A_319 = vector.broadcast %sub3A_318 : f32 to vector<16xf32>
      %sub3A_320 = arith.subf %mul3A_317, %sub3A_319 : vector<16xf32>
      %select_n3A_321 = arith.select %or3A_314, %get3A_301, %sub3A_320 : vector<16xi1>, vector<16xf32>
      %add3A_322 = arith.constant 16 : i32
      %add3A_323 = arith.addi %mul3A_62, %add3A_322 : i32
      %swap3A_324 = arith.index_cast %add3A_323 : i32 to index
      %swap3A_325 = tpu.vector_load %arg7[%swap3A_324] {strides = array<i32>} : memref<28672xf32, #tpu.memory_space<vmem>>, vector<16xf32>,
      tpu.vector_store %arg7[%swap3A_324], %select_n3A_321 {strides = array<i32>} : memref<28672xf32, #tpu.memory_space<vmem>>, vector<16xf32>,
      %add3A_326 = arith.constant 32 : i32
      %add3A_327 = arith.addi %mul3A_62, %add3A_326 : i32
      %get3A_328 = arith.index_cast %add3A_327 : i32 to index
      %get3A_329 = tpu.vector_load %arg6[%get3A_328] {strides = array<i32>} : memref<28672xf32, #tpu.memory_space<vmem>>, vector<16xf32>,
      %add3A_330 = arith.constant 3.000000e+00 : f32
      %add3A_331 = vector.broadcast %add3A_330 : f32 to vector<16xf32>
      %add3A_332 = arith.addf %get3A_329, %add3A_331 : vector<16xf32>
      %mul3A_333 = arith.constant 0.166666672 : f32
      %mul3A_334 = vector.broadcast %mul3A_333 : f32 to vector<16xf32>
      %mul3A_335 = arith.mulf %add3A_332, %mul3A_334 : vector<16xf32>
      %ge3A_336 = arith.constant 1.000000e+00 : f32
      %ge3A_337 = vector.broadcast %ge3A_336 : f32 to vector<16xf32>
      %ge3A_338 = arith.cmpf oge, %mul3A_335, %ge3A_337 : vector<16xf32>
      %le3A_339 = arith.constant 0.000000e+00 : f32
      %le3A_340 = vector.broadcast %le3A_339 : f32 to vector<16xf32>
      %le3A_341 = arith.cmpf ole, %mul3A_335, %le3A_340 : vector<16xf32>
      %or3A_342 = arith.ori %ge3A_338, %le3A_341 : vector<16xi1>
      %mul3A_343 = arith.constant 3.750000e-01 : f32
      %mul3A_344 = vector.broadcast %mul3A_343 : f32 to vector<16xf32>
      %mul3A_345 = arith.mulf %scan3A_273#2, %mul3A_344 : vector<16xf32>
      %sub3A_346 = arith.constant 3.000000e+00 : f32
      %sub3A_347 = vector.broadcast %sub3A_346 : f32 to vector<16xf32>
      %sub3A_348 = arith.subf %mul3A_345, %sub3A_347 : vector<16xf32>
      %select_n3A_349 = arith.select %or3A_342, %get3A_329, %sub3A_348 : vector<16xi1>, vector<16xf32>
      %add3A_350 = arith.constant 32 : i32
      %add3A_351 = arith.addi %mul3A_62, %add3A_350 : i32
      %swap3A_352 = arith.index_cast %add3A_351 : i32 to index
      %swap3A_353 = tpu.vector_load %arg7[%swap3A_352] {strides = array<i32>} : memref<28672xf32, #tpu.memory_space<vmem>>, vector<16xf32>,
      tpu.vector_store %arg7[%swap3A_352], %select_n3A_349 {strides = array<i32>} : memref<28672xf32, #tpu.memory_space<vmem>>, vector<16xf32>,
      %add3A_354 = arith.constant 48 : i32
      %add3A_355 = arith.addi %mul3A_62, %add3A_354 : i32
      %get3A_356 = arith.index_cast %add3A_355 : i32 to index
      %get3A_357 = tpu.vector_load %arg6[%get3A_356] {strides = array<i32>} : memref<28672xf32, #tpu.memory_space<vmem>>, vector<16xf32>,
      %add3A_358 = arith.constant 3.000000e+00 : f32
      %add3A_359 = vector.broadcast %add3A_358 : f32 to vector<16xf32>
      %add3A_360 = arith.addf %get3A_357, %add3A_359 : vector<16xf32>
      %mul3A_361 = arith.constant 0.166666672 : f32
      %mul3A_362 = vector.broadcast %mul3A_361 : f32 to vector<16xf32>
      %mul3A_363 = arith.mulf %add3A_360, %mul3A_362 : vector<16xf32>
      %ge3A_364 = arith.constant 1.000000e+00 : f32
      %ge3A_365 = vector.broadcast %ge3A_364 : f32 to vector<16xf32>
      %ge3A_366 = arith.cmpf oge, %mul3A_363, %ge3A_365 : vector<16xf32>
      %le3A_367 = arith.constant 0.000000e+00 : f32
      %le3A_368 = vector.broadcast %le3A_367 : f32 to vector<16xf32>
      %le3A_369 = arith.cmpf ole, %mul3A_363, %le3A_368 : vector<16xf32>
      %or3A_370 = arith.ori %ge3A_366, %le3A_369 : vector<16xi1>
      %mul3A_371 = arith.constant 3.750000e-01 : f32
      %mul3A_372 = vector.broadcast %mul3A_371 : f32 to vector<16xf32>
      %mul3A_373 = arith.mulf %scan3A_273#3, %mul3A_372 : vector<16xf32>
      %sub3A_374 = arith.constant 3.000000e+00 : f32
      %sub3A_375 = vector.broadcast %sub3A_374 : f32 to vector<16xf32>
      %sub3A_376 = arith.subf %mul3A_373, %sub3A_375 : vector<16xf32>
      %select_n3A_377 = arith.select %or3A_370, %get3A_357, %sub3A_376 : vector<16xi1>, vector<16xf32>
      %add3A_378 = arith.constant 48 : i32
      %add3A_379 = arith.addi %mul3A_62, %add3A_378 : i32
      %swap3A_380 = arith.index_cast %add3A_379 : i32 to index
      %swap3A_381 = tpu.vector_load %arg7[%swap3A_380] {strides = array<i32>} : memref<28672xf32, #tpu.memory_space<vmem>>, vector<16xf32>,
      tpu.vector_store %arg7[%swap3A_380], %select_n3A_377 {strides = array<i32>} : memref<28672xf32, #tpu.memory_space<vmem>>, vector<16xf32>,
      %add3A_382 = arith.constant 64 : i32
      %add3A_383 = arith.addi %mul3A_62, %add3A_382 : i32
      %get3A_384 = arith.index_cast %add3A_383 : i32 to index
      %get3A_385 = tpu.vector_load %arg6[%get3A_384] {strides = array<i32>} : memref<28672xf32, #tpu.memory_space<vmem>>, vector<16xf32>,
      %add3A_386 = arith.constant 3.000000e+00 : f32
      %add3A_387 = vector.broadcast %add3A_386 : f32 to vector<16xf32>
      %add3A_388 = arith.addf %get3A_385, %add3A_387 : vector<16xf32>
      %mul3A_389 = arith.constant 0.166666672 : f32
      %mul3A_390 = vector.broadcast %mul3A_389 : f32 to vector<16xf32>
      %mul3A_391 = arith.mulf %add3A_388, %mul3A_390 : vector<16xf32>
      %ge3A_392 = arith.constant 1.000000e+00 : f32
      %ge3A_393 = vector.broadcast %ge3A_392 : f32 to vector<16xf32>
      %ge3A_394 = arith.cmpf oge, %mul3A_391, %ge3A_393 : vector<16xf32>
      %le3A_395 = arith.constant 0.000000e+00 : f32
      %le3A_396 = vector.broadcast %le3A_395 : f32 to vector<16xf32>
      %le3A_397 = arith.cmpf ole, %mul3A_391, %le3A_396 : vector<16xf32>
      %or3A_398 = arith.ori %ge3A_394, %le3A_397 : vector<16xi1>
      %mul3A_399 = arith.constant 3.750000e-01 : f32
      %mul3A_400 = vector.broadcast %mul3A_399 : f32 to vector<16xf32>
      %mul3A_401 = arith.mulf %scan3A_273#4, %mul3A_400 : vector<16xf32>
      %sub3A_402 = arith.constant 3.000000e+00 : f32
      %sub3A_403 = vector.broadcast %sub3A_402 : f32 to vector<16xf32>
      %sub3A_404 = arith.subf %mul3A_401, %sub3A_403 : vector<16xf32>
      %select_n3A_405 = arith.select %or3A_398, %get3A_385, %sub3A_404 : vector<16xi1>, vector<16xf32>
      %add3A_406 = arith.constant 64 : i32
      %add3A_407 = arith.addi %mul3A_62, %add3A_406 : i32
      %swap3A_408 = arith.index_cast %add3A_407 : i32 to index
      %swap3A_409 = tpu.vector_load %arg7[%swap3A_408] {strides = array<i32>} : memref<28672xf32, #tpu.memory_space<vmem>>, vector<16xf32>,
      tpu.vector_store %arg7[%swap3A_408], %select_n3A_405 {strides = array<i32>} : memref<28672xf32, #tpu.memory_space<vmem>>, vector<16xf32>,
      %add3A_410 = arith.constant 80 : i32
      %add3A_411 = arith.addi %mul3A_62, %add3A_410 : i32
      %get3A_412 = arith.index_cast %add3A_411 : i32 to index
      %get3A_413 = tpu.vector_load %arg6[%get3A_412] {strides = array<i32>} : memref<28672xf32, #tpu.memory_space<vmem>>, vector<16xf32>,
      %add3A_414 = arith.constant 3.000000e+00 : f32
      %add3A_415 = vector.broadcast %add3A_414 : f32 to vector<16xf32>
      %add3A_416 = arith.addf %get3A_413, %add3A_415 : vector<16xf32>
      %mul3A_417 = arith.constant 0.166666672 : f32
      %mul3A_418 = vector.broadcast %mul3A_417 : f32 to vector<16xf32>
      %mul3A_419 = arith.mulf %add3A_416, %mul3A_418 : vector<16xf32>
      %ge3A_420 = arith.constant 1.000000e+00 : f32
      %ge3A_421 = vector.broadcast %ge3A_420 : f32 to vector<16xf32>
      %ge3A_422 = arith.cmpf oge, %mul3A_419, %ge3A_421 : vector<16xf32>
      %le3A_423 = arith.constant 0.000000e+00 : f32
      %le3A_424 = vector.broadcast %le3A_423 : f32 to vector<16xf32>
      %le3A_425 = arith.cmpf ole, %mul3A_419, %le3A_424 : vector<16xf32>
      %or3A_426 = arith.ori %ge3A_422, %le3A_425 : vector<16xi1>
      %mul3A_427 = arith.constant 3.750000e-01 : f32
      %mul3A_428 = vector.broadcast %mul3A_427 : f32 to vector<16xf32>
      %mul3A_429 = arith.mulf %scan3A_273#5, %mul3A_428 : vector<16xf32>
      %sub3A_430 = arith.constant 3.000000e+00 : f32
      %sub3A_431 = vector.broadcast %sub3A_430 : f32 to vector<16xf32>
      %sub3A_432 = arith.subf %mul3A_429, %sub3A_431 : vector<16xf32>
      %select_n3A_433 = arith.select %or3A_426, %get3A_413, %sub3A_432 : vector<16xi1>, vector<16xf32>
      %add3A_434 = arith.constant 80 : i32
      %add3A_435 = arith.addi %mul3A_62, %add3A_434 : i32
      %swap3A_436 = arith.index_cast %add3A_435 : i32 to index
      %swap3A_437 = tpu.vector_load %arg7[%swap3A_436] {strides = array<i32>} : memref<28672xf32, #tpu.memory_space<vmem>>, vector<16xf32>,
      tpu.vector_store %arg7[%swap3A_436], %select_n3A_433 {strides = array<i32>} : memref<28672xf32, #tpu.memory_space<vmem>>, vector<16xf32>,
      %add3A_438 = arith.constant 96 : i32
      %add3A_439 = arith.addi %mul3A_62, %add3A_438 : i32
      %get3A_440 = arith.index_cast %add3A_439 : i32 to index
      %get3A_441 = tpu.vector_load %arg6[%get3A_440] {strides = array<i32>} : memref<28672xf32, #tpu.memory_space<vmem>>, vector<16xf32>,
      %add3A_442 = arith.constant 3.000000e+00 : f32
      %add3A_443 = vector.broadcast %add3A_442 : f32 to vector<16xf32>
      %add3A_444 = arith.addf %get3A_441, %add3A_443 : vector<16xf32>
      %mul3A_445 = arith.constant 0.166666672 : f32
      %mul3A_446 = vector.broadcast %mul3A_445 : f32 to vector<16xf32>
      %mul3A_447 = arith.mulf %add3A_444, %mul3A_446 : vector<16xf32>
      %ge3A_448 = arith.constant 1.000000e+00 : f32
      %ge3A_449 = vector.broadcast %ge3A_448 : f32 to vector<16xf32>
      %ge3A_450 = arith.cmpf oge, %mul3A_447, %ge3A_449 : vector<16xf32>
      %le3A_451 = arith.constant 0.000000e+00 : f32
      %le3A_452 = vector.broadcast %le3A_451 : f32 to vector<16xf32>
      %le3A_453 = arith.cmpf ole, %mul3A_447, %le3A_452 : vector<16xf32>
      %or3A_454 = arith.ori %ge3A_450, %le3A_453 : vector<16xi1>
      %mul3A_455 = arith.constant 3.750000e-01 : f32
      %mul3A_456 = vector.broadcast %mul3A_455 : f32 to vector<16xf32>
      %mul3A_457 = arith.mulf %scan3A_273#6, %mul3A_456 : vector<16xf32>
      %sub3A_458 = arith.constant 3.000000e+00 : f32
      %sub3A_459 = vector.broadcast %sub3A_458 : f32 to vector<16xf32>
      %sub3A_460 = arith.subf %mul3A_457, %sub3A_459 : vector<16xf32>
      %select_n3A_461 = arith.select %or3A_454, %get3A_441, %sub3A_460 : vector<16xi1>, vector<16xf32>
      %add3A_462 = arith.constant 96 : i32
      %add3A_463 = arith.addi %mul3A_62, %add3A_462 : i32
      %swap3A_464 = arith.index_cast %add3A_463 : i32 to index
      %swap3A_465 = tpu.vector_load %arg7[%swap3A_464] {strides = array<i32>} : memref<28672xf32, #tpu.memory_space<vmem>>, vector<16xf32>,
      tpu.vector_store %arg7[%swap3A_464], %select_n3A_461 {strides = array<i32>} : memref<28672xf32, #tpu.memory_space<vmem>>, vector<16xf32>,
      %add3A_466 = arith.constant 112 : i32
      %add3A_467 = arith.addi %mul3A_62, %add3A_466 : i32
      %get3A_468 = arith.index_cast %add3A_467 : i32 to index
      %get3A_469 = tpu.vector_load %arg6[%get3A_468] {strides = array<i32>} : memref<28672xf32, #tpu.memory_space<vmem>>, vector<16xf32>,
      %add3A_470 = arith.constant 3.000000e+00 : f32
      %add3A_471 = vector.broadcast %add3A_470 : f32 to vector<16xf32>
      %add3A_472 = arith.addf %get3A_469, %add3A_471 : vector<16xf32>
      %mul3A_473 = arith.constant 0.166666672 : f32
      %mul3A_474 = vector.broadcast %mul3A_473 : f32 to vector<16xf32>
      %mul3A_475 = arith.mulf %add3A_472, %mul3A_474 : vector<16xf32>
      %ge3A_476 = arith.constant 1.000000e+00 : f32
      %ge3A_477 = vector.broadcast %ge3A_476 : f32 to vector<16xf32>
      %ge3A_478 = arith.cmpf oge, %mul3A_475, %ge3A_477 : vector<16xf32>
      %le3A_479 = arith.constant 0.000000e+00 : f32
      %le3A_480 = vector.broadcast %le3A_479 : f32 to vector<16xf32>
      %le3A_481 = arith.cmpf ole, %mul3A_475, %le3A_480 : vector<16xf32>
      %or3A_482 = arith.ori %ge3A_478, %le3A_481 : vector<16xi1>
      %mul3A_483 = arith.constant 3.750000e-01 : f32
      %mul3A_484 = vector.broadcast %mul3A_483 : f32 to vector<16xf32>
      %mul3A_485 = arith.mulf %scan3A_273#7, %mul3A_484 : vector<16xf32>
      %sub3A_486 = arith.constant 3.000000e+00 : f32
      %sub3A_487 = vector.broadcast %sub3A_486 : f32 to vector<16xf32>
      %sub3A_488 = arith.subf %mul3A_485, %sub3A_487 : vector<16xf32>
      %select_n3A_489 = arith.select %or3A_482, %get3A_469, %sub3A_488 : vector<16xi1>, vector<16xf32>
      %add3A_490 = arith.constant 112 : i32
      %add3A_491 = arith.addi %mul3A_62, %add3A_490 : i32
      %swap3A_492 = arith.index_cast %add3A_491 : i32 to index
      %swap3A_493 = tpu.vector_load %arg7[%swap3A_492] {strides = array<i32>} : memref<28672xf32, #tpu.memory_space<vmem>>, vector<16xf32>,
      tpu.vector_store %arg7[%swap3A_492], %select_n3A_489 {strides = array<i32>} : memref<28672xf32, #tpu.memory_space<vmem>>, vector<16xf32>,
      %add3A_494 = arith.constant 128 : i32
      %add3A_495 = arith.addi %mul3A_62, %add3A_494 : i32
      %get3A_496 = arith.index_cast %add3A_495 : i32 to index
      %get3A_497 = tpu.vector_load %arg6[%get3A_496] {strides = array<i32>} : memref<28672xf32, #tpu.memory_space<vmem>>, vector<16xf32>,
      %add3A_498 = arith.constant 3.000000e+00 : f32
      %add3A_499 = vector.broadcast %add3A_498 : f32 to vector<16xf32>
      %add3A_500 = arith.addf %get3A_497, %add3A_499 : vector<16xf32>
      %mul3A_501 = arith.constant 0.166666672 : f32
      %mul3A_502 = vector.broadcast %mul3A_501 : f32 to vector<16xf32>
      %mul3A_503 = arith.mulf %add3A_500, %mul3A_502 : vector<16xf32>
      %ge3A_504 = arith.constant 1.000000e+00 : f32
      %ge3A_505 = vector.broadcast %ge3A_504 : f32 to vector<16xf32>
      %ge3A_506 = arith.cmpf oge, %mul3A_503, %ge3A_505 : vector<16xf32>
      %le3A_507 = arith.constant 0.000000e+00 : f32
      %le3A_508 = vector.broadcast %le3A_507 : f32 to vector<16xf32>
      %le3A_509 = arith.cmpf ole, %mul3A_503, %le3A_508 : vector<16xf32>
      %or3A_510 = arith.ori %ge3A_506, %le3A_509 : vector<16xi1>
      %mul3A_511 = arith.constant 3.750000e-01 : f32
      %mul3A_512 = vector.broadcast %mul3A_511 : f32 to vector<16xf32>
      %mul3A_513 = arith.mulf %scan3A_273#8, %mul3A_512 : vector<16xf32>
      %sub3A_514 = arith.constant 3.000000e+00 : f32
      %sub3A_515 = vector.broadcast %sub3A_514 : f32 to vector<16xf32>
      %sub3A_516 = arith.subf %mul3A_513, %sub3A_515 : vector<16xf32>
      %select_n3A_517 = arith.select %or3A_510, %get3A_497, %sub3A_516 : vector<16xi1>, vector<16xf32>
      %add3A_518 = arith.constant 128 : i32
      %add3A_519 = arith.addi %mul3A_62, %add3A_518 : i32
      %swap3A_520 = arith.index_cast %add3A_519 : i32 to index
      %swap3A_521 = tpu.vector_load %arg7[%swap3A_520] {strides = array<i32>} : memref<28672xf32, #tpu.memory_space<vmem>>, vector<16xf32>,
      tpu.vector_store %arg7[%swap3A_520], %select_n3A_517 {strides = array<i32>} : memref<28672xf32, #tpu.memory_space<vmem>>, vector<16xf32>,
      %add3A_522 = arith.constant 144 : i32
      %add3A_523 = arith.addi %mul3A_62, %add3A_522 : i32
      %get3A_524 = arith.index_cast %add3A_523 : i32 to index
      %get3A_525 = tpu.vector_load %arg6[%get3A_524] {strides = array<i32>} : memref<28672xf32, #tpu.memory_space<vmem>>, vector<16xf32>,
      %add3A_526 = arith.constant 3.000000e+00 : f32
      %add3A_527 = vector.broadcast %add3A_526 : f32 to vector<16xf32>
      %add3A_528 = arith.addf %get3A_525, %add3A_527 : vector<16xf32>
      %mul3A_529 = arith.constant 0.166666672 : f32
      %mul3A_530 = vector.broadcast %mul3A_529 : f32 to vector<16xf32>
      %mul3A_531 = arith.mulf %add3A_528, %mul3A_530 : vector<16xf32>
      %ge3A_532 = arith.constant 1.000000e+00 : f32
      %ge3A_533 = vector.broadcast %ge3A_532 : f32 to vector<16xf32>
      %ge3A_534 = arith.cmpf oge, %mul3A_531, %ge3A_533 : vector<16xf32>
      %le3A_535 = arith.constant 0.000000e+00 : f32
      %le3A_536 = vector.broadcast %le3A_535 : f32 to vector<16xf32>
      %le3A_537 = arith.cmpf ole, %mul3A_531, %le3A_536 : vector<16xf32>
      %or3A_538 = arith.ori %ge3A_534, %le3A_537 : vector<16xi1>
      %mul3A_539 = arith.constant 3.750000e-01 : f32
      %mul3A_540 = vector.broadcast %mul3A_539 : f32 to vector<16xf32>
      %mul3A_541 = arith.mulf %scan3A_273#9, %mul3A_540 : vector<16xf32>
      %sub3A_542 = arith.constant 3.000000e+00 : f32
      %sub3A_543 = vector.broadcast %sub3A_542 : f32 to vector<16xf32>
      %sub3A_544 = arith.subf %mul3A_541, %sub3A_543 : vector<16xf32>
      %select_n3A_545 = arith.select %or3A_538, %get3A_525, %sub3A_544 : vector<16xi1>, vector<16xf32>
      %add3A_546 = arith.constant 144 : i32
      %add3A_547 = arith.addi %mul3A_62, %add3A_546 : i32
      %swap3A_548 = arith.index_cast %add3A_547 : i32 to index
      %swap3A_549 = tpu.vector_load %arg7[%swap3A_548] {strides = array<i32>} : memref<28672xf32, #tpu.memory_space<vmem>>, vector<16xf32>,
      tpu.vector_store %arg7[%swap3A_548], %select_n3A_545 {strides = array<i32>} : memref<28672xf32, #tpu.memory_space<vmem>>, vector<16xf32>,
      %add3A_550 = arith.constant 160 : i32
      %add3A_551 = arith.addi %mul3A_62, %add3A_550 : i32
      %get3A_552 = arith.index_cast %add3A_551 : i32 to index
      %get3A_553 = tpu.vector_load %arg6[%get3A_552] {strides = array<i32>} : memref<28672xf32, #tpu.memory_space<vmem>>, vector<16xf32>,
      %add3A_554 = arith.constant 3.000000e+00 : f32
      %add3A_555 = vector.broadcast %add3A_554 : f32 to vector<16xf32>
      %add3A_556 = arith.addf %get3A_553, %add3A_555 : vector<16xf32>
      %mul3A_557 = arith.constant 0.166666672 : f32
      %mul3A_558 = vector.broadcast %mul3A_557 : f32 to vector<16xf32>
      %mul3A_559 = arith.mulf %add3A_556, %mul3A_558 : vector<16xf32>
      %ge3A_560 = arith.constant 1.000000e+00 : f32
      %ge3A_561 = vector.broadcast %ge3A_560 : f32 to vector<16xf32>
      %ge3A_562 = arith.cmpf oge, %mul3A_559, %ge3A_561 : vector<16xf32>
      %le3A_563 = arith.constant 0.000000e+00 : f32
      %le3A_564 = vector.broadcast %le3A_563 : f32 to vector<16xf32>
      %le3A_565 = arith.cmpf ole, %mul3A_559, %le3A_564 : vector<16xf32>
      %or3A_566 = arith.ori %ge3A_562, %le3A_565 : vector<16xi1>
      %mul3A_567 = arith.constant 3.750000e-01 : f32
      %mul3A_568 = vector.broadcast %mul3A_567 : f32 to vector<16xf32>
      %mul3A_569 = arith.mulf %scan3A_273#10, %mul3A_568 : vector<16xf32>
      %sub3A_570 = arith.constant 3.000000e+00 : f32
      %sub3A_571 = vector.broadcast %sub3A_570 : f32 to vector<16xf32>
      %sub3A_572 = arith.subf %mul3A_569, %sub3A_571 : vector<16xf32>
      %select_n3A_573 = arith.select %or3A_566, %get3A_553, %sub3A_572 : vector<16xi1>, vector<16xf32>
      %add3A_574 = arith.constant 160 : i32
      %add3A_575 = arith.addi %mul3A_62, %add3A_574 : i32
      %swap3A_576 = arith.index_cast %add3A_575 : i32 to index
      %swap3A_577 = tpu.vector_load %arg7[%swap3A_576] {strides = array<i32>} : memref<28672xf32, #tpu.memory_space<vmem>>, vector<16xf32>,
      tpu.vector_store %arg7[%swap3A_576], %select_n3A_573 {strides = array<i32>} : memref<28672xf32, #tpu.memory_space<vmem>>, vector<16xf32>,
      %add3A_578 = arith.constant 176 : i32
      %add3A_579 = arith.addi %mul3A_62, %add3A_578 : i32
      %get3A_580 = arith.index_cast %add3A_579 : i32 to index
      %get3A_581 = tpu.vector_load %arg6[%get3A_580] {strides = array<i32>} : memref<28672xf32, #tpu.memory_space<vmem>>, vector<16xf32>,
      %add3A_582 = arith.constant 3.000000e+00 : f32
      %add3A_583 = vector.broadcast %add3A_582 : f32 to vector<16xf32>
      %add3A_584 = arith.addf %get3A_581, %add3A_583 : vector<16xf32>
      %mul3A_585 = arith.constant 0.166666672 : f32
      %mul3A_586 = vector.broadcast %mul3A_585 : f32 to vector<16xf32>
      %mul3A_587 = arith.mulf %add3A_584, %mul3A_586 : vector<16xf32>
      %ge3A_588 = arith.constant 1.000000e+00 : f32
      %ge3A_589 = vector.broadcast %ge3A_588 : f32 to vector<16xf32>
      %ge3A_590 = arith.cmpf oge, %mul3A_587, %ge3A_589 : vector<16xf32>
      %le3A_591 = arith.constant 0.000000e+00 : f32
      %le3A_592 = vector.broadcast %le3A_591 : f32 to vector<16xf32>
      %le3A_593 = arith.cmpf ole, %mul3A_587, %le3A_592 : vector<16xf32>
      %or3A_594 = arith.ori %ge3A_590, %le3A_593 : vector<16xi1>
      %mul3A_595 = arith.constant 3.750000e-01 : f32
      %mul3A_596 = vector.broadcast %mul3A_595 : f32 to vector<16xf32>
      %mul3A_597 = arith.mulf %scan3A_273#11, %mul3A_596 : vector<16xf32>
      %sub3A_598 = arith.constant 3.000000e+00 : f32
      %sub3A_599 = vector.broadcast %sub3A_598 : f32 to vector<16xf32>
      %sub3A_600 = arith.subf %mul3A_597, %sub3A_599 : vector<16xf32>
      %select_n3A_601 = arith.select %or3A_594, %get3A_581, %sub3A_600 : vector<16xi1>, vector<16xf32>
      %add3A_602 = arith.constant 176 : i32
      %add3A_603 = arith.addi %mul3A_62, %add3A_602 : i32
      %swap3A_604 = arith.index_cast %add3A_603 : i32 to index
      %swap3A_605 = tpu.vector_load %arg7[%swap3A_604] {strides = array<i32>} : memref<28672xf32, #tpu.memory_space<vmem>>, vector<16xf32>,
      tpu.vector_store %arg7[%swap3A_604], %select_n3A_601 {strides = array<i32>} : memref<28672xf32, #tpu.memory_space<vmem>>, vector<16xf32>,
      %add3A_606 = arith.constant 192 : i32
      %add3A_607 = arith.addi %mul3A_62, %add3A_606 : i32
      %get3A_608 = arith.index_cast %add3A_607 : i32 to index
      %get3A_609 = tpu.vector_load %arg6[%get3A_608] {strides = array<i32>} : memref<28672xf32, #tpu.memory_space<vmem>>, vector<16xf32>,
      %add3A_610 = arith.constant 3.000000e+00 : f32
      %add3A_611 = vector.broadcast %add3A_610 : f32 to vector<16xf32>
      %add3A_612 = arith.addf %get3A_609, %add3A_611 : vector<16xf32>
      %mul3A_613 = arith.constant 0.166666672 : f32
      %mul3A_614 = vector.broadcast %mul3A_613 : f32 to vector<16xf32>
      %mul3A_615 = arith.mulf %add3A_612, %mul3A_614 : vector<16xf32>
      %ge3A_616 = arith.constant 1.000000e+00 : f32
      %ge3A_617 = vector.broadcast %ge3A_616 : f32 to vector<16xf32>
      %ge3A_618 = arith.cmpf oge, %mul3A_615, %ge3A_617 : vector<16xf32>
      %le3A_619 = arith.constant 0.000000e+00 : f32
      %le3A_620 = vector.broadcast %le3A_619 : f32 to vector<16xf32>
      %le3A_621 = arith.cmpf ole, %mul3A_615, %le3A_620 : vector<16xf32>
      %or3A_622 = arith.ori %ge3A_618, %le3A_621 : vector<16xi1>
      %mul3A_623 = arith.constant 3.750000e-01 : f32
      %mul3A_624 = vector.broadcast %mul3A_623 : f32 to vector<16xf32>
      %mul3A_625 = arith.mulf %scan3A_273#12, %mul3A_624 : vector<16xf32>
      %sub3A_626 = arith.constant 3.000000e+00 : f32
      %sub3A_627 = vector.broadcast %sub3A_626 : f32 to vector<16xf32>
      %sub3A_628 = arith.subf %mul3A_625, %sub3A_627 : vector<16xf32>
      %select_n3A_629 = arith.select %or3A_622, %get3A_609, %sub3A_628 : vector<16xi1>, vector<16xf32>
      %add3A_630 = arith.constant 192 : i32
      %add3A_631 = arith.addi %mul3A_62, %add3A_630 : i32
      %swap3A_632 = arith.index_cast %add3A_631 : i32 to index
      %swap3A_633 = tpu.vector_load %arg7[%swap3A_632] {strides = array<i32>} : memref<28672xf32, #tpu.memory_space<vmem>>, vector<16xf32>,
      tpu.vector_store %arg7[%swap3A_632], %select_n3A_629 {strides = array<i32>} : memref<28672xf32, #tpu.memory_space<vmem>>, vector<16xf32>,
      %add3A_634 = arith.constant 208 : i32
      %add3A_635 = arith.addi %mul3A_62, %add3A_634 : i32
      %get3A_636 = arith.index_cast %add3A_635 : i32 to index
      %get3A_637 = tpu.vector_load %arg6[%get3A_636] {strides = array<i32>} : memref<28672xf32, #tpu.memory_space<vmem>>, vector<16xf32>,
      %add3A_638 = arith.constant 3.000000e+00 : f32
      %add3A_639 = vector.broadcast %add3A_638 : f32 to vector<16xf32>
      %add3A_640 = arith.addf %get3A_637, %add3A_639 : vector<16xf32>
      %mul3A_641 = arith.constant 0.166666672 : f32
      %mul3A_642 = vector.broadcast %mul3A_641 : f32 to vector<16xf32>
      %mul3A_643 = arith.mulf %add3A_640, %mul3A_642 : vector<16xf32>
      %ge3A_644 = arith.constant 1.000000e+00 : f32
      %ge3A_645 = vector.broadcast %ge3A_644 : f32 to vector<16xf32>
      %ge3A_646 = arith.cmpf oge, %mul3A_643, %ge3A_645 : vector<16xf32>
      %le3A_647 = arith.constant 0.000000e+00 : f32
      %le3A_648 = vector.broadcast %le3A_647 : f32 to vector<16xf32>
      %le3A_649 = arith.cmpf ole, %mul3A_643, %le3A_648 : vector<16xf32>
      %or3A_650 = arith.ori %ge3A_646, %le3A_649 : vector<16xi1>
      %mul3A_651 = arith.constant 3.750000e-01 : f32
      %mul3A_652 = vector.broadcast %mul3A_651 : f32 to vector<16xf32>
      %mul3A_653 = arith.mulf %scan3A_273#13, %mul3A_652 : vector<16xf32>
      %sub3A_654 = arith.constant 3.000000e+00 : f32
      %sub3A_655 = vector.broadcast %sub3A_654 : f32 to vector<16xf32>
      %sub3A_656 = arith.subf %mul3A_653, %sub3A_655 : vector<16xf32>
      %select_n3A_657 = arith.select %or3A_650, %get3A_637, %sub3A_656 : vector<16xi1>, vector<16xf32>
      %add3A_658 = arith.constant 208 : i32
      %add3A_659 = arith.addi %mul3A_62, %add3A_658 : i32
      %swap3A_660 = arith.index_cast %add3A_659 : i32 to index
      %swap3A_661 = tpu.vector_load %arg7[%swap3A_660] {strides = array<i32>} : memref<28672xf32, #tpu.memory_space<vmem>>, vector<16xf32>,
      tpu.vector_store %arg7[%swap3A_660], %select_n3A_657 {strides = array<i32>} : memref<28672xf32, #tpu.memory_space<vmem>>, vector<16xf32>,
      %add3A_662 = arith.constant 224 : i32
      %add3A_663 = arith.addi %mul3A_62, %add3A_662 : i32
      %get3A_664 = arith.index_cast %add3A_663 : i32 to index
      %get3A_665 = tpu.vector_load %arg6[%get3A_664] {strides = array<i32>} : memref<28672xf32, #tpu.memory_space<vmem>>, vector<16xf32>,
      %add3A_666 = arith.constant 3.000000e+00 : f32
      %add3A_667 = vector.broadcast %add3A_666 : f32 to vector<16xf32>
      %add3A_668 = arith.addf %get3A_665, %add3A_667 : vector<16xf32>
      %mul3A_669 = arith.constant 0.166666672 : f32
      %mul3A_670 = vector.broadcast %mul3A_669 : f32 to vector<16xf32>
      %mul3A_671 = arith.mulf %add3A_668, %mul3A_670 : vector<16xf32>
      %ge3A_672 = arith.constant 1.000000e+00 : f32
      %ge3A_673 = vector.broadcast %ge3A_672 : f32 to vector<16xf32>
      %ge3A_674 = arith.cmpf oge, %mul3A_671, %ge3A_673 : vector<16xf32>
      %le3A_675 = arith.constant 0.000000e+00 : f32
      %le3A_676 = vector.broadcast %le3A_675 : f32 to vector<16xf32>
      %le3A_677 = arith.cmpf ole, %mul3A_671, %le3A_676 : vector<16xf32>
      %or3A_678 = arith.ori %ge3A_674, %le3A_677 : vector<16xi1>
      %mul3A_679 = arith.constant 3.750000e-01 : f32
      %mul3A_680 = vector.broadcast %mul3A_679 : f32 to vector<16xf32>
      %mul3A_681 = arith.mulf %scan3A_273#14, %mul3A_680 : vector<16xf32>
      %sub3A_682 = arith.constant 3.000000e+00 : f32
      %sub3A_683 = vector.broadcast %sub3A_682 : f32 to vector<16xf32>
      %sub3A_684 = arith.subf %mul3A_681, %sub3A_683 : vector<16xf32>
      %select_n3A_685 = arith.select %or3A_678, %get3A_665, %sub3A_684 : vector<16xi1>, vector<16xf32>
      %add3A_686 = arith.constant 224 : i32
      %add3A_687 = arith.addi %mul3A_62, %add3A_686 : i32
      %swap3A_688 = arith.index_cast %add3A_687 : i32 to index
      %swap3A_689 = tpu.vector_load %arg7[%swap3A_688] {strides = array<i32>} : memref<28672xf32, #tpu.memory_space<vmem>>, vector<16xf32>,
      tpu.vector_store %arg7[%swap3A_688], %select_n3A_685 {strides = array<i32>} : memref<28672xf32, #tpu.memory_space<vmem>>, vector<16xf32>,
      %add3A_690 = arith.constant 240 : i32
      %add3A_691 = arith.addi %mul3A_62, %add3A_690 : i32
      %get3A_692 = arith.index_cast %add3A_691 : i32 to index
      %get3A_693 = tpu.vector_load %arg6[%get3A_692] {strides = array<i32>} : memref<28672xf32, #tpu.memory_space<vmem>>, vector<16xf32>,
      %add3A_694 = arith.constant 3.000000e+00 : f32
      %add3A_695 = vector.broadcast %add3A_694 : f32 to vector<16xf32>
      %add3A_696 = arith.addf %get3A_693, %add3A_695 : vector<16xf32>
      %mul3A_697 = arith.constant 0.166666672 : f32
      %mul3A_698 = vector.broadcast %mul3A_697 : f32 to vector<16xf32>
      %mul3A_699 = arith.mulf %add3A_696, %mul3A_698 : vector<16xf32>
      %ge3A_700 = arith.constant 1.000000e+00 : f32
      %ge3A_701 = vector.broadcast %ge3A_700 : f32 to vector<16xf32>
      %ge3A_702 = arith.cmpf oge, %mul3A_699, %ge3A_701 : vector<16xf32>
      %le3A_703 = arith.constant 0.000000e+00 : f32
      %le3A_704 = vector.broadcast %le3A_703 : f32 to vector<16xf32>
      %le3A_705 = arith.cmpf ole, %mul3A_699, %le3A_704 : vector<16xf32>
      %or3A_706 = arith.ori %ge3A_702, %le3A_705 : vector<16xi1>
      %mul3A_707 = arith.constant 3.750000e-01 : f32
      %mul3A_708 = vector.broadcast %mul3A_707 : f32 to vector<16xf32>
      %mul3A_709 = arith.mulf %scan3A_273#15, %mul3A_708 : vector<16xf32>
      %sub3A_710 = arith.constant 3.000000e+00 : f32
      %sub3A_711 = vector.broadcast %sub3A_710 : f32 to vector<16xf32>
      %sub3A_712 = arith.subf %mul3A_709, %sub3A_711 : vector<16xf32>
      %select_n3A_713 = arith.select %or3A_706, %get3A_693, %sub3A_712 : vector<16xi1>, vector<16xf32>
      %add3A_714 = arith.constant 240 : i32
      %add3A_715 = arith.addi %mul3A_62, %add3A_714 : i32
      %swap3A_716 = arith.index_cast %add3A_715 : i32 to index
      %swap3A_717 = tpu.vector_load %arg7[%swap3A_716] {strides = array<i32>} : memref<28672xf32, #tpu.memory_space<vmem>>, vector<16xf32>,
      tpu.vector_store %arg7[%swap3A_716], %select_n3A_713 {strides = array<i32>} : memref<28672xf32, #tpu.memory_space<vmem>>, vector<16xf32>,
      %while3A_718 = arith.constant 0 : i32
      scf.yield %while3A_718 : i32
    }
    %while3A_49 = arith.constant 1 : i32
    %while3A_50 = scf.for %while3A_59 = %while3A_46 to %while3A_42 step %while3A_49 iter_args(%while3A_60 = %while3A_48) -> (i32)  : i32 {
      %mul3A_61 = arith.constant 256 : i32
      %mul3A_62 = arith.muli %while3A_59, %mul3A_61 : i32
      %add3A_63 = arith.constant 0 : i32
      %add3A_64 = arith.addi %mul3A_62, %add3A_63 : i32
      %get3A = arith.index_cast %add3A_64 : i32 to index
      %get3A_65 = tpu.vector_load %arg6[%get3A] {strides = array<i32>} : memref<28672xf32, #tpu.memory_space<vmem>>, vector<16xf32>,
      %add3A_66 = arith.constant 3.000000e+00 : f32
      %add3A_67 = vector.broadcast %add3A_66 : f32 to vector<16xf32>
      %add3A_68 = arith.addf %get3A_65, %add3A_67 : vector<16xf32>
      %mul3A_69 = arith.constant 0.166666672 : f32
      %mul3A_70 = vector.broadcast %mul3A_69 : f32 to vector<16xf32>
      %mul3A_71 = arith.mulf %add3A_68, %mul3A_70 : vector<16xf32>
      %mul3A_72 = arith.constant 1.600000e+01 : f32
      %mul3A_73 = vector.broadcast %mul3A_72 : f32 to vector<16xf32>
      %mul3A_74 = arith.mulf %mul3A_71, %mul3A_73 : vector<16xf32>
      %add3A_75 = arith.constant 16 : i32
      %add3A_76 = arith.addi %mul3A_62, %add3A_75 : i32
      %get3A_77 = arith.index_cast %add3A_76 : i32 to index
      %get3A_78 = tpu.vector_load %arg6[%get3A_77] {strides = array<i32>} : memref<28672xf32, #tpu.memory_space<vmem>>, vector<16xf32>,
      %add3A_79 = arith.constant 3.000000e+00 : f32
      %add3A_80 = vector.broadcast %add3A_79 : f32 to vector<16xf32>
      %add3A_81 = arith.addf %get3A_78, %add3A_80 : vector<16xf32>
      %mul3A_82 = arith.constant 0.166666672 : f32
      %mul3A_83 = vector.broadcast %mul3A_82 : f32 to vector<16xf32>
      %mul3A_84 = arith.mulf %add3A_81, %mul3A_83 : vector<16xf32>
      %mul3A_85 = arith.constant 1.600000e+01 : f32
      %mul3A_86 = vector.broadcast %mul3A_85 : f32 to vector<16xf32>
      %mul3A_87 = arith.mulf %mul3A_84, %mul3A_86 : vector<16xf32>
      %add3A_88 = arith.constant 32 : i32
      %add3A_89 = arith.addi %mul3A_62, %add3A_88 : i32
      %get3A_90 = arith.index_cast %add3A_89 : i32 to index
      %get3A_91 = tpu.vector_load %arg6[%get3A_90] {strides = array<i32>} : memref<28672xf32, #tpu.memory_space<vmem>>, vector<16xf32>,
      %add3A_92 = arith.constant 3.000000e+00 : f32
      %add3A_93 = vector.broadcast %add3A_92 : f32 to vector<16xf32>
      %add3A_94 = arith.addf %get3A_91, %add3A_93 : vector<16xf32>
      %mul3A_95 = arith.constant 0.166666672 : f32
      %mul3A_96 = vector.broadcast %mul3A_95 : f32 to vector<16xf32>
      %mul3A_97 = arith.mulf %add3A_94, %mul3A_96 : vector<16xf32>
      %mul3A_98 = arith.constant 1.600000e+01 : f32
      %mul3A_99 = vector.broadcast %mul3A_98 : f32 to vector<16xf32>
      %mul3A_100 = arith.mulf %mul3A_97, %mul3A_99 : vector<16xf32>
      %add3A_101 = arith.constant 48 : i32
      %add3A_102 = arith.addi %mul3A_62, %add3A_101 : i32
      %get3A_103 = arith.index_cast %add3A_102 : i32 to index
      %get3A_104 = tpu.vector_load %arg6[%get3A_103] {strides = array<i32>} : memref<28672xf32, #tpu.memory_space<vmem>>, vector<16xf32>,
      %add3A_105 = arith.constant 3.000000e+00 : f32
      %add3A_106 = vector.broadcast %add3A_105 : f32 to vector<16xf32>
      %add3A_107 = arith.addf %get3A_104, %add3A_106 : vector<16xf32>
      %mul3A_108 = arith.constant 0.166666672 : f32
      %mul3A_109 = vector.broadcast %mul3A_108 : f32 to vector<16xf32>
      %mul3A_110 = arith.mulf %add3A_107, %mul3A_109 : vector<16xf32>
      %mul3A_111 = arith.constant 1.600000e+01 : f32
      %mul3A_112 = vector.broadcast %mul3A_111 : f32 to vector<16xf32>
      %mul3A_113 = arith.mulf %mul3A_110, %mul3A_112 : vector<16xf32>
      %add3A_114 = arith.constant 64 : i32
      %add3A_115 = arith.addi %mul3A_62, %add3A_114 : i32
      %get3A_116 = arith.index_cast %add3A_115 : i32 to index
      %get3A_117 = tpu.vector_load %arg6[%get3A_116] {strides = array<i32>} : memref<28672xf32, #tpu.memory_space<vmem>>, vector<16xf32>,
      %add3A_118 = arith.constant 3.000000e+00 : f32
      %add3A_119 = vector.broadcast %add3A_118 : f32 to vector<16xf32>
      %add3A_120 = arith.addf %get3A_117, %add3A_119 : vector<16xf32>
      %mul3A_121 = arith.constant 0.166666672 : f32
      %mul3A_122 = vector.broadcast %mul3A_121 : f32 to vector<16xf32>
      %mul3A_123 = arith.mulf %add3A_120, %mul3A_122 : vector<16xf32>
      %mul3A_124 = arith.constant 1.600000e+01 : f32
      %mul3A_125 = vector.broadcast %mul3A_124 : f32 to vector<16xf32>
      %mul3A_126 = arith.mulf %mul3A_123, %mul3A_125 : vector<16xf32>
      %add3A_127 = arith.constant 80 : i32
      %add3A_128 = arith.addi %mul3A_62, %add3A_127 : i32
      %get3A_129 = arith.index_cast %add3A_128 : i32 to index
      %get3A_130 = tpu.vector_load %arg6[%get3A_129] {strides = array<i32>} : memref<28672xf32, #tpu.memory_space<vmem>>, vector<16xf32>,
      %add3A_131 = arith.constant 3.000000e+00 : f32
      %add3A_132 = vector.broadcast %add3A_131 : f32 to vector<16xf32>
      %add3A_133 = arith.addf %get3A_130, %add3A_132 : vector<16xf32>
      %mul3A_134 = arith.constant 0.166666672 : f32
      %mul3A_135 = vector.broadcast %mul3A_134 : f32 to vector<16xf32>
      %mul3A_136 = arith.mulf %add3A_133, %mul3A_135 : vector<16xf32>
      %mul3A_137 = arith.constant 1.600000e+01 : f32
      %mul3A_138 = vector.broadcast %mul3A_137 : f32 to vector<16xf32>
      %mul3A_139 = arith.mulf %mul3A_136, %mul3A_138 : vector<16xf32>
      %add3A_140 = arith.constant 96 : i32
      %add3A_141 = arith.addi %mul3A_62, %add3A_140 : i32
      %get3A_142 = arith.index_cast %add3A_141 : i32 to index
      %get3A_143 = tpu.vector_load %arg6[%get3A_142] {strides = array<i32>} : memref<28672xf32, #tpu.memory_space<vmem>>, vector<16xf32>,
      %add3A_144 = arith.constant 3.000000e+00 : f32
      %add3A_145 = vector.broadcast %add3A_144 : f32 to vector<16xf32>
      %add3A_146 = arith.addf %get3A_143, %add3A_145 : vector<16xf32>
      %mul3A_147 = arith.constant 0.166666672 : f32
      %mul3A_148 = vector.broadcast %mul3A_147 : f32 to vector<16xf32>
      %mul3A_149 = arith.mulf %add3A_146, %mul3A_148 : vector<16xf32>
      %mul3A_150 = arith.constant 1.600000e+01 : f32
      %mul3A_151 = vector.broadcast %mul3A_150 : f32 to vector<16xf32>
      %mul3A_152 = arith.mulf %mul3A_149, %mul3A_151 : vector<16xf32>
      %add3A_153 = arith.constant 112 : i32
      %add3A_154 = arith.addi %mul3A_62, %add3A_153 : i32
      %get3A_155 = arith.index_cast %add3A_154 : i32 to index
      %get3A_156 = tpu.vector_load %arg6[%get3A_155] {strides = array<i32>} : memref<28672xf32, #tpu.memory_space<vmem>>, vector<16xf32>,
      %add3A_157 = arith.constant 3.000000e+00 : f32
      %add3A_158 = vector.broadcast %add3A_157 : f32 to vector<16xf32>
      %add3A_159 = arith.addf %get3A_156, %add3A_158 : vector<16xf32>
      %mul3A_160 = arith.constant 0.166666672 : f32
      %mul3A_161 = vector.broadcast %mul3A_160 : f32 to vector<16xf32>
      %mul3A_162 = arith.mulf %add3A_159, %mul3A_161 : vector<16xf32>
      %mul3A_163 = arith.constant 1.600000e+01 : f32
      %mul3A_164 = vector.broadcast %mul3A_163 : f32 to vector<16xf32>
      %mul3A_165 = arith.mulf %mul3A_162, %mul3A_164 : vector<16xf32>
      %add3A_166 = arith.constant 128 : i32
      %add3A_167 = arith.addi %mul3A_62, %add3A_166 : i32
      %get3A_168 = arith.index_cast %add3A_167 : i32 to index
      %get3A_169 = tpu.vector_load %arg6[%get3A_168] {strides = array<i32>} : memref<28672xf32, #tpu.memory_space<vmem>>, vector<16xf32>,
      %add3A_170 = arith.constant 3.000000e+00 : f32
      %add3A_171 = vector.broadcast %add3A_170 : f32 to vector<16xf32>
      %add3A_172 = arith.addf %get3A_169, %add3A_171 : vector<16xf32>
      %mul3A_173 = arith.constant 0.166666672 : f32
      %mul3A_174 = vector.broadcast %mul3A_173 : f32 to vector<16xf32>
      %mul3A_175 = arith.mulf %add3A_172, %mul3A_174 : vector<16xf32>
      %mul3A_176 = arith.constant 1.600000e+01 : f32
      %mul3A_177 = vector.broadcast %mul3A_176 : f32 to vector<16xf32>
      %mul3A_178 = arith.mulf %mul3A_175, %mul3A_177 : vector<16xf32>
      %add3A_179 = arith.constant 144 : i32
      %add3A_180 = arith.addi %mul3A_62, %add3A_179 : i32
      %get3A_181 = arith.index_cast %add3A_180 : i32 to index
      %get3A_182 = tpu.vector_load %arg6[%get3A_181] {strides = array<i32>} : memref<28672xf32, #tpu.memory_space<vmem>>, vector<16xf32>,
      %add3A_183 = arith.constant 3.000000e+00 : f32
      %add3A_184 = vector.broadcast %add3A_183 : f32 to vector<16xf32>
      %add3A_185 = arith.addf %get3A_182, %add3A_184 : vector<16xf32>
      %mul3A_186 = arith.constant 0.166666672 : f32
      %mul3A_187 = vector.broadcast %mul3A_186 : f32 to vector<16xf32>
      %mul3A_188 = arith.mulf %add3A_185, %mul3A_187 : vector<16xf32>
      %mul3A_189 = arith.constant 1.600000e+01 : f32
      %mul3A_190 = vector.broadcast %mul3A_189 : f32 to vector<16xf32>
      %mul3A_191 = arith.mulf %mul3A_188, %mul3A_190 : vector<16xf32>
      %add3A_192 = arith.constant 160 : i32
      %add3A_193 = arith.addi %mul3A_62, %add3A_192 : i32
      %get3A_194 = arith.index_cast %add3A_193 : i32 to index
      %get3A_195 = tpu.vector_load %arg6[%get3A_194] {strides = array<i32>} : memref<28672xf32, #tpu.memory_space<vmem>>, vector<16xf32>,
      %add3A_196 = arith.constant 3.000000e+00 : f32
      %add3A_197 = vector.broadcast %add3A_196 : f32 to vector<16xf32>
      %add3A_198 = arith.addf %get3A_195, %add3A_197 : vector<16xf32>
      %mul3A_199 = arith.constant 0.166666672 : f32
      %mul3A_200 = vector.broadcast %mul3A_199 : f32 to vector<16xf32>
      %mul3A_201 = arith.mulf %add3A_198, %mul3A_200 : vector<16xf32>
      %mul3A_202 = arith.constant 1.600000e+01 : f32
      %mul3A_203 = vector.broadcast %mul3A_202 : f32 to vector<16xf32>
      %mul3A_204 = arith.mulf %mul3A_201, %mul3A_203 : vector<16xf32>
      %add3A_205 = arith.constant 176 : i32
      %add3A_206 = arith.addi %mul3A_62, %add3A_205 : i32
      %get3A_207 = arith.index_cast %add3A_206 : i32 to index
      %get3A_208 = tpu.vector_load %arg6[%get3A_207] {strides = array<i32>} : memref<28672xf32, #tpu.memory_space<vmem>>, vector<16xf32>,
      %add3A_209 = arith.constant 3.000000e+00 : f32
      %add3A_210 = vector.broadcast %add3A_209 : f32 to vector<16xf32>
      %add3A_211 = arith.addf %get3A_208, %add3A_210 : vector<16xf32>
      %mul3A_212 = arith.constant 0.166666672 : f32
      %mul3A_213 = vector.broadcast %mul3A_212 : f32 to vector<16xf32>
      %mul3A_214 = arith.mulf %add3A_211, %mul3A_213 : vector<16xf32>
      %mul3A_215 = arith.constant 1.600000e+01 : f32
      %mul3A_216 = vector.broadcast %mul3A_215 : f32 to vector<16xf32>
      %mul3A_217 = arith.mulf %mul3A_214, %mul3A_216 : vector<16xf32>
      %add3A_218 = arith.constant 192 : i32
      %add3A_219 = arith.addi %mul3A_62, %add3A_218 : i32
      %get3A_220 = arith.index_cast %add3A_219 : i32 to index
      %get3A_221 = tpu.vector_load %arg6[%get3A_220] {strides = array<i32>} : memref<28672xf32, #tpu.memory_space<vmem>>, vector<16xf32>,
      %add3A_222 = arith.constant 3.000000e+00 : f32
      %add3A_223 = vector.broadcast %add3A_222 : f32 to vector<16xf32>
      %add3A_224 = arith.addf %get3A_221, %add3A_223 : vector<16xf32>
      %mul3A_225 = arith.constant 0.166666672 : f32
      %mul3A_226 = vector.broadcast %mul3A_225 : f32 to vector<16xf32>
      %mul3A_227 = arith.mulf %add3A_224, %mul3A_226 : vector<16xf32>
      %mul3A_228 = arith.constant 1.600000e+01 : f32
      %mul3A_229 = vector.broadcast %mul3A_228 : f32 to vector<16xf32>
      %mul3A_230 = arith.mulf %mul3A_227, %mul3A_229 : vector<16xf32>
      %add3A_231 = arith.constant 208 : i32
      %add3A_232 = arith.addi %mul3A_62, %add3A_231 : i32
      %get3A_233 = arith.index_cast %add3A_232 : i32 to index
      %get3A_234 = tpu.vector_load %arg6[%get3A_233] {strides = array<i32>} : memref<28672xf32, #tpu.memory_space<vmem>>, vector<16xf32>,
      %add3A_235 = arith.constant 3.000000e+00 : f32
      %add3A_236 = vector.broadcast %add3A_235 : f32 to vector<16xf32>
      %add3A_237 = arith.addf %get3A_234, %add3A_236 : vector<16xf32>
      %mul3A_238 = arith.constant 0.166666672 : f32
      %mul3A_239 = vector.broadcast %mul3A_238 : f32 to vector<16xf32>
      %mul3A_240 = arith.mulf %add3A_237, %mul3A_239 : vector<16xf32>
      %mul3A_241 = arith.constant 1.600000e+01 : f32
      %mul3A_242 = vector.broadcast %mul3A_241 : f32 to vector<16xf32>
      %mul3A_243 = arith.mulf %mul3A_240, %mul3A_242 : vector<16xf32>
      %add3A_244 = arith.constant 224 : i32
      %add3A_245 = arith.addi %mul3A_62, %add3A_244 : i32
      %get3A_246 = arith.index_cast %add3A_245 : i32 to index
      %get3A_247 = tpu.vector_load %arg6[%get3A_246] {strides = array<i32>} : memref<28672xf32, #tpu.memory_space<vmem>>, vector<16xf32>,
      %add3A_248 = arith.constant 3.000000e+00 : f32
      %add3A_249 = vector.broadcast %add3A_248 : f32 to vector<16xf32>
      %add3A_250 = arith.addf %get3A_247, %add3A_249 : vector<16xf32>
      %mul3A_251 = arith.constant 0.166666672 : f32
      %mul3A_252 = vector.broadcast %mul3A_251 : f32 to vector<16xf32>
      %mul3A_253 = arith.mulf %add3A_250, %mul3A_252 : vector<16xf32>
      %mul3A_254 = arith.constant 1.600000e+01 : f32
      %mul3A_255 = vector.broadcast %mul3A_254 : f32 to vector<16xf32>
      %mul3A_256 = arith.mulf %mul3A_253, %mul3A_255 : vector<16xf32>
      %add3A_257 = arith.constant 240 : i32
      %add3A_258 = arith.addi %mul3A_62, %add3A_257 : i32
      %get3A_259 = arith.index_cast %add3A_258 : i32 to index
      %get3A_260 = tpu.vector_load %arg6[%get3A_259] {strides = array<i32>} : memref<28672xf32, #tpu.memory_space<vmem>>, vector<16xf32>,
      %add3A_261 = arith.constant 3.000000e+00 : f32
      %add3A_262 = vector.broadcast %add3A_261 : f32 to vector<16xf32>
      %add3A_263 = arith.addf %get3A_260, %add3A_262 : vector<16xf32>
      %mul3A_264 = arith.constant 0.166666672 : f32
      %mul3A_265 = vector.broadcast %mul3A_264 : f32 to vector<16xf32>
      %mul3A_266 = arith.mulf %add3A_263, %mul3A_265 : vector<16xf32>
      %mul3A_267 = arith.constant 1.600000e+01 : f32
      %mul3A_268 = vector.broadcast %mul3A_267 : f32 to vector<16xf32>
      %mul3A_269 = arith.mulf %mul3A_266, %mul3A_268 : vector<16xf32>
      %scan3A = arith.constant 0 : i32
      %scan3A_270 = arith.constant 10 : i32
      %scan3A_271 = arith.addi %scan3A, %scan3A_270 : i32
      %scan3A_272 = arith.constant 1 : i32
      %scan3A_273:16 = scf.for %scan3A_719 = %scan3A to %scan3A_271 step %scan3A_272 iter_args(%scan3A_720 = %mul3A_74, %scan3A_721 = %mul3A_87, %scan3A_722 = %mul3A_100, %scan3A_723 = %mul3A_113, %scan3A_724 = %mul3A_126, %scan3A_725 = %mul3A_139, %scan3A_726 = %mul3A_152, %scan3A_727 = %mul3A_165, %scan3A_728 = %mul3A_178, %scan3A_729 = %mul3A_191, %scan3A_730 = %mul3A_204, %scan3A_731 = %mul3A_217, %scan3A_732 = %mul3A_230, %scan3A_733 = %mul3A_243, %scan3A_734 = %mul3A_256, %scan3A_735 = %mul3A_269) -> (vector<16xf32>, vector<16xf32>, vector<16xf32>, vector<16xf32>, vector<16xf32>, vector<16xf32>, vector<16xf32>, vector<16xf32>, vector<16xf32>, vector<16xf32>, vector<16xf32>, vector<16xf32>, vector<16xf32>, vector<16xf32>, vector<16xf32>, vector<16xf32>)  : i32 {
        %max3A = arith.constant 0.000000e+00 : f32
        %max3A_736 = vector.broadcast %max3A : f32 to vector<16xf32>
        %max3A_737 = arith.maximumf %scan3A_720, %max3A_736 : vector<16xf32>
        %min3A_738 = arith.constant 1.500000e+01 : f32
        %min3A_739 = vector.broadcast %min3A_738 : f32 to vector<16xf32>
        %min3A_740 = arith.minimumf %max3A_737, %min3A_739 : vector<16xf32>
        %convert_element_type3A_741 = arith.fptosi %min3A_740 : vector<16xf32> to vector<16xi32>
        %mul3A_742 = arith.constant 128 : i32
        %mul3A_743 = vector.broadcast %mul3A_742 : i32 to vector<16xi32>
        %mul3A_744 = arith.muli %convert_element_type3A_741, %mul3A_743 : vector<16xi32>
        %add3A_745 = arith.addi %mul3A_744, %add3A_18 : vector<16xi32>
        %gather3A = tpu.vector_load_idx %arg8[%add3A_745] : memref<2048xf32, #tpu.memory_space<vmem>>[vector<16xi32>], vector<16xf32>,
        %gather3A_746 = tpu.vector_load_idx %arg9[%add3A_745] : memref<2048xf32, #tpu.memory_space<vmem>>[vector<16xi32>], vector<16xf32>,
        %mul3A_747 = arith.mulf %gather3A, %scan3A_720 : vector<16xf32>
        %add3A_748 = arith.addf %mul3A_747, %gather3A_746 : vector<16xf32>
        %max3A_749 = arith.constant 0.000000e+00 : f32
        %max3A_750 = vector.broadcast %max3A_749 : f32 to vector<16xf32>
        %max3A_751 = arith.maximumf %scan3A_721, %max3A_750 : vector<16xf32>
        %min3A_752 = arith.constant 1.500000e+01 : f32
        %min3A_753 = vector.broadcast %min3A_752 : f32 to vector<16xf32>
        %min3A_754 = arith.minimumf %max3A_751, %min3A_753 : vector<16xf32>
        %convert_element_type3A_755 = arith.fptosi %min3A_754 : vector<16xf32> to vector<16xi32>
        %mul3A_756 = arith.constant 128 : i32
        %mul3A_757 = vector.broadcast %mul3A_756 : i32 to vector<16xi32>
        %mul3A_758 = arith.muli %convert_element_type3A_755, %mul3A_757 : vector<16xi32>
        %add3A_759 = arith.addi %mul3A_758, %add3A_21 : vector<16xi32>
        %gather3A_760 = tpu.vector_load_idx %arg8[%add3A_759] : memref<2048xf32, #tpu.memory_space<vmem>>[vector<16xi32>], vector<16xf32>,
        %gather3A_761 = tpu.vector_load_idx %arg9[%add3A_759] : memref<2048xf32, #tpu.memory_space<vmem>>[vector<16xi32>], vector<16xf32>,
        %mul3A_762 = arith.mulf %gather3A_760, %scan3A_721 : vector<16xf32>
        %add3A_763 = arith.addf %mul3A_762, %gather3A_761 : vector<16xf32>
        %max3A_764 = arith.constant 0.000000e+00 : f32
        %max3A_765 = vector.broadcast %max3A_764 : f32 to vector<16xf32>
        %max3A_766 = arith.maximumf %scan3A_722, %max3A_765 : vector<16xf32>
        %min3A_767 = arith.constant 1.500000e+01 : f32
        %min3A_768 = vector.broadcast %min3A_767 : f32 to vector<16xf32>
        %min3A_769 = arith.minimumf %max3A_766, %min3A_768 : vector<16xf32>
        %convert_element_type3A_770 = arith.fptosi %min3A_769 : vector<16xf32> to vector<16xi32>
        %mul3A_771 = arith.constant 128 : i32
        %mul3A_772 = vector.broadcast %mul3A_771 : i32 to vector<16xi32>
        %mul3A_773 = arith.muli %convert_element_type3A_770, %mul3A_772 : vector<16xi32>
        %add3A_774 = arith.addi %mul3A_773, %add3A_24 : vector<16xi32>
        %gather3A_775 = tpu.vector_load_idx %arg8[%add3A_774] : memref<2048xf32, #tpu.memory_space<vmem>>[vector<16xi32>], vector<16xf32>,
        %gather3A_776 = tpu.vector_load_idx %arg9[%add3A_774] : memref<2048xf32, #tpu.memory_space<vmem>>[vector<16xi32>], vector<16xf32>,
        %mul3A_777 = arith.mulf %gather3A_775, %scan3A_722 : vector<16xf32>
        %add3A_778 = arith.addf %mul3A_777, %gather3A_776 : vector<16xf32>
        %max3A_779 = arith.constant 0.000000e+00 : f32
        %max3A_780 = vector.broadcast %max3A_779 : f32 to vector<16xf32>
        %max3A_781 = arith.maximumf %scan3A_723, %max3A_780 : vector<16xf32>
        %min3A_782 = arith.constant 1.500000e+01 : f32
        %min3A_783 = vector.broadcast %min3A_782 : f32 to vector<16xf32>
        %min3A_784 = arith.minimumf %max3A_781, %min3A_783 : vector<16xf32>
        %convert_element_type3A_785 = arith.fptosi %min3A_784 : vector<16xf32> to vector<16xi32>
        %mul3A_786 = arith.constant 128 : i32
        %mul3A_787 = vector.broadcast %mul3A_786 : i32 to vector<16xi32>
        %mul3A_788 = arith.muli %convert_element_type3A_785, %mul3A_787 : vector<16xi32>
        %add3A_789 = arith.addi %mul3A_788, %add3A_27 : vector<16xi32>
        %gather3A_790 = tpu.vector_load_idx %arg8[%add3A_789] : memref<2048xf32, #tpu.memory_space<vmem>>[vector<16xi32>], vector<16xf32>,
        %gather3A_791 = tpu.vector_load_idx %arg9[%add3A_789] : memref<2048xf32, #tpu.memory_space<vmem>>[vector<16xi32>], vector<16xf32>,
        %mul3A_792 = arith.mulf %gather3A_790, %scan3A_723 : vector<16xf32>
        %add3A_793 = arith.addf %mul3A_792, %gather3A_791 : vector<16xf32>
        %max3A_794 = arith.constant 0.000000e+00 : f32
        %max3A_795 = vector.broadcast %max3A_794 : f32 to vector<16xf32>
        %max3A_796 = arith.maximumf %scan3A_724, %max3A_795 : vector<16xf32>
        %min3A_797 = arith.constant 1.500000e+01 : f32
        %min3A_798 = vector.broadcast %min3A_797 : f32 to vector<16xf32>
        %min3A_799 = arith.minimumf %max3A_796, %min3A_798 : vector<16xf32>
        %convert_element_type3A_800 = arith.fptosi %min3A_799 : vector<16xf32> to vector<16xi32>
        %mul3A_801 = arith.constant 128 : i32
        %mul3A_802 = vector.broadcast %mul3A_801 : i32 to vector<16xi32>
        %mul3A_803 = arith.muli %convert_element_type3A_800, %mul3A_802 : vector<16xi32>
        %add3A_804 = arith.addi %mul3A_803, %add3A_30 : vector<16xi32>
        %gather3A_805 = tpu.vector_load_idx %arg8[%add3A_804] : memref<2048xf32, #tpu.memory_space<vmem>>[vector<16xi32>], vector<16xf32>,
        %gather3A_806 = tpu.vector_load_idx %arg9[%add3A_804] : memref<2048xf32, #tpu.memory_space<vmem>>[vector<16xi32>], vector<16xf32>,
        %mul3A_807 = arith.mulf %gather3A_805, %scan3A_724 : vector<16xf32>
        %add3A_808 = arith.addf %mul3A_807, %gather3A_806 : vector<16xf32>
        %max3A_809 = arith.constant 0.000000e+00 : f32
        %max3A_810 = vector.broadcast %max3A_809 : f32 to vector<16xf32>
        %max3A_811 = arith.maximumf %scan3A_725, %max3A_810 : vector<16xf32>
        %min3A_812 = arith.constant 1.500000e+01 : f32
        %min3A_813 = vector.broadcast %min3A_812 : f32 to vector<16xf32>
        %min3A_814 = arith.minimumf %max3A_811, %min3A_813 : vector<16xf32>
        %convert_element_type3A_815 = arith.fptosi %min3A_814 : vector<16xf32> to vector<16xi32>
        %mul3A_816 = arith.constant 128 : i32
        %mul3A_817 = vector.broadcast %mul3A_816 : i32 to vector<16xi32>
        %mul3A_818 = arith.muli %convert_element_type3A_815, %mul3A_817 : vector<16xi32>
        %add3A_819 = arith.addi %mul3A_818, %add3A_33 : vector<16xi32>
        %gather3A_820 = tpu.vector_load_idx %arg8[%add3A_819] : memref<2048xf32, #tpu.memory_space<vmem>>[vector<16xi32>], vector<16xf32>,
        %gather3A_821 = tpu.vector_load_idx %arg9[%add3A_819] : memref<2048xf32, #tpu.memory_space<vmem>>[vector<16xi32>], vector<16xf32>,
        %mul3A_822 = arith.mulf %gather3A_820, %scan3A_725 : vector<16xf32>
        %add3A_823 = arith.addf %mul3A_822, %gather3A_821 : vector<16xf32>
        %max3A_824 = arith.constant 0.000000e+00 : f32
        %max3A_825 = vector.broadcast %max3A_824 : f32 to vector<16xf32>
        %max3A_826 = arith.maximumf %scan3A_726, %max3A_825 : vector<16xf32>
        %min3A_827 = arith.constant 1.500000e+01 : f32
        %min3A_828 = vector.broadcast %min3A_827 : f32 to vector<16xf32>
        %min3A_829 = arith.minimumf %max3A_826, %min3A_828 : vector<16xf32>
        %convert_element_type3A_830 = arith.fptosi %min3A_829 : vector<16xf32> to vector<16xi32>
        %mul3A_831 = arith.constant 128 : i32
        %mul3A_832 = vector.broadcast %mul3A_831 : i32 to vector<16xi32>
        %mul3A_833 = arith.muli %convert_element_type3A_830, %mul3A_832 : vector<16xi32>
        %add3A_834 = arith.addi %mul3A_833, %add3A_36 : vector<16xi32>
        %gather3A_835 = tpu.vector_load_idx %arg8[%add3A_834] : memref<2048xf32, #tpu.memory_space<vmem>>[vector<16xi32>], vector<16xf32>,
        %gather3A_836 = tpu.vector_load_idx %arg9[%add3A_834] : memref<2048xf32, #tpu.memory_space<vmem>>[vector<16xi32>], vector<16xf32>,
        %mul3A_837 = arith.mulf %gather3A_835, %scan3A_726 : vector<16xf32>
        %add3A_838 = arith.addf %mul3A_837, %gather3A_836 : vector<16xf32>
        %max3A_839 = arith.constant 0.000000e+00 : f32
        %max3A_840 = vector.broadcast %max3A_839 : f32 to vector<16xf32>
        %max3A_841 = arith.maximumf %scan3A_727, %max3A_840 : vector<16xf32>
        %min3A_842 = arith.constant 1.500000e+01 : f32
        %min3A_843 = vector.broadcast %min3A_842 : f32 to vector<16xf32>
        %min3A_844 = arith.minimumf %max3A_841, %min3A_843 : vector<16xf32>
        %convert_element_type3A_845 = arith.fptosi %min3A_844 : vector<16xf32> to vector<16xi32>
        %mul3A_846 = arith.constant 128 : i32
        %mul3A_847 = vector.broadcast %mul3A_846 : i32 to vector<16xi32>
        %mul3A_848 = arith.muli %convert_element_type3A_845, %mul3A_847 : vector<16xi32>
        %add3A_849 = arith.addi %mul3A_848, %add3A_39 : vector<16xi32>
        %gather3A_850 = tpu.vector_load_idx %arg8[%add3A_849] : memref<2048xf32, #tpu.memory_space<vmem>>[vector<16xi32>], vector<16xf32>,
        %gather3A_851 = tpu.vector_load_idx %arg9[%add3A_849] : memref<2048xf32, #tpu.memory_space<vmem>>[vector<16xi32>], vector<16xf32>,
        %mul3A_852 = arith.mulf %gather3A_850, %scan3A_727 : vector<16xf32>
        %add3A_853 = arith.addf %mul3A_852, %gather3A_851 : vector<16xf32>
        %max3A_854 = arith.constant 0.000000e+00 : f32
        %max3A_855 = vector.broadcast %max3A_854 : f32 to vector<16xf32>
        %max3A_856 = arith.maximumf %scan3A_728, %max3A_855 : vector<16xf32>
        %min3A_857 = arith.constant 1.500000e+01 : f32
        %min3A_858 = vector.broadcast %min3A_857 : f32 to vector<16xf32>
        %min3A_859 = arith.minimumf %max3A_856, %min3A_858 : vector<16xf32>
        %convert_element_type3A_860 = arith.fptosi %min3A_859 : vector<16xf32> to vector<16xi32>
        %mul3A_861 = arith.constant 128 : i32
        %mul3A_862 = vector.broadcast %mul3A_861 : i32 to vector<16xi32>
        %mul3A_863 = arith.muli %convert_element_type3A_860, %mul3A_862 : vector<16xi32>
        %add3A_864 = arith.addi %mul3A_863, %add3A_18 : vector<16xi32>
        %gather3A_865 = tpu.vector_load_idx %arg8[%add3A_864] : memref<2048xf32, #tpu.memory_space<vmem>>[vector<16xi32>], vector<16xf32>,
        %gather3A_866 = tpu.vector_load_idx %arg9[%add3A_864] : memref<2048xf32, #tpu.memory_space<vmem>>[vector<16xi32>], vector<16xf32>,
        %mul3A_867 = arith.mulf %gather3A_865, %scan3A_728 : vector<16xf32>
        %add3A_868 = arith.addf %mul3A_867, %gather3A_866 : vector<16xf32>
        %max3A_869 = arith.constant 0.000000e+00 : f32
        %max3A_870 = vector.broadcast %max3A_869 : f32 to vector<16xf32>
        %max3A_871 = arith.maximumf %scan3A_729, %max3A_870 : vector<16xf32>
        %min3A_872 = arith.constant 1.500000e+01 : f32
        %min3A_873 = vector.broadcast %min3A_872 : f32 to vector<16xf32>
        %min3A_874 = arith.minimumf %max3A_871, %min3A_873 : vector<16xf32>
        %convert_element_type3A_875 = arith.fptosi %min3A_874 : vector<16xf32> to vector<16xi32>
        %mul3A_876 = arith.constant 128 : i32
        %mul3A_877 = vector.broadcast %mul3A_876 : i32 to vector<16xi32>
        %mul3A_878 = arith.muli %convert_element_type3A_875, %mul3A_877 : vector<16xi32>
        %add3A_879 = arith.addi %mul3A_878, %add3A_21 : vector<16xi32>
        %gather3A_880 = tpu.vector_load_idx %arg8[%add3A_879] : memref<2048xf32, #tpu.memory_space<vmem>>[vector<16xi32>], vector<16xf32>,
        %gather3A_881 = tpu.vector_load_idx %arg9[%add3A_879] : memref<2048xf32, #tpu.memory_space<vmem>>[vector<16xi32>], vector<16xf32>,
        %mul3A_882 = arith.mulf %gather3A_880, %scan3A_729 : vector<16xf32>
        %add3A_883 = arith.addf %mul3A_882, %gather3A_881 : vector<16xf32>
        %max3A_884 = arith.constant 0.000000e+00 : f32
        %max3A_885 = vector.broadcast %max3A_884 : f32 to vector<16xf32>
        %max3A_886 = arith.maximumf %scan3A_730, %max3A_885 : vector<16xf32>
        %min3A_887 = arith.constant 1.500000e+01 : f32
        %min3A_888 = vector.broadcast %min3A_887 : f32 to vector<16xf32>
        %min3A_889 = arith.minimumf %max3A_886, %min3A_888 : vector<16xf32>
        %convert_element_type3A_890 = arith.fptosi %min3A_889 : vector<16xf32> to vector<16xi32>
        %mul3A_891 = arith.constant 128 : i32
        %mul3A_892 = vector.broadcast %mul3A_891 : i32 to vector<16xi32>
        %mul3A_893 = arith.muli %convert_element_type3A_890, %mul3A_892 : vector<16xi32>
        %add3A_894 = arith.addi %mul3A_893, %add3A_24 : vector<16xi32>
        %gather3A_895 = tpu.vector_load_idx %arg8[%add3A_894] : memref<2048xf32, #tpu.memory_space<vmem>>[vector<16xi32>], vector<16xf32>,
        %gather3A_896 = tpu.vector_load_idx %arg9[%add3A_894] : memref<2048xf32, #tpu.memory_space<vmem>>[vector<16xi32>], vector<16xf32>,
        %mul3A_897 = arith.mulf %gather3A_895, %scan3A_730 : vector<16xf32>
        %add3A_898 = arith.addf %mul3A_897, %gather3A_896 : vector<16xf32>
        %max3A_899 = arith.constant 0.000000e+00 : f32
        %max3A_900 = vector.broadcast %max3A_899 : f32 to vector<16xf32>
        %max3A_901 = arith.maximumf %scan3A_731, %max3A_900 : vector<16xf32>
        %min3A_902 = arith.constant 1.500000e+01 : f32
        %min3A_903 = vector.broadcast %min3A_902 : f32 to vector<16xf32>
        %min3A_904 = arith.minimumf %max3A_901, %min3A_903 : vector<16xf32>
        %convert_element_type3A_905 = arith.fptosi %min3A_904 : vector<16xf32> to vector<16xi32>
        %mul3A_906 = arith.constant 128 : i32
        %mul3A_907 = vector.broadcast %mul3A_906 : i32 to vector<16xi32>
        %mul3A_908 = arith.muli %convert_element_type3A_905, %mul3A_907 : vector<16xi32>
        %add3A_909 = arith.addi %mul3A_908, %add3A_27 : vector<16xi32>
        %gather3A_910 = tpu.vector_load_idx %arg8[%add3A_909] : memref<2048xf32, #tpu.memory_space<vmem>>[vector<16xi32>], vector<16xf32>,
        %gather3A_911 = tpu.vector_load_idx %arg9[%add3A_909] : memref<2048xf32, #tpu.memory_space<vmem>>[vector<16xi32>], vector<16xf32>,
        %mul3A_912 = arith.mulf %gather3A_910, %scan3A_731 : vector<16xf32>
        %add3A_913 = arith.addf %mul3A_912, %gather3A_911 : vector<16xf32>
        %max3A_914 = arith.constant 0.000000e+00 : f32
        %max3A_915 = vector.broadcast %max3A_914 : f32 to vector<16xf32>
        %max3A_916 = arith.maximumf %scan3A_732, %max3A_915 : vector<16xf32>
        %min3A_917 = arith.constant 1.500000e+01 : f32
        %min3A_918 = vector.broadcast %min3A_917 : f32 to vector<16xf32>
        %min3A_919 = arith.minimumf %max3A_916, %min3A_918 : vector<16xf32>
        %convert_element_type3A_920 = arith.fptosi %min3A_919 : vector<16xf32> to vector<16xi32>
        %mul3A_921 = arith.constant 128 : i32
        %mul3A_922 = vector.broadcast %mul3A_921 : i32 to vector<16xi32>
        %mul3A_923 = arith.muli %convert_element_type3A_920, %mul3A_922 : vector<16xi32>
        %add3A_924 = arith.addi %mul3A_923, %add3A_30 : vector<16xi32>
        %gather3A_925 = tpu.vector_load_idx %arg8[%add3A_924] : memref<2048xf32, #tpu.memory_space<vmem>>[vector<16xi32>], vector<16xf32>,
        %gather3A_926 = tpu.vector_load_idx %arg9[%add3A_924] : memref<2048xf32, #tpu.memory_space<vmem>>[vector<16xi32>], vector<16xf32>,
        %mul3A_927 = arith.mulf %gather3A_925, %scan3A_732 : vector<16xf32>
        %add3A_928 = arith.addf %mul3A_927, %gather3A_926 : vector<16xf32>
        %max3A_929 = arith.constant 0.000000e+00 : f32
        %max3A_930 = vector.broadcast %max3A_929 : f32 to vector<16xf32>
        %max3A_931 = arith.maximumf %scan3A_733, %max3A_930 : vector<16xf32>
        %min3A_932 = arith.constant 1.500000e+01 : f32
        %min3A_933 = vector.broadcast %min3A_932 : f32 to vector<16xf32>
        %min3A_934 = arith.minimumf %max3A_931, %min3A_933 : vector<16xf32>
        %convert_element_type3A_935 = arith.fptosi %min3A_934 : vector<16xf32> to vector<16xi32>
        %mul3A_936 = arith.constant 128 : i32
        %mul3A_937 = vector.broadcast %mul3A_936 : i32 to vector<16xi32>
        %mul3A_938 = arith.muli %convert_element_type3A_935, %mul3A_937 : vector<16xi32>
        %add3A_939 = arith.addi %mul3A_938, %add3A_33 : vector<16xi32>
        %gather3A_940 = tpu.vector_load_idx %arg8[%add3A_939] : memref<2048xf32, #tpu.memory_space<vmem>>[vector<16xi32>], vector<16xf32>,
        %gather3A_941 = tpu.vector_load_idx %arg9[%add3A_939] : memref<2048xf32, #tpu.memory_space<vmem>>[vector<16xi32>], vector<16xf32>,
        %mul3A_942 = arith.mulf %gather3A_940, %scan3A_733 : vector<16xf32>
        %add3A_943 = arith.addf %mul3A_942, %gather3A_941 : vector<16xf32>
        %max3A_944 = arith.constant 0.000000e+00 : f32
        %max3A_945 = vector.broadcast %max3A_944 : f32 to vector<16xf32>
        %max3A_946 = arith.maximumf %scan3A_734, %max3A_945 : vector<16xf32>
        %min3A_947 = arith.constant 1.500000e+01 : f32
        %min3A_948 = vector.broadcast %min3A_947 : f32 to vector<16xf32>
        %min3A_949 = arith.minimumf %max3A_946, %min3A_948 : vector<16xf32>
        %convert_element_type3A_950 = arith.fptosi %min3A_949 : vector<16xf32> to vector<16xi32>
        %mul3A_951 = arith.constant 128 : i32
        %mul3A_952 = vector.broadcast %mul3A_951 : i32 to vector<16xi32>
        %mul3A_953 = arith.muli %convert_element_type3A_950, %mul3A_952 : vector<16xi32>
        %add3A_954 = arith.addi %mul3A_953, %add3A_36 : vector<16xi32>
        %gather3A_955 = tpu.vector_load_idx %arg8[%add3A_954] : memref<2048xf32, #tpu.memory_space<vmem>>[vector<16xi32>], vector<16xf32>,
        %gather3A_956 = tpu.vector_load_idx %arg9[%add3A_954] : memref<2048xf32, #tpu.memory_space<vmem>>[vector<16xi32>], vector<16xf32>,
        %mul3A_957 = arith.mulf %gather3A_955, %scan3A_734 : vector<16xf32>
        %add3A_958 = arith.addf %mul3A_957, %gather3A_956 : vector<16xf32>
        %max3A_959 = arith.constant 0.000000e+00 : f32
        %max3A_960 = vector.broadcast %max3A_959 : f32 to vector<16xf32>
        %max3A_961 = arith.maximumf %scan3A_735, %max3A_960 : vector<16xf32>
        %min3A_962 = arith.constant 1.500000e+01 : f32
        %min3A_963 = vector.broadcast %min3A_962 : f32 to vector<16xf32>
        %min3A_964 = arith.minimumf %max3A_961, %min3A_963 : vector<16xf32>
        %convert_element_type3A_965 = arith.fptosi %min3A_964 : vector<16xf32> to vector<16xi32>
        %mul3A_966 = arith.constant 128 : i32
        %mul3A_967 = vector.broadcast %mul3A_966 : i32 to vector<16xi32>
        %mul3A_968 = arith.muli %convert_element_type3A_965, %mul3A_967 : vector<16xi32>
        %add3A_969 = arith.addi %mul3A_968, %add3A_39 : vector<16xi32>
        %gather3A_970 = tpu.vector_load_idx %arg8[%add3A_969] : memref<2048xf32, #tpu.memory_space<vmem>>[vector<16xi32>], vector<16xf32>,
        %gather3A_971 = tpu.vector_load_idx %arg9[%add3A_969] : memref<2048xf32, #tpu.memory_space<vmem>>[vector<16xi32>], vector<16xf32>,
        %mul3A_972 = arith.mulf %gather3A_970, %scan3A_735 : vector<16xf32>
        %add3A_973 = arith.addf %mul3A_972, %gather3A_971 : vector<16xf32>
        %max3A_974 = arith.constant 0.000000e+00 : f32
        %max3A_975 = vector.broadcast %max3A_974 : f32 to vector<16xf32>
        %max3A_976 = arith.maximumf %add3A_748, %max3A_975 : vector<16xf32>
        %min3A_977 = arith.constant 1.500000e+01 : f32
        %min3A_978 = vector.broadcast %min3A_977 : f32 to vector<16xf32>
        %min3A_979 = arith.minimumf %max3A_976, %min3A_978 : vector<16xf32>
        %convert_element_type3A_980 = arith.fptosi %min3A_979 : vector<16xf32> to vector<16xi32>
        %mul3A_981 = arith.constant 128 : i32
        %mul3A_982 = vector.broadcast %mul3A_981 : i32 to vector<16xi32>
        %mul3A_983 = arith.muli %convert_element_type3A_980, %mul3A_982 : vector<16xi32>
        %add3A_984 = arith.addi %mul3A_983, %add3A_18 : vector<16xi32>
        %gather3A_985 = tpu.vector_load_idx %arg8[%add3A_984] : memref<2048xf32, #tpu.memory_space<vmem>>[vector<16xi32>], vector<16xf32>,
        %gather3A_986 = tpu.vector_load_idx %arg9[%add3A_984] : memref<2048xf32, #tpu.memory_space<vmem>>[vector<16xi32>], vector<16xf32>,
        %mul3A_987 = arith.mulf %gather3A_985, %add3A_748 : vector<16xf32>
        %add3A_988 = arith.addf %mul3A_987, %gather3A_986 : vector<16xf32>
        %max3A_989 = arith.constant 0.000000e+00 : f32
        %max3A_990 = vector.broadcast %max3A_989 : f32 to vector<16xf32>
        %max3A_991 = arith.maximumf %add3A_763, %max3A_990 : vector<16xf32>
        %min3A_992 = arith.constant 1.500000e+01 : f32
        %min3A_993 = vector.broadcast %min3A_992 : f32 to vector<16xf32>
        %min3A_994 = arith.minimumf %max3A_991, %min3A_993 : vector<16xf32>
        %convert_element_type3A_995 = arith.fptosi %min3A_994 : vector<16xf32> to vector<16xi32>
        %mul3A_996 = arith.constant 128 : i32
        %mul3A_997 = vector.broadcast %mul3A_996 : i32 to vector<16xi32>
        %mul3A_998 = arith.muli %convert_element_type3A_995, %mul3A_997 : vector<16xi32>
        %add3A_999 = arith.addi %mul3A_998, %add3A_21 : vector<16xi32>
        %gather3A_1000 = tpu.vector_load_idx %arg8[%add3A_999] : memref<2048xf32, #tpu.memory_space<vmem>>[vector<16xi32>], vector<16xf32>,
        %gather3A_1001 = tpu.vector_load_idx %arg9[%add3A_999] : memref<2048xf32, #tpu.memory_space<vmem>>[vector<16xi32>], vector<16xf32>,
        %mul3A_1002 = arith.mulf %gather3A_1000, %add3A_763 : vector<16xf32>
        %add3A_1003 = arith.addf %mul3A_1002, %gather3A_1001 : vector<16xf32>
        %max3A_1004 = arith.constant 0.000000e+00 : f32
        %max3A_1005 = vector.broadcast %max3A_1004 : f32 to vector<16xf32>
        %max3A_1006 = arith.maximumf %add3A_778, %max3A_1005 : vector<16xf32>
        %min3A_1007 = arith.constant 1.500000e+01 : f32
        %min3A_1008 = vector.broadcast %min3A_1007 : f32 to vector<16xf32>
        %min3A_1009 = arith.minimumf %max3A_1006, %min3A_1008 : vector<16xf32>
        %convert_element_type3A_1010 = arith.fptosi %min3A_1009 : vector<16xf32> to vector<16xi32>
        %mul3A_1011 = arith.constant 128 : i32
        %mul3A_1012 = vector.broadcast %mul3A_1011 : i32 to vector<16xi32>
        %mul3A_1013 = arith.muli %convert_element_type3A_1010, %mul3A_1012 : vector<16xi32>
        %add3A_1014 = arith.addi %mul3A_1013, %add3A_24 : vector<16xi32>
        %gather3A_1015 = tpu.vector_load_idx %arg8[%add3A_1014] : memref<2048xf32, #tpu.memory_space<vmem>>[vector<16xi32>], vector<16xf32>,
        %gather3A_1016 = tpu.vector_load_idx %arg9[%add3A_1014] : memref<2048xf32, #tpu.memory_space<vmem>>[vector<16xi32>], vector<16xf32>,
        %mul3A_1017 = arith.mulf %gather3A_1015, %add3A_778 : vector<16xf32>
        %add3A_1018 = arith.addf %mul3A_1017, %gather3A_1016 : vector<16xf32>
        %max3A_1019 = arith.constant 0.000000e+00 : f32
        %max3A_1020 = vector.broadcast %max3A_1019 : f32 to vector<16xf32>
        %max3A_1021 = arith.maximumf %add3A_793, %max3A_1020 : vector<16xf32>
        %min3A_1022 = arith.constant 1.500000e+01 : f32
        %min3A_1023 = vector.broadcast %min3A_1022 : f32 to vector<16xf32>
        %min3A_1024 = arith.minimumf %max3A_1021, %min3A_1023 : vector<16xf32>
        %convert_element_type3A_1025 = arith.fptosi %min3A_1024 : vector<16xf32> to vector<16xi32>
        %mul3A_1026 = arith.constant 128 : i32
        %mul3A_1027 = vector.broadcast %mul3A_1026 : i32 to vector<16xi32>
        %mul3A_1028 = arith.muli %convert_element_type3A_1025, %mul3A_1027 : vector<16xi32>
        %add3A_1029 = arith.addi %mul3A_1028, %add3A_27 : vector<16xi32>
        %gather3A_1030 = tpu.vector_load_idx %arg8[%add3A_1029] : memref<2048xf32, #tpu.memory_space<vmem>>[vector<16xi32>], vector<16xf32>,
        %gather3A_1031 = tpu.vector_load_idx %arg9[%add3A_1029] : memref<2048xf32, #tpu.memory_space<vmem>>[vector<16xi32>], vector<16xf32>,
        %mul3A_1032 = arith.mulf %gather3A_1030, %add3A_793 : vector<16xf32>
        %add3A_1033 = arith.addf %mul3A_1032, %gather3A_1031 : vector<16xf32>
        %max3A_1034 = arith.constant 0.000000e+00 : f32
        %max3A_1035 = vector.broadcast %max3A_1034 : f32 to vector<16xf32>
        %max3A_1036 = arith.maximumf %add3A_808, %max3A_1035 : vector<16xf32>
        %min3A_1037 = arith.constant 1.500000e+01 : f32
        %min3A_1038 = vector.broadcast %min3A_1037 : f32 to vector<16xf32>
        %min3A_1039 = arith.minimumf %max3A_1036, %min3A_1038 : vector<16xf32>
        %convert_element_type3A_1040 = arith.fptosi %min3A_1039 : vector<16xf32> to vector<16xi32>
        %mul3A_1041 = arith.constant 128 : i32
        %mul3A_1042 = vector.broadcast %mul3A_1041 : i32 to vector<16xi32>
        %mul3A_1043 = arith.muli %convert_element_type3A_1040, %mul3A_1042 : vector<16xi32>
        %add3A_1044 = arith.addi %mul3A_1043, %add3A_30 : vector<16xi32>
        %gather3A_1045 = tpu.vector_load_idx %arg8[%add3A_1044] : memref<2048xf32, #tpu.memory_space<vmem>>[vector<16xi32>], vector<16xf32>,
        %gather3A_1046 = tpu.vector_load_idx %arg9[%add3A_1044] : memref<2048xf32, #tpu.memory_space<vmem>>[vector<16xi32>], vector<16xf32>,
        %mul3A_1047 = arith.mulf %gather3A_1045, %add3A_808 : vector<16xf32>
        %add3A_1048 = arith.addf %mul3A_1047, %gather3A_1046 : vector<16xf32>
        %max3A_1049 = arith.constant 0.000000e+00 : f32
        %max3A_1050 = vector.broadcast %max3A_1049 : f32 to vector<16xf32>
        %max3A_1051 = arith.maximumf %add3A_823, %max3A_1050 : vector<16xf32>
        %min3A_1052 = arith.constant 1.500000e+01 : f32
        %min3A_1053 = vector.broadcast %min3A_1052 : f32 to vector<16xf32>
        %min3A_1054 = arith.minimumf %max3A_1051, %min3A_1053 : vector<16xf32>
        %convert_element_type3A_1055 = arith.fptosi %min3A_1054 : vector<16xf32> to vector<16xi32>
        %mul3A_1056 = arith.constant 128 : i32
        %mul3A_1057 = vector.broadcast %mul3A_1056 : i32 to vector<16xi32>
        %mul3A_1058 = arith.muli %convert_element_type3A_1055, %mul3A_1057 : vector<16xi32>
        %add3A_1059 = arith.addi %mul3A_1058, %add3A_33 : vector<16xi32>
        %gather3A_1060 = tpu.vector_load_idx %arg8[%add3A_1059] : memref<2048xf32, #tpu.memory_space<vmem>>[vector<16xi32>], vector<16xf32>,
        %gather3A_1061 = tpu.vector_load_idx %arg9[%add3A_1059] : memref<2048xf32, #tpu.memory_space<vmem>>[vector<16xi32>], vector<16xf32>,
        %mul3A_1062 = arith.mulf %gather3A_1060, %add3A_823 : vector<16xf32>
        %add3A_1063 = arith.addf %mul3A_1062, %gather3A_1061 : vector<16xf32>
        %max3A_1064 = arith.constant 0.000000e+00 : f32
        %max3A_1065 = vector.broadcast %max3A_1064 : f32 to vector<16xf32>
        %max3A_1066 = arith.maximumf %add3A_838, %max3A_1065 : vector<16xf32>
        %min3A_1067 = arith.constant 1.500000e+01 : f32
        %min3A_1068 = vector.broadcast %min3A_1067 : f32 to vector<16xf32>
        %min3A_1069 = arith.minimumf %max3A_1066, %min3A_1068 : vector<16xf32>
        %convert_element_type3A_1070 = arith.fptosi %min3A_1069 : vector<16xf32> to vector<16xi32>
        %mul3A_1071 = arith.constant 128 : i32
        %mul3A_1072 = vector.broadcast %mul3A_1071 : i32 to vector<16xi32>
        %mul3A_1073 = arith.muli %convert_element_type3A_1070, %mul3A_1072 : vector<16xi32>
        %add3A_1074 = arith.addi %mul3A_1073, %add3A_36 : vector<16xi32>
        %gather3A_1075 = tpu.vector_load_idx %arg8[%add3A_1074] : memref<2048xf32, #tpu.memory_space<vmem>>[vector<16xi32>], vector<16xf32>,
        %gather3A_1076 = tpu.vector_load_idx %arg9[%add3A_1074] : memref<2048xf32, #tpu.memory_space<vmem>>[vector<16xi32>], vector<16xf32>,
        %mul3A_1077 = arith.mulf %gather3A_1075, %add3A_838 : vector<16xf32>
        %add3A_1078 = arith.addf %mul3A_1077, %gather3A_1076 : vector<16xf32>
        %max3A_1079 = arith.constant 0.000000e+00 : f32
        %max3A_1080 = vector.broadcast %max3A_1079 : f32 to vector<16xf32>
        %max3A_1081 = arith.maximumf %add3A_853, %max3A_1080 : vector<16xf32>
        %min3A_1082 = arith.constant 1.500000e+01 : f32
        %min3A_1083 = vector.broadcast %min3A_1082 : f32 to vector<16xf32>
        %min3A_1084 = arith.minimumf %max3A_1081, %min3A_1083 : vector<16xf32>
        %convert_element_type3A_1085 = arith.fptosi %min3A_1084 : vector<16xf32> to vector<16xi32>
        %mul3A_1086 = arith.constant 128 : i32
        %mul3A_1087 = vector.broadcast %mul3A_1086 : i32 to vector<16xi32>
        %mul3A_1088 = arith.muli %convert_element_type3A_1085, %mul3A_1087 : vector<16xi32>
        %add3A_1089 = arith.addi %mul3A_1088, %add3A_39 : vector<16xi32>
        %gather3A_1090 = tpu.vector_load_idx %arg8[%add3A_1089] : memref<2048xf32, #tpu.memory_space<vmem>>[vector<16xi32>], vector<16xf32>,
        %gather3A_1091 = tpu.vector_load_idx %arg9[%add3A_1089] : memref<2048xf32, #tpu.memory_space<vmem>>[vector<16xi32>], vector<16xf32>,
        %mul3A_1092 = arith.mulf %gather3A_1090, %add3A_853 : vector<16xf32>
        %add3A_1093 = arith.addf %mul3A_1092, %gather3A_1091 : vector<16xf32>
        %max3A_1094 = arith.constant 0.000000e+00 : f32
        %max3A_1095 = vector.broadcast %max3A_1094 : f32 to vector<16xf32>
        %max3A_1096 = arith.maximumf %add3A_868, %max3A_1095 : vector<16xf32>
        %min3A_1097 = arith.constant 1.500000e+01 : f32
        %min3A_1098 = vector.broadcast %min3A_1097 : f32 to vector<16xf32>
        %min3A_1099 = arith.minimumf %max3A_1096, %min3A_1098 : vector<16xf32>
        %convert_element_type3A_1100 = arith.fptosi %min3A_1099 : vector<16xf32> to vector<16xi32>
        %mul3A_1101 = arith.constant 128 : i32
        %mul3A_1102 = vector.broadcast %mul3A_1101 : i32 to vector<16xi32>
        %mul3A_1103 = arith.muli %convert_element_type3A_1100, %mul3A_1102 : vector<16xi32>
        %add3A_1104 = arith.addi %mul3A_1103, %add3A_18 : vector<16xi32>
        %gather3A_1105 = tpu.vector_load_idx %arg8[%add3A_1104] : memref<2048xf32, #tpu.memory_space<vmem>>[vector<16xi32>], vector<16xf32>,
        %gather3A_1106 = tpu.vector_load_idx %arg9[%add3A_1104] : memref<2048xf32, #tpu.memory_space<vmem>>[vector<16xi32>], vector<16xf32>,
        %mul3A_1107 = arith.mulf %gather3A_1105, %add3A_868 : vector<16xf32>
        %add3A_1108 = arith.addf %mul3A_1107, %gather3A_1106 : vector<16xf32>
        %max3A_1109 = arith.constant 0.000000e+00 : f32
        %max3A_1110 = vector.broadcast %max3A_1109 : f32 to vector<16xf32>
        %max3A_1111 = arith.maximumf %add3A_883, %max3A_1110 : vector<16xf32>
        %min3A_1112 = arith.constant 1.500000e+01 : f32
        %min3A_1113 = vector.broadcast %min3A_1112 : f32 to vector<16xf32>
        %min3A_1114 = arith.minimumf %max3A_1111, %min3A_1113 : vector<16xf32>
        %convert_element_type3A_1115 = arith.fptosi %min3A_1114 : vector<16xf32> to vector<16xi32>
        %mul3A_1116 = arith.constant 128 : i32
        %mul3A_1117 = vector.broadcast %mul3A_1116 : i32 to vector<16xi32>
        %mul3A_1118 = arith.muli %convert_element_type3A_1115, %mul3A_1117 : vector<16xi32>
        %add3A_1119 = arith.addi %mul3A_1118, %add3A_21 : vector<16xi32>
        %gather3A_1120 = tpu.vector_load_idx %arg8[%add3A_1119] : memref<2048xf32, #tpu.memory_space<vmem>>[vector<16xi32>], vector<16xf32>,
        %gather3A_1121 = tpu.vector_load_idx %arg9[%add3A_1119] : memref<2048xf32, #tpu.memory_space<vmem>>[vector<16xi32>], vector<16xf32>,
        %mul3A_1122 = arith.mulf %gather3A_1120, %add3A_883 : vector<16xf32>
        %add3A_1123 = arith.addf %mul3A_1122, %gather3A_1121 : vector<16xf32>
        %max3A_1124 = arith.constant 0.000000e+00 : f32
        %max3A_1125 = vector.broadcast %max3A_1124 : f32 to vector<16xf32>
        %max3A_1126 = arith.maximumf %add3A_898, %max3A_1125 : vector<16xf32>
        %min3A_1127 = arith.constant 1.500000e+01 : f32
        %min3A_1128 = vector.broadcast %min3A_1127 : f32 to vector<16xf32>
        %min3A_1129 = arith.minimumf %max3A_1126, %min3A_1128 : vector<16xf32>
        %convert_element_type3A_1130 = arith.fptosi %min3A_1129 : vector<16xf32> to vector<16xi32>
        %mul3A_1131 = arith.constant 128 : i32
        %mul3A_1132 = vector.broadcast %mul3A_1131 : i32 to vector<16xi32>
        %mul3A_1133 = arith.muli %convert_element_type3A_1130, %mul3A_1132 : vector<16xi32>
        %add3A_1134 = arith.addi %mul3A_1133, %add3A_24 : vector<16xi32>
        %gather3A_1135 = tpu.vector_load_idx %arg8[%add3A_1134] : memref<2048xf32, #tpu.memory_space<vmem>>[vector<16xi32>], vector<16xf32>,
        %gather3A_1136 = tpu.vector_load_idx %arg9[%add3A_1134] : memref<2048xf32, #tpu.memory_space<vmem>>[vector<16xi32>], vector<16xf32>,
        %mul3A_1137 = arith.mulf %gather3A_1135, %add3A_898 : vector<16xf32>
        %add3A_1138 = arith.addf %mul3A_1137, %gather3A_1136 : vector<16xf32>
        %max3A_1139 = arith.constant 0.000000e+00 : f32
        %max3A_1140 = vector.broadcast %max3A_1139 : f32 to vector<16xf32>
        %max3A_1141 = arith.maximumf %add3A_913, %max3A_1140 : vector<16xf32>
        %min3A_1142 = arith.constant 1.500000e+01 : f32
        %min3A_1143 = vector.broadcast %min3A_1142 : f32 to vector<16xf32>
        %min3A_1144 = arith.minimumf %max3A_1141, %min3A_1143 : vector<16xf32>
        %convert_element_type3A_1145 = arith.fptosi %min3A_1144 : vector<16xf32> to vector<16xi32>
        %mul3A_1146 = arith.constant 128 : i32
        %mul3A_1147 = vector.broadcast %mul3A_1146 : i32 to vector<16xi32>
        %mul3A_1148 = arith.muli %convert_element_type3A_1145, %mul3A_1147 : vector<16xi32>
        %add3A_1149 = arith.addi %mul3A_1148, %add3A_27 : vector<16xi32>
        %gather3A_1150 = tpu.vector_load_idx %arg8[%add3A_1149] : memref<2048xf32, #tpu.memory_space<vmem>>[vector<16xi32>], vector<16xf32>,
        %gather3A_1151 = tpu.vector_load_idx %arg9[%add3A_1149] : memref<2048xf32, #tpu.memory_space<vmem>>[vector<16xi32>], vector<16xf32>,
        %mul3A_1152 = arith.mulf %gather3A_1150, %add3A_913 : vector<16xf32>
        %add3A_1153 = arith.addf %mul3A_1152, %gather3A_1151 : vector<16xf32>
        %max3A_1154 = arith.constant 0.000000e+00 : f32
        %max3A_1155 = vector.broadcast %max3A_1154 : f32 to vector<16xf32>
        %max3A_1156 = arith.maximumf %add3A_928, %max3A_1155 : vector<16xf32>
        %min3A_1157 = arith.constant 1.500000e+01 : f32
        %min3A_1158 = vector.broadcast %min3A_1157 : f32 to vector<16xf32>
        %min3A_1159 = arith.minimumf %max3A_1156, %min3A_1158 : vector<16xf32>
        %convert_element_type3A_1160 = arith.fptosi %min3A_1159 : vector<16xf32> to vector<16xi32>
        %mul3A_1161 = arith.constant 128 : i32
        %mul3A_1162 = vector.broadcast %mul3A_1161 : i32 to vector<16xi32>
        %mul3A_1163 = arith.muli %convert_element_type3A_1160, %mul3A_1162 : vector<16xi32>
        %add3A_1164 = arith.addi %mul3A_1163, %add3A_30 : vector<16xi32>
        %gather3A_1165 = tpu.vector_load_idx %arg8[%add3A_1164] : memref<2048xf32, #tpu.memory_space<vmem>>[vector<16xi32>], vector<16xf32>,
        %gather3A_1166 = tpu.vector_load_idx %arg9[%add3A_1164] : memref<2048xf32, #tpu.memory_space<vmem>>[vector<16xi32>], vector<16xf32>,
        %mul3A_1167 = arith.mulf %gather3A_1165, %add3A_928 : vector<16xf32>
        %add3A_1168 = arith.addf %mul3A_1167, %gather3A_1166 : vector<16xf32>
        %max3A_1169 = arith.constant 0.000000e+00 : f32
        %max3A_1170 = vector.broadcast %max3A_1169 : f32 to vector<16xf32>
        %max3A_1171 = arith.maximumf %add3A_943, %max3A_1170 : vector<16xf32>
        %min3A_1172 = arith.constant 1.500000e+01 : f32
        %min3A_1173 = vector.broadcast %min3A_1172 : f32 to vector<16xf32>
        %min3A_1174 = arith.minimumf %max3A_1171, %min3A_1173 : vector<16xf32>
        %convert_element_type3A_1175 = arith.fptosi %min3A_1174 : vector<16xf32> to vector<16xi32>
        %mul3A_1176 = arith.constant 128 : i32
        %mul3A_1177 = vector.broadcast %mul3A_1176 : i32 to vector<16xi32>
        %mul3A_1178 = arith.muli %convert_element_type3A_1175, %mul3A_1177 : vector<16xi32>
        %add3A_1179 = arith.addi %mul3A_1178, %add3A_33 : vector<16xi32>
        %gather3A_1180 = tpu.vector_load_idx %arg8[%add3A_1179] : memref<2048xf32, #tpu.memory_space<vmem>>[vector<16xi32>], vector<16xf32>,
        %gather3A_1181 = tpu.vector_load_idx %arg9[%add3A_1179] : memref<2048xf32, #tpu.memory_space<vmem>>[vector<16xi32>], vector<16xf32>,
        %mul3A_1182 = arith.mulf %gather3A_1180, %add3A_943 : vector<16xf32>
        %add3A_1183 = arith.addf %mul3A_1182, %gather3A_1181 : vector<16xf32>
        %max3A_1184 = arith.constant 0.000000e+00 : f32
        %max3A_1185 = vector.broadcast %max3A_1184 : f32 to vector<16xf32>
        %max3A_1186 = arith.maximumf %add3A_958, %max3A_1185 : vector<16xf32>
        %min3A_1187 = arith.constant 1.500000e+01 : f32
        %min3A_1188 = vector.broadcast %min3A_1187 : f32 to vector<16xf32>
        %min3A_1189 = arith.minimumf %max3A_1186, %min3A_1188 : vector<16xf32>
        %convert_element_type3A_1190 = arith.fptosi %min3A_1189 : vector<16xf32> to vector<16xi32>
        %mul3A_1191 = arith.constant 128 : i32
        %mul3A_1192 = vector.broadcast %mul3A_1191 : i32 to vector<16xi32>
        %mul3A_1193 = arith.muli %convert_element_type3A_1190, %mul3A_1192 : vector<16xi32>
        %add3A_1194 = arith.addi %mul3A_1193, %add3A_36 : vector<16xi32>
        %gather3A_1195 = tpu.vector_load_idx %arg8[%add3A_1194] : memref<2048xf32, #tpu.memory_space<vmem>>[vector<16xi32>], vector<16xf32>,
        %gather3A_1196 = tpu.vector_load_idx %arg9[%add3A_1194] : memref<2048xf32, #tpu.memory_space<vmem>>[vector<16xi32>], vector<16xf32>,
        %mul3A_1197 = arith.mulf %gather3A_1195, %add3A_958 : vector<16xf32>
        %add3A_1198 = arith.addf %mul3A_1197, %gather3A_1196 : vector<16xf32>
        %max3A_1199 = arith.constant 0.000000e+00 : f32
        %max3A_1200 = vector.broadcast %max3A_1199 : f32 to vector<16xf32>
        %max3A_1201 = arith.maximumf %add3A_973, %max3A_1200 : vector<16xf32>
        %min3A_1202 = arith.constant 1.500000e+01 : f32
        %min3A_1203 = vector.broadcast %min3A_1202 : f32 to vector<16xf32>
        %min3A_1204 = arith.minimumf %max3A_1201, %min3A_1203 : vector<16xf32>
        %convert_element_type3A_1205 = arith.fptosi %min3A_1204 : vector<16xf32> to vector<16xi32>
        %mul3A_1206 = arith.constant 128 : i32
        %mul3A_1207 = vector.broadcast %mul3A_1206 : i32 to vector<16xi32>
        %mul3A_1208 = arith.muli %convert_element_type3A_1205, %mul3A_1207 : vector<16xi32>
        %add3A_1209 = arith.addi %mul3A_1208, %add3A_39 : vector<16xi32>
        %gather3A_1210 = tpu.vector_load_idx %arg8[%add3A_1209] : memref<2048xf32, #tpu.memory_space<vmem>>[vector<16xi32>], vector<16xf32>,
        %gather3A_1211 = tpu.vector_load_idx %arg9[%add3A_1209] : memref<2048xf32, #tpu.memory_space<vmem>>[vector<16xi32>], vector<16xf32>,
        %mul3A_1212 = arith.mulf %gather3A_1210, %add3A_973 : vector<16xf32>
        %add3A_1213 = arith.addf %mul3A_1212, %gather3A_1211 : vector<16xf32>
        %max3A_1214 = arith.constant 0.000000e+00 : f32
        %max3A_1215 = vector.broadcast %max3A_1214 : f32 to vector<16xf32>
        %max3A_1216 = arith.maximumf %add3A_988, %max3A_1215 : vector<16xf32>
        %min3A_1217 = arith.constant 1.500000e+01 : f32
        %min3A_1218 = vector.broadcast %min3A_1217 : f32 to vector<16xf32>
        %min3A_1219 = arith.minimumf %max3A_1216, %min3A_1218 : vector<16xf32>
        %convert_element_type3A_1220 = arith.fptosi %min3A_1219 : vector<16xf32> to vector<16xi32>
        %mul3A_1221 = arith.constant 128 : i32
        %mul3A_1222 = vector.broadcast %mul3A_1221 : i32 to vector<16xi32>
        %mul3A_1223 = arith.muli %convert_element_type3A_1220, %mul3A_1222 : vector<16xi32>
        %add3A_1224 = arith.addi %mul3A_1223, %add3A_18 : vector<16xi32>
        %gather3A_1225 = tpu.vector_load_idx %arg8[%add3A_1224] : memref<2048xf32, #tpu.memory_space<vmem>>[vector<16xi32>], vector<16xf32>,
        %gather3A_1226 = tpu.vector_load_idx %arg9[%add3A_1224] : memref<2048xf32, #tpu.memory_space<vmem>>[vector<16xi32>], vector<16xf32>,
        %mul3A_1227 = arith.mulf %gather3A_1225, %add3A_988 : vector<16xf32>
        %add3A_1228 = arith.addf %mul3A_1227, %gather3A_1226 : vector<16xf32>
        %max3A_1229 = arith.constant 0.000000e+00 : f32
        %max3A_1230 = vector.broadcast %max3A_1229 : f32 to vector<16xf32>
        %max3A_1231 = arith.maximumf %add3A_1003, %max3A_1230 : vector<16xf32>
        %min3A_1232 = arith.constant 1.500000e+01 : f32
        %min3A_1233 = vector.broadcast %min3A_1232 : f32 to vector<16xf32>
        %min3A_1234 = arith.minimumf %max3A_1231, %min3A_1233 : vector<16xf32>
        %convert_element_type3A_1235 = arith.fptosi %min3A_1234 : vector<16xf32> to vector<16xi32>
        %mul3A_1236 = arith.constant 128 : i32
        %mul3A_1237 = vector.broadcast %mul3A_1236 : i32 to vector<16xi32>
        %mul3A_1238 = arith.muli %convert_element_type3A_1235, %mul3A_1237 : vector<16xi32>
        %add3A_1239 = arith.addi %mul3A_1238, %add3A_21 : vector<16xi32>
        %gather3A_1240 = tpu.vector_load_idx %arg8[%add3A_1239] : memref<2048xf32, #tpu.memory_space<vmem>>[vector<16xi32>], vector<16xf32>,
        %gather3A_1241 = tpu.vector_load_idx %arg9[%add3A_1239] : memref<2048xf32, #tpu.memory_space<vmem>>[vector<16xi32>], vector<16xf32>,
        %mul3A_1242 = arith.mulf %gather3A_1240, %add3A_1003 : vector<16xf32>
        %add3A_1243 = arith.addf %mul3A_1242, %gather3A_1241 : vector<16xf32>
        %max3A_1244 = arith.constant 0.000000e+00 : f32
        %max3A_1245 = vector.broadcast %max3A_1244 : f32 to vector<16xf32>
        %max3A_1246 = arith.maximumf %add3A_1018, %max3A_1245 : vector<16xf32>
        %min3A_1247 = arith.constant 1.500000e+01 : f32
        %min3A_1248 = vector.broadcast %min3A_1247 : f32 to vector<16xf32>
        %min3A_1249 = arith.minimumf %max3A_1246, %min3A_1248 : vector<16xf32>
        %convert_element_type3A_1250 = arith.fptosi %min3A_1249 : vector<16xf32> to vector<16xi32>
        %mul3A_1251 = arith.constant 128 : i32
        %mul3A_1252 = vector.broadcast %mul3A_1251 : i32 to vector<16xi32>
        %mul3A_1253 = arith.muli %convert_element_type3A_1250, %mul3A_1252 : vector<16xi32>
        %add3A_1254 = arith.addi %mul3A_1253, %add3A_24 : vector<16xi32>
        %gather3A_1255 = tpu.vector_load_idx %arg8[%add3A_1254] : memref<2048xf32, #tpu.memory_space<vmem>>[vector<16xi32>], vector<16xf32>,
        %gather3A_1256 = tpu.vector_load_idx %arg9[%add3A_1254] : memref<2048xf32, #tpu.memory_space<vmem>>[vector<16xi32>], vector<16xf32>,
        %mul3A_1257 = arith.mulf %gather3A_1255, %add3A_1018 : vector<16xf32>
        %add3A_1258 = arith.addf %mul3A_1257, %gather3A_1256 : vector<16xf32>
        %max3A_1259 = arith.constant 0.000000e+00 : f32
        %max3A_1260 = vector.broadcast %max3A_1259 : f32 to vector<16xf32>
        %max3A_1261 = arith.maximumf %add3A_1033, %max3A_1260 : vector<16xf32>
        %min3A_1262 = arith.constant 1.500000e+01 : f32
        %min3A_1263 = vector.broadcast %min3A_1262 : f32 to vector<16xf32>
        %min3A_1264 = arith.minimumf %max3A_1261, %min3A_1263 : vector<16xf32>
        %convert_element_type3A_1265 = arith.fptosi %min3A_1264 : vector<16xf32> to vector<16xi32>
        %mul3A_1266 = arith.constant 128 : i32
        %mul3A_1267 = vector.broadcast %mul3A_1266 : i32 to vector<16xi32>
        %mul3A_1268 = arith.muli %convert_element_type3A_1265, %mul3A_1267 : vector<16xi32>
        %add3A_1269 = arith.addi %mul3A_1268, %add3A_27 : vector<16xi32>
        %gather3A_1270 = tpu.vector_load_idx %arg8[%add3A_1269] : memref<2048xf32, #tpu.memory_space<vmem>>[vector<16xi32>], vector<16xf32>,
        %gather3A_1271 = tpu.vector_load_idx %arg9[%add3A_1269] : memref<2048xf32, #tpu.memory_space<vmem>>[vector<16xi32>], vector<16xf32>,
        %mul3A_1272 = arith.mulf %gather3A_1270, %add3A_1033 : vector<16xf32>
        %add3A_1273 = arith.addf %mul3A_1272, %gather3A_1271 : vector<16xf32>
        %max3A_1274 = arith.constant 0.000000e+00 : f32
        %max3A_1275 = vector.broadcast %max3A_1274 : f32 to vector<16xf32>
        %max3A_1276 = arith.maximumf %add3A_1048, %max3A_1275 : vector<16xf32>
        %min3A_1277 = arith.constant 1.500000e+01 : f32
        %min3A_1278 = vector.broadcast %min3A_1277 : f32 to vector<16xf32>
        %min3A_1279 = arith.minimumf %max3A_1276, %min3A_1278 : vector<16xf32>
        %convert_element_type3A_1280 = arith.fptosi %min3A_1279 : vector<16xf32> to vector<16xi32>
        %mul3A_1281 = arith.constant 128 : i32
        %mul3A_1282 = vector.broadcast %mul3A_1281 : i32 to vector<16xi32>
        %mul3A_1283 = arith.muli %convert_element_type3A_1280, %mul3A_1282 : vector<16xi32>
        %add3A_1284 = arith.addi %mul3A_1283, %add3A_30 : vector<16xi32>
        %gather3A_1285 = tpu.vector_load_idx %arg8[%add3A_1284] : memref<2048xf32, #tpu.memory_space<vmem>>[vector<16xi32>], vector<16xf32>,
        %gather3A_1286 = tpu.vector_load_idx %arg9[%add3A_1284] : memref<2048xf32, #tpu.memory_space<vmem>>[vector<16xi32>], vector<16xf32>,
        %mul3A_1287 = arith.mulf %gather3A_1285, %add3A_1048 : vector<16xf32>
        %add3A_1288 = arith.addf %mul3A_1287, %gather3A_1286 : vector<16xf32>
        %max3A_1289 = arith.constant 0.000000e+00 : f32
        %max3A_1290 = vector.broadcast %max3A_1289 : f32 to vector<16xf32>
        %max3A_1291 = arith.maximumf %add3A_1063, %max3A_1290 : vector<16xf32>
        %min3A_1292 = arith.constant 1.500000e+01 : f32
        %min3A_1293 = vector.broadcast %min3A_1292 : f32 to vector<16xf32>
        %min3A_1294 = arith.minimumf %max3A_1291, %min3A_1293 : vector<16xf32>
        %convert_element_type3A_1295 = arith.fptosi %min3A_1294 : vector<16xf32> to vector<16xi32>
        %mul3A_1296 = arith.constant 128 : i32
        %mul3A_1297 = vector.broadcast %mul3A_1296 : i32 to vector<16xi32>
        %mul3A_1298 = arith.muli %convert_element_type3A_1295, %mul3A_1297 : vector<16xi32>
        %add3A_1299 = arith.addi %mul3A_1298, %add3A_33 : vector<16xi32>
        %gather3A_1300 = tpu.vector_load_idx %arg8[%add3A_1299] : memref<2048xf32, #tpu.memory_space<vmem>>[vector<16xi32>], vector<16xf32>,
        %gather3A_1301 = tpu.vector_load_idx %arg9[%add3A_1299] : memref<2048xf32, #tpu.memory_space<vmem>>[vector<16xi32>], vector<16xf32>,
        %mul3A_1302 = arith.mulf %gather3A_1300, %add3A_1063 : vector<16xf32>
        %add3A_1303 = arith.addf %mul3A_1302, %gather3A_1301 : vector<16xf32>
        %max3A_1304 = arith.constant 0.000000e+00 : f32
        %max3A_1305 = vector.broadcast %max3A_1304 : f32 to vector<16xf32>
        %max3A_1306 = arith.maximumf %add3A_1078, %max3A_1305 : vector<16xf32>
        %min3A_1307 = arith.constant 1.500000e+01 : f32
        %min3A_1308 = vector.broadcast %min3A_1307 : f32 to vector<16xf32>
        %min3A_1309 = arith.minimumf %max3A_1306, %min3A_1308 : vector<16xf32>
        %convert_element_type3A_1310 = arith.fptosi %min3A_1309 : vector<16xf32> to vector<16xi32>
        %mul3A_1311 = arith.constant 128 : i32
        %mul3A_1312 = vector.broadcast %mul3A_1311 : i32 to vector<16xi32>
        %mul3A_1313 = arith.muli %convert_element_type3A_1310, %mul3A_1312 : vector<16xi32>
        %add3A_1314 = arith.addi %mul3A_1313, %add3A_36 : vector<16xi32>
        %gather3A_1315 = tpu.vector_load_idx %arg8[%add3A_1314] : memref<2048xf32, #tpu.memory_space<vmem>>[vector<16xi32>], vector<16xf32>,
        %gather3A_1316 = tpu.vector_load_idx %arg9[%add3A_1314] : memref<2048xf32, #tpu.memory_space<vmem>>[vector<16xi32>], vector<16xf32>,
        %mul3A_1317 = arith.mulf %gather3A_1315, %add3A_1078 : vector<16xf32>
        %add3A_1318 = arith.addf %mul3A_1317, %gather3A_1316 : vector<16xf32>
        %max3A_1319 = arith.constant 0.000000e+00 : f32
        %max3A_1320 = vector.broadcast %max3A_1319 : f32 to vector<16xf32>
        %max3A_1321 = arith.maximumf %add3A_1093, %max3A_1320 : vector<16xf32>
        %min3A_1322 = arith.constant 1.500000e+01 : f32
        %min3A_1323 = vector.broadcast %min3A_1322 : f32 to vector<16xf32>
        %min3A_1324 = arith.minimumf %max3A_1321, %min3A_1323 : vector<16xf32>
        %convert_element_type3A_1325 = arith.fptosi %min3A_1324 : vector<16xf32> to vector<16xi32>
        %mul3A_1326 = arith.constant 128 : i32
        %mul3A_1327 = vector.broadcast %mul3A_1326 : i32 to vector<16xi32>
        %mul3A_1328 = arith.muli %convert_element_type3A_1325, %mul3A_1327 : vector<16xi32>
        %add3A_1329 = arith.addi %mul3A_1328, %add3A_39 : vector<16xi32>
        %gather3A_1330 = tpu.vector_load_idx %arg8[%add3A_1329] : memref<2048xf32, #tpu.memory_space<vmem>>[vector<16xi32>], vector<16xf32>,
        %gather3A_1331 = tpu.vector_load_idx %arg9[%add3A_1329] : memref<2048xf32, #tpu.memory_space<vmem>>[vector<16xi32>], vector<16xf32>,
        %mul3A_1332 = arith.mulf %gather3A_1330, %add3A_1093 : vector<16xf32>
        %add3A_1333 = arith.addf %mul3A_1332, %gather3A_1331 : vector<16xf32>
        %max3A_1334 = arith.constant 0.000000e+00 : f32
        %max3A_1335 = vector.broadcast %max3A_1334 : f32 to vector<16xf32>
        %max3A_1336 = arith.maximumf %add3A_1108, %max3A_1335 : vector<16xf32>
        %min3A_1337 = arith.constant 1.500000e+01 : f32
        %min3A_1338 = vector.broadcast %min3A_1337 : f32 to vector<16xf32>
        %min3A_1339 = arith.minimumf %max3A_1336, %min3A_1338 : vector<16xf32>
        %convert_element_type3A_1340 = arith.fptosi %min3A_1339 : vector<16xf32> to vector<16xi32>
        %mul3A_1341 = arith.constant 128 : i32
        %mul3A_1342 = vector.broadcast %mul3A_1341 : i32 to vector<16xi32>
        %mul3A_1343 = arith.muli %convert_element_type3A_1340, %mul3A_1342 : vector<16xi32>
        %add3A_1344 = arith.addi %mul3A_1343, %add3A_18 : vector<16xi32>
        %gather3A_1345 = tpu.vector_load_idx %arg8[%add3A_1344] : memref<2048xf32, #tpu.memory_space<vmem>>[vector<16xi32>], vector<16xf32>,
        %gather3A_1346 = tpu.vector_load_idx %arg9[%add3A_1344] : memref<2048xf32, #tpu.memory_space<vmem>>[vector<16xi32>], vector<16xf32>,
        %mul3A_1347 = arith.mulf %gather3A_1345, %add3A_1108 : vector<16xf32>
        %add3A_1348 = arith.addf %mul3A_1347, %gather3A_1346 : vector<16xf32>
        %max3A_1349 = arith.constant 0.000000e+00 : f32
        %max3A_1350 = vector.broadcast %max3A_1349 : f32 to vector<16xf32>
        %max3A_1351 = arith.maximumf %add3A_1123, %max3A_1350 : vector<16xf32>
        %min3A_1352 = arith.constant 1.500000e+01 : f32
        %min3A_1353 = vector.broadcast %min3A_1352 : f32 to vector<16xf32>
        %min3A_1354 = arith.minimumf %max3A_1351, %min3A_1353 : vector<16xf32>
        %convert_element_type3A_1355 = arith.fptosi %min3A_1354 : vector<16xf32> to vector<16xi32>
        %mul3A_1356 = arith.constant 128 : i32
        %mul3A_1357 = vector.broadcast %mul3A_1356 : i32 to vector<16xi32>
        %mul3A_1358 = arith.muli %convert_element_type3A_1355, %mul3A_1357 : vector<16xi32>
        %add3A_1359 = arith.addi %mul3A_1358, %add3A_21 : vector<16xi32>
        %gather3A_1360 = tpu.vector_load_idx %arg8[%add3A_1359] : memref<2048xf32, #tpu.memory_space<vmem>>[vector<16xi32>], vector<16xf32>,
        %gather3A_1361 = tpu.vector_load_idx %arg9[%add3A_1359] : memref<2048xf32, #tpu.memory_space<vmem>>[vector<16xi32>], vector<16xf32>,
        %mul3A_1362 = arith.mulf %gather3A_1360, %add3A_1123 : vector<16xf32>
        %add3A_1363 = arith.addf %mul3A_1362, %gather3A_1361 : vector<16xf32>
        %max3A_1364 = arith.constant 0.000000e+00 : f32
        %max3A_1365 = vector.broadcast %max3A_1364 : f32 to vector<16xf32>
        %max3A_1366 = arith.maximumf %add3A_1138, %max3A_1365 : vector<16xf32>
        %min3A_1367 = arith.constant 1.500000e+01 : f32
        %min3A_1368 = vector.broadcast %min3A_1367 : f32 to vector<16xf32>
        %min3A_1369 = arith.minimumf %max3A_1366, %min3A_1368 : vector<16xf32>
        %convert_element_type3A_1370 = arith.fptosi %min3A_1369 : vector<16xf32> to vector<16xi32>
        %mul3A_1371 = arith.constant 128 : i32
        %mul3A_1372 = vector.broadcast %mul3A_1371 : i32 to vector<16xi32>
        %mul3A_1373 = arith.muli %convert_element_type3A_1370, %mul3A_1372 : vector<16xi32>
        %add3A_1374 = arith.addi %mul3A_1373, %add3A_24 : vector<16xi32>
        %gather3A_1375 = tpu.vector_load_idx %arg8[%add3A_1374] : memref<2048xf32, #tpu.memory_space<vmem>>[vector<16xi32>], vector<16xf32>,
        %gather3A_1376 = tpu.vector_load_idx %arg9[%add3A_1374] : memref<2048xf32, #tpu.memory_space<vmem>>[vector<16xi32>], vector<16xf32>,
        %mul3A_1377 = arith.mulf %gather3A_1375, %add3A_1138 : vector<16xf32>
        %add3A_1378 = arith.addf %mul3A_1377, %gather3A_1376 : vector<16xf32>
        %max3A_1379 = arith.constant 0.000000e+00 : f32
        %max3A_1380 = vector.broadcast %max3A_1379 : f32 to vector<16xf32>
        %max3A_1381 = arith.maximumf %add3A_1153, %max3A_1380 : vector<16xf32>
        %min3A_1382 = arith.constant 1.500000e+01 : f32
        %min3A_1383 = vector.broadcast %min3A_1382 : f32 to vector<16xf32>
        %min3A_1384 = arith.minimumf %max3A_1381, %min3A_1383 : vector<16xf32>
        %convert_element_type3A_1385 = arith.fptosi %min3A_1384 : vector<16xf32> to vector<16xi32>
        %mul3A_1386 = arith.constant 128 : i32
        %mul3A_1387 = vector.broadcast %mul3A_1386 : i32 to vector<16xi32>
        %mul3A_1388 = arith.muli %convert_element_type3A_1385, %mul3A_1387 : vector<16xi32>
        %add3A_1389 = arith.addi %mul3A_1388, %add3A_27 : vector<16xi32>
        %gather3A_1390 = tpu.vector_load_idx %arg8[%add3A_1389] : memref<2048xf32, #tpu.memory_space<vmem>>[vector<16xi32>], vector<16xf32>,
        %gather3A_1391 = tpu.vector_load_idx %arg9[%add3A_1389] : memref<2048xf32, #tpu.memory_space<vmem>>[vector<16xi32>], vector<16xf32>,
        %mul3A_1392 = arith.mulf %gather3A_1390, %add3A_1153 : vector<16xf32>
        %add3A_1393 = arith.addf %mul3A_1392, %gather3A_1391 : vector<16xf32>
        %max3A_1394 = arith.constant 0.000000e+00 : f32
        %max3A_1395 = vector.broadcast %max3A_1394 : f32 to vector<16xf32>
        %max3A_1396 = arith.maximumf %add3A_1168, %max3A_1395 : vector<16xf32>
        %min3A_1397 = arith.constant 1.500000e+01 : f32
        %min3A_1398 = vector.broadcast %min3A_1397 : f32 to vector<16xf32>
        %min3A_1399 = arith.minimumf %max3A_1396, %min3A_1398 : vector<16xf32>
        %convert_element_type3A_1400 = arith.fptosi %min3A_1399 : vector<16xf32> to vector<16xi32>
        %mul3A_1401 = arith.constant 128 : i32
        %mul3A_1402 = vector.broadcast %mul3A_1401 : i32 to vector<16xi32>
        %mul3A_1403 = arith.muli %convert_element_type3A_1400, %mul3A_1402 : vector<16xi32>
        %add3A_1404 = arith.addi %mul3A_1403, %add3A_30 : vector<16xi32>
        %gather3A_1405 = tpu.vector_load_idx %arg8[%add3A_1404] : memref<2048xf32, #tpu.memory_space<vmem>>[vector<16xi32>], vector<16xf32>,
        %gather3A_1406 = tpu.vector_load_idx %arg9[%add3A_1404] : memref<2048xf32, #tpu.memory_space<vmem>>[vector<16xi32>], vector<16xf32>,
        %mul3A_1407 = arith.mulf %gather3A_1405, %add3A_1168 : vector<16xf32>
        %add3A_1408 = arith.addf %mul3A_1407, %gather3A_1406 : vector<16xf32>
        %max3A_1409 = arith.constant 0.000000e+00 : f32
        %max3A_1410 = vector.broadcast %max3A_1409 : f32 to vector<16xf32>
        %max3A_1411 = arith.maximumf %add3A_1183, %max3A_1410 : vector<16xf32>
        %min3A_1412 = arith.constant 1.500000e+01 : f32
        %min3A_1413 = vector.broadcast %min3A_1412 : f32 to vector<16xf32>
        %min3A_1414 = arith.minimumf %max3A_1411, %min3A_1413 : vector<16xf32>
        %convert_element_type3A_1415 = arith.fptosi %min3A_1414 : vector<16xf32> to vector<16xi32>
        %mul3A_1416 = arith.constant 128 : i32
        %mul3A_1417 = vector.broadcast %mul3A_1416 : i32 to vector<16xi32>
        %mul3A_1418 = arith.muli %convert_element_type3A_1415, %mul3A_1417 : vector<16xi32>
        %add3A_1419 = arith.addi %mul3A_1418, %add3A_33 : vector<16xi32>
        %gather3A_1420 = tpu.vector_load_idx %arg8[%add3A_1419] : memref<2048xf32, #tpu.memory_space<vmem>>[vector<16xi32>], vector<16xf32>,
        %gather3A_1421 = tpu.vector_load_idx %arg9[%add3A_1419] : memref<2048xf32, #tpu.memory_space<vmem>>[vector<16xi32>], vector<16xf32>,
        %mul3A_1422 = arith.mulf %gather3A_1420, %add3A_1183 : vector<16xf32>
        %add3A_1423 = arith.addf %mul3A_1422, %gather3A_1421 : vector<16xf32>
        %max3A_1424 = arith.constant 0.000000e+00 : f32
        %max3A_1425 = vector.broadcast %max3A_1424 : f32 to vector<16xf32>
        %max3A_1426 = arith.maximumf %add3A_1198, %max3A_1425 : vector<16xf32>
        %min3A_1427 = arith.constant 1.500000e+01 : f32
        %min3A_1428 = vector.broadcast %min3A_1427 : f32 to vector<16xf32>
        %min3A_1429 = arith.minimumf %max3A_1426, %min3A_1428 : vector<16xf32>
        %convert_element_type3A_1430 = arith.fptosi %min3A_1429 : vector<16xf32> to vector<16xi32>
        %mul3A_1431 = arith.constant 128 : i32
        %mul3A_1432 = vector.broadcast %mul3A_1431 : i32 to vector<16xi32>
        %mul3A_1433 = arith.muli %convert_element_type3A_1430, %mul3A_1432 : vector<16xi32>
        %add3A_1434 = arith.addi %mul3A_1433, %add3A_36 : vector<16xi32>
        %gather3A_1435 = tpu.vector_load_idx %arg8[%add3A_1434] : memref<2048xf32, #tpu.memory_space<vmem>>[vector<16xi32>], vector<16xf32>,
        %gather3A_1436 = tpu.vector_load_idx %arg9[%add3A_1434] : memref<2048xf32, #tpu.memory_space<vmem>>[vector<16xi32>], vector<16xf32>,
        %mul3A_1437 = arith.mulf %gather3A_1435, %add3A_1198 : vector<16xf32>
        %add3A_1438 = arith.addf %mul3A_1437, %gather3A_1436 : vector<16xf32>
        %max3A_1439 = arith.constant 0.000000e+00 : f32
        %max3A_1440 = vector.broadcast %max3A_1439 : f32 to vector<16xf32>
        %max3A_1441 = arith.maximumf %add3A_1213, %max3A_1440 : vector<16xf32>
        %min3A_1442 = arith.constant 1.500000e+01 : f32
        %min3A_1443 = vector.broadcast %min3A_1442 : f32 to vector<16xf32>
        %min3A_1444 = arith.minimumf %max3A_1441, %min3A_1443 : vector<16xf32>
        %convert_element_type3A_1445 = arith.fptosi %min3A_1444 : vector<16xf32> to vector<16xi32>
        %mul3A_1446 = arith.constant 128 : i32
        %mul3A_1447 = vector.broadcast %mul3A_1446 : i32 to vector<16xi32>
        %mul3A_1448 = arith.muli %convert_element_type3A_1445, %mul3A_1447 : vector<16xi32>
        %add3A_1449 = arith.addi %mul3A_1448, %add3A_39 : vector<16xi32>
        %gather3A_1450 = tpu.vector_load_idx %arg8[%add3A_1449] : memref<2048xf32, #tpu.memory_space<vmem>>[vector<16xi32>], vector<16xf32>,
        %gather3A_1451 = tpu.vector_load_idx %arg9[%add3A_1449] : memref<2048xf32, #tpu.memory_space<vmem>>[vector<16xi32>], vector<16xf32>,
        %mul3A_1452 = arith.mulf %gather3A_1450, %add3A_1213 : vector<16xf32>
        %add3A_1453 = arith.addf %mul3A_1452, %gather3A_1451 : vector<16xf32>
        %max3A_1454 = arith.constant 0.000000e+00 : f32
        %max3A_1455 = vector.broadcast %max3A_1454 : f32 to vector<16xf32>
        %max3A_1456 = arith.maximumf %add3A_1228, %max3A_1455 : vector<16xf32>
        %min3A_1457 = arith.constant 1.500000e+01 : f32
        %min3A_1458 = vector.broadcast %min3A_1457 : f32 to vector<16xf32>
        %min3A_1459 = arith.minimumf %max3A_1456, %min3A_1458 : vector<16xf32>
        %convert_element_type3A_1460 = arith.fptosi %min3A_1459 : vector<16xf32> to vector<16xi32>
        %mul3A_1461 = arith.constant 128 : i32
        %mul3A_1462 = vector.broadcast %mul3A_1461 : i32 to vector<16xi32>
        %mul3A_1463 = arith.muli %convert_element_type3A_1460, %mul3A_1462 : vector<16xi32>
        %add3A_1464 = arith.addi %mul3A_1463, %add3A_18 : vector<16xi32>
        %gather3A_1465 = tpu.vector_load_idx %arg8[%add3A_1464] : memref<2048xf32, #tpu.memory_space<vmem>>[vector<16xi32>], vector<16xf32>,
        %gather3A_1466 = tpu.vector_load_idx %arg9[%add3A_1464] : memref<2048xf32, #tpu.memory_space<vmem>>[vector<16xi32>], vector<16xf32>,
        %mul3A_1467 = arith.mulf %gather3A_1465, %add3A_1228 : vector<16xf32>
        %add3A_1468 = arith.addf %mul3A_1467, %gather3A_1466 : vector<16xf32>
        %max3A_1469 = arith.constant 0.000000e+00 : f32
        %max3A_1470 = vector.broadcast %max3A_1469 : f32 to vector<16xf32>
        %max3A_1471 = arith.maximumf %add3A_1243, %max3A_1470 : vector<16xf32>
        %min3A_1472 = arith.constant 1.500000e+01 : f32
        %min3A_1473 = vector.broadcast %min3A_1472 : f32 to vector<16xf32>
        %min3A_1474 = arith.minimumf %max3A_1471, %min3A_1473 : vector<16xf32>
        %convert_element_type3A_1475 = arith.fptosi %min3A_1474 : vector<16xf32> to vector<16xi32>
        %mul3A_1476 = arith.constant 128 : i32
        %mul3A_1477 = vector.broadcast %mul3A_1476 : i32 to vector<16xi32>
        %mul3A_1478 = arith.muli %convert_element_type3A_1475, %mul3A_1477 : vector<16xi32>
        %add3A_1479 = arith.addi %mul3A_1478, %add3A_21 : vector<16xi32>
        %gather3A_1480 = tpu.vector_load_idx %arg8[%add3A_1479] : memref<2048xf32, #tpu.memory_space<vmem>>[vector<16xi32>], vector<16xf32>,
        %gather3A_1481 = tpu.vector_load_idx %arg9[%add3A_1479] : memref<2048xf32, #tpu.memory_space<vmem>>[vector<16xi32>], vector<16xf32>,
        %mul3A_1482 = arith.mulf %gather3A_1480, %add3A_1243 : vector<16xf32>
        %add3A_1483 = arith.addf %mul3A_1482, %gather3A_1481 : vector<16xf32>
        %max3A_1484 = arith.constant 0.000000e+00 : f32
        %max3A_1485 = vector.broadcast %max3A_1484 : f32 to vector<16xf32>
        %max3A_1486 = arith.maximumf %add3A_1258, %max3A_1485 : vector<16xf32>
        %min3A_1487 = arith.constant 1.500000e+01 : f32
        %min3A_1488 = vector.broadcast %min3A_1487 : f32 to vector<16xf32>
        %min3A_1489 = arith.minimumf %max3A_1486, %min3A_1488 : vector<16xf32>
        %convert_element_type3A_1490 = arith.fptosi %min3A_1489 : vector<16xf32> to vector<16xi32>
        %mul3A_1491 = arith.constant 128 : i32
        %mul3A_1492 = vector.broadcast %mul3A_1491 : i32 to vector<16xi32>
        %mul3A_1493 = arith.muli %convert_element_type3A_1490, %mul3A_1492 : vector<16xi32>
        %add3A_1494 = arith.addi %mul3A_1493, %add3A_24 : vector<16xi32>
        %gather3A_1495 = tpu.vector_load_idx %arg8[%add3A_1494] : memref<2048xf32, #tpu.memory_space<vmem>>[vector<16xi32>], vector<16xf32>,
        %gather3A_1496 = tpu.vector_load_idx %arg9[%add3A_1494] : memref<2048xf32, #tpu.memory_space<vmem>>[vector<16xi32>], vector<16xf32>,
        %mul3A_1497 = arith.mulf %gather3A_1495, %add3A_1258 : vector<16xf32>
        %add3A_1498 = arith.addf %mul3A_1497, %gather3A_1496 : vector<16xf32>
        %max3A_1499 = arith.constant 0.000000e+00 : f32
        %max3A_1500 = vector.broadcast %max3A_1499 : f32 to vector<16xf32>
        %max3A_1501 = arith.maximumf %add3A_1273, %max3A_1500 : vector<16xf32>
        %min3A_1502 = arith.constant 1.500000e+01 : f32
        %min3A_1503 = vector.broadcast %min3A_1502 : f32 to vector<16xf32>
        %min3A_1504 = arith.minimumf %max3A_1501, %min3A_1503 : vector<16xf32>
        %convert_element_type3A_1505 = arith.fptosi %min3A_1504 : vector<16xf32> to vector<16xi32>
        %mul3A_1506 = arith.constant 128 : i32
        %mul3A_1507 = vector.broadcast %mul3A_1506 : i32 to vector<16xi32>
        %mul3A_1508 = arith.muli %convert_element_type3A_1505, %mul3A_1507 : vector<16xi32>
        %add3A_1509 = arith.addi %mul3A_1508, %add3A_27 : vector<16xi32>
        %gather3A_1510 = tpu.vector_load_idx %arg8[%add3A_1509] : memref<2048xf32, #tpu.memory_space<vmem>>[vector<16xi32>], vector<16xf32>,
        %gather3A_1511 = tpu.vector_load_idx %arg9[%add3A_1509] : memref<2048xf32, #tpu.memory_space<vmem>>[vector<16xi32>], vector<16xf32>,
        %mul3A_1512 = arith.mulf %gather3A_1510, %add3A_1273 : vector<16xf32>
        %add3A_1513 = arith.addf %mul3A_1512, %gather3A_1511 : vector<16xf32>
        %max3A_1514 = arith.constant 0.000000e+00 : f32
        %max3A_1515 = vector.broadcast %max3A_1514 : f32 to vector<16xf32>
        %max3A_1516 = arith.maximumf %add3A_1288, %max3A_1515 : vector<16xf32>
        %min3A_1517 = arith.constant 1.500000e+01 : f32
        %min3A_1518 = vector.broadcast %min3A_1517 : f32 to vector<16xf32>
        %min3A_1519 = arith.minimumf %max3A_1516, %min3A_1518 : vector<16xf32>
        %convert_element_type3A_1520 = arith.fptosi %min3A_1519 : vector<16xf32> to vector<16xi32>
        %mul3A_1521 = arith.constant 128 : i32
        %mul3A_1522 = vector.broadcast %mul3A_1521 : i32 to vector<16xi32>
        %mul3A_1523 = arith.muli %convert_element_type3A_1520, %mul3A_1522 : vector<16xi32>
        %add3A_1524 = arith.addi %mul3A_1523, %add3A_30 : vector<16xi32>
        %gather3A_1525 = tpu.vector_load_idx %arg8[%add3A_1524] : memref<2048xf32, #tpu.memory_space<vmem>>[vector<16xi32>], vector<16xf32>,
        %gather3A_1526 = tpu.vector_load_idx %arg9[%add3A_1524] : memref<2048xf32, #tpu.memory_space<vmem>>[vector<16xi32>], vector<16xf32>,
        %mul3A_1527 = arith.mulf %gather3A_1525, %add3A_1288 : vector<16xf32>
        %add3A_1528 = arith.addf %mul3A_1527, %gather3A_1526 : vector<16xf32>
        %max3A_1529 = arith.constant 0.000000e+00 : f32
        %max3A_1530 = vector.broadcast %max3A_1529 : f32 to vector<16xf32>
        %max3A_1531 = arith.maximumf %add3A_1303, %max3A_1530 : vector<16xf32>
        %min3A_1532 = arith.constant 1.500000e+01 : f32
        %min3A_1533 = vector.broadcast %min3A_1532 : f32 to vector<16xf32>
        %min3A_1534 = arith.minimumf %max3A_1531, %min3A_1533 : vector<16xf32>
        %convert_element_type3A_1535 = arith.fptosi %min3A_1534 : vector<16xf32> to vector<16xi32>
        %mul3A_1536 = arith.constant 128 : i32
        %mul3A_1537 = vector.broadcast %mul3A_1536 : i32 to vector<16xi32>
        %mul3A_1538 = arith.muli %convert_element_type3A_1535, %mul3A_1537 : vector<16xi32>
        %add3A_1539 = arith.addi %mul3A_1538, %add3A_33 : vector<16xi32>
        %gather3A_1540 = tpu.vector_load_idx %arg8[%add3A_1539] : memref<2048xf32, #tpu.memory_space<vmem>>[vector<16xi32>], vector<16xf32>,
        %gather3A_1541 = tpu.vector_load_idx %arg9[%add3A_1539] : memref<2048xf32, #tpu.memory_space<vmem>>[vector<16xi32>], vector<16xf32>,
        %mul3A_1542 = arith.mulf %gather3A_1540, %add3A_1303 : vector<16xf32>
        %add3A_1543 = arith.addf %mul3A_1542, %gather3A_1541 : vector<16xf32>
        %max3A_1544 = arith.constant 0.000000e+00 : f32
        %max3A_1545 = vector.broadcast %max3A_1544 : f32 to vector<16xf32>
        %max3A_1546 = arith.maximumf %add3A_1318, %max3A_1545 : vector<16xf32>
        %min3A_1547 = arith.constant 1.500000e+01 : f32
        %min3A_1548 = vector.broadcast %min3A_1547 : f32 to vector<16xf32>
        %min3A_1549 = arith.minimumf %max3A_1546, %min3A_1548 : vector<16xf32>
        %convert_element_type3A_1550 = arith.fptosi %min3A_1549 : vector<16xf32> to vector<16xi32>
        %mul3A_1551 = arith.constant 128 : i32
        %mul3A_1552 = vector.broadcast %mul3A_1551 : i32 to vector<16xi32>
        %mul3A_1553 = arith.muli %convert_element_type3A_1550, %mul3A_1552 : vector<16xi32>
        %add3A_1554 = arith.addi %mul3A_1553, %add3A_36 : vector<16xi32>
        %gather3A_1555 = tpu.vector_load_idx %arg8[%add3A_1554] : memref<2048xf32, #tpu.memory_space<vmem>>[vector<16xi32>], vector<16xf32>,
        %gather3A_1556 = tpu.vector_load_idx %arg9[%add3A_1554] : memref<2048xf32, #tpu.memory_space<vmem>>[vector<16xi32>], vector<16xf32>,
        %mul3A_1557 = arith.mulf %gather3A_1555, %add3A_1318 : vector<16xf32>
        %add3A_1558 = arith.addf %mul3A_1557, %gather3A_1556 : vector<16xf32>
        %max3A_1559 = arith.constant 0.000000e+00 : f32
        %max3A_1560 = vector.broadcast %max3A_1559 : f32 to vector<16xf32>
        %max3A_1561 = arith.maximumf %add3A_1333, %max3A_1560 : vector<16xf32>
        %min3A_1562 = arith.constant 1.500000e+01 : f32
        %min3A_1563 = vector.broadcast %min3A_1562 : f32 to vector<16xf32>
        %min3A_1564 = arith.minimumf %max3A_1561, %min3A_1563 : vector<16xf32>
        %convert_element_type3A_1565 = arith.fptosi %min3A_1564 : vector<16xf32> to vector<16xi32>
        %mul3A_1566 = arith.constant 128 : i32
        %mul3A_1567 = vector.broadcast %mul3A_1566 : i32 to vector<16xi32>
        %mul3A_1568 = arith.muli %convert_element_type3A_1565, %mul3A_1567 : vector<16xi32>
        %add3A_1569 = arith.addi %mul3A_1568, %add3A_39 : vector<16xi32>
        %gather3A_1570 = tpu.vector_load_idx %arg8[%add3A_1569] : memref<2048xf32, #tpu.memory_space<vmem>>[vector<16xi32>], vector<16xf32>,
        %gather3A_1571 = tpu.vector_load_idx %arg9[%add3A_1569] : memref<2048xf32, #tpu.memory_space<vmem>>[vector<16xi32>], vector<16xf32>,
        %mul3A_1572 = arith.mulf %gather3A_1570, %add3A_1333 : vector<16xf32>
        %add3A_1573 = arith.addf %mul3A_1572, %gather3A_1571 : vector<16xf32>
        %max3A_1574 = arith.constant 0.000000e+00 : f32
        %max3A_1575 = vector.broadcast %max3A_1574 : f32 to vector<16xf32>
        %max3A_1576 = arith.maximumf %add3A_1348, %max3A_1575 : vector<16xf32>
        %min3A_1577 = arith.constant 1.500000e+01 : f32
        %min3A_1578 = vector.broadcast %min3A_1577 : f32 to vector<16xf32>
        %min3A_1579 = arith.minimumf %max3A_1576, %min3A_1578 : vector<16xf32>
        %convert_element_type3A_1580 = arith.fptosi %min3A_1579 : vector<16xf32> to vector<16xi32>
        %mul3A_1581 = arith.constant 128 : i32
        %mul3A_1582 = vector.broadcast %mul3A_1581 : i32 to vector<16xi32>
        %mul3A_1583 = arith.muli %convert_element_type3A_1580, %mul3A_1582 : vector<16xi32>
        %add3A_1584 = arith.addi %mul3A_1583, %add3A_18 : vector<16xi32>
        %gather3A_1585 = tpu.vector_load_idx %arg8[%add3A_1584] : memref<2048xf32, #tpu.memory_space<vmem>>[vector<16xi32>], vector<16xf32>,
        %gather3A_1586 = tpu.vector_load_idx %arg9[%add3A_1584] : memref<2048xf32, #tpu.memory_space<vmem>>[vector<16xi32>], vector<16xf32>,
        %mul3A_1587 = arith.mulf %gather3A_1585, %add3A_1348 : vector<16xf32>
        %add3A_1588 = arith.addf %mul3A_1587, %gather3A_1586 : vector<16xf32>
        %max3A_1589 = arith.constant 0.000000e+00 : f32
        %max3A_1590 = vector.broadcast %max3A_1589 : f32 to vector<16xf32>
        %max3A_1591 = arith.maximumf %add3A_1363, %max3A_1590 : vector<16xf32>
        %min3A_1592 = arith.constant 1.500000e+01 : f32
        %min3A_1593 = vector.broadcast %min3A_1592 : f32 to vector<16xf32>
        %min3A_1594 = arith.minimumf %max3A_1591, %min3A_1593 : vector<16xf32>
        %convert_element_type3A_1595 = arith.fptosi %min3A_1594 : vector<16xf32> to vector<16xi32>
        %mul3A_1596 = arith.constant 128 : i32
        %mul3A_1597 = vector.broadcast %mul3A_1596 : i32 to vector<16xi32>
        %mul3A_1598 = arith.muli %convert_element_type3A_1595, %mul3A_1597 : vector<16xi32>
        %add3A_1599 = arith.addi %mul3A_1598, %add3A_21 : vector<16xi32>
        %gather3A_1600 = tpu.vector_load_idx %arg8[%add3A_1599] : memref<2048xf32, #tpu.memory_space<vmem>>[vector<16xi32>], vector<16xf32>,
        %gather3A_1601 = tpu.vector_load_idx %arg9[%add3A_1599] : memref<2048xf32, #tpu.memory_space<vmem>>[vector<16xi32>], vector<16xf32>,
        %mul3A_1602 = arith.mulf %gather3A_1600, %add3A_1363 : vector<16xf32>
        %add3A_1603 = arith.addf %mul3A_1602, %gather3A_1601 : vector<16xf32>
        %max3A_1604 = arith.constant 0.000000e+00 : f32
        %max3A_1605 = vector.broadcast %max3A_1604 : f32 to vector<16xf32>
        %max3A_1606 = arith.maximumf %add3A_1378, %max3A_1605 : vector<16xf32>
        %min3A_1607 = arith.constant 1.500000e+01 : f32
        %min3A_1608 = vector.broadcast %min3A_1607 : f32 to vector<16xf32>
        %min3A_1609 = arith.minimumf %max3A_1606, %min3A_1608 : vector<16xf32>
        %convert_element_type3A_1610 = arith.fptosi %min3A_1609 : vector<16xf32> to vector<16xi32>
        %mul3A_1611 = arith.constant 128 : i32
        %mul3A_1612 = vector.broadcast %mul3A_1611 : i32 to vector<16xi32>
        %mul3A_1613 = arith.muli %convert_element_type3A_1610, %mul3A_1612 : vector<16xi32>
        %add3A_1614 = arith.addi %mul3A_1613, %add3A_24 : vector<16xi32>
        %gather3A_1615 = tpu.vector_load_idx %arg8[%add3A_1614] : memref<2048xf32, #tpu.memory_space<vmem>>[vector<16xi32>], vector<16xf32>,
        %gather3A_1616 = tpu.vector_load_idx %arg9[%add3A_1614] : memref<2048xf32, #tpu.memory_space<vmem>>[vector<16xi32>], vector<16xf32>,
        %mul3A_1617 = arith.mulf %gather3A_1615, %add3A_1378 : vector<16xf32>
        %add3A_1618 = arith.addf %mul3A_1617, %gather3A_1616 : vector<16xf32>
        %max3A_1619 = arith.constant 0.000000e+00 : f32
        %max3A_1620 = vector.broadcast %max3A_1619 : f32 to vector<16xf32>
        %max3A_1621 = arith.maximumf %add3A_1393, %max3A_1620 : vector<16xf32>
        %min3A_1622 = arith.constant 1.500000e+01 : f32
        %min3A_1623 = vector.broadcast %min3A_1622 : f32 to vector<16xf32>
        %min3A_1624 = arith.minimumf %max3A_1621, %min3A_1623 : vector<16xf32>
        %convert_element_type3A_1625 = arith.fptosi %min3A_1624 : vector<16xf32> to vector<16xi32>
        %mul3A_1626 = arith.constant 128 : i32
        %mul3A_1627 = vector.broadcast %mul3A_1626 : i32 to vector<16xi32>
        %mul3A_1628 = arith.muli %convert_element_type3A_1625, %mul3A_1627 : vector<16xi32>
        %add3A_1629 = arith.addi %mul3A_1628, %add3A_27 : vector<16xi32>
        %gather3A_1630 = tpu.vector_load_idx %arg8[%add3A_1629] : memref<2048xf32, #tpu.memory_space<vmem>>[vector<16xi32>], vector<16xf32>,
        %gather3A_1631 = tpu.vector_load_idx %arg9[%add3A_1629] : memref<2048xf32, #tpu.memory_space<vmem>>[vector<16xi32>], vector<16xf32>,
        %mul3A_1632 = arith.mulf %gather3A_1630, %add3A_1393 : vector<16xf32>
        %add3A_1633 = arith.addf %mul3A_1632, %gather3A_1631 : vector<16xf32>
        %max3A_1634 = arith.constant 0.000000e+00 : f32
        %max3A_1635 = vector.broadcast %max3A_1634 : f32 to vector<16xf32>
        %max3A_1636 = arith.maximumf %add3A_1408, %max3A_1635 : vector<16xf32>
        %min3A_1637 = arith.constant 1.500000e+01 : f32
        %min3A_1638 = vector.broadcast %min3A_1637 : f32 to vector<16xf32>
        %min3A_1639 = arith.minimumf %max3A_1636, %min3A_1638 : vector<16xf32>
        %convert_element_type3A_1640 = arith.fptosi %min3A_1639 : vector<16xf32> to vector<16xi32>
        %mul3A_1641 = arith.constant 128 : i32
        %mul3A_1642 = vector.broadcast %mul3A_1641 : i32 to vector<16xi32>
        %mul3A_1643 = arith.muli %convert_element_type3A_1640, %mul3A_1642 : vector<16xi32>
        %add3A_1644 = arith.addi %mul3A_1643, %add3A_30 : vector<16xi32>
        %gather3A_1645 = tpu.vector_load_idx %arg8[%add3A_1644] : memref<2048xf32, #tpu.memory_space<vmem>>[vector<16xi32>], vector<16xf32>,
        %gather3A_1646 = tpu.vector_load_idx %arg9[%add3A_1644] : memref<2048xf32, #tpu.memory_space<vmem>>[vector<16xi32>], vector<16xf32>,
        %mul3A_1647 = arith.mulf %gather3A_1645, %add3A_1408 : vector<16xf32>
        %add3A_1648 = arith.addf %mul3A_1647, %gather3A_1646 : vector<16xf32>
        %max3A_1649 = arith.constant 0.000000e+00 : f32
        %max3A_1650 = vector.broadcast %max3A_1649 : f32 to vector<16xf32>
        %max3A_1651 = arith.maximumf %add3A_1423, %max3A_1650 : vector<16xf32>
        %min3A_1652 = arith.constant 1.500000e+01 : f32
        %min3A_1653 = vector.broadcast %min3A_1652 : f32 to vector<16xf32>
        %min3A_1654 = arith.minimumf %max3A_1651, %min3A_1653 : vector<16xf32>
        %convert_element_type3A_1655 = arith.fptosi %min3A_1654 : vector<16xf32> to vector<16xi32>
        %mul3A_1656 = arith.constant 128 : i32
        %mul3A_1657 = vector.broadcast %mul3A_1656 : i32 to vector<16xi32>
        %mul3A_1658 = arith.muli %convert_element_type3A_1655, %mul3A_1657 : vector<16xi32>
        %add3A_1659 = arith.addi %mul3A_1658, %add3A_33 : vector<16xi32>
        %gather3A_1660 = tpu.vector_load_idx %arg8[%add3A_1659] : memref<2048xf32, #tpu.memory_space<vmem>>[vector<16xi32>], vector<16xf32>,
        %gather3A_1661 = tpu.vector_load_idx %arg9[%add3A_1659] : memref<2048xf32, #tpu.memory_space<vmem>>[vector<16xi32>], vector<16xf32>,
        %mul3A_1662 = arith.mulf %gather3A_1660, %add3A_1423 : vector<16xf32>
        %add3A_1663 = arith.addf %mul3A_1662, %gather3A_1661 : vector<16xf32>
        %max3A_1664 = arith.constant 0.000000e+00 : f32
        %max3A_1665 = vector.broadcast %max3A_1664 : f32 to vector<16xf32>
        %max3A_1666 = arith.maximumf %add3A_1438, %max3A_1665 : vector<16xf32>
        %min3A_1667 = arith.constant 1.500000e+01 : f32
        %min3A_1668 = vector.broadcast %min3A_1667 : f32 to vector<16xf32>
        %min3A_1669 = arith.minimumf %max3A_1666, %min3A_1668 : vector<16xf32>
        %convert_element_type3A_1670 = arith.fptosi %min3A_1669 : vector<16xf32> to vector<16xi32>
        %mul3A_1671 = arith.constant 128 : i32
        %mul3A_1672 = vector.broadcast %mul3A_1671 : i32 to vector<16xi32>
        %mul3A_1673 = arith.muli %convert_element_type3A_1670, %mul3A_1672 : vector<16xi32>
        %add3A_1674 = arith.addi %mul3A_1673, %add3A_36 : vector<16xi32>
        %gather3A_1675 = tpu.vector_load_idx %arg8[%add3A_1674] : memref<2048xf32, #tpu.memory_space<vmem>>[vector<16xi32>], vector<16xf32>,
        %gather3A_1676 = tpu.vector_load_idx %arg9[%add3A_1674] : memref<2048xf32, #tpu.memory_space<vmem>>[vector<16xi32>], vector<16xf32>,
        %mul3A_1677 = arith.mulf %gather3A_1675, %add3A_1438 : vector<16xf32>
        %add3A_1678 = arith.addf %mul3A_1677, %gather3A_1676 : vector<16xf32>
        %max3A_1679 = arith.constant 0.000000e+00 : f32
        %max3A_1680 = vector.broadcast %max3A_1679 : f32 to vector<16xf32>
        %max3A_1681 = arith.maximumf %add3A_1453, %max3A_1680 : vector<16xf32>
        %min3A_1682 = arith.constant 1.500000e+01 : f32
        %min3A_1683 = vector.broadcast %min3A_1682 : f32 to vector<16xf32>
        %min3A_1684 = arith.minimumf %max3A_1681, %min3A_1683 : vector<16xf32>
        %convert_element_type3A_1685 = arith.fptosi %min3A_1684 : vector<16xf32> to vector<16xi32>
        %mul3A_1686 = arith.constant 128 : i32
        %mul3A_1687 = vector.broadcast %mul3A_1686 : i32 to vector<16xi32>
        %mul3A_1688 = arith.muli %convert_element_type3A_1685, %mul3A_1687 : vector<16xi32>
        %add3A_1689 = arith.addi %mul3A_1688, %add3A_39 : vector<16xi32>
        %gather3A_1690 = tpu.vector_load_idx %arg8[%add3A_1689] : memref<2048xf32, #tpu.memory_space<vmem>>[vector<16xi32>], vector<16xf32>,
        %gather3A_1691 = tpu.vector_load_idx %arg9[%add3A_1689] : memref<2048xf32, #tpu.memory_space<vmem>>[vector<16xi32>], vector<16xf32>,
        %mul3A_1692 = arith.mulf %gather3A_1690, %add3A_1453 : vector<16xf32>
        %add3A_1693 = arith.addf %mul3A_1692, %gather3A_1691 : vector<16xf32>
        %max3A_1694 = arith.constant 0.000000e+00 : f32
        %max3A_1695 = vector.broadcast %max3A_1694 : f32 to vector<16xf32>
        %max3A_1696 = arith.maximumf %add3A_1468, %max3A_1695 : vector<16xf32>
        %min3A_1697 = arith.constant 1.500000e+01 : f32
        %min3A_1698 = vector.broadcast %min3A_1697 : f32 to vector<16xf32>
        %min3A_1699 = arith.minimumf %max3A_1696, %min3A_1698 : vector<16xf32>
        %convert_element_type3A_1700 = arith.fptosi %min3A_1699 : vector<16xf32> to vector<16xi32>
        %mul3A_1701 = arith.constant 128 : i32
        %mul3A_1702 = vector.broadcast %mul3A_1701 : i32 to vector<16xi32>
        %mul3A_1703 = arith.muli %convert_element_type3A_1700, %mul3A_1702 : vector<16xi32>
        %add3A_1704 = arith.addi %mul3A_1703, %add3A_18 : vector<16xi32>
        %gather3A_1705 = tpu.vector_load_idx %arg8[%add3A_1704] : memref<2048xf32, #tpu.memory_space<vmem>>[vector<16xi32>], vector<16xf32>,
        %gather3A_1706 = tpu.vector_load_idx %arg9[%add3A_1704] : memref<2048xf32, #tpu.memory_space<vmem>>[vector<16xi32>], vector<16xf32>,
        %mul3A_1707 = arith.mulf %gather3A_1705, %add3A_1468 : vector<16xf32>
        %add3A_1708 = arith.addf %mul3A_1707, %gather3A_1706 : vector<16xf32>
        %max3A_1709 = arith.constant 0.000000e+00 : f32
        %max3A_1710 = vector.broadcast %max3A_1709 : f32 to vector<16xf32>
        %max3A_1711 = arith.maximumf %add3A_1483, %max3A_1710 : vector<16xf32>
        %min3A_1712 = arith.constant 1.500000e+01 : f32
        %min3A_1713 = vector.broadcast %min3A_1712 : f32 to vector<16xf32>
        %min3A_1714 = arith.minimumf %max3A_1711, %min3A_1713 : vector<16xf32>
        %convert_element_type3A_1715 = arith.fptosi %min3A_1714 : vector<16xf32> to vector<16xi32>
        %mul3A_1716 = arith.constant 128 : i32
        %mul3A_1717 = vector.broadcast %mul3A_1716 : i32 to vector<16xi32>
        %mul3A_1718 = arith.muli %convert_element_type3A_1715, %mul3A_1717 : vector<16xi32>
        %add3A_1719 = arith.addi %mul3A_1718, %add3A_21 : vector<16xi32>
        %gather3A_1720 = tpu.vector_load_idx %arg8[%add3A_1719] : memref<2048xf32, #tpu.memory_space<vmem>>[vector<16xi32>], vector<16xf32>,
        %gather3A_1721 = tpu.vector_load_idx %arg9[%add3A_1719] : memref<2048xf32, #tpu.memory_space<vmem>>[vector<16xi32>], vector<16xf32>,
        %mul3A_1722 = arith.mulf %gather3A_1720, %add3A_1483 : vector<16xf32>
        %add3A_1723 = arith.addf %mul3A_1722, %gather3A_1721 : vector<16xf32>
        %max3A_1724 = arith.constant 0.000000e+00 : f32
        %max3A_1725 = vector.broadcast %max3A_1724 : f32 to vector<16xf32>
        %max3A_1726 = arith.maximumf %add3A_1498, %max3A_1725 : vector<16xf32>
        %min3A_1727 = arith.constant 1.500000e+01 : f32
        %min3A_1728 = vector.broadcast %min3A_1727 : f32 to vector<16xf32>
        %min3A_1729 = arith.minimumf %max3A_1726, %min3A_1728 : vector<16xf32>
        %convert_element_type3A_1730 = arith.fptosi %min3A_1729 : vector<16xf32> to vector<16xi32>
        %mul3A_1731 = arith.constant 128 : i32
        %mul3A_1732 = vector.broadcast %mul3A_1731 : i32 to vector<16xi32>
        %mul3A_1733 = arith.muli %convert_element_type3A_1730, %mul3A_1732 : vector<16xi32>
        %add3A_1734 = arith.addi %mul3A_1733, %add3A_24 : vector<16xi32>
        %gather3A_1735 = tpu.vector_load_idx %arg8[%add3A_1734] : memref<2048xf32, #tpu.memory_space<vmem>>[vector<16xi32>], vector<16xf32>,
        %gather3A_1736 = tpu.vector_load_idx %arg9[%add3A_1734] : memref<2048xf32, #tpu.memory_space<vmem>>[vector<16xi32>], vector<16xf32>,
        %mul3A_1737 = arith.mulf %gather3A_1735, %add3A_1498 : vector<16xf32>
        %add3A_1738 = arith.addf %mul3A_1737, %gather3A_1736 : vector<16xf32>
        %max3A_1739 = arith.constant 0.000000e+00 : f32
        %max3A_1740 = vector.broadcast %max3A_1739 : f32 to vector<16xf32>
        %max3A_1741 = arith.maximumf %add3A_1513, %max3A_1740 : vector<16xf32>
        %min3A_1742 = arith.constant 1.500000e+01 : f32
        %min3A_1743 = vector.broadcast %min3A_1742 : f32 to vector<16xf32>
        %min3A_1744 = arith.minimumf %max3A_1741, %min3A_1743 : vector<16xf32>
        %convert_element_type3A_1745 = arith.fptosi %min3A_1744 : vector<16xf32> to vector<16xi32>
        %mul3A_1746 = arith.constant 128 : i32
        %mul3A_1747 = vector.broadcast %mul3A_1746 : i32 to vector<16xi32>
        %mul3A_1748 = arith.muli %convert_element_type3A_1745, %mul3A_1747 : vector<16xi32>
        %add3A_1749 = arith.addi %mul3A_1748, %add3A_27 : vector<16xi32>
        %gather3A_1750 = tpu.vector_load_idx %arg8[%add3A_1749] : memref<2048xf32, #tpu.memory_space<vmem>>[vector<16xi32>], vector<16xf32>,
        %gather3A_1751 = tpu.vector_load_idx %arg9[%add3A_1749] : memref<2048xf32, #tpu.memory_space<vmem>>[vector<16xi32>], vector<16xf32>,
        %mul3A_1752 = arith.mulf %gather3A_1750, %add3A_1513 : vector<16xf32>
        %add3A_1753 = arith.addf %mul3A_1752, %gather3A_1751 : vector<16xf32>
        %max3A_1754 = arith.constant 0.000000e+00 : f32
        %max3A_1755 = vector.broadcast %max3A_1754 : f32 to vector<16xf32>
        %max3A_1756 = arith.maximumf %add3A_1528, %max3A_1755 : vector<16xf32>
        %min3A_1757 = arith.constant 1.500000e+01 : f32
        %min3A_1758 = vector.broadcast %min3A_1757 : f32 to vector<16xf32>
        %min3A_1759 = arith.minimumf %max3A_1756, %min3A_1758 : vector<16xf32>
        %convert_element_type3A_1760 = arith.fptosi %min3A_1759 : vector<16xf32> to vector<16xi32>
        %mul3A_1761 = arith.constant 128 : i32
        %mul3A_1762 = vector.broadcast %mul3A_1761 : i32 to vector<16xi32>
        %mul3A_1763 = arith.muli %convert_element_type3A_1760, %mul3A_1762 : vector<16xi32>
        %add3A_1764 = arith.addi %mul3A_1763, %add3A_30 : vector<16xi32>
        %gather3A_1765 = tpu.vector_load_idx %arg8[%add3A_1764] : memref<2048xf32, #tpu.memory_space<vmem>>[vector<16xi32>], vector<16xf32>,
        %gather3A_1766 = tpu.vector_load_idx %arg9[%add3A_1764] : memref<2048xf32, #tpu.memory_space<vmem>>[vector<16xi32>], vector<16xf32>,
        %mul3A_1767 = arith.mulf %gather3A_1765, %add3A_1528 : vector<16xf32>
        %add3A_1768 = arith.addf %mul3A_1767, %gather3A_1766 : vector<16xf32>
        %max3A_1769 = arith.constant 0.000000e+00 : f32
        %max3A_1770 = vector.broadcast %max3A_1769 : f32 to vector<16xf32>
        %max3A_1771 = arith.maximumf %add3A_1543, %max3A_1770 : vector<16xf32>
        %min3A_1772 = arith.constant 1.500000e+01 : f32
        %min3A_1773 = vector.broadcast %min3A_1772 : f32 to vector<16xf32>
        %min3A_1774 = arith.minimumf %max3A_1771, %min3A_1773 : vector<16xf32>
        %convert_element_type3A_1775 = arith.fptosi %min3A_1774 : vector<16xf32> to vector<16xi32>
        %mul3A_1776 = arith.constant 128 : i32
        %mul3A_1777 = vector.broadcast %mul3A_1776 : i32 to vector<16xi32>
        %mul3A_1778 = arith.muli %convert_element_type3A_1775, %mul3A_1777 : vector<16xi32>
        %add3A_1779 = arith.addi %mul3A_1778, %add3A_33 : vector<16xi32>
        %gather3A_1780 = tpu.vector_load_idx %arg8[%add3A_1779] : memref<2048xf32, #tpu.memory_space<vmem>>[vector<16xi32>], vector<16xf32>,
        %gather3A_1781 = tpu.vector_load_idx %arg9[%add3A_1779] : memref<2048xf32, #tpu.memory_space<vmem>>[vector<16xi32>], vector<16xf32>,
        %mul3A_1782 = arith.mulf %gather3A_1780, %add3A_1543 : vector<16xf32>
        %add3A_1783 = arith.addf %mul3A_1782, %gather3A_1781 : vector<16xf32>
        %max3A_1784 = arith.constant 0.000000e+00 : f32
        %max3A_1785 = vector.broadcast %max3A_1784 : f32 to vector<16xf32>
        %max3A_1786 = arith.maximumf %add3A_1558, %max3A_1785 : vector<16xf32>
        %min3A_1787 = arith.constant 1.500000e+01 : f32
        %min3A_1788 = vector.broadcast %min3A_1787 : f32 to vector<16xf32>
        %min3A_1789 = arith.minimumf %max3A_1786, %min3A_1788 : vector<16xf32>
        %convert_element_type3A_1790 = arith.fptosi %min3A_1789 : vector<16xf32> to vector<16xi32>
        %mul3A_1791 = arith.constant 128 : i32
        %mul3A_1792 = vector.broadcast %mul3A_1791 : i32 to vector<16xi32>
        %mul3A_1793 = arith.muli %convert_element_type3A_1790, %mul3A_1792 : vector<16xi32>
        %add3A_1794 = arith.addi %mul3A_1793, %add3A_36 : vector<16xi32>
        %gather3A_1795 = tpu.vector_load_idx %arg8[%add3A_1794] : memref<2048xf32, #tpu.memory_space<vmem>>[vector<16xi32>], vector<16xf32>,
        %gather3A_1796 = tpu.vector_load_idx %arg9[%add3A_1794] : memref<2048xf32, #tpu.memory_space<vmem>>[vector<16xi32>], vector<16xf32>,
        %mul3A_1797 = arith.mulf %gather3A_1795, %add3A_1558 : vector<16xf32>
        %add3A_1798 = arith.addf %mul3A_1797, %gather3A_1796 : vector<16xf32>
        %max3A_1799 = arith.constant 0.000000e+00 : f32
        %max3A_1800 = vector.broadcast %max3A_1799 : f32 to vector<16xf32>
        %max3A_1801 = arith.maximumf %add3A_1573, %max3A_1800 : vector<16xf32>
        %min3A_1802 = arith.constant 1.500000e+01 : f32
        %min3A_1803 = vector.broadcast %min3A_1802 : f32 to vector<16xf32>
        %min3A_1804 = arith.minimumf %max3A_1801, %min3A_1803 : vector<16xf32>
        %convert_element_type3A_1805 = arith.fptosi %min3A_1804 : vector<16xf32> to vector<16xi32>
        %mul3A_1806 = arith.constant 128 : i32
        %mul3A_1807 = vector.broadcast %mul3A_1806 : i32 to vector<16xi32>
        %mul3A_1808 = arith.muli %convert_element_type3A_1805, %mul3A_1807 : vector<16xi32>
        %add3A_1809 = arith.addi %mul3A_1808, %add3A_39 : vector<16xi32>
        %gather3A_1810 = tpu.vector_load_idx %arg8[%add3A_1809] : memref<2048xf32, #tpu.memory_space<vmem>>[vector<16xi32>], vector<16xf32>,
        %gather3A_1811 = tpu.vector_load_idx %arg9[%add3A_1809] : memref<2048xf32, #tpu.memory_space<vmem>>[vector<16xi32>], vector<16xf32>,
        %mul3A_1812 = arith.mulf %gather3A_1810, %add3A_1573 : vector<16xf32>
        %add3A_1813 = arith.addf %mul3A_1812, %gather3A_1811 : vector<16xf32>
        %max3A_1814 = arith.constant 0.000000e+00 : f32
        %max3A_1815 = vector.broadcast %max3A_1814 : f32 to vector<16xf32>
        %max3A_1816 = arith.maximumf %add3A_1588, %max3A_1815 : vector<16xf32>
        %min3A_1817 = arith.constant 1.500000e+01 : f32
        %min3A_1818 = vector.broadcast %min3A_1817 : f32 to vector<16xf32>
        %min3A_1819 = arith.minimumf %max3A_1816, %min3A_1818 : vector<16xf32>
        %convert_element_type3A_1820 = arith.fptosi %min3A_1819 : vector<16xf32> to vector<16xi32>
        %mul3A_1821 = arith.constant 128 : i32
        %mul3A_1822 = vector.broadcast %mul3A_1821 : i32 to vector<16xi32>
        %mul3A_1823 = arith.muli %convert_element_type3A_1820, %mul3A_1822 : vector<16xi32>
        %add3A_1824 = arith.addi %mul3A_1823, %add3A_18 : vector<16xi32>
        %gather3A_1825 = tpu.vector_load_idx %arg8[%add3A_1824] : memref<2048xf32, #tpu.memory_space<vmem>>[vector<16xi32>], vector<16xf32>,
        %gather3A_1826 = tpu.vector_load_idx %arg9[%add3A_1824] : memref<2048xf32, #tpu.memory_space<vmem>>[vector<16xi32>], vector<16xf32>,
        %mul3A_1827 = arith.mulf %gather3A_1825, %add3A_1588 : vector<16xf32>
        %add3A_1828 = arith.addf %mul3A_1827, %gather3A_1826 : vector<16xf32>
        %max3A_1829 = arith.constant 0.000000e+00 : f32
        %max3A_1830 = vector.broadcast %max3A_1829 : f32 to vector<16xf32>
        %max3A_1831 = arith.maximumf %add3A_1603, %max3A_1830 : vector<16xf32>
        %min3A_1832 = arith.constant 1.500000e+01 : f32
        %min3A_1833 = vector.broadcast %min3A_1832 : f32 to vector<16xf32>
        %min3A_1834 = arith.minimumf %max3A_1831, %min3A_1833 : vector<16xf32>
        %convert_element_type3A_1835 = arith.fptosi %min3A_1834 : vector<16xf32> to vector<16xi32>
        %mul3A_1836 = arith.constant 128 : i32
        %mul3A_1837 = vector.broadcast %mul3A_1836 : i32 to vector<16xi32>
        %mul3A_1838 = arith.muli %convert_element_type3A_1835, %mul3A_1837 : vector<16xi32>
        %add3A_1839 = arith.addi %mul3A_1838, %add3A_21 : vector<16xi32>
        %gather3A_1840 = tpu.vector_load_idx %arg8[%add3A_1839] : memref<2048xf32, #tpu.memory_space<vmem>>[vector<16xi32>], vector<16xf32>,
        %gather3A_1841 = tpu.vector_load_idx %arg9[%add3A_1839] : memref<2048xf32, #tpu.memory_space<vmem>>[vector<16xi32>], vector<16xf32>,
        %mul3A_1842 = arith.mulf %gather3A_1840, %add3A_1603 : vector<16xf32>
        %add3A_1843 = arith.addf %mul3A_1842, %gather3A_1841 : vector<16xf32>
        %max3A_1844 = arith.constant 0.000000e+00 : f32
        %max3A_1845 = vector.broadcast %max3A_1844 : f32 to vector<16xf32>
        %max3A_1846 = arith.maximumf %add3A_1618, %max3A_1845 : vector<16xf32>
        %min3A_1847 = arith.constant 1.500000e+01 : f32
        %min3A_1848 = vector.broadcast %min3A_1847 : f32 to vector<16xf32>
        %min3A_1849 = arith.minimumf %max3A_1846, %min3A_1848 : vector<16xf32>
        %convert_element_type3A_1850 = arith.fptosi %min3A_1849 : vector<16xf32> to vector<16xi32>
        %mul3A_1851 = arith.constant 128 : i32
        %mul3A_1852 = vector.broadcast %mul3A_1851 : i32 to vector<16xi32>
        %mul3A_1853 = arith.muli %convert_element_type3A_1850, %mul3A_1852 : vector<16xi32>
        %add3A_1854 = arith.addi %mul3A_1853, %add3A_24 : vector<16xi32>
        %gather3A_1855 = tpu.vector_load_idx %arg8[%add3A_1854] : memref<2048xf32, #tpu.memory_space<vmem>>[vector<16xi32>], vector<16xf32>,
        %gather3A_1856 = tpu.vector_load_idx %arg9[%add3A_1854] : memref<2048xf32, #tpu.memory_space<vmem>>[vector<16xi32>], vector<16xf32>,
        %mul3A_1857 = arith.mulf %gather3A_1855, %add3A_1618 : vector<16xf32>
        %add3A_1858 = arith.addf %mul3A_1857, %gather3A_1856 : vector<16xf32>
        %max3A_1859 = arith.constant 0.000000e+00 : f32
        %max3A_1860 = vector.broadcast %max3A_1859 : f32 to vector<16xf32>
        %max3A_1861 = arith.maximumf %add3A_1633, %max3A_1860 : vector<16xf32>
        %min3A_1862 = arith.constant 1.500000e+01 : f32
        %min3A_1863 = vector.broadcast %min3A_1862 : f32 to vector<16xf32>
        %min3A_1864 = arith.minimumf %max3A_1861, %min3A_1863 : vector<16xf32>
        %convert_element_type3A_1865 = arith.fptosi %min3A_1864 : vector<16xf32> to vector<16xi32>
        %mul3A_1866 = arith.constant 128 : i32
        %mul3A_1867 = vector.broadcast %mul3A_1866 : i32 to vector<16xi32>
        %mul3A_1868 = arith.muli %convert_element_type3A_1865, %mul3A_1867 : vector<16xi32>
        %add3A_1869 = arith.addi %mul3A_1868, %add3A_27 : vector<16xi32>
        %gather3A_1870 = tpu.vector_load_idx %arg8[%add3A_1869] : memref<2048xf32, #tpu.memory_space<vmem>>[vector<16xi32>], vector<16xf32>,
        %gather3A_1871 = tpu.vector_load_idx %arg9[%add3A_1869] : memref<2048xf32, #tpu.memory_space<vmem>>[vector<16xi32>], vector<16xf32>,
        %mul3A_1872 = arith.mulf %gather3A_1870, %add3A_1633 : vector<16xf32>
        %add3A_1873 = arith.addf %mul3A_1872, %gather3A_1871 : vector<16xf32>
        %max3A_1874 = arith.constant 0.000000e+00 : f32
        %max3A_1875 = vector.broadcast %max3A_1874 : f32 to vector<16xf32>
        %max3A_1876 = arith.maximumf %add3A_1648, %max3A_1875 : vector<16xf32>
        %min3A_1877 = arith.constant 1.500000e+01 : f32
        %min3A_1878 = vector.broadcast %min3A_1877 : f32 to vector<16xf32>
        %min3A_1879 = arith.minimumf %max3A_1876, %min3A_1878 : vector<16xf32>
        %convert_element_type3A_1880 = arith.fptosi %min3A_1879 : vector<16xf32> to vector<16xi32>
        %mul3A_1881 = arith.constant 128 : i32
        %mul3A_1882 = vector.broadcast %mul3A_1881 : i32 to vector<16xi32>
        %mul3A_1883 = arith.muli %convert_element_type3A_1880, %mul3A_1882 : vector<16xi32>
        %add3A_1884 = arith.addi %mul3A_1883, %add3A_30 : vector<16xi32>
        %gather3A_1885 = tpu.vector_load_idx %arg8[%add3A_1884] : memref<2048xf32, #tpu.memory_space<vmem>>[vector<16xi32>], vector<16xf32>,
        %gather3A_1886 = tpu.vector_load_idx %arg9[%add3A_1884] : memref<2048xf32, #tpu.memory_space<vmem>>[vector<16xi32>], vector<16xf32>,
        %mul3A_1887 = arith.mulf %gather3A_1885, %add3A_1648 : vector<16xf32>
        %add3A_1888 = arith.addf %mul3A_1887, %gather3A_1886 : vector<16xf32>
        %max3A_1889 = arith.constant 0.000000e+00 : f32
        %max3A_1890 = vector.broadcast %max3A_1889 : f32 to vector<16xf32>
        %max3A_1891 = arith.maximumf %add3A_1663, %max3A_1890 : vector<16xf32>
        %min3A_1892 = arith.constant 1.500000e+01 : f32
        %min3A_1893 = vector.broadcast %min3A_1892 : f32 to vector<16xf32>
        %min3A_1894 = arith.minimumf %max3A_1891, %min3A_1893 : vector<16xf32>
        %convert_element_type3A_1895 = arith.fptosi %min3A_1894 : vector<16xf32> to vector<16xi32>
        %mul3A_1896 = arith.constant 128 : i32
        %mul3A_1897 = vector.broadcast %mul3A_1896 : i32 to vector<16xi32>
        %mul3A_1898 = arith.muli %convert_element_type3A_1895, %mul3A_1897 : vector<16xi32>
        %add3A_1899 = arith.addi %mul3A_1898, %add3A_33 : vector<16xi32>
        %gather3A_1900 = tpu.vector_load_idx %arg8[%add3A_1899] : memref<2048xf32, #tpu.memory_space<vmem>>[vector<16xi32>], vector<16xf32>,
        %gather3A_1901 = tpu.vector_load_idx %arg9[%add3A_1899] : memref<2048xf32, #tpu.memory_space<vmem>>[vector<16xi32>], vector<16xf32>,
        %mul3A_1902 = arith.mulf %gather3A_1900, %add3A_1663 : vector<16xf32>
        %add3A_1903 = arith.addf %mul3A_1902, %gather3A_1901 : vector<16xf32>
        %max3A_1904 = arith.constant 0.000000e+00 : f32
        %max3A_1905 = vector.broadcast %max3A_1904 : f32 to vector<16xf32>
        %max3A_1906 = arith.maximumf %add3A_1678, %max3A_1905 : vector<16xf32>
        %min3A_1907 = arith.constant 1.500000e+01 : f32
        %min3A_1908 = vector.broadcast %min3A_1907 : f32 to vector<16xf32>
        %min3A_1909 = arith.minimumf %max3A_1906, %min3A_1908 : vector<16xf32>
        %convert_element_type3A_1910 = arith.fptosi %min3A_1909 : vector<16xf32> to vector<16xi32>
        %mul3A_1911 = arith.constant 128 : i32
        %mul3A_1912 = vector.broadcast %mul3A_1911 : i32 to vector<16xi32>
        %mul3A_1913 = arith.muli %convert_element_type3A_1910, %mul3A_1912 : vector<16xi32>
        %add3A_1914 = arith.addi %mul3A_1913, %add3A_36 : vector<16xi32>
        %gather3A_1915 = tpu.vector_load_idx %arg8[%add3A_1914] : memref<2048xf32, #tpu.memory_space<vmem>>[vector<16xi32>], vector<16xf32>,
        %gather3A_1916 = tpu.vector_load_idx %arg9[%add3A_1914] : memref<2048xf32, #tpu.memory_space<vmem>>[vector<16xi32>], vector<16xf32>,
        %mul3A_1917 = arith.mulf %gather3A_1915, %add3A_1678 : vector<16xf32>
        %add3A_1918 = arith.addf %mul3A_1917, %gather3A_1916 : vector<16xf32>
        %max3A_1919 = arith.constant 0.000000e+00 : f32
        %max3A_1920 = vector.broadcast %max3A_1919 : f32 to vector<16xf32>
        %max3A_1921 = arith.maximumf %add3A_1693, %max3A_1920 : vector<16xf32>
        %min3A_1922 = arith.constant 1.500000e+01 : f32
        %min3A_1923 = vector.broadcast %min3A_1922 : f32 to vector<16xf32>
        %min3A_1924 = arith.minimumf %max3A_1921, %min3A_1923 : vector<16xf32>
        %convert_element_type3A_1925 = arith.fptosi %min3A_1924 : vector<16xf32> to vector<16xi32>
        %mul3A_1926 = arith.constant 128 : i32
        %mul3A_1927 = vector.broadcast %mul3A_1926 : i32 to vector<16xi32>
        %mul3A_1928 = arith.muli %convert_element_type3A_1925, %mul3A_1927 : vector<16xi32>
        %add3A_1929 = arith.addi %mul3A_1928, %add3A_39 : vector<16xi32>
        %gather3A_1930 = tpu.vector_load_idx %arg8[%add3A_1929] : memref<2048xf32, #tpu.memory_space<vmem>>[vector<16xi32>], vector<16xf32>,
        %gather3A_1931 = tpu.vector_load_idx %arg9[%add3A_1929] : memref<2048xf32, #tpu.memory_space<vmem>>[vector<16xi32>], vector<16xf32>,
        %mul3A_1932 = arith.mulf %gather3A_1930, %add3A_1693 : vector<16xf32>
        %add3A_1933 = arith.addf %mul3A_1932, %gather3A_1931 : vector<16xf32>
        scf.yield %add3A_1708, %add3A_1723, %add3A_1738, %add3A_1753, %add3A_1768, %add3A_1783, %add3A_1798, %add3A_1813, %add3A_1828, %add3A_1843, %add3A_1858, %add3A_1873, %add3A_1888, %add3A_1903, %add3A_1918, %add3A_1933 : vector<16xf32>, vector<16xf32>, vector<16xf32>, vector<16xf32>, vector<16xf32>, vector<16xf32>, vector<16xf32>, vector<16xf32>, vector<16xf32>, vector<16xf32>, vector<16xf32>, vector<16xf32>, vector<16xf32>, vector<16xf32>, vector<16xf32>, vector<16xf32>
      }
      %scan3A_274 = arith.constant 10 : i32
      %add3A_275 = arith.constant 0 : i32
      %add3A_276 = arith.addi %mul3A_62, %add3A_275 : i32
      %get3A_277 = arith.index_cast %add3A_276 : i32 to index
      %get3A_278 = tpu.vector_load %arg6[%get3A_277] {strides = array<i32>} : memref<28672xf32, #tpu.memory_space<vmem>>, vector<16xf32>,
      %add3A_279 = arith.constant 3.000000e+00 : f32
      %add3A_280 = vector.broadcast %add3A_279 : f32 to vector<16xf32>
      %add3A_281 = arith.addf %get3A_278, %add3A_280 : vector<16xf32>
      %mul3A_282 = arith.constant 0.166666672 : f32
      %mul3A_283 = vector.broadcast %mul3A_282 : f32 to vector<16xf32>
      %mul3A_284 = arith.mulf %add3A_281, %mul3A_283 : vector<16xf32>
      %ge3A = arith.constant 1.000000e+00 : f32
      %ge3A_285 = vector.broadcast %ge3A : f32 to vector<16xf32>
      %ge3A_286 = arith.cmpf oge, %mul3A_284, %ge3A_285 : vector<16xf32>
      %le3A = arith.constant 0.000000e+00 : f32
      %le3A_287 = vector.broadcast %le3A : f32 to vector<16xf32>
      %le3A_288 = arith.cmpf ole, %mul3A_284, %le3A_287 : vector<16xf32>
      %or3A = arith.ori %ge3A_286, %le3A_288 : vector<16xi1>
      %mul3A_289 = arith.constant 3.750000e-01 : f32
      %mul3A_290 = vector.broadcast %mul3A_289 : f32 to vector<16xf32>
      %mul3A_291 = arith.mulf %scan3A_273#0, %mul3A_290 : vector<16xf32>
      %sub3A = arith.constant 3.000000e+00 : f32
      %sub3A_292 = vector.broadcast %sub3A : f32 to vector<16xf32>
      %sub3A_293 = arith.subf %mul3A_291, %sub3A_292 : vector<16xf32>
      %select_n3A_294 = arith.select %or3A, %get3A_278, %sub3A_293 : vector<16xi1>, vector<16xf32>
      %add3A_295 = arith.constant 0 : i32
      %add3A_296 = arith.addi %mul3A_62, %add3A_295 : i32
      %swap3A = arith.index_cast %add3A_296 : i32 to index
      %swap3A_297 = tpu.vector_load %arg7[%swap3A] {strides = array<i32>} : memref<28672xf32, #tpu.memory_space<vmem>>, vector<16xf32>,
      tpu.vector_store %arg7[%swap3A], %select_n3A_294 {strides = array<i32>} : memref<28672xf32, #tpu.memory_space<vmem>>, vector<16xf32>,
      %add3A_298 = arith.constant 16 : i32
      %add3A_299 = arith.addi %mul3A_62, %add3A_298 : i32
      %get3A_300 = arith.index_cast %add3A_299 : i32 to index
      %get3A_301 = tpu.vector_load %arg6[%get3A_300] {strides = array<i32>} : memref<28672xf32, #tpu.memory_space<vmem>>, vector<16xf32>,
      %add3A_302 = arith.constant 3.000000e+00 : f32
      %add3A_303 = vector.broadcast %add3A_302 : f32 to vector<16xf32>
      %add3A_304 = arith.addf %get3A_301, %add3A_303 : vector<16xf32>
      %mul3A_305 = arith.constant 0.166666672 : f32
      %mul3A_306 = vector.broadcast %mul3A_305 : f32 to vector<16xf32>
      %mul3A_307 = arith.mulf %add3A_304, %mul3A_306 : vector<16xf32>
      %ge3A_308 = arith.constant 1.000000e+00 : f32
      %ge3A_309 = vector.broadcast %ge3A_308 : f32 to vector<16xf32>
      %ge3A_310 = arith.cmpf oge, %mul3A_307, %ge3A_309 : vector<16xf32>
      %le3A_311 = arith.constant 0.000000e+00 : f32
      %le3A_312 = vector.broadcast %le3A_311 : f32 to vector<16xf32>
      %le3A_313 = arith.cmpf ole, %mul3A_307, %le3A_312 : vector<16xf32>
      %or3A_314 = arith.ori %ge3A_310, %le3A_313 : vector<16xi1>
      %mul3A_315 = arith.constant 3.750000e-01 : f32
      %mul3A_316 = vector.broadcast %mul3A_315 : f32 to vector<16xf32>
      %mul3A_317 = arith.mulf %scan3A_273#1, %mul3A_316 : vector<16xf32>
      %sub3A_318 = arith.constant 3.000000e+00 : f32
      %sub3A_319 = vector.broadcast %sub3A_318 : f32 to vector<16xf32>
      %sub3A_320 = arith.subf %mul3A_317, %sub3A_319 : vector<16xf32>
      %select_n3A_321 = arith.select %or3A_314, %get3A_301, %sub3A_320 : vector<16xi1>, vector<16xf32>
      %add3A_322 = arith.constant 16 : i32
      %add3A_323 = arith.addi %mul3A_62, %add3A_322 : i32
      %swap3A_324 = arith.index_cast %add3A_323 : i32 to index
      %swap3A_325 = tpu.vector_load %arg7[%swap3A_324] {strides = array<i32>} : memref<28672xf32, #tpu.memory_space<vmem>>, vector<16xf32>,
      tpu.vector_store %arg7[%swap3A_324], %select_n3A_321 {strides = array<i32>} : memref<28672xf32, #tpu.memory_space<vmem>>, vector<16xf32>,
      %add3A_326 = arith.constant 32 : i32
      %add3A_327 = arith.addi %mul3A_62, %add3A_326 : i32
      %get3A_328 = arith.index_cast %add3A_327 : i32 to index
      %get3A_329 = tpu.vector_load %arg6[%get3A_328] {strides = array<i32>} : memref<28672xf32, #tpu.memory_space<vmem>>, vector<16xf32>,
      %add3A_330 = arith.constant 3.000000e+00 : f32
      %add3A_331 = vector.broadcast %add3A_330 : f32 to vector<16xf32>
      %add3A_332 = arith.addf %get3A_329, %add3A_331 : vector<16xf32>
      %mul3A_333 = arith.constant 0.166666672 : f32
      %mul3A_334 = vector.broadcast %mul3A_333 : f32 to vector<16xf32>
      %mul3A_335 = arith.mulf %add3A_332, %mul3A_334 : vector<16xf32>
      %ge3A_336 = arith.constant 1.000000e+00 : f32
      %ge3A_337 = vector.broadcast %ge3A_336 : f32 to vector<16xf32>
      %ge3A_338 = arith.cmpf oge, %mul3A_335, %ge3A_337 : vector<16xf32>
      %le3A_339 = arith.constant 0.000000e+00 : f32
      %le3A_340 = vector.broadcast %le3A_339 : f32 to vector<16xf32>
      %le3A_341 = arith.cmpf ole, %mul3A_335, %le3A_340 : vector<16xf32>
      %or3A_342 = arith.ori %ge3A_338, %le3A_341 : vector<16xi1>
      %mul3A_343 = arith.constant 3.750000e-01 : f32
      %mul3A_344 = vector.broadcast %mul3A_343 : f32 to vector<16xf32>
      %mul3A_345 = arith.mulf %scan3A_273#2, %mul3A_344 : vector<16xf32>
      %sub3A_346 = arith.constant 3.000000e+00 : f32
      %sub3A_347 = vector.broadcast %sub3A_346 : f32 to vector<16xf32>
      %sub3A_348 = arith.subf %mul3A_345, %sub3A_347 : vector<16xf32>
      %select_n3A_349 = arith.select %or3A_342, %get3A_329, %sub3A_348 : vector<16xi1>, vector<16xf32>
      %add3A_350 = arith.constant 32 : i32
      %add3A_351 = arith.addi %mul3A_62, %add3A_350 : i32
      %swap3A_352 = arith.index_cast %add3A_351 : i32 to index
      %swap3A_353 = tpu.vector_load %arg7[%swap3A_352] {strides = array<i32>} : memref<28672xf32, #tpu.memory_space<vmem>>, vector<16xf32>,
      tpu.vector_store %arg7[%swap3A_352], %select_n3A_349 {strides = array<i32>} : memref<28672xf32, #tpu.memory_space<vmem>>, vector<16xf32>,
      %add3A_354 = arith.constant 48 : i32
      %add3A_355 = arith.addi %mul3A_62, %add3A_354 : i32
      %get3A_356 = arith.index_cast %add3A_355 : i32 to index
      %get3A_357 = tpu.vector_load %arg6[%get3A_356] {strides = array<i32>} : memref<28672xf32, #tpu.memory_space<vmem>>, vector<16xf32>,
      %add3A_358 = arith.constant 3.000000e+00 : f32
      %add3A_359 = vector.broadcast %add3A_358 : f32 to vector<16xf32>
      %add3A_360 = arith.addf %get3A_357, %add3A_359 : vector<16xf32>
      %mul3A_361 = arith.constant 0.166666672 : f32
      %mul3A_362 = vector.broadcast %mul3A_361 : f32 to vector<16xf32>
      %mul3A_363 = arith.mulf %add3A_360, %mul3A_362 : vector<16xf32>
      %ge3A_364 = arith.constant 1.000000e+00 : f32
      %ge3A_365 = vector.broadcast %ge3A_364 : f32 to vector<16xf32>
      %ge3A_366 = arith.cmpf oge, %mul3A_363, %ge3A_365 : vector<16xf32>
      %le3A_367 = arith.constant 0.000000e+00 : f32
      %le3A_368 = vector.broadcast %le3A_367 : f32 to vector<16xf32>
      %le3A_369 = arith.cmpf ole, %mul3A_363, %le3A_368 : vector<16xf32>
      %or3A_370 = arith.ori %ge3A_366, %le3A_369 : vector<16xi1>
      %mul3A_371 = arith.constant 3.750000e-01 : f32
      %mul3A_372 = vector.broadcast %mul3A_371 : f32 to vector<16xf32>
      %mul3A_373 = arith.mulf %scan3A_273#3, %mul3A_372 : vector<16xf32>
      %sub3A_374 = arith.constant 3.000000e+00 : f32
      %sub3A_375 = vector.broadcast %sub3A_374 : f32 to vector<16xf32>
      %sub3A_376 = arith.subf %mul3A_373, %sub3A_375 : vector<16xf32>
      %select_n3A_377 = arith.select %or3A_370, %get3A_357, %sub3A_376 : vector<16xi1>, vector<16xf32>
      %add3A_378 = arith.constant 48 : i32
      %add3A_379 = arith.addi %mul3A_62, %add3A_378 : i32
      %swap3A_380 = arith.index_cast %add3A_379 : i32 to index
      %swap3A_381 = tpu.vector_load %arg7[%swap3A_380] {strides = array<i32>} : memref<28672xf32, #tpu.memory_space<vmem>>, vector<16xf32>,
      tpu.vector_store %arg7[%swap3A_380], %select_n3A_377 {strides = array<i32>} : memref<28672xf32, #tpu.memory_space<vmem>>, vector<16xf32>,
      %add3A_382 = arith.constant 64 : i32
      %add3A_383 = arith.addi %mul3A_62, %add3A_382 : i32
      %get3A_384 = arith.index_cast %add3A_383 : i32 to index
      %get3A_385 = tpu.vector_load %arg6[%get3A_384] {strides = array<i32>} : memref<28672xf32, #tpu.memory_space<vmem>>, vector<16xf32>,
      %add3A_386 = arith.constant 3.000000e+00 : f32
      %add3A_387 = vector.broadcast %add3A_386 : f32 to vector<16xf32>
      %add3A_388 = arith.addf %get3A_385, %add3A_387 : vector<16xf32>
      %mul3A_389 = arith.constant 0.166666672 : f32
      %mul3A_390 = vector.broadcast %mul3A_389 : f32 to vector<16xf32>
      %mul3A_391 = arith.mulf %add3A_388, %mul3A_390 : vector<16xf32>
      %ge3A_392 = arith.constant 1.000000e+00 : f32
      %ge3A_393 = vector.broadcast %ge3A_392 : f32 to vector<16xf32>
      %ge3A_394 = arith.cmpf oge, %mul3A_391, %ge3A_393 : vector<16xf32>
      %le3A_395 = arith.constant 0.000000e+00 : f32
      %le3A_396 = vector.broadcast %le3A_395 : f32 to vector<16xf32>
      %le3A_397 = arith.cmpf ole, %mul3A_391, %le3A_396 : vector<16xf32>
      %or3A_398 = arith.ori %ge3A_394, %le3A_397 : vector<16xi1>
      %mul3A_399 = arith.constant 3.750000e-01 : f32
      %mul3A_400 = vector.broadcast %mul3A_399 : f32 to vector<16xf32>
      %mul3A_401 = arith.mulf %scan3A_273#4, %mul3A_400 : vector<16xf32>
      %sub3A_402 = arith.constant 3.000000e+00 : f32
      %sub3A_403 = vector.broadcast %sub3A_402 : f32 to vector<16xf32>
      %sub3A_404 = arith.subf %mul3A_401, %sub3A_403 : vector<16xf32>
      %select_n3A_405 = arith.select %or3A_398, %get3A_385, %sub3A_404 : vector<16xi1>, vector<16xf32>
      %add3A_406 = arith.constant 64 : i32
      %add3A_407 = arith.addi %mul3A_62, %add3A_406 : i32
      %swap3A_408 = arith.index_cast %add3A_407 : i32 to index
      %swap3A_409 = tpu.vector_load %arg7[%swap3A_408] {strides = array<i32>} : memref<28672xf32, #tpu.memory_space<vmem>>, vector<16xf32>,
      tpu.vector_store %arg7[%swap3A_408], %select_n3A_405 {strides = array<i32>} : memref<28672xf32, #tpu.memory_space<vmem>>, vector<16xf32>,
      %add3A_410 = arith.constant 80 : i32
      %add3A_411 = arith.addi %mul3A_62, %add3A_410 : i32
      %get3A_412 = arith.index_cast %add3A_411 : i32 to index
      %get3A_413 = tpu.vector_load %arg6[%get3A_412] {strides = array<i32>} : memref<28672xf32, #tpu.memory_space<vmem>>, vector<16xf32>,
      %add3A_414 = arith.constant 3.000000e+00 : f32
      %add3A_415 = vector.broadcast %add3A_414 : f32 to vector<16xf32>
      %add3A_416 = arith.addf %get3A_413, %add3A_415 : vector<16xf32>
      %mul3A_417 = arith.constant 0.166666672 : f32
      %mul3A_418 = vector.broadcast %mul3A_417 : f32 to vector<16xf32>
      %mul3A_419 = arith.mulf %add3A_416, %mul3A_418 : vector<16xf32>
      %ge3A_420 = arith.constant 1.000000e+00 : f32
      %ge3A_421 = vector.broadcast %ge3A_420 : f32 to vector<16xf32>
      %ge3A_422 = arith.cmpf oge, %mul3A_419, %ge3A_421 : vector<16xf32>
      %le3A_423 = arith.constant 0.000000e+00 : f32
      %le3A_424 = vector.broadcast %le3A_423 : f32 to vector<16xf32>
      %le3A_425 = arith.cmpf ole, %mul3A_419, %le3A_424 : vector<16xf32>
      %or3A_426 = arith.ori %ge3A_422, %le3A_425 : vector<16xi1>
      %mul3A_427 = arith.constant 3.750000e-01 : f32
      %mul3A_428 = vector.broadcast %mul3A_427 : f32 to vector<16xf32>
      %mul3A_429 = arith.mulf %scan3A_273#5, %mul3A_428 : vector<16xf32>
      %sub3A_430 = arith.constant 3.000000e+00 : f32
      %sub3A_431 = vector.broadcast %sub3A_430 : f32 to vector<16xf32>
      %sub3A_432 = arith.subf %mul3A_429, %sub3A_431 : vector<16xf32>
      %select_n3A_433 = arith.select %or3A_426, %get3A_413, %sub3A_432 : vector<16xi1>, vector<16xf32>
      %add3A_434 = arith.constant 80 : i32
      %add3A_435 = arith.addi %mul3A_62, %add3A_434 : i32
      %swap3A_436 = arith.index_cast %add3A_435 : i32 to index
      %swap3A_437 = tpu.vector_load %arg7[%swap3A_436] {strides = array<i32>} : memref<28672xf32, #tpu.memory_space<vmem>>, vector<16xf32>,
      tpu.vector_store %arg7[%swap3A_436], %select_n3A_433 {strides = array<i32>} : memref<28672xf32, #tpu.memory_space<vmem>>, vector<16xf32>,
      %add3A_438 = arith.constant 96 : i32
      %add3A_439 = arith.addi %mul3A_62, %add3A_438 : i32
      %get3A_440 = arith.index_cast %add3A_439 : i32 to index
      %get3A_441 = tpu.vector_load %arg6[%get3A_440] {strides = array<i32>} : memref<28672xf32, #tpu.memory_space<vmem>>, vector<16xf32>,
      %add3A_442 = arith.constant 3.000000e+00 : f32
      %add3A_443 = vector.broadcast %add3A_442 : f32 to vector<16xf32>
      %add3A_444 = arith.addf %get3A_441, %add3A_443 : vector<16xf32>
      %mul3A_445 = arith.constant 0.166666672 : f32
      %mul3A_446 = vector.broadcast %mul3A_445 : f32 to vector<16xf32>
      %mul3A_447 = arith.mulf %add3A_444, %mul3A_446 : vector<16xf32>
      %ge3A_448 = arith.constant 1.000000e+00 : f32
      %ge3A_449 = vector.broadcast %ge3A_448 : f32 to vector<16xf32>
      %ge3A_450 = arith.cmpf oge, %mul3A_447, %ge3A_449 : vector<16xf32>
      %le3A_451 = arith.constant 0.000000e+00 : f32
      %le3A_452 = vector.broadcast %le3A_451 : f32 to vector<16xf32>
      %le3A_453 = arith.cmpf ole, %mul3A_447, %le3A_452 : vector<16xf32>
      %or3A_454 = arith.ori %ge3A_450, %le3A_453 : vector<16xi1>
      %mul3A_455 = arith.constant 3.750000e-01 : f32
      %mul3A_456 = vector.broadcast %mul3A_455 : f32 to vector<16xf32>
      %mul3A_457 = arith.mulf %scan3A_273#6, %mul3A_456 : vector<16xf32>
      %sub3A_458 = arith.constant 3.000000e+00 : f32
      %sub3A_459 = vector.broadcast %sub3A_458 : f32 to vector<16xf32>
      %sub3A_460 = arith.subf %mul3A_457, %sub3A_459 : vector<16xf32>
      %select_n3A_461 = arith.select %or3A_454, %get3A_441, %sub3A_460 : vector<16xi1>, vector<16xf32>
      %add3A_462 = arith.constant 96 : i32
      %add3A_463 = arith.addi %mul3A_62, %add3A_462 : i32
      %swap3A_464 = arith.index_cast %add3A_463 : i32 to index
      %swap3A_465 = tpu.vector_load %arg7[%swap3A_464] {strides = array<i32>} : memref<28672xf32, #tpu.memory_space<vmem>>, vector<16xf32>,
      tpu.vector_store %arg7[%swap3A_464], %select_n3A_461 {strides = array<i32>} : memref<28672xf32, #tpu.memory_space<vmem>>, vector<16xf32>,
      %add3A_466 = arith.constant 112 : i32
      %add3A_467 = arith.addi %mul3A_62, %add3A_466 : i32
      %get3A_468 = arith.index_cast %add3A_467 : i32 to index
      %get3A_469 = tpu.vector_load %arg6[%get3A_468] {strides = array<i32>} : memref<28672xf32, #tpu.memory_space<vmem>>, vector<16xf32>,
      %add3A_470 = arith.constant 3.000000e+00 : f32
      %add3A_471 = vector.broadcast %add3A_470 : f32 to vector<16xf32>
      %add3A_472 = arith.addf %get3A_469, %add3A_471 : vector<16xf32>
      %mul3A_473 = arith.constant 0.166666672 : f32
      %mul3A_474 = vector.broadcast %mul3A_473 : f32 to vector<16xf32>
      %mul3A_475 = arith.mulf %add3A_472, %mul3A_474 : vector<16xf32>
      %ge3A_476 = arith.constant 1.000000e+00 : f32
      %ge3A_477 = vector.broadcast %ge3A_476 : f32 to vector<16xf32>
      %ge3A_478 = arith.cmpf oge, %mul3A_475, %ge3A_477 : vector<16xf32>
      %le3A_479 = arith.constant 0.000000e+00 : f32
      %le3A_480 = vector.broadcast %le3A_479 : f32 to vector<16xf32>
      %le3A_481 = arith.cmpf ole, %mul3A_475, %le3A_480 : vector<16xf32>
      %or3A_482 = arith.ori %ge3A_478, %le3A_481 : vector<16xi1>
      %mul3A_483 = arith.constant 3.750000e-01 : f32
      %mul3A_484 = vector.broadcast %mul3A_483 : f32 to vector<16xf32>
      %mul3A_485 = arith.mulf %scan3A_273#7, %mul3A_484 : vector<16xf32>
      %sub3A_486 = arith.constant 3.000000e+00 : f32
      %sub3A_487 = vector.broadcast %sub3A_486 : f32 to vector<16xf32>
      %sub3A_488 = arith.subf %mul3A_485, %sub3A_487 : vector<16xf32>
      %select_n3A_489 = arith.select %or3A_482, %get3A_469, %sub3A_488 : vector<16xi1>, vector<16xf32>
      %add3A_490 = arith.constant 112 : i32
      %add3A_491 = arith.addi %mul3A_62, %add3A_490 : i32
      %swap3A_492 = arith.index_cast %add3A_491 : i32 to index
      %swap3A_493 = tpu.vector_load %arg7[%swap3A_492] {strides = array<i32>} : memref<28672xf32, #tpu.memory_space<vmem>>, vector<16xf32>,
      tpu.vector_store %arg7[%swap3A_492], %select_n3A_489 {strides = array<i32>} : memref<28672xf32, #tpu.memory_space<vmem>>, vector<16xf32>,
      %add3A_494 = arith.constant 128 : i32
      %add3A_495 = arith.addi %mul3A_62, %add3A_494 : i32
      %get3A_496 = arith.index_cast %add3A_495 : i32 to index
      %get3A_497 = tpu.vector_load %arg6[%get3A_496] {strides = array<i32>} : memref<28672xf32, #tpu.memory_space<vmem>>, vector<16xf32>,
      %add3A_498 = arith.constant 3.000000e+00 : f32
      %add3A_499 = vector.broadcast %add3A_498 : f32 to vector<16xf32>
      %add3A_500 = arith.addf %get3A_497, %add3A_499 : vector<16xf32>
      %mul3A_501 = arith.constant 0.166666672 : f32
      %mul3A_502 = vector.broadcast %mul3A_501 : f32 to vector<16xf32>
      %mul3A_503 = arith.mulf %add3A_500, %mul3A_502 : vector<16xf32>
      %ge3A_504 = arith.constant 1.000000e+00 : f32
      %ge3A_505 = vector.broadcast %ge3A_504 : f32 to vector<16xf32>
      %ge3A_506 = arith.cmpf oge, %mul3A_503, %ge3A_505 : vector<16xf32>
      %le3A_507 = arith.constant 0.000000e+00 : f32
      %le3A_508 = vector.broadcast %le3A_507 : f32 to vector<16xf32>
      %le3A_509 = arith.cmpf ole, %mul3A_503, %le3A_508 : vector<16xf32>
      %or3A_510 = arith.ori %ge3A_506, %le3A_509 : vector<16xi1>
      %mul3A_511 = arith.constant 3.750000e-01 : f32
      %mul3A_512 = vector.broadcast %mul3A_511 : f32 to vector<16xf32>
      %mul3A_513 = arith.mulf %scan3A_273#8, %mul3A_512 : vector<16xf32>
      %sub3A_514 = arith.constant 3.000000e+00 : f32
      %sub3A_515 = vector.broadcast %sub3A_514 : f32 to vector<16xf32>
      %sub3A_516 = arith.subf %mul3A_513, %sub3A_515 : vector<16xf32>
      %select_n3A_517 = arith.select %or3A_510, %get3A_497, %sub3A_516 : vector<16xi1>, vector<16xf32>
      %add3A_518 = arith.constant 128 : i32
      %add3A_519 = arith.addi %mul3A_62, %add3A_518 : i32
      %swap3A_520 = arith.index_cast %add3A_519 : i32 to index
      %swap3A_521 = tpu.vector_load %arg7[%swap3A_520] {strides = array<i32>} : memref<28672xf32, #tpu.memory_space<vmem>>, vector<16xf32>,
      tpu.vector_store %arg7[%swap3A_520], %select_n3A_517 {strides = array<i32>} : memref<28672xf32, #tpu.memory_space<vmem>>, vector<16xf32>,
      %add3A_522 = arith.constant 144 : i32
      %add3A_523 = arith.addi %mul3A_62, %add3A_522 : i32
      %get3A_524 = arith.index_cast %add3A_523 : i32 to index
      %get3A_525 = tpu.vector_load %arg6[%get3A_524] {strides = array<i32>} : memref<28672xf32, #tpu.memory_space<vmem>>, vector<16xf32>,
      %add3A_526 = arith.constant 3.000000e+00 : f32
      %add3A_527 = vector.broadcast %add3A_526 : f32 to vector<16xf32>
      %add3A_528 = arith.addf %get3A_525, %add3A_527 : vector<16xf32>
      %mul3A_529 = arith.constant 0.166666672 : f32
      %mul3A_530 = vector.broadcast %mul3A_529 : f32 to vector<16xf32>
      %mul3A_531 = arith.mulf %add3A_528, %mul3A_530 : vector<16xf32>
      %ge3A_532 = arith.constant 1.000000e+00 : f32
      %ge3A_533 = vector.broadcast %ge3A_532 : f32 to vector<16xf32>
      %ge3A_534 = arith.cmpf oge, %mul3A_531, %ge3A_533 : vector<16xf32>
      %le3A_535 = arith.constant 0.000000e+00 : f32
      %le3A_536 = vector.broadcast %le3A_535 : f32 to vector<16xf32>
      %le3A_537 = arith.cmpf ole, %mul3A_531, %le3A_536 : vector<16xf32>
      %or3A_538 = arith.ori %ge3A_534, %le3A_537 : vector<16xi1>
      %mul3A_539 = arith.constant 3.750000e-01 : f32
      %mul3A_540 = vector.broadcast %mul3A_539 : f32 to vector<16xf32>
      %mul3A_541 = arith.mulf %scan3A_273#9, %mul3A_540 : vector<16xf32>
      %sub3A_542 = arith.constant 3.000000e+00 : f32
      %sub3A_543 = vector.broadcast %sub3A_542 : f32 to vector<16xf32>
      %sub3A_544 = arith.subf %mul3A_541, %sub3A_543 : vector<16xf32>
      %select_n3A_545 = arith.select %or3A_538, %get3A_525, %sub3A_544 : vector<16xi1>, vector<16xf32>
      %add3A_546 = arith.constant 144 : i32
      %add3A_547 = arith.addi %mul3A_62, %add3A_546 : i32
      %swap3A_548 = arith.index_cast %add3A_547 : i32 to index
      %swap3A_549 = tpu.vector_load %arg7[%swap3A_548] {strides = array<i32>} : memref<28672xf32, #tpu.memory_space<vmem>>, vector<16xf32>,
      tpu.vector_store %arg7[%swap3A_548], %select_n3A_545 {strides = array<i32>} : memref<28672xf32, #tpu.memory_space<vmem>>, vector<16xf32>,
      %add3A_550 = arith.constant 160 : i32
      %add3A_551 = arith.addi %mul3A_62, %add3A_550 : i32
      %get3A_552 = arith.index_cast %add3A_551 : i32 to index
      %get3A_553 = tpu.vector_load %arg6[%get3A_552] {strides = array<i32>} : memref<28672xf32, #tpu.memory_space<vmem>>, vector<16xf32>,
      %add3A_554 = arith.constant 3.000000e+00 : f32
      %add3A_555 = vector.broadcast %add3A_554 : f32 to vector<16xf32>
      %add3A_556 = arith.addf %get3A_553, %add3A_555 : vector<16xf32>
      %mul3A_557 = arith.constant 0.166666672 : f32
      %mul3A_558 = vector.broadcast %mul3A_557 : f32 to vector<16xf32>
      %mul3A_559 = arith.mulf %add3A_556, %mul3A_558 : vector<16xf32>
      %ge3A_560 = arith.constant 1.000000e+00 : f32
      %ge3A_561 = vector.broadcast %ge3A_560 : f32 to vector<16xf32>
      %ge3A_562 = arith.cmpf oge, %mul3A_559, %ge3A_561 : vector<16xf32>
      %le3A_563 = arith.constant 0.000000e+00 : f32
      %le3A_564 = vector.broadcast %le3A_563 : f32 to vector<16xf32>
      %le3A_565 = arith.cmpf ole, %mul3A_559, %le3A_564 : vector<16xf32>
      %or3A_566 = arith.ori %ge3A_562, %le3A_565 : vector<16xi1>
      %mul3A_567 = arith.constant 3.750000e-01 : f32
      %mul3A_568 = vector.broadcast %mul3A_567 : f32 to vector<16xf32>
      %mul3A_569 = arith.mulf %scan3A_273#10, %mul3A_568 : vector<16xf32>
      %sub3A_570 = arith.constant 3.000000e+00 : f32
      %sub3A_571 = vector.broadcast %sub3A_570 : f32 to vector<16xf32>
      %sub3A_572 = arith.subf %mul3A_569, %sub3A_571 : vector<16xf32>
      %select_n3A_573 = arith.select %or3A_566, %get3A_553, %sub3A_572 : vector<16xi1>, vector<16xf32>
      %add3A_574 = arith.constant 160 : i32
      %add3A_575 = arith.addi %mul3A_62, %add3A_574 : i32
      %swap3A_576 = arith.index_cast %add3A_575 : i32 to index
      %swap3A_577 = tpu.vector_load %arg7[%swap3A_576] {strides = array<i32>} : memref<28672xf32, #tpu.memory_space<vmem>>, vector<16xf32>,
      tpu.vector_store %arg7[%swap3A_576], %select_n3A_573 {strides = array<i32>} : memref<28672xf32, #tpu.memory_space<vmem>>, vector<16xf32>,
      %add3A_578 = arith.constant 176 : i32
      %add3A_579 = arith.addi %mul3A_62, %add3A_578 : i32
      %get3A_580 = arith.index_cast %add3A_579 : i32 to index
      %get3A_581 = tpu.vector_load %arg6[%get3A_580] {strides = array<i32>} : memref<28672xf32, #tpu.memory_space<vmem>>, vector<16xf32>,
      %add3A_582 = arith.constant 3.000000e+00 : f32
      %add3A_583 = vector.broadcast %add3A_582 : f32 to vector<16xf32>
      %add3A_584 = arith.addf %get3A_581, %add3A_583 : vector<16xf32>
      %mul3A_585 = arith.constant 0.166666672 : f32
      %mul3A_586 = vector.broadcast %mul3A_585 : f32 to vector<16xf32>
      %mul3A_587 = arith.mulf %add3A_584, %mul3A_586 : vector<16xf32>
      %ge3A_588 = arith.constant 1.000000e+00 : f32
      %ge3A_589 = vector.broadcast %ge3A_588 : f32 to vector<16xf32>
      %ge3A_590 = arith.cmpf oge, %mul3A_587, %ge3A_589 : vector<16xf32>
      %le3A_591 = arith.constant 0.000000e+00 : f32
      %le3A_592 = vector.broadcast %le3A_591 : f32 to vector<16xf32>
      %le3A_593 = arith.cmpf ole, %mul3A_587, %le3A_592 : vector<16xf32>
      %or3A_594 = arith.ori %ge3A_590, %le3A_593 : vector<16xi1>
      %mul3A_595 = arith.constant 3.750000e-01 : f32
      %mul3A_596 = vector.broadcast %mul3A_595 : f32 to vector<16xf32>
      %mul3A_597 = arith.mulf %scan3A_273#11, %mul3A_596 : vector<16xf32>
      %sub3A_598 = arith.constant 3.000000e+00 : f32
      %sub3A_599 = vector.broadcast %sub3A_598 : f32 to vector<16xf32>
      %sub3A_600 = arith.subf %mul3A_597, %sub3A_599 : vector<16xf32>
      %select_n3A_601 = arith.select %or3A_594, %get3A_581, %sub3A_600 : vector<16xi1>, vector<16xf32>
      %add3A_602 = arith.constant 176 : i32
      %add3A_603 = arith.addi %mul3A_62, %add3A_602 : i32
      %swap3A_604 = arith.index_cast %add3A_603 : i32 to index
      %swap3A_605 = tpu.vector_load %arg7[%swap3A_604] {strides = array<i32>} : memref<28672xf32, #tpu.memory_space<vmem>>, vector<16xf32>,
      tpu.vector_store %arg7[%swap3A_604], %select_n3A_601 {strides = array<i32>} : memref<28672xf32, #tpu.memory_space<vmem>>, vector<16xf32>,
      %add3A_606 = arith.constant 192 : i32
      %add3A_607 = arith.addi %mul3A_62, %add3A_606 : i32
      %get3A_608 = arith.index_cast %add3A_607 : i32 to index
      %get3A_609 = tpu.vector_load %arg6[%get3A_608] {strides = array<i32>} : memref<28672xf32, #tpu.memory_space<vmem>>, vector<16xf32>,
      %add3A_610 = arith.constant 3.000000e+00 : f32
      %add3A_611 = vector.broadcast %add3A_610 : f32 to vector<16xf32>
      %add3A_612 = arith.addf %get3A_609, %add3A_611 : vector<16xf32>
      %mul3A_613 = arith.constant 0.166666672 : f32
      %mul3A_614 = vector.broadcast %mul3A_613 : f32 to vector<16xf32>
      %mul3A_615 = arith.mulf %add3A_612, %mul3A_614 : vector<16xf32>
      %ge3A_616 = arith.constant 1.000000e+00 : f32
      %ge3A_617 = vector.broadcast %ge3A_616 : f32 to vector<16xf32>
      %ge3A_618 = arith.cmpf oge, %mul3A_615, %ge3A_617 : vector<16xf32>
      %le3A_619 = arith.constant 0.000000e+00 : f32
      %le3A_620 = vector.broadcast %le3A_619 : f32 to vector<16xf32>
      %le3A_621 = arith.cmpf ole, %mul3A_615, %le3A_620 : vector<16xf32>
      %or3A_622 = arith.ori %ge3A_618, %le3A_621 : vector<16xi1>
      %mul3A_623 = arith.constant 3.750000e-01 : f32
      %mul3A_624 = vector.broadcast %mul3A_623 : f32 to vector<16xf32>
      %mul3A_625 = arith.mulf %scan3A_273#12, %mul3A_624 : vector<16xf32>
      %sub3A_626 = arith.constant 3.000000e+00 : f32
      %sub3A_627 = vector.broadcast %sub3A_626 : f32 to vector<16xf32>
      %sub3A_628 = arith.subf %mul3A_625, %sub3A_627 : vector<16xf32>
      %select_n3A_629 = arith.select %or3A_622, %get3A_609, %sub3A_628 : vector<16xi1>, vector<16xf32>
      %add3A_630 = arith.constant 192 : i32
      %add3A_631 = arith.addi %mul3A_62, %add3A_630 : i32
      %swap3A_632 = arith.index_cast %add3A_631 : i32 to index
      %swap3A_633 = tpu.vector_load %arg7[%swap3A_632] {strides = array<i32>} : memref<28672xf32, #tpu.memory_space<vmem>>, vector<16xf32>,
      tpu.vector_store %arg7[%swap3A_632], %select_n3A_629 {strides = array<i32>} : memref<28672xf32, #tpu.memory_space<vmem>>, vector<16xf32>,
      %add3A_634 = arith.constant 208 : i32
      %add3A_635 = arith.addi %mul3A_62, %add3A_634 : i32
      %get3A_636 = arith.index_cast %add3A_635 : i32 to index
      %get3A_637 = tpu.vector_load %arg6[%get3A_636] {strides = array<i32>} : memref<28672xf32, #tpu.memory_space<vmem>>, vector<16xf32>,
      %add3A_638 = arith.constant 3.000000e+00 : f32
      %add3A_639 = vector.broadcast %add3A_638 : f32 to vector<16xf32>
      %add3A_640 = arith.addf %get3A_637, %add3A_639 : vector<16xf32>
      %mul3A_641 = arith.constant 0.166666672 : f32
      %mul3A_642 = vector.broadcast %mul3A_641 : f32 to vector<16xf32>
      %mul3A_643 = arith.mulf %add3A_640, %mul3A_642 : vector<16xf32>
      %ge3A_644 = arith.constant 1.000000e+00 : f32
      %ge3A_645 = vector.broadcast %ge3A_644 : f32 to vector<16xf32>
      %ge3A_646 = arith.cmpf oge, %mul3A_643, %ge3A_645 : vector<16xf32>
      %le3A_647 = arith.constant 0.000000e+00 : f32
      %le3A_648 = vector.broadcast %le3A_647 : f32 to vector<16xf32>
      %le3A_649 = arith.cmpf ole, %mul3A_643, %le3A_648 : vector<16xf32>
      %or3A_650 = arith.ori %ge3A_646, %le3A_649 : vector<16xi1>
      %mul3A_651 = arith.constant 3.750000e-01 : f32
      %mul3A_652 = vector.broadcast %mul3A_651 : f32 to vector<16xf32>
      %mul3A_653 = arith.mulf %scan3A_273#13, %mul3A_652 : vector<16xf32>
      %sub3A_654 = arith.constant 3.000000e+00 : f32
      %sub3A_655 = vector.broadcast %sub3A_654 : f32 to vector<16xf32>
      %sub3A_656 = arith.subf %mul3A_653, %sub3A_655 : vector<16xf32>
      %select_n3A_657 = arith.select %or3A_650, %get3A_637, %sub3A_656 : vector<16xi1>, vector<16xf32>
      %add3A_658 = arith.constant 208 : i32
      %add3A_659 = arith.addi %mul3A_62, %add3A_658 : i32
      %swap3A_660 = arith.index_cast %add3A_659 : i32 to index
      %swap3A_661 = tpu.vector_load %arg7[%swap3A_660] {strides = array<i32>} : memref<28672xf32, #tpu.memory_space<vmem>>, vector<16xf32>,
      tpu.vector_store %arg7[%swap3A_660], %select_n3A_657 {strides = array<i32>} : memref<28672xf32, #tpu.memory_space<vmem>>, vector<16xf32>,
      %add3A_662 = arith.constant 224 : i32
      %add3A_663 = arith.addi %mul3A_62, %add3A_662 : i32
      %get3A_664 = arith.index_cast %add3A_663 : i32 to index
      %get3A_665 = tpu.vector_load %arg6[%get3A_664] {strides = array<i32>} : memref<28672xf32, #tpu.memory_space<vmem>>, vector<16xf32>,
      %add3A_666 = arith.constant 3.000000e+00 : f32
      %add3A_667 = vector.broadcast %add3A_666 : f32 to vector<16xf32>
      %add3A_668 = arith.addf %get3A_665, %add3A_667 : vector<16xf32>
      %mul3A_669 = arith.constant 0.166666672 : f32
      %mul3A_670 = vector.broadcast %mul3A_669 : f32 to vector<16xf32>
      %mul3A_671 = arith.mulf %add3A_668, %mul3A_670 : vector<16xf32>
      %ge3A_672 = arith.constant 1.000000e+00 : f32
      %ge3A_673 = vector.broadcast %ge3A_672 : f32 to vector<16xf32>
      %ge3A_674 = arith.cmpf oge, %mul3A_671, %ge3A_673 : vector<16xf32>
      %le3A_675 = arith.constant 0.000000e+00 : f32
      %le3A_676 = vector.broadcast %le3A_675 : f32 to vector<16xf32>
      %le3A_677 = arith.cmpf ole, %mul3A_671, %le3A_676 : vector<16xf32>
      %or3A_678 = arith.ori %ge3A_674, %le3A_677 : vector<16xi1>
      %mul3A_679 = arith.constant 3.750000e-01 : f32
      %mul3A_680 = vector.broadcast %mul3A_679 : f32 to vector<16xf32>
      %mul3A_681 = arith.mulf %scan3A_273#14, %mul3A_680 : vector<16xf32>
      %sub3A_682 = arith.constant 3.000000e+00 : f32
      %sub3A_683 = vector.broadcast %sub3A_682 : f32 to vector<16xf32>
      %sub3A_684 = arith.subf %mul3A_681, %sub3A_683 : vector<16xf32>
      %select_n3A_685 = arith.select %or3A_678, %get3A_665, %sub3A_684 : vector<16xi1>, vector<16xf32>
      %add3A_686 = arith.constant 224 : i32
      %add3A_687 = arith.addi %mul3A_62, %add3A_686 : i32
      %swap3A_688 = arith.index_cast %add3A_687 : i32 to index
      %swap3A_689 = tpu.vector_load %arg7[%swap3A_688] {strides = array<i32>} : memref<28672xf32, #tpu.memory_space<vmem>>, vector<16xf32>,
      tpu.vector_store %arg7[%swap3A_688], %select_n3A_685 {strides = array<i32>} : memref<28672xf32, #tpu.memory_space<vmem>>, vector<16xf32>,
      %add3A_690 = arith.constant 240 : i32
      %add3A_691 = arith.addi %mul3A_62, %add3A_690 : i32
      %get3A_692 = arith.index_cast %add3A_691 : i32 to index
      %get3A_693 = tpu.vector_load %arg6[%get3A_692] {strides = array<i32>} : memref<28672xf32, #tpu.memory_space<vmem>>, vector<16xf32>,
      %add3A_694 = arith.constant 3.000000e+00 : f32
      %add3A_695 = vector.broadcast %add3A_694 : f32 to vector<16xf32>
      %add3A_696 = arith.addf %get3A_693, %add3A_695 : vector<16xf32>
      %mul3A_697 = arith.constant 0.166666672 : f32
      %mul3A_698 = vector.broadcast %mul3A_697 : f32 to vector<16xf32>
      %mul3A_699 = arith.mulf %add3A_696, %mul3A_698 : vector<16xf32>
      %ge3A_700 = arith.constant 1.000000e+00 : f32
      %ge3A_701 = vector.broadcast %ge3A_700 : f32 to vector<16xf32>
      %ge3A_702 = arith.cmpf oge, %mul3A_699, %ge3A_701 : vector<16xf32>
      %le3A_703 = arith.constant 0.000000e+00 : f32
      %le3A_704 = vector.broadcast %le3A_703 : f32 to vector<16xf32>
      %le3A_705 = arith.cmpf ole, %mul3A_699, %le3A_704 : vector<16xf32>
      %or3A_706 = arith.ori %ge3A_702, %le3A_705 : vector<16xi1>
      %mul3A_707 = arith.constant 3.750000e-01 : f32
      %mul3A_708 = vector.broadcast %mul3A_707 : f32 to vector<16xf32>
      %mul3A_709 = arith.mulf %scan3A_273#15, %mul3A_708 : vector<16xf32>
      %sub3A_710 = arith.constant 3.000000e+00 : f32
      %sub3A_711 = vector.broadcast %sub3A_710 : f32 to vector<16xf32>
      %sub3A_712 = arith.subf %mul3A_709, %sub3A_711 : vector<16xf32>
      %select_n3A_713 = arith.select %or3A_706, %get3A_693, %sub3A_712 : vector<16xi1>, vector<16xf32>
      %add3A_714 = arith.constant 240 : i32
      %add3A_715 = arith.addi %mul3A_62, %add3A_714 : i32
      %swap3A_716 = arith.index_cast %add3A_715 : i32 to index
      %swap3A_717 = tpu.vector_load %arg7[%swap3A_716] {strides = array<i32>} : memref<28672xf32, #tpu.memory_space<vmem>>, vector<16xf32>,
      tpu.vector_store %arg7[%swap3A_716], %select_n3A_713 {strides = array<i32>} : memref<28672xf32, #tpu.memory_space<vmem>>, vector<16xf32>,
      %while3A_718 = arith.constant 0 : i32
      scf.yield %while3A_718 : i32
    }
    %convert_element_type3A_51 = arith.extui %lt3A_1 : i1 to i32
    %cond3A_52 = arith.constant 0 : i32
    %cond3A_53 = arith.cmpi ne, %convert_element_type3A_51, %cond3A_52 : i32
    scf.if %cond3A_53 {
      "tpu.region"() ({
        %run_scoped3A = tpu.sem_alloc : memref<!tpu.dma_semaphore, #tpu.memory_space<semaphore_mem>>
        %dma_start3A = tpu.memref_slice %arg5[%mul3A_10] : memref<911360xf32, #tpu.memory_space<hbm>> -> memref<28672xf32, #tpu.memory_space<hbm>>
        %dma_start3A_59 = tpu.memref_slice %arg5[%mul3A_10] : memref<911360xf32, #tpu.memory_space<hbm>> -> memref<28672xf32, #tpu.memory_space<hbm>>
        tpu.enqueue_dma source(%arg7 : memref<28672xf32, #tpu.memory_space<vmem>>) target(%dma_start3A_59 : memref<28672xf32, #tpu.memory_space<hbm>>) target_semaphore(%run_scoped3A : memref<!tpu.dma_semaphore, #tpu.memory_space<semaphore_mem>>)
        %dma_wait3A = tpu.memref_slice %arg5[%mul3A_10] : memref<911360xf32, #tpu.memory_space<hbm>> -> memref<28672xf32, #tpu.memory_space<hbm>>
        %dma_wait3A_60 = tpu.memref_slice %arg5[%mul3A_10] : memref<911360xf32, #tpu.memory_space<hbm>> -> memref<28672xf32, #tpu.memory_space<hbm>>
        tpu.wait_dma2 semaphore(%run_scoped3A : memref<!tpu.dma_semaphore, #tpu.memory_space<semaphore_mem>>) src(%arg7 : memref<28672xf32, #tpu.memory_space<vmem>>) dst(%dma_wait3A_60 : memref<28672xf32, #tpu.memory_space<hbm>>)
        tpu.yield
      }) : () -> ()
    } else {
    }
    %not3A_54 = arith.constant true
    %not3A_55 = arith.xori %lt3A_1, %not3A_54 : i1
    %convert_element_type3A_56 = arith.extui %not3A_55 : i1 to i32
    %cond3A_57 = arith.constant 0 : i32
    %cond3A_58 = arith.cmpi ne, %convert_element_type3A_56, %cond3A_57 : i32
    scf.if %cond3A_58 {
      "tpu.region"() ({
        %run_scoped3A = tpu.sem_alloc : memref<!tpu.dma_semaphore, #tpu.memory_space<semaphore_mem>>
        %dma_start3A = arith.constant 0 : i32
        %dma_start3A_59 = tpu.memref_slice %arg7[%dma_start3A] : memref<28672xf32, #tpu.memory_space<vmem>> -> memref<28416xf32, #tpu.memory_space<vmem>>
        %dma_start3A_60 = tpu.memref_slice %arg5[%mul3A_10] : memref<911360xf32, #tpu.memory_space<hbm>> -> memref<28416xf32, #tpu.memory_space<hbm>>
        %dma_start3A_61 = tpu.memref_slice %arg5[%mul3A_10] : memref<911360xf32, #tpu.memory_space<hbm>> -> memref<28416xf32, #tpu.memory_space<hbm>>
        %dma_start3A_62 = arith.constant 0 : i32
        %dma_start3A_63 = tpu.memref_slice %arg7[%dma_start3A_62] : memref<28672xf32, #tpu.memory_space<vmem>> -> memref<28416xf32, #tpu.memory_space<vmem>>
        tpu.enqueue_dma source(%dma_start3A_63 : memref<28416xf32, #tpu.memory_space<vmem>>) target(%dma_start3A_61 : memref<28416xf32, #tpu.memory_space<hbm>>) target_semaphore(%run_scoped3A : memref<!tpu.dma_semaphore, #tpu.memory_space<semaphore_mem>>)
        %dma_wait3A = arith.constant 0 : i32
        %dma_wait3A_64 = tpu.memref_slice %arg7[%dma_wait3A] : memref<28672xf32, #tpu.memory_space<vmem>> -> memref<28416xf32, #tpu.memory_space<vmem>>
        %dma_wait3A_65 = tpu.memref_slice %arg5[%mul3A_10] : memref<911360xf32, #tpu.memory_space<hbm>> -> memref<28416xf32, #tpu.memory_space<hbm>>
        %dma_wait3A_66 = tpu.memref_slice %arg5[%mul3A_10] : memref<911360xf32, #tpu.memory_space<hbm>> -> memref<28416xf32, #tpu.memory_space<hbm>>
        %dma_wait3A_67 = arith.constant 0 : i32
        %dma_wait3A_68 = tpu.memref_slice %arg7[%dma_wait3A_67] : memref<28672xf32, #tpu.memory_space<vmem>> -> memref<28416xf32, #tpu.memory_space<vmem>>
        tpu.wait_dma2 semaphore(%run_scoped3A : memref<!tpu.dma_semaphore, #tpu.memory_space<semaphore_mem>>) src(%dma_wait3A_68 : memref<28416xf32, #tpu.memory_space<vmem>>) dst(%dma_wait3A_66 : memref<28416xf32, #tpu.memory_space<hbm>>)
        tpu.yield
      }) : () -> ()
    } else {
    }
    return
  }
}

module attributes {stable_mosaic.version = 14 : i64} {
  func.func @body(%arg0: i32, %arg1: memref<16x128xf32, #tpu.memory_space<vmem>>, %arg2: memref<320x128xf32, #tpu.memory_space<vmem>>, %arg3: memref<320x128xf32, #tpu.memory_space<vmem>>) attributes {dimension_semantics = [#tpu.dimension_semantics<arbitrary>], iteration_bounds = array<i64: 9>, scalar_prefetch = 0 : i64, scratch_operands = 0 : i64, tpu.core_type = #tpu.core_type<tc>, window_params = [{pipeline_mode = #tpu.pipeline_mode<synchronous>, transform_indices = @transform_0, window_bounds = array<i64: 16, 128>}, {transform_indices = @transform_1, window_bounds = array<i64: 320, 128>}, {transform_indices = @transform_2, window_bounds = array<i64: 320, 128>}]} {
    %get3A = arith.constant 0 : index
    %get3A_0 = arith.constant 0 : index
    %get3A_1 = vector.load %arg1[%get3A, %get3A_0] : memref<16x128xf32, #tpu.memory_space<vmem>>, vector<16x128xf32>
    %get3A_2 = arith.constant 0 : index
    %get3A_3 = arith.constant 0 : index
    %get3A_4 = vector.load %arg2[%get3A_2, %get3A_3] : memref<320x128xf32, #tpu.memory_space<vmem>>, vector<320x128xf32>
    %add3A = arith.constant 3.000000e+00 : f32
    %add3A_5 = vector.broadcast %add3A : f32 to vector<320x128xf32>
    %add3A_6 = arith.addf %get3A_4, %add3A_5 : vector<320x128xf32>
    %mul3A = arith.constant 0.166666672 : f32
    %mul3A_7 = vector.broadcast %mul3A : f32 to vector<320x128xf32>
    %mul3A_8 = arith.mulf %add3A_6, %mul3A_7 : vector<320x128xf32>
    %mul3A_9 = arith.constant 1.600000e+01 : f32
    %mul3A_10 = vector.broadcast %mul3A_9 : f32 to vector<320x128xf32>
    %mul3A_11 = arith.mulf %mul3A_8, %mul3A_10 : vector<320x128xf32>
    %slice3A = vector.extract_strided_slice %get3A_1 {offsets = [0, 0], sizes = [1, 128], strides = [1, 1]} : vector<16x128xf32> to vector<1x128xf32>
    %scan3A = arith.constant 0 : i32
    %scan3A_12 = arith.constant 50 : i32
    %scan3A_13 = arith.addi %scan3A, %scan3A_12 : i32
    %scan3A_14 = arith.constant 1 : i32
    %scan3A_15 = scf.for %scan3A_27 = %scan3A to %scan3A_13 step %scan3A_14 iter_args(%scan3A_28 = %mul3A_11) -> (vector<320x128xf32>)  : i32 {
      %mul3A_29 = vector.broadcast %slice3A : vector<1x128xf32> to vector<320x128xf32>
      %mul3A_30 = arith.mulf %scan3A_28, %mul3A_29 : vector<320x128xf32>
      %slice3A_31 = vector.extract_strided_slice %get3A_1 {offsets = [1, 0], sizes = [1, 128], strides = [1, 1]} : vector<16x128xf32> to vector<1x128xf32>
      %sub3A_32 = arith.constant 1.000000e+00 : f32
      %sub3A_33 = vector.broadcast %sub3A_32 : f32 to vector<320x128xf32>
      %sub3A_34 = arith.subf %scan3A_28, %sub3A_33 : vector<320x128xf32>
      %max3A = arith.constant 0.000000e+00 : f32
      %max3A_35 = vector.broadcast %max3A : f32 to vector<320x128xf32>
      %max3A_36 = arith.maximumf %sub3A_34, %max3A_35 : vector<320x128xf32>
      %mul3A_37 = vector.broadcast %slice3A_31 : vector<1x128xf32> to vector<320x128xf32>
      %mul3A_38 = arith.mulf %mul3A_37, %max3A_36 : vector<320x128xf32>
      %slice3A_39 = vector.extract_strided_slice %get3A_1 {offsets = [2, 0], sizes = [1, 128], strides = [1, 1]} : vector<16x128xf32> to vector<1x128xf32>
      %sub3A_40 = arith.constant 2.000000e+00 : f32
      %sub3A_41 = vector.broadcast %sub3A_40 : f32 to vector<320x128xf32>
      %sub3A_42 = arith.subf %scan3A_28, %sub3A_41 : vector<320x128xf32>
      %max3A_43 = arith.constant 0.000000e+00 : f32
      %max3A_44 = vector.broadcast %max3A_43 : f32 to vector<320x128xf32>
      %max3A_45 = arith.maximumf %sub3A_42, %max3A_44 : vector<320x128xf32>
      %mul3A_46 = vector.broadcast %slice3A_39 : vector<1x128xf32> to vector<320x128xf32>
      %mul3A_47 = arith.mulf %mul3A_46, %max3A_45 : vector<320x128xf32>
      %slice3A_48 = vector.extract_strided_slice %get3A_1 {offsets = [3, 0], sizes = [1, 128], strides = [1, 1]} : vector<16x128xf32> to vector<1x128xf32>
      %sub3A_49 = arith.constant 3.000000e+00 : f32
      %sub3A_50 = vector.broadcast %sub3A_49 : f32 to vector<320x128xf32>
      %sub3A_51 = arith.subf %scan3A_28, %sub3A_50 : vector<320x128xf32>
      %max3A_52 = arith.constant 0.000000e+00 : f32
      %max3A_53 = vector.broadcast %max3A_52 : f32 to vector<320x128xf32>
      %max3A_54 = arith.maximumf %sub3A_51, %max3A_53 : vector<320x128xf32>
      %mul3A_55 = vector.broadcast %slice3A_48 : vector<1x128xf32> to vector<320x128xf32>
      %mul3A_56 = arith.mulf %mul3A_55, %max3A_54 : vector<320x128xf32>
      %slice3A_57 = vector.extract_strided_slice %get3A_1 {offsets = [4, 0], sizes = [1, 128], strides = [1, 1]} : vector<16x128xf32> to vector<1x128xf32>
      %sub3A_58 = arith.constant 4.000000e+00 : f32
      %sub3A_59 = vector.broadcast %sub3A_58 : f32 to vector<320x128xf32>
      %sub3A_60 = arith.subf %scan3A_28, %sub3A_59 : vector<320x128xf32>
      %max3A_61 = arith.constant 0.000000e+00 : f32
      %max3A_62 = vector.broadcast %max3A_61 : f32 to vector<320x128xf32>
      %max3A_63 = arith.maximumf %sub3A_60, %max3A_62 : vector<320x128xf32>
      %mul3A_64 = vector.broadcast %slice3A_57 : vector<1x128xf32> to vector<320x128xf32>
      %mul3A_65 = arith.mulf %mul3A_64, %max3A_63 : vector<320x128xf32>
      %add3A_66 = arith.addf %mul3A_30, %mul3A_65 : vector<320x128xf32>
      %slice3A_67 = vector.extract_strided_slice %get3A_1 {offsets = [5, 0], sizes = [1, 128], strides = [1, 1]} : vector<16x128xf32> to vector<1x128xf32>
      %sub3A_68 = arith.constant 5.000000e+00 : f32
      %sub3A_69 = vector.broadcast %sub3A_68 : f32 to vector<320x128xf32>
      %sub3A_70 = arith.subf %scan3A_28, %sub3A_69 : vector<320x128xf32>
      %max3A_71 = arith.constant 0.000000e+00 : f32
      %max3A_72 = vector.broadcast %max3A_71 : f32 to vector<320x128xf32>
      %max3A_73 = arith.maximumf %sub3A_70, %max3A_72 : vector<320x128xf32>
      %mul3A_74 = vector.broadcast %slice3A_67 : vector<1x128xf32> to vector<320x128xf32>
      %mul3A_75 = arith.mulf %mul3A_74, %max3A_73 : vector<320x128xf32>
      %add3A_76 = arith.addf %mul3A_38, %mul3A_75 : vector<320x128xf32>
      %slice3A_77 = vector.extract_strided_slice %get3A_1 {offsets = [6, 0], sizes = [1, 128], strides = [1, 1]} : vector<16x128xf32> to vector<1x128xf32>
      %sub3A_78 = arith.constant 6.000000e+00 : f32
      %sub3A_79 = vector.broadcast %sub3A_78 : f32 to vector<320x128xf32>
      %sub3A_80 = arith.subf %scan3A_28, %sub3A_79 : vector<320x128xf32>
      %max3A_81 = arith.constant 0.000000e+00 : f32
      %max3A_82 = vector.broadcast %max3A_81 : f32 to vector<320x128xf32>
      %max3A_83 = arith.maximumf %sub3A_80, %max3A_82 : vector<320x128xf32>
      %mul3A_84 = vector.broadcast %slice3A_77 : vector<1x128xf32> to vector<320x128xf32>
      %mul3A_85 = arith.mulf %mul3A_84, %max3A_83 : vector<320x128xf32>
      %add3A_86 = arith.addf %mul3A_47, %mul3A_85 : vector<320x128xf32>
      %slice3A_87 = vector.extract_strided_slice %get3A_1 {offsets = [7, 0], sizes = [1, 128], strides = [1, 1]} : vector<16x128xf32> to vector<1x128xf32>
      %sub3A_88 = arith.constant 7.000000e+00 : f32
      %sub3A_89 = vector.broadcast %sub3A_88 : f32 to vector<320x128xf32>
      %sub3A_90 = arith.subf %scan3A_28, %sub3A_89 : vector<320x128xf32>
      %max3A_91 = arith.constant 0.000000e+00 : f32
      %max3A_92 = vector.broadcast %max3A_91 : f32 to vector<320x128xf32>
      %max3A_93 = arith.maximumf %sub3A_90, %max3A_92 : vector<320x128xf32>
      %mul3A_94 = vector.broadcast %slice3A_87 : vector<1x128xf32> to vector<320x128xf32>
      %mul3A_95 = arith.mulf %mul3A_94, %max3A_93 : vector<320x128xf32>
      %add3A_96 = arith.addf %mul3A_56, %mul3A_95 : vector<320x128xf32>
      %slice3A_97 = vector.extract_strided_slice %get3A_1 {offsets = [8, 0], sizes = [1, 128], strides = [1, 1]} : vector<16x128xf32> to vector<1x128xf32>
      %sub3A_98 = arith.constant 8.000000e+00 : f32
      %sub3A_99 = vector.broadcast %sub3A_98 : f32 to vector<320x128xf32>
      %sub3A_100 = arith.subf %scan3A_28, %sub3A_99 : vector<320x128xf32>
      %max3A_101 = arith.constant 0.000000e+00 : f32
      %max3A_102 = vector.broadcast %max3A_101 : f32 to vector<320x128xf32>
      %max3A_103 = arith.maximumf %sub3A_100, %max3A_102 : vector<320x128xf32>
      %mul3A_104 = vector.broadcast %slice3A_97 : vector<1x128xf32> to vector<320x128xf32>
      %mul3A_105 = arith.mulf %mul3A_104, %max3A_103 : vector<320x128xf32>
      %add3A_106 = arith.addf %add3A_66, %mul3A_105 : vector<320x128xf32>
      %slice3A_107 = vector.extract_strided_slice %get3A_1 {offsets = [9, 0], sizes = [1, 128], strides = [1, 1]} : vector<16x128xf32> to vector<1x128xf32>
      %sub3A_108 = arith.constant 9.000000e+00 : f32
      %sub3A_109 = vector.broadcast %sub3A_108 : f32 to vector<320x128xf32>
      %sub3A_110 = arith.subf %scan3A_28, %sub3A_109 : vector<320x128xf32>
      %max3A_111 = arith.constant 0.000000e+00 : f32
      %max3A_112 = vector.broadcast %max3A_111 : f32 to vector<320x128xf32>
      %max3A_113 = arith.maximumf %sub3A_110, %max3A_112 : vector<320x128xf32>
      %mul3A_114 = vector.broadcast %slice3A_107 : vector<1x128xf32> to vector<320x128xf32>
      %mul3A_115 = arith.mulf %mul3A_114, %max3A_113 : vector<320x128xf32>
      %add3A_116 = arith.addf %add3A_76, %mul3A_115 : vector<320x128xf32>
      %slice3A_117 = vector.extract_strided_slice %get3A_1 {offsets = [10, 0], sizes = [1, 128], strides = [1, 1]} : vector<16x128xf32> to vector<1x128xf32>
      %sub3A_118 = arith.constant 1.000000e+01 : f32
      %sub3A_119 = vector.broadcast %sub3A_118 : f32 to vector<320x128xf32>
      %sub3A_120 = arith.subf %scan3A_28, %sub3A_119 : vector<320x128xf32>
      %max3A_121 = arith.constant 0.000000e+00 : f32
      %max3A_122 = vector.broadcast %max3A_121 : f32 to vector<320x128xf32>
      %max3A_123 = arith.maximumf %sub3A_120, %max3A_122 : vector<320x128xf32>
      %mul3A_124 = vector.broadcast %slice3A_117 : vector<1x128xf32> to vector<320x128xf32>
      %mul3A_125 = arith.mulf %mul3A_124, %max3A_123 : vector<320x128xf32>
      %add3A_126 = arith.addf %add3A_86, %mul3A_125 : vector<320x128xf32>
      %slice3A_127 = vector.extract_strided_slice %get3A_1 {offsets = [11, 0], sizes = [1, 128], strides = [1, 1]} : vector<16x128xf32> to vector<1x128xf32>
      %sub3A_128 = arith.constant 1.100000e+01 : f32
      %sub3A_129 = vector.broadcast %sub3A_128 : f32 to vector<320x128xf32>
      %sub3A_130 = arith.subf %scan3A_28, %sub3A_129 : vector<320x128xf32>
      %max3A_131 = arith.constant 0.000000e+00 : f32
      %max3A_132 = vector.broadcast %max3A_131 : f32 to vector<320x128xf32>
      %max3A_133 = arith.maximumf %sub3A_130, %max3A_132 : vector<320x128xf32>
      %mul3A_134 = vector.broadcast %slice3A_127 : vector<1x128xf32> to vector<320x128xf32>
      %mul3A_135 = arith.mulf %mul3A_134, %max3A_133 : vector<320x128xf32>
      %add3A_136 = arith.addf %add3A_96, %mul3A_135 : vector<320x128xf32>
      %slice3A_137 = vector.extract_strided_slice %get3A_1 {offsets = [12, 0], sizes = [1, 128], strides = [1, 1]} : vector<16x128xf32> to vector<1x128xf32>
      %sub3A_138 = arith.constant 1.200000e+01 : f32
      %sub3A_139 = vector.broadcast %sub3A_138 : f32 to vector<320x128xf32>
      %sub3A_140 = arith.subf %scan3A_28, %sub3A_139 : vector<320x128xf32>
      %max3A_141 = arith.constant 0.000000e+00 : f32
      %max3A_142 = vector.broadcast %max3A_141 : f32 to vector<320x128xf32>
      %max3A_143 = arith.maximumf %sub3A_140, %max3A_142 : vector<320x128xf32>
      %mul3A_144 = vector.broadcast %slice3A_137 : vector<1x128xf32> to vector<320x128xf32>
      %mul3A_145 = arith.mulf %mul3A_144, %max3A_143 : vector<320x128xf32>
      %add3A_146 = arith.addf %add3A_106, %mul3A_145 : vector<320x128xf32>
      %slice3A_147 = vector.extract_strided_slice %get3A_1 {offsets = [13, 0], sizes = [1, 128], strides = [1, 1]} : vector<16x128xf32> to vector<1x128xf32>
      %sub3A_148 = arith.constant 1.300000e+01 : f32
      %sub3A_149 = vector.broadcast %sub3A_148 : f32 to vector<320x128xf32>
      %sub3A_150 = arith.subf %scan3A_28, %sub3A_149 : vector<320x128xf32>
      %max3A_151 = arith.constant 0.000000e+00 : f32
      %max3A_152 = vector.broadcast %max3A_151 : f32 to vector<320x128xf32>
      %max3A_153 = arith.maximumf %sub3A_150, %max3A_152 : vector<320x128xf32>
      %mul3A_154 = vector.broadcast %slice3A_147 : vector<1x128xf32> to vector<320x128xf32>
      %mul3A_155 = arith.mulf %mul3A_154, %max3A_153 : vector<320x128xf32>
      %add3A_156 = arith.addf %add3A_116, %mul3A_155 : vector<320x128xf32>
      %slice3A_157 = vector.extract_strided_slice %get3A_1 {offsets = [14, 0], sizes = [1, 128], strides = [1, 1]} : vector<16x128xf32> to vector<1x128xf32>
      %sub3A_158 = arith.constant 1.400000e+01 : f32
      %sub3A_159 = vector.broadcast %sub3A_158 : f32 to vector<320x128xf32>
      %sub3A_160 = arith.subf %scan3A_28, %sub3A_159 : vector<320x128xf32>
      %max3A_161 = arith.constant 0.000000e+00 : f32
      %max3A_162 = vector.broadcast %max3A_161 : f32 to vector<320x128xf32>
      %max3A_163 = arith.maximumf %sub3A_160, %max3A_162 : vector<320x128xf32>
      %mul3A_164 = vector.broadcast %slice3A_157 : vector<1x128xf32> to vector<320x128xf32>
      %mul3A_165 = arith.mulf %mul3A_164, %max3A_163 : vector<320x128xf32>
      %add3A_166 = arith.addf %add3A_126, %mul3A_165 : vector<320x128xf32>
      %slice3A_167 = vector.extract_strided_slice %get3A_1 {offsets = [15, 0], sizes = [1, 128], strides = [1, 1]} : vector<16x128xf32> to vector<1x128xf32>
      %sub3A_168 = arith.constant 1.500000e+01 : f32
      %sub3A_169 = vector.broadcast %sub3A_168 : f32 to vector<320x128xf32>
      %sub3A_170 = arith.subf %scan3A_28, %sub3A_169 : vector<320x128xf32>
      %max3A_171 = arith.constant 0.000000e+00 : f32
      %max3A_172 = vector.broadcast %max3A_171 : f32 to vector<320x128xf32>
      %max3A_173 = arith.maximumf %sub3A_170, %max3A_172 : vector<320x128xf32>
      %mul3A_174 = vector.broadcast %slice3A_167 : vector<1x128xf32> to vector<320x128xf32>
      %mul3A_175 = arith.mulf %mul3A_174, %max3A_173 : vector<320x128xf32>
      %add3A_176 = arith.addf %add3A_136, %mul3A_175 : vector<320x128xf32>
      %add3A_177 = arith.addf %add3A_146, %add3A_156 : vector<320x128xf32>
      %add3A_178 = arith.addf %add3A_166, %add3A_176 : vector<320x128xf32>
      %add3A_179 = arith.addf %add3A_177, %add3A_178 : vector<320x128xf32>
      scf.yield %add3A_179 : vector<320x128xf32>
    }
    %mul3A_16 = arith.constant 3.750000e-01 : f32
    %mul3A_17 = vector.broadcast %mul3A_16 : f32 to vector<320x128xf32>
    %mul3A_18 = arith.mulf %scan3A_15, %mul3A_17 : vector<320x128xf32>
    %sub3A = arith.constant 3.000000e+00 : f32
    %sub3A_19 = vector.broadcast %sub3A : f32 to vector<320x128xf32>
    %sub3A_20 = arith.subf %mul3A_18, %sub3A_19 : vector<320x128xf32>
    %ge3A = arith.constant 1.000000e+00 : f32
    %ge3A_21 = vector.broadcast %ge3A : f32 to vector<320x128xf32>
    %ge3A_22 = arith.cmpf oge, %mul3A_8, %ge3A_21 : vector<320x128xf32>
    %le3A = arith.constant 0.000000e+00 : f32
    %le3A_23 = vector.broadcast %le3A : f32 to vector<320x128xf32>
    %le3A_24 = arith.cmpf ole, %mul3A_8, %le3A_23 : vector<320x128xf32>
    %or3A = arith.ori %ge3A_22, %le3A_24 : vector<320x128xi1>
    %select_n3A = arith.select %or3A, %get3A_4, %sub3A_20 : vector<320x128xi1>, vector<320x128xf32>
    %swap3A = arith.constant 0 : index
    %swap3A_25 = arith.constant 0 : index
    %swap3A_26 = vector.load %arg3[%swap3A, %swap3A_25] : memref<320x128xf32, #tpu.memory_space<vmem>>, vector<320x128xf32>
    tpu.vector_store %arg3[%swap3A, %swap3A_25], %select_n3A {strides = array<i32>} : memref<320x128xf32, #tpu.memory_space<vmem>>, vector<320x128xf32>,
    return
  }
  func.func @transform_0(%arg0: i32) -> (i32, i32) {
    %c0_i32 = arith.constant 0 : i32
    %c0_i32_0 = arith.constant 0 : i32
    %c0_i32_1 = arith.constant 0 : i32
    return %c0_i32, %c0_i32_0 : i32, i32
  }
  func.func @transform_1(%arg0: i32) -> (i32, i32) {
    %c0_i32 = arith.constant 0 : i32
    %c0_i32_0 = arith.constant 0 : i32
    return %arg0, %c0_i32 : i32, i32
  }
  func.func @transform_2(%arg0: i32) -> (i32, i32) {
    %c0_i32 = arith.constant 0 : i32
    %c0_i32_0 = arith.constant 0 : i32
    return %arg0, %c0_i32 : i32, i32
  }
}

module attributes {stable_mosaic.version = 14 : i64} {
  func.func @body(%arg0: memref<1xf32, #tpu.memory_space<smem>>, %arg1: memref<128x15xf32, #tpu.memory_space<vmem>>, %arg2: memref<16x15xf32, #tpu.memory_space<vmem>>, %arg3: memref<16x15xf32, #tpu.memory_space<vmem>>, %arg4: memref<16x128xf32, #tpu.memory_space<vmem>>, %arg5: memref<16x128xf32, #tpu.memory_space<vmem>>, %arg6: memref<16x128xf32, #tpu.memory_space<vmem>>) attributes {dimension_semantics = [], scalar_prefetch = 0 : i64, scratch_operands = 0 : i64, tpu.core_type = #tpu.core_type<tc>} {
    %get3A = arith.constant 0 : index
    %get3A_0 = memref.load %arg0[%get3A] : memref<1xf32, #tpu.memory_space<smem>>
    %div3A = arith.constant 5.000000e+01 : f32
    %div3A_1 = arith.divf %get3A_0, %div3A : f32
    %get3A_2 = arith.constant 0 : index
    %get3A_3 = arith.constant 0 : index
    %get3A_4 = vector.load %arg2[%get3A_2, %get3A_3] : memref<16x15xf32, #tpu.memory_space<vmem>>, vector<16x15xf32>
    %get3A_5 = arith.constant 0 : index
    %get3A_6 = arith.constant 0 : index
    %get3A_7 = vector.load %arg1[%get3A_5, %get3A_6] : memref<128x15xf32, #tpu.memory_space<vmem>>, vector<128x15xf32>
    %dot_general3A = arith.constant dense<0.000000e+00> : vector<16x128xf32>
    %dot_general3A_8 = tpu.matmul %get3A_4, %get3A_7, %dot_general3A {dimension_numbers = #tpu.dot_dimension_numbers<[1], [1], [0], [0], [0, 0, 1, 0], [], []>, transpose_lhs_hint = false} : vector<16x15xf32>, vector<128x15xf32>, vector<16x128xf32> -> vector<16x128xf32>
    %get3A_9 = arith.constant 0 : index
    %get3A_10 = arith.constant 0 : index
    %get3A_11 = vector.load %arg3[%get3A_9, %get3A_10] : memref<16x15xf32, #tpu.memory_space<vmem>>, vector<16x15xf32>
    %get3A_12 = arith.constant 0 : index
    %get3A_13 = arith.constant 0 : index
    %get3A_14 = vector.load %arg1[%get3A_12, %get3A_13] : memref<128x15xf32, #tpu.memory_space<vmem>>, vector<128x15xf32>
    %dot_general3A_15 = arith.constant dense<0.000000e+00> : vector<16x128xf32>
    %dot_general3A_16 = tpu.matmul %get3A_11, %get3A_14, %dot_general3A_15 {dimension_numbers = #tpu.dot_dimension_numbers<[1], [1], [0], [0], [0, 0, 1, 0], [], []>, transpose_lhs_hint = false} : vector<16x15xf32>, vector<128x15xf32>, vector<16x128xf32> -> vector<16x128xf32>
    %mul3A = vector.broadcast %div3A_1 : f32 to vector<16x128xf32>
    %mul3A_17 = arith.mulf %mul3A, %dot_general3A_8 : vector<16x128xf32>
    %add3A = arith.constant 1.000000e+00 : f32
    %add3A_18 = vector.broadcast %add3A : f32 to vector<16x128xf32>
    %add3A_19 = arith.addf %add3A_18, %mul3A_17 : vector<16x128xf32>
    %swap3A = arith.constant 0 : index
    %swap3A_20 = arith.constant 0 : index
    %swap3A_21 = vector.load %arg4[%swap3A, %swap3A_20] : memref<16x128xf32, #tpu.memory_space<vmem>>, vector<16x128xf32>
    tpu.vector_store %arg4[%swap3A, %swap3A_20], %add3A_19 {strides = array<i32>} : memref<16x128xf32, #tpu.memory_space<vmem>>, vector<16x128xf32>,
    %mul3A_22 = arith.constant 1.600000e+01 : f32
    %mul3A_23 = arith.mulf %mul3A_22, %div3A_1 : f32
    %mul3A_24 = vector.broadcast %mul3A_23 : f32 to vector<16x128xf32>
    %mul3A_25 = arith.mulf %mul3A_24, %dot_general3A_16 : vector<16x128xf32>
    %swap3A_26 = arith.constant 0 : index
    %swap3A_27 = arith.constant 0 : index
    %swap3A_28 = vector.load %arg5[%swap3A_26, %swap3A_27] : memref<16x128xf32, #tpu.memory_space<vmem>>, vector<16x128xf32>
    tpu.vector_store %arg5[%swap3A_26, %swap3A_27], %mul3A_25 {strides = array<i32>} : memref<16x128xf32, #tpu.memory_space<vmem>>, vector<16x128xf32>,
    %broadcast_in_dim3A = arith.constant 0.000000e+00 : f32
    %broadcast_in_dim3A_29 = vector.broadcast %broadcast_in_dim3A : f32 to vector<1x128xf32>
    %slice3A = vector.extract_strided_slice %dot_general3A_8 {offsets = [0, 0], sizes = [15, 128], strides = [1, 1]} : vector<16x128xf32> to vector<15x128xf32>
    %concatenate3A = tpu.concatenate %broadcast_in_dim3A_29, %slice3A in 0 : vector<1x128xf32>, vector<15x128xf32> -> vector<16x128xf32>
    %iota3A = tpu.iota {dimensions = array<i32: 0>} : vector<16x128xi32>
    %sub3A = arith.subf %dot_general3A_8, %concatenate3A : vector<16x128xf32>
    %mul3A_30 = vector.broadcast %div3A_1 : f32 to vector<16x128xf32>
    %mul3A_31 = arith.mulf %mul3A_30, %sub3A : vector<16x128xf32>
    %eq3A = arith.constant 0 : i32
    %eq3A_32 = vector.broadcast %eq3A : i32 to vector<16x128xi32>
    %eq3A_33 = arith.cmpi eq, %iota3A, %eq3A_32 : vector<16x128xi32>
    %jit3A = arith.constant 1.000000e+00 : f32
    %jit3A_34 = arith.constant 0.000000e+00 : f32
    %broadcast_in_dim3A_35 = vector.broadcast %jit3A : f32 to vector<16x128xf32>
    %broadcast_in_dim3A_36 = vector.broadcast %jit3A_34 : f32 to vector<16x128xf32>
    %select_n3A = arith.select %eq3A_33, %broadcast_in_dim3A_35, %broadcast_in_dim3A_36 : vector<16x128xi1>, vector<16x128xf32>
    %add3A_37 = arith.addf %mul3A_31, %select_n3A : vector<16x128xf32>
    %swap3A_38 = arith.constant 0 : index
    %swap3A_39 = arith.constant 0 : index
    %swap3A_40 = vector.load %arg6[%swap3A_38, %swap3A_39] : memref<16x128xf32, #tpu.memory_space<vmem>>, vector<16x128xf32>
    tpu.vector_store %arg6[%swap3A_38, %swap3A_39], %add3A_37 {strides = array<i32>} : memref<16x128xf32, #tpu.memory_space<vmem>>, vector<16x128xf32>,
    return
  }
}

</mosaic_0001>

<sc_bundles>
// kernel: kernel.5.cloned.1.call-start
scs
__scs_entry_jumppad:
0x0: {  	(pc) =	sbr.rel $0x88, $3  }
0x1: {  	(tag) =	ssettag $0x0;
	lr =	simm.s32 $0x1  }
0x2: {  	[smem:$0x3F9D] =	sst lr;
	_ =	strace $0xD0000000  }
0x3: {  	_ = 	snop  }
0x4: {  	_ = 	snop  }
0x5: {  	_ = 	snop  }
0x6: {  	_ = 	snop  }
0x7: {  	_ = 	snop  }
__scs_overlays_trampoline_lowered:
0x8: {  	[smem:$0x3FAC] =	sst s0  }
0x9: {  	[smem:$0x3FAD] =	sst s1  }
0xa: {  	[smem:$0x3FAE] =	sst s2  }
0xb: {  	[smem:$0x3FAF] =	sst s3  }
0xc: {  	[smem:$0x3FB0] =	sst s4  }
0xd: {  	[smem:$0x3FB1] =	sst s5  }
0xe: {  	[smem:$0x3FB2] =	sst s6  }
0xf: {  	[smem:$0x3FB3] =	sst s7  }
0x10: {  	[smem:$0x3FB4] =	sst s8  }
0x11: {  	[smem:$0x3FB5] =	sst s9;
	s0 =	simm.s32 @!p0 $0x0  }
0x12: {  	s1 =	sld [smem:$0x3F9B];
	s0 =	simm.s32 @p0 $0x1  }
0x13: {  	[smem:$0x3FB6] =	sst s0;
	s0 =	simm.s32 @!p1 $0x0  }
0x14: {  	s2 =	sld [smem:$0x3F9A];
	s0 =	simm.s32 @p1 $0x1  }
0x15: {  	[smem:$0x3FB7] =	sst s0;
	s0 =	simm.s32 @!p2 $0x0  }
0x16: {  	s3 =	sld [smem:$0x3FDB];
	s0 =	simm.s32 @p2 $0x1  }
0x17: {  	s4 =	simm.s32 $0x1BF5;
	[smem:$0x3FB9] =	sst s0  }
0x18: {  	s0 =	sld [smem:$0x3F9C];
	_ =	swait.ge [sflag:s4], $0x0  }
0x19: {  	s7 =	sld [smem:$0x3F9D]  }
0x1a: {  	s8 =	sadd.s32 $0xFFFFE003, lr  }
0x1b: {  	s9 =	sadd.s32 $0xFFFFFEF7, lr;
	s5 =	simm.s32 $0xFFFFFFFF;
	p2 =	slt.u32 s8, $0xFFFFF086  }
0x1c: {  	p1 =	slt.u32 s9, $0xF7A;
	s5 =	simm.s32 @!p2 $0x0  }
0x1d: {  	s5 =	simm.s32 @p1 $0x1;
	p0 =	seq.s32 s7, s2  }
0x1e: {  	s7 =	smul.u32 @!p0 $0xF7A, s2;
	p2 =	seq.s32 @!p0 s5, $0x0  }
0x1f: {  	s9 =	smul.u32 $0xF7A, s1;
	s8 =	simm.s32 @!p0 $0x1BF5;
	p2 =	por !p2, p0  }
0x20: {  	[sflag:s8] =	ssyncset.s32 @!p0 $0xFFFFF086;
	s6 =	sadd.s32 @!p0 s3, s7;
	s7 =	simm.s32 @!p0 $0x108  }
0x21: {  	s3 =	sadd.s32 s3, s9;
	s6 =	sadd.s32 @!p0 $0x88, s6;
	s7 =	simm.s32 @p2 $0x1082  }
0x22: {  	[simem:s7], [sflag:s8] =	dma.local @!p0 [hbm:s6], $0xF7A  }
0x23: {  	s9 =	sor.u32 $0xD0000000, s2;
	s6 =	simm.s32 $0x108;
	_ =	swait.ge @!p0 [sflag:s8], $0x0  }
0x24: {  	s3 =	sadd.s32 $0x88, s3;
	s6 =	simm.s32 @!p1 $0x1082;
	[sflag:s4] =	ssyncset.s32 $0xFFFFF086  }
0x25: {  	[simem:s6], [sflag:s4] =	dma.local [hbm:s3], $0xF7A  }
0x26: {  	[smem:$0x3F9D] =	sst s1;
	(tag) =	ssettag s2;
	_ =	strace s9  }
0x27: {  	s1 =	sld [smem:$0x3FAD]  }
0x28: {  	s2 =	sld [smem:$0x3FAE]  }
0x29: {  	s4 =	sld [smem:$0x3FB0]  }
0x2a: {  	p0 =	seq.s32 s5, $0x0;
	s5 =	sld [smem:$0x3FB1]  }
0x2b: {  	s6 =	sld [smem:$0x3FB2]  }
0x2c: {  	s7 =	sld [smem:$0x3FB3]  }
0x2d: {  	s3 =	simm.s32 $0x108;
	s8 =	sld [smem:$0x3FB4]  }
0x2e: {  	s3 =	simm.s32 @!p0 $0x1082;
	s9 =	sld [smem:$0x3FB5]  }
0x2f: {  	lr =	sadd.s32 s0, s3;
	s0 =	sld [smem:$0x3FAC]  }
0x30: {  	s3 =	sld [smem:$0x3FAF]  }
0x31: {  	[smem:$0x3FB8] =	sst s10  }
0x32: {  	s10 =	sld [smem:$0x3FB6];
	_ =	sdelay $0x3  }
0x33: {  	p0 =	seq.s32 s10, $0x1;
	s10 =	sld [smem:$0x3FB8];
	_ =	sdelay $0x3  }
0x34: {  	[smem:$0x3FB8] =	sst s10  }
0x35: {  	s10 =	sld [smem:$0x3FB7];
	_ =	sdelay $0x3  }
0x36: {  	p1 =	seq.s32 s10, $0x1;
	s10 =	sld [smem:$0x3FB8];
	_ =	sdelay $0x3  }
0x37: {  	[smem:$0x3FB8] =	sst s10  }
0x38: {  	s10 =	sld [smem:$0x3FB9]  }
0x39: {  	_ = 	snop;
	(pc) =	sbr.ind lr, $3  }
0x3a: {  	_ = 	snop  }
0x3b: {  	_ = 	snop  }
0x3c: {  	p2 =	seq.s32 s10, $0x1;
	s10 =	sld [smem:$0x3FB8]  }
0x3d: {  	_ =	shalt  }
0x3e: {  	_ =	shalt  }
0x3f: {  	_ =	shalt  }
0x40: {  	_ =	shalt  }
0x41: {  	_ =	shalt  }
0x42: {  	_ =	shalt  }
0x43: {  	_ =	shalt  }
0x44: {  	_ =	shalt  }
0x45: {  	_ =	shalt  }
0x46: {  	_ =	shalt  }
0x47: {  	_ =	shalt  }
0x48: {  	_ =	shalt  }
0x49: {  	_ =	shalt  }
0x4a: {  	_ =	shalt  }
0x4b: {  	_ =	shalt  }
0x4c: {  	_ =	shalt  }
0x4d: {  	_ =	shalt  }
0x4e: {  	_ =	shalt  }
0x4f: {  	_ =	shalt  }
0x50: {  	_ =	shalt  }
0x51: {  	_ =	shalt  }
0x52: {  	_ =	shalt  }
0x53: {  	_ =	shalt  }
0x54: {  	_ =	shalt  }
0x55: {  	_ =	shalt  }
0x56: {  	_ =	shalt  }
0x57: {  	_ =	shalt  }
0x58: {  	_ =	shalt  }
0x59: {  	_ =	shalt  }
0x5a: {  	_ =	shalt  }
0x5b: {  	_ =	shalt  }
0x5c: {  	_ =	shalt  }
0x5d: {  	_ =	shalt  }
0x5e: {  	_ =	shalt  }
0x5f: {  	_ =	shalt  }
0x60: {  	_ =	shalt  }
0x61: {  	_ =	shalt  }
0x62: {  	_ =	shalt  }
0x63: {  	_ =	shalt  }
0x64: {  	_ =	shalt  }
0x65: {  	_ =	shalt  }
0x66: {  	_ =	shalt  }
0x67: {  	_ =	shalt  }
0x68: {  	_ =	shalt  }
0x69: {  	_ =	shalt  }
0x6a: {  	_ =	shalt  }
0x6b: {  	_ =	shalt  }
0x6c: {  	_ =	shalt  }
0x6d: {  	_ =	shalt  }
0x6e: {  	_ =	shalt  }
0x6f: {  	_ =	shalt  }
0x70: {  	_ =	shalt  }
0x71: {  	_ =	shalt  }
0x72: {  	_ =	shalt  }
0x73: {  	_ =	shalt  }
0x74: {  	_ =	shalt  }
0x75: {  	_ =	shalt  }
0x76: {  	_ =	shalt  }
0x77: {  	_ =	shalt  }
0x78: {  	_ =	shalt  }
0x79: {  	_ =	shalt  }
0x7a: {  	_ =	shalt  }
0x7b: {  	_ =	shalt  }
0x7c: {  	_ =	shalt  }
0x7d: {  	_ =	shalt  }
0x7e: {  	_ =	shalt  }
0x7f: {  	_ =	shalt  }
0x80: {  	_ =	shalt  }
0x81: {  	_ =	shalt  }
0x82: {  	_ =	shalt  }
0x83: {  	_ =	shalt  }
0x84: {  	_ =	shalt  }
0x85: {  	_ =	shalt  }
0x86: {  	_ =	shalt  }
0x87: {  	_ =	shalt  }
.Lfunc_end0:
.L_simem_size_0:
called_computation_lowered:
.L_overlay_start_0:
0x88: {  	s2 =	sld [smem:$0x3FD9]  }
0x89: {  	s3 =	sld [smem:$0x3FFE];
	_ =	sdelay $0x1  }
0x8a: {  	s1 =	srdreg.scid  }
0x8b: {  	s0 =	sand.u32 $0x1, s1  }
0x8c: {  	s14 =	sshll.u32 s0, $0xA;
	s2 =	sadd.s32 s3, s2  }
0x8d: {  	s2 =	sadd.s32 s2, s14  }
0x8e: {  	[smem:$0x3FC4] =	sst s2  }
0x8f: {  	_ = 	snop  }
0x90: {  	s2 =	sld [smem:$0x3FD0];
	_ =	sdelay $0x2  }
0x91: {  	s15 =	simm.s32 $0xA;
	s4 =	simm.s32 $0x10  }
0x92: {  	[smem:s4], [sflag:s15] =	dma.local [hbm:s2], $0x1  }
0x93: {  	_ =	swait.eq [sflag:s15], $0x1  }
0x94: {  	[sflag:s15] =	ssyncset.done $0x0  }
0x95: {  	s16 =	sld [smem:$0x10];
	[sflag:s15] =	ssyncadd.s32 $0xFFFFFFFF  }
0x96: {  	s17 =	sld [smem:$0x11];
	(tm) =	ssettm $0x1  }
0x97: {  	s18 =	sld [smem:$0x3FFB];
	_ =	sdelay $0x3  }
0x98: {  	_ =	strace s18  }
0x99: {  	s4 =	sld [smem:$0x3FFC];
	_ =	sdelay $0x3  }
0x9a: {  	_ =	strace s4  }
0x9b: {  	s4 =	sld [smem:$0x3FFD];
	_ =	sdelay $0x3  }
0x9c: {  	_ =	strace s4  }
0x9d: {  	_ =	strace $0x8FFFFFFF  }
0x9e: {  	s19 =	sld [smem:$0x3FDB];
	_ =	sdelay $0x1  }
0x9f: {  	s5 =	simm.s32 $_scs_section_size  }
0xa0: {  	s6 =	simm.s32 $_size__tile_overlayer_lowered;
	s7 =	simm.s32 $_tile_overlayer_lowered  }
0xa1: {  	s22 =	simm.s32 $0x1BFF;
	s21 =	sshll.u32 s7, $0x1;
	s4 =	sadd.s32 s5, s19  }
0xa2: {  	s8 =	simm.s32 $0x0;
	s20 =	sshll.u32 s6, $0x1;
	s6 =	sadd.s32 s21, s4  }
0xa3: {  	[timem:s8], [sflag:s22] =	dma.local [hbm:s6], s20  }
0xa4: {  	_ =	swait.ge [sflag:s22], s20  }
0xa5: {  	s5 =	ssub.s32 $0x0, s20;
	[sflag:s22] =	ssyncset.done $0x0  }
0xa6: {  	[sflag:s22] =	ssyncadd.s32 s5;
	_ =	sdelay $0x1  }
0xa7: {  	s23 =	simm.s32 $0x1B8B  }
0xa8: {  	_ =	swait.ge [sflag:s23], $0x1  }
0xa9: {  	[sflag:s23] =	ssyncset.done $0x0  }
0xaa: {  	s25 =	simm.s32 $0x1B8E;
	s24 =	sld [smem:$0x3FFE];
	[sflag:s23] =	ssyncadd.s32 $0xFFFFFFFF  }
0xab: {  	s26 =	simm.s32 $execute0_lowered;
	[smem:$0x3FD2] =	sst s25  }
0xac: {  	s6 =	sshll.u32 s26, $0x1;
	_ =	strace $0x80000046;
	[dreg:$0x1] =	wrdreg $0xFFFFFFFF  }
0xad: {  	s28 =	simm.s32 $_size_execute0_lowered;
	s4 =	sadd.s32 s4, s6;
	[dreg:$0x0] =	wrdreg $0x0  }
0xae: {  	s6 =	sshll.u32 s28, $0x1;
	[dreg:$0x2] =	wrdreg s4  }
0xaf: {  	[dreg:$0x3] =	wrdreg s6  }
0xb0: {  	[dreg:$0x4] =	wrdreg $0xC0  }
0xb1: {  	_ =	task [dreg:s8], $0x5FFFF  }
0xb2: {  	[dreg:$0x1] =	wrdreg $0xFFFFFFFF  }
0xb3: {  	[dreg:$0x0] =	wrdreg $0x60  }
0xb4: {  	[dreg:$0x2] =	wrdreg s16  }
0xb5: {  	[dreg:$0x3] =	wrdreg s17  }
0xb6: {  	[dreg:$0x4] =	wrdreg s24  }
0xb7: {  	[dreg:$0x5] =	wrdreg $0x9  }
0xb8: {  	_ =	task.clear_ibuf [dreg:s8], $0x6FFFF;
	_ =	strace $0x90000046  }
0xb9: {  	s29 =	simm.s32 $0x9;
	_ =	strace $0x80000048  }
0xba: {  	_ =	swait.ge [sflag:s29], $0x1  }
0xbb: {  	[sflag:s29] =	ssyncadd.s32 $0xFFFFFFFF  }
0xbc: {  	_ =	strace $0x90000048  }
0xbd: {  	_ =	sfence  }
0xbe: {  	s30 =	sld [smem:$0x0];
	_ =	sdelay $0x2  }
0xbf: {  	s31 =	sshll.u32 s1, $0xD;
	s1 =	sshrl.u32 s1, $0x2  }
0xc0: {  	s3 =	sand.u32 $0x4000, s31;
	s1 =	sadd.s32 s1, s30  }
0xc1: {  	s0 =	sor.u32 s3, s0;
	s1 =	sshll.u32 s1, $0x11  }
0xc2: {  	s0 =	sor.u32 s1, s0  }
0xc3: {  	s0 =	sadd.s32 $0x8F2B, s0  }
0xc4: {  	[sflag:s0] =	ssyncadd.remote.s32 $0x1  }
0xc5: {  	_ =	sfence.sel $0xFFFF  }
0xc6: {  	[dreg:$0x0] =	wrdreg $0xFFFFFFFF;
	(pc) =	sbr.abs _section_cstart, $3  }
0xc7: {  	[dreg:$0x1] =	wrdreg $0xFFFFFFFF  }
0xc8: {  	_ =	task.clear_ibuf [dreg:s8], $0x2FFFF;
	_ =	strace $0x9FFFFFFF  }
0xc9: {  	(tm) =	ssettm $0x7FFFFFFF  }
tec
execute0_lowered:
.L_overlay_start_1:
0x0: {  	(tag) =	ssettag $0x1  }
0x1: {  	s1 =	srdreg.scid;
	s6 =	rddreg [dreg:$0x0]  }
0x2: {  	s0 =	stileid.u32;
	s2 =	rddreg [dreg:$0x1]  }
0x3: {  	s7 =	rddreg [dreg:$0x2];
	s3 =	simm.s32 $0x0;
	s11 =	simm.s32 $0xE800  }
0x4: {  	s5 =	sand.u32 $0x1, s1;
	s31 =	sshll.u32 s0, $0x1;
	s1 =	rddreg [dreg:$0x3]  }
0x5: {  	s12 =	simm.s32 $0x0;
	[smem:$0x7FF] =	sst s3;
	s4 =	sor.u32 s5, s31  }
0x6: {  	p0 =	sgt.u32 s0, $0x3;
	_ =	strace $0x80000047;
	s8 =	smul.u32 $0x6F, s4  }
0x7: {  	s9 =	ssub.s32 $0x2, s5;
	s5 =	simm.s32 $0x6F;
	s4 =	smin.u32 s4, $0x8  }
0x8: {  	v0 =	vlaneseq.u32;
	s10 =	sshrl.u32 s9, $0x1;
	s5 =	simm.s32 @!p0 $0x70;
	s4 =	sadd.s32 s4, s8  }
0x9: {  	v1 =	vor.u32 $0x10, v0;
	s9 =	ssub.s32 s9, s10;
	s10 =	simm.s32 $0x1;
	s8 =	sshll.u32 s4, $0x5  }
0xa: {  	v2 =	vor.u32 $0x20, v0;
	v3 =	vor.u32 $0x30, v0;
	v4 =	vor.u32 $0x40, v0;
	s4 =	sadd.s32 $0xC00, s7;
	s7 =	sadd.s32 s8, s7;
	s6 =	sadd.s32 s6, s8  }
0xb: {  	v5 =	vor.u32 $0x50, v0;
	v6 =	vor.u32 $0x60, v0;
	v7 =	vor.u32 $0x70, v0;
	s8 =	smax.u32 s9, $0x1;
	s9 =	simm.s32 $0xE000;
	s7 =	sadd.s32 $0xE00, s7  }
.LBB2_1:
0xc: {  	s13 =	simm.s32 @p0 $0x0  }
0xd: {  	[tilespmem:s13], [sflag:$0x1] =	stream.linear.gather @p0 [hbm4b:s6+s13], $0x6F00, $0x38;
	[tilespmem:$0xF000] =	vst v63  }
0xe: {  	s13 =	simm.s32 @p0 $0x1  }
0xf: {  	_ =	swait.ge @p0 [sflag:s13], $0x6F00  }
0x10: {  	[sflag:s13] =	ssyncset.done @p0 $0x0  }
0x11: {  	[sflag:s13] =	ssyncadd.s32 @p0 $0xFFFF9100;
	s13 =	simm.s32 @!p0 $0x0  }
0x12: {  	[tilespmem:s13], [sflag:$0x1] =	stream.linear.gather @!p0 [hbm4b:s6+s13], $0x7000, $0x38;
	[tilespmem:$0xF000] =	vst v63  }
0x13: {  	s13 =	simm.s32 @!p0 $0x1  }
0x14: {  	_ =	swait.ge @!p0 [sflag:s13], $0x7000  }
0x15: {  	[sflag:s13] =	ssyncset.done @!p0 $0x0  }
0x16: {  	[sflag:s13] =	ssyncadd.s32 @!p0 $0xFFFF9000  }
0x17: {  	[tilespmem:s9], [sflag:$0x1] =	stream.linear.gather [hbm4b:s2+s3], $0x800, $0x38;
	[tilespmem:$0xF000] =	vst v63  }
0x18: {  	_ =	swait.ge [sflag:s10], $0x800  }
0x19: {  	[sflag:s10] =	ssyncset.done $0x0  }
0x1a: {  	[sflag:s10] =	ssyncadd.s32 $0xFFFFF800  }
0x1b: {  	[tilespmem:s11], [sflag:$0x1] =	stream.linear.gather [hbm4b:s4+s3], $0x800, $0x38;
	[tilespmem:$0xF000] =	vst v63  }
0x1c: {  	_ =	swait.ge [sflag:s10], $0x800  }
0x1d: {  	[sflag:s10] =	ssyncset.done $0x0  }
0x1e: {  	s13 =	simm.s32 $0x0;
	[sflag:s10] =	ssyncadd.s32 $0xFFFFF800  }
.LBB2_2:
0x1f: {  	s23 =	sshll.u32 s13, $0x8  }
0x20: {  	v8 =	vld [tilespmem:s23+$0x0]  }
0x21: {  	v9 =	vld [tilespmem:s23+$0x10]  }
0x22: {  	v10 =	vld [tilespmem:s23+$0x20]  }
0x23: {  	v11 =	vld [tilespmem:s23+$0x30];
	_ =	sdelay $0x1  }
0x24: {  	v12 =	vld [tilespmem:s23+$0x40]  }
0x25: {  	v14 =	vld [tilespmem:s23+$0x50];
	v13 =	vadd.f32 $3.000000000e+00, v8  }
0x26: {  	v16 =	vld [tilespmem:s23+$0x60];
	v15 =	vadd.f32 $3.000000000e+00, v9  }
0x27: {  	v10 =	vadd.f32 $3.000000000e+00, v10;
	v11 =	vadd.f32 $3.000000000e+00, v11;
	v9 =	vmul.f32 $1.666666720e-01, v13;
	v13 =	vld [tilespmem:s23+$0x70]  }
0x28: {  	v17 =	vld [tilespmem:s23+$0x80];
	v15 =	vmul.f32 $1.666666720e-01, v15  }
0x29: {  	v18 =	vld [tilespmem:s23+$0x90];
	v12 =	vadd.f32 $3.000000000e+00, v12;
	v10 =	vmul.f32 $1.666666720e-01, v10;
	v11 =	vmul.f32 $1.666666720e-01, v11  }
0x2a: {  	v14 =	vadd.f32 $3.000000000e+00, v14;
	v25 =	vmul.f32 $1.600000000e+01, v9;
	v24 =	vmul.f32 $1.600000000e+01, v15;
	v15 =	vld [tilespmem:s23+$0xA0]  }
0x2b: {  	v23 =	vmul.f32 $1.600000000e+01, v10;
	v10 =	vmul.f32 $1.666666720e-01, v12;
	v12 =	vadd.f32 $3.000000000e+00, v16;
	v16 =	vld [tilespmem:s23+$0xB0]  }
0x2c: {  	v26 =	vld [tilespmem:s23+$0xD0];
	v22 =	vmul.f32 $1.600000000e+01, v11;
	v11 =	vmul.f32 $1.666666720e-01, v14;
	v13 =	vadd.f32 $3.000000000e+00, v13  }
0x2d: {  	v27 =	vld [tilespmem:s23+$0xE0];
	v21 =	vmul.f32 $1.600000000e+01, v10;
	v10 =	vmul.f32 $1.666666720e-01, v12;
	v12 =	vadd.f32 $3.000000000e+00, v17  }
0x2e: {  	v14 =	vld [tilespmem:s23+$0xC0];
	v20 =	vmul.f32 $1.600000000e+01, v11;
	v11 =	vmul.f32 $1.666666720e-01, v13;
	v13 =	vadd.f32 $3.000000000e+00, v18  }
0x2f: {  	v28 =	vld [tilespmem:s23+$0xF0];
	v19 =	vmul.f32 $1.600000000e+01, v10;
	v10 =	vmul.f32 $1.666666720e-01, v12;
	v12 =	vadd.f32 $3.000000000e+00, v15  }
0x30: {  	v18 =	vmul.f32 $1.600000000e+01, v11;
	v11 =	vmul.f32 $1.666666720e-01, v13;
	v13 =	vadd.f32 $3.000000000e+00, v16  }
0x31: {  	v17 =	vmul.f32 $1.600000000e+01, v10;
	v10 =	vmul.f32 $1.666666720e-01, v12  }
0x32: {  	v16 =	vmul.f32 $1.600000000e+01, v11;
	v11 =	vmul.f32 $1.666666720e-01, v13  }
0x33: {  	s31 =	simm.s32 $0xA;
	v12 =	vadd.f32 $3.000000000e+00, v26;
	v15 =	vmul.f32 $1.600000000e+01, v10;
	v10 =	vadd.f32 $3.000000000e+00, v14  }
0x34: {  	s30 =	sor.u32 $0x10, s23;
	s29 =	sor.u32 $0x20, s23;
	s28 =	sor.u32 $0x30, s23;
	v13 =	vadd.f32 $3.000000000e+00, v28;
	v14 =	vmul.f32 $1.600000000e+01, v11;
	v11 =	vadd.f32 $3.000000000e+00, v27  }
0x35: {  	s26 =	sor.u32 $0x40, s23;
	s25 =	sor.u32 $0x50, s23;
	s24 =	sor.u32 $0x60, s23;
	v12 =	vmul.f32 $1.666666720e-01, v12;
	v10 =	vmul.f32 $1.666666720e-01, v10  }
0x36: {  	s22 =	sor.u32 $0x70, s23;
	s21 =	sor.u32 $0x80, s23;
	s20 =	sor.u32 $0x90, s23;
	v26 =	vmul.f32 $1.666666720e-01, v13;
	v11 =	vmul.f32 $1.666666720e-01, v11  }
0x37: {  	s19 =	sor.u32 $0xA0, s23;
	s18 =	sor.u32 $0xB0, s23;
	s17 =	sor.u32 $0xC0, s23;
	v12 =	vmul.f32 $1.600000000e+01, v12;
	v13 =	vmul.f32 $1.600000000e+01, v10  }
0x38: {  	s16 =	sor.u32 $0xD0, s23;
	s15 =	sor.u32 $0xE0, s23;
	s14 =	sor.u32 $0xF0, s23;
	v10 =	vmul.f32 $1.600000000e+01, v26;
	v11 =	vmul.f32 $1.600000000e+01, v11  }
.LBB2_3:
0x39: {  	v26 =	vmax.f32 v25, $0.0e+00  }
0x3a: {  	v27 =	vmax.f32 v24, $0.0e+00;
	v28 =	vmax.f32 v23, $0.0e+00;
	v30 =	vmax.f32 v21, $0.0e+00  }
0x3b: {  	v31 =	vmax.f32 v20, $0.0e+00;
	v33 =	vmax.f32 v19, $0.0e+00;
	v35 =	vmax.f32 v18, $0.0e+00  }
0x3c: {  	v39 =	vmax.f32 v16, $0.0e+00;
	v41 =	vmax.f32 v15, $0.0e+00;
	v26 =	vmin.f32 v26, $1.500000000e+01  }
0x3d: {  	v43 =	vmax.f32 v14, $0.0e+00;
	v27 =	vmin.f32 v27, $1.500000000e+01;
	v26 =	vtrunc.f32 v26  }
0x3e: {  	v28 =	vmin.f32 v28, $1.500000000e+01;
	v29 =	vmax.f32 v22, $0.0e+00;
	v26 =	vcvt.f32.s32 v26  }
0x3f: {  	v30 =	vmin.f32 v30, $1.500000000e+01;
	v31 =	vmin.f32 v31, $1.500000000e+01;
	v27 =	vtrunc.f32 v27  }
0x40: {  	v33 =	vmin.f32 v33, $1.500000000e+01;
	v27 =	vcvt.f32.s32 v27;
	v26 =	vshll.u32 v26, $0x7  }
0x41: {  	v35 =	vmin.f32 v35, $1.500000000e+01;
	v28 =	vtrunc.f32 v28;
	v26 =	vor.u32 v0, v26  }
0x42: {  	v39 =	vmin.f32 v39, $1.500000000e+01;
	v28 =	vcvt.f32.s32 v28;
	v27 =	vshll.u32 v27, $0x7  }
0x43: {  	v41 =	vmin.f32 v41, $1.500000000e+01;
	v30 =	vtrunc.f32 v30;
	v27 =	vor.u32 v1, v27  }
0x44: {  	v43 =	vmin.f32 v43, $1.500000000e+01;
	v30 =	vcvt.f32.s32 v30;
	v28 =	vshll.u32 v28, $0x7  }
0x45: {  	v29 =	vmin.f32 v29, $1.500000000e+01;
	v31 =	vtrunc.f32 v31;
	v28 =	vor.u32 v2, v28  }
0x46: {  	v33 =	vtrunc.f32 v33;
	v31 =	vcvt.f32.s32 v31;
	v30 =	vshll.u32 v30, $0x7;
	v32 =	vld.idx.msk [tilespmem:v26+s9+$0x0], $0xffff  }
0x47: {  	v35 =	vtrunc.f32 v35;
	v39 =	vtrunc.f32 v39;
	v30 =	vor.u32 v4, v30;
	v26 =	vld.idx.msk [tilespmem:v26+s11+$0x0], $0xffff  }
0x48: {  	v41 =	vtrunc.f32 v41;
	v33 =	vcvt.f32.s32 v33;
	v31 =	vshll.u32 v31, $0x7;
	v34 =	vld.idx.msk [tilespmem:v27+s9+$0x0], $0xffff  }
0x49: {  	v43 =	vtrunc.f32 v43;
	v35 =	vcvt.f32.s32 v35;
	v31 =	vor.u32 v5, v31;
	v27 =	vld.idx.msk [tilespmem:v27+s11+$0x0], $0xffff  }
0x4a: {  	v29 =	vtrunc.f32 v29;
	v39 =	vcvt.f32.s32 v39;
	v33 =	vshll.u32 v33, $0x7;
	v36 =	vld.idx.msk [tilespmem:v28+s9+$0x0], $0xffff  }
0x4b: {  	v41 =	vcvt.f32.s32 v41;
	v35 =	vshll.u32 v35, $0x7;
	v33 =	vor.u32 v6, v33;
	v28 =	vld.idx.msk [tilespmem:v28+s11+$0x0], $0xffff  }
0x4c: {  	v43 =	vcvt.f32.s32 v43;
	v39 =	vshll.u32 v39, $0x7;
	v35 =	vor.u32 v7, v35;
	v40 =	vld.idx.msk [tilespmem:v30+s9+$0x0], $0xffff  }
0x4d: {  	v29 =	vcvt.f32.s32 v29;
	v41 =	vshll.u32 v41, $0x7;
	v39 =	vor.u32 v1, v39;
	v30 =	vld.idx.msk [tilespmem:v30+s11+$0x0], $0xffff  }
0x4e: {  	v37 =	vmax.f32 v17, $0.0e+00;
	v43 =	vshll.u32 v43, $0x7;
	v41 =	vor.u32 v2, v41;
	v42 =	vld.idx.msk [tilespmem:v31+s9+$0x0], $0xffff  }
0x4f: {  	v37 =	vmin.f32 v37, $1.500000000e+01;
	v29 =	vshll.u32 v29, $0x7;
	v43 =	vor.u32 v3, v43;
	v31 =	vld.idx.msk [tilespmem:v31+s11+$0x0], $0xffff  }
0x50: {  	v37 =	vtrunc.f32 v37;
	v29 =	vor.u32 v3, v29;
	v44 =	vld.idx.msk [tilespmem:v33+s9+$0x0], $0xffff  }
0x51: {  	v37 =	vcvt.f32.s32 v37;
	v45 =	vld.idx.msk [tilespmem:v35+s9+$0x0], $0xffff  }
0x52: {  	v63 =	vld.idx.msk [tilespmem:v39+s9+$0x0], $0xffff  }
0x53: {  	v37 =	vshll.u32 v37, $0x7;
	v47 =	vld.idx.msk [tilespmem:v41+s9+$0x0], $0xffff  }
0x54: {  	v37 =	vor.u32 v0, v37;
	v48 =	vld.idx.msk [tilespmem:v43+s9+$0x0], $0xffff  }
0x55: {  	v38 =	vld.idx.msk [tilespmem:v29+s9+$0x0], $0xffff  }
0x56: {  	v49 =	vld.idx.msk [tilespmem:v41+s11+$0x0], $0xffff;
	v25 =	vmul.f32 v32, v25  }
0x57: {  	v51 =	vld.idx.msk [tilespmem:v43+s11+$0x0], $0xffff;
	v24 =	vmul.f32 v34, v24;
	v62 =	vmul.f32 v36, v23  }
0x58: {  	v52 =	vmax.f32 v11, $0.0e+00;
	v29 =	vld.idx.msk [tilespmem:v29+s11+$0x0], $0xffff;
	v20 =	vmul.f32 v42, v20;
	v18 =	vmul.f32 v45, v18  }
0x59: {  	v53 =	vmax.f32 v10, $0.0e+00;
	v46 =	vld.idx.msk [tilespmem:v37+s9+$0x0], $0xffff;
	v50 =	vmul.f32 v63, v16;
	v15 =	vmul.f32 v47, v15  }
0x5a: {  	v14 =	vmul.f32 v48, v14;
	v23 =	vadd.f32 v26, v25;
	v25 =	vmul.f32 v38, v22  }
0x5b: {  	v24 =	vadd.f32 v27, v24;
	v22 =	vadd.f32 v28, v62;
	v27 =	vmul.f32 v40, v21  }
0x5c: {  	v33 =	vld.idx.msk [tilespmem:v33+s11+$0x0], $0xffff;
	v20 =	vadd.f32 v31, v20;
	v15 =	vadd.f32 v49, v15;
	v28 =	vmin.f32 v52, $1.500000000e+01  }
0x5d: {  	v35 =	vld.idx.msk [tilespmem:v35+s11+$0x0], $0xffff;
	v14 =	vadd.f32 v51, v14;
	v28 =	vtrunc.f32 v28;
	v21 =	vadd.f32 v29, v25  }
0x5e: {  	v61 =	vld.idx.msk [tilespmem:v37+s11+$0x0], $0xffff;
	v25 =	vmul.f32 v44, v19;
	v19 =	vadd.f32 v30, v27;
	v27 =	vmul.f32 v46, v17  }
0x5f: {  	v28 =	vcvt.f32.s32 v28;
	v29 =	vmin.f32 v53, $1.500000000e+01;
	v54 =	vmax.f32 v23, $0.0e+00  }
0x60: {  	v55 =	vmax.f32 v24, $0.0e+00;
	v57 =	vmax.f32 v22, $0.0e+00;
	v60 =	vmax.f32 v20, $0.0e+00  }
0x61: {  	v48 =	vmax.f32 v15, $0.0e+00;
	v29 =	vtrunc.f32 v29;
	v30 =	vmin.f32 v54, $1.500000000e+01  }
0x62: {  	v26 =	vld.idx.msk [tilespmem:v39+s11+$0x0], $0xffff;
	v31 =	vmin.f32 v55, $1.500000000e+01;
	v39 =	vmin.f32 v60, $1.500000000e+01;
	v17 =	vadd.f32 v33, v25  }
0x63: {  	v25 =	vadd.f32 v35, v18;
	v16 =	vadd.f32 v61, v27;
	v27 =	vmax.f32 v13, $0.0e+00  }
0x64: {  	v28 =	vshll.u32 v28, $0x7;
	v29 =	vcvt.f32.s32 v29;
	v30 =	vtrunc.f32 v30  }
0x65: {  	v31 =	vtrunc.f32 v31;
	v33 =	vmin.f32 v57, $1.500000000e+01;
	v58 =	vmax.f32 v21, $0.0e+00  }
0x66: {  	v59 =	vmax.f32 v19, $0.0e+00;
	v39 =	vtrunc.f32 v39;
	v28 =	vor.u32 v6, v28  }
0x67: {  	v57 =	vmin.f32 v48, $1.500000000e+01;
	v30 =	vcvt.f32.s32 v30;
	v29 =	vshll.u32 v29, $0x7  }
0x68: {  	v18 =	vadd.f32 v26, v50;
	v26 =	vmin.f32 v27, $1.500000000e+01;
	v29 =	vor.u32 v7, v29  }
0x69: {  	v27 =	vmax.f32 v12, $0.0e+00;
	v31 =	vcvt.f32.s32 v31;
	v30 =	vshll.u32 v30, $0x7  }
0x6a: {  	v33 =	vtrunc.f32 v33;
	v35 =	vmin.f32 v58, $1.500000000e+01;
	v30 =	vor.u32 v0, v30  }
0x6b: {  	v37 =	vmin.f32 v59, $1.500000000e+01;
	v33 =	vcvt.f32.s32 v33;
	v31 =	vshll.u32 v31, $0x7;
	v36 =	vld.idx.msk [tilespmem:v28+s9+$0x0], $0xffff  }
0x6c: {  	v26 =	vtrunc.f32 v26;
	v27 =	vmin.f32 v27, $1.500000000e+01;
	v31 =	vor.u32 v1, v31;
	v28 =	vld.idx.msk [tilespmem:v28+s11+$0x0], $0xffff  }
0x6d: {  	v35 =	vtrunc.f32 v35;
	v26 =	vcvt.f32.s32 v26;
	v33 =	vshll.u32 v33, $0x7;
	v38 =	vld.idx.msk [tilespmem:v29+s9+$0x0], $0xffff  }
0x6e: {  	v61 =	vmax.f32 v17, $0.0e+00;
	v62 =	vmax.f32 v25, $0.0e+00;
	v33 =	vor.u32 v2, v33;
	v29 =	vld.idx.msk [tilespmem:v29+s11+$0x0], $0xffff  }
0x6f: {  	v27 =	vtrunc.f32 v27;
	v35 =	vcvt.f32.s32 v35;
	v26 =	vshll.u32 v26, $0x7;
	v40 =	vld.idx.msk [tilespmem:v30+s9+$0x0], $0xffff  }
0x70: {  	v41 =	vmin.f32 v61, $1.500000000e+01;
	v43 =	vmin.f32 v62, $1.500000000e+01;
	v26 =	vor.u32 v4, v26;
	v30 =	vld.idx.msk [tilespmem:v30+s11+$0x0], $0xffff  }
0x71: {  	v47 =	vmax.f32 v18, $0.0e+00;
	v27 =	vcvt.f32.s32 v27;
	v35 =	vshll.u32 v35, $0x7;
	v42 =	vld.idx.msk [tilespmem:v31+s9+$0x0], $0xffff  }
0x72: {  	v41 =	vtrunc.f32 v41;
	v43 =	vtrunc.f32 v43;
	v35 =	vor.u32 v3, v35;
	v31 =	vld.idx.msk [tilespmem:v31+s11+$0x0], $0xffff  }
0x73: {  	v47 =	vmin.f32 v47, $1.500000000e+01;
	v41 =	vcvt.f32.s32 v41;
	v27 =	vshll.u32 v27, $0x7;
	v63 =	vld.idx.msk [tilespmem:v33+s9+$0x0], $0xffff  }
0x74: {  	v43 =	vcvt.f32.s32 v43;
	v47 =	vtrunc.f32 v47;
	v27 =	vor.u32 v5, v27;
	v33 =	vld.idx.msk [tilespmem:v33+s11+$0x0], $0xffff  }
0x75: {  	v37 =	vtrunc.f32 v37;
	v47 =	vcvt.f32.s32 v47;
	v41 =	vshll.u32 v41, $0x7;
	v56 =	vld.idx.msk [tilespmem:v26+s9+$0x0], $0xffff  }
0x76: {  	v37 =	vcvt.f32.s32 v37;
	v43 =	vshll.u32 v43, $0x7;
	v41 =	vor.u32 v6, v41;
	v26 =	vld.idx.msk [tilespmem:v26+s11+$0x0], $0xffff  }
0x77: {  	v39 =	vcvt.f32.s32 v39;
	v43 =	vor.u32 v7, v43;
	v47 =	vshll.u32 v47, $0x7;
	v46 =	vld.idx.msk [tilespmem:v35+s9+$0x0], $0xffff  }
0x78: {  	v58 =	vmax.f32 v14, $0.0e+00;
	v37 =	vshll.u32 v37, $0x7;
	v47 =	vor.u32 v1, v47;
	v35 =	vld.idx.msk [tilespmem:v35+s11+$0x0], $0xffff  }
0x79: {  	v55 =	vmax.f32 v16, $0.0e+00;
	v48 =	vmin.f32 v58, $1.500000000e+01;
	v37 =	vor.u32 v4, v37;
	v34 =	vld.idx.msk [tilespmem:v27+s9+$0x0], $0xffff  }
0x7a: {  	v39 =	vshll.u32 v39, $0x7;
	v45 =	vmin.f32 v55, $1.500000000e+01;
	v48 =	vtrunc.f32 v48;
	v27 =	vld.idx.msk [tilespmem:v27+s11+$0x0], $0xffff  }
0x7b: {  	v39 =	vor.u32 v5, v39;
	v45 =	vtrunc.f32 v45;
	v48 =	vcvt.f32.s32 v48;
	v50 =	vld.idx.msk [tilespmem:v41+s9+$0x0], $0xffff  }
0x7c: {  	v45 =	vcvt.f32.s32 v45;
	v52 =	vld.idx.msk [tilespmem:v43+s9+$0x0], $0xffff;
	v13 =	vmul.f32 v56, v13  }
0x7d: {  	v48 =	vshll.u32 v48, $0x7;
	v62 =	vld.idx.msk [tilespmem:v47+s11+$0x0], $0xffff  }
0x7e: {  	v45 =	vshll.u32 v45, $0x7;
	v48 =	vor.u32 v3, v48;
	v56 =	vld.idx.msk [tilespmem:v37+s9+$0x0], $0xffff;
	v49 =	vadd.f32 v26, v13  }
0x7f: {  	v37 =	vld.idx.msk [tilespmem:v37+s11+$0x0], $0xffff;
	v26 =	vor.u32 v0, v45  }
0x80: {  	v12 =	vmul.f32 v34, v12;
	v13 =	vld.idx.msk [tilespmem:v39+s9+$0x0], $0xffff;
	v51 =	vmax.f32 v49, $0.0e+00  }
0x81: {  	v11 =	vmul.f32 v36, v11;
	v39 =	vld.idx.msk [tilespmem:v39+s11+$0x0], $0xffff;
	v45 =	vtrunc.f32 v57;
	v51 =	vmin.f32 v51, $1.500000000e+01  }
0x82: {  	v45 =	vcvt.f32.s32 v45;
	v27 =	vadd.f32 v27, v12;
	v12 =	vld.idx.msk [tilespmem:v47+s9+$0x0], $0xffff;
	v51 =	vtrunc.f32 v51  }
0x83: {  	v10 =	vmul.f32 v38, v10;
	v47 =	vld.idx.msk [tilespmem:v48+s9+$0x0], $0xffff;
	v51 =	vcvt.f32.s32 v51  }
0x84: {  	v24 =	vmul.f32 v42, v24;
	v63 =	vmul.f32 v63, v22;
	v45 =	vshll.u32 v45, $0x7;
	v59 =	vld.idx.msk [tilespmem:v26+s9+$0x0], $0xffff  }
0x85: {  	v21 =	vmul.f32 v46, v21;
	v45 =	vor.u32 v2, v45;
	v60 =	vld.idx.msk [tilespmem:v26+s11+$0x0], $0xffff;
	v26 =	vshll.u32 v51, $0x7  }
0x86: {  	v61 =	vor.u32 v4, v26;
	v26 =	vadd.f32 v28, v11;
	v11 =	vmul.f32 v40, v23  }
0x87: {  	v23 =	vadd.f32 v29, v10;
	v10 =	vadd.f32 v31, v24;
	v24 =	vmul.f32 v56, v19  }
0x88: {  	v41 =	vld.idx.msk [tilespmem:v41+s11+$0x0], $0xffff;
	v13 =	vmul.f32 v13, v20;
	v19 =	vadd.f32 v33, v63;
	v22 =	vadd.f32 v30, v11  }
0x89: {  	v43 =	vld.idx.msk [tilespmem:v43+s11+$0x0], $0xffff;
	v14 =	vmul.f32 v47, v14;
	v11 =	vadd.f32 v35, v21;
	v20 =	vadd.f32 v37, v24  }
0x8a: {  	v51 =	vld.idx.msk [tilespmem:v48+s11+$0x0], $0xffff;
	v21 =	vmul.f32 v50, v17;
	v24 =	vmul.f32 v52, v25;
	v17 =	vadd.f32 v39, v13  }
0x8b: {  	v13 =	vmul.f32 v59, v16;
	v16 =	vmul.f32 v12, v18;
	v53 =	vmax.f32 v26, $0.0e+00  }
0x8c: {  	v54 =	vmax.f32 v23, $0.0e+00;
	v56 =	vmax.f32 v10, $0.0e+00;
	v57 =	vmax.f32 v19, $0.0e+00  }
0x8d: {  	v28 =	vmin.f32 v53, $1.500000000e+01;
	v30 =	vmin.f32 v56, $1.500000000e+01;
	v18 =	vadd.f32 v41, v21  }
0x8e: {  	v44 =	vld.idx.msk [tilespmem:v45+s9+$0x0], $0xffff;
	v31 =	vmin.f32 v57, $1.500000000e+01;
	v12 =	vadd.f32 v43, v24;
	v21 =	vadd.f32 v60, v13  }
0x8f: {  	v13 =	vadd.f32 v62, v16;
	v16 =	vmax.f32 v27, $0.0e+00;
	v24 =	vadd.f32 v51, v14  }
0x90: {  	v55 =	vmax.f32 v22, $0.0e+00;
	v30 =	vtrunc.f32 v30;
	v31 =	vtrunc.f32 v31  }
0x91: {  	v59 =	vmax.f32 v11, $0.0e+00;
	v60 =	vmax.f32 v20, $0.0e+00;
	v62 =	vmax.f32 v17, $0.0e+00  }
0x92: {  	v16 =	vmin.f32 v16, $1.500000000e+01;
	v29 =	vmin.f32 v55, $1.500000000e+01;
	v30 =	vcvt.f32.s32 v30  }
0x93: {  	v31 =	vcvt.f32.s32 v31;
	v33 =	vmin.f32 v59, $1.500000000e+01;
	v15 =	vmul.f32 v44, v15  }
0x94: {  	v35 =	vmin.f32 v60, $1.500000000e+01;
	v16 =	vtrunc.f32 v16;
	v29 =	vtrunc.f32 v29  }
0x95: {  	v37 =	vmin.f32 v62, $1.500000000e+01;
	v33 =	vtrunc.f32 v33;
	v35 =	vtrunc.f32 v35  }
0x96: {  	v46 =	vld.idx.msk [tilespmem:v45+s11+$0x0], $0xffff;
	v37 =	vtrunc.f32 v37;
	v50 =	vmax.f32 v12, $0.0e+00;
	v30 =	vshll.u32 v30, $0x7  }
0x97: {  	v51 =	vmax.f32 v21, $0.0e+00;
	v16 =	vcvt.f32.s32 v16;
	v30 =	vor.u32 v1, v30  }
0x98: {  	v29 =	vcvt.f32.s32 v29;
	v31 =	vshll.u32 v31, $0x7;
	v33 =	vcvt.f32.s32 v33  }
0x99: {  	v25 =	vld.idx.msk [tilespmem:v61+s9+$0x0], $0xffff;
	v35 =	vcvt.f32.s32 v35;
	v37 =	vcvt.f32.s32 v37;
	v31 =	vor.u32 v2, v31  }
0x9a: {  	v41 =	vmin.f32 v50, $1.500000000e+01;
	v43 =	vmin.f32 v51, $1.500000000e+01;
	v16 =	vshll.u32 v16, $0x7  }
0x9b: {  	v52 =	vld.idx.msk [tilespmem:v61+s11+$0x0], $0xffff;
	v15 =	vadd.f32 v46, v15;
	v41 =	vtrunc.f32 v41;
	v16 =	vor.u32 v5, v16  }
0x9c: {  	v43 =	vtrunc.f32 v43;
	v29 =	vshll.u32 v29, $0x7;
	v33 =	vshll.u32 v33, $0x7;
	v40 =	vld.idx.msk [tilespmem:v30+s9+$0x0], $0xffff  }
0x9d: {  	v35 =	vshll.u32 v35, $0x7;
	v41 =	vcvt.f32.s32 v41;
	v29 =	vor.u32 v0, v29;
	v30 =	vld.idx.msk [tilespmem:v30+s11+$0x0], $0xffff  }
0x9e: {  	v37 =	vshll.u32 v37, $0x7;
	v43 =	vcvt.f32.s32 v43;
	v25 =	vmul.f32 v25, v49;
	v42 =	vld.idx.msk [tilespmem:v31+s9+$0x0], $0xffff  }
0x9f: {  	v33 =	vor.u32 v3, v33;
	v49 =	vmax.f32 v18, $0.0e+00;
	v35 =	vor.u32 v4, v35;
	v31 =	vld.idx.msk [tilespmem:v31+s11+$0x0], $0xffff  }
0xa0: {  	v37 =	vor.u32 v5, v37;
	v53 =	vmax.f32 v15, $0.0e+00;
	v39 =	vmin.f32 v49, $1.500000000e+01;
	v58 =	vld.idx.msk [tilespmem:v16+s9+$0x0], $0xffff  }
0xa1: {  	v41 =	vshll.u32 v41, $0x7;
	v14 =	vadd.f32 v52, v25;
	v25 =	vtrunc.f32 v28;
	v16 =	vld.idx.msk [tilespmem:v16+s11+$0x0], $0xffff  }
0xa2: {  	v43 =	vshll.u32 v43, $0x7;
	v28 =	vmin.f32 v54, $1.500000000e+01;
	v25 =	vcvt.f32.s32 v25;
	v63 =	vld.idx.msk [tilespmem:v29+s9+$0x0], $0xffff  }
0xa3: {  	v47 =	vmin.f32 v53, $1.500000000e+01;
	v39 =	vtrunc.f32 v39;
	v28 =	vtrunc.f32 v28;
	v29 =	vld.idx.msk [tilespmem:v29+s11+$0x0], $0xffff  }
0xa4: {  	v52 =	vmax.f32 v13, $0.0e+00;
	v28 =	vcvt.f32.s32 v28;
	v25 =	vshll.u32 v25, $0x7;
	v44 =	vld.idx.msk [tilespmem:v33+s9+$0x0], $0xffff  }
0xa5: {  	v41 =	vor.u32 v7, v41;
	v39 =	vcvt.f32.s32 v39;
	v33 =	vld.idx.msk [tilespmem:v33+s11+$0x0], $0xffff;
	v25 =	vor.u32 v6, v25  }
0xa6: {  	v47 =	vtrunc.f32 v47;
	v45 =	vmin.f32 v52, $1.500000000e+01;
	v46 =	vld.idx.msk [tilespmem:v35+s9+$0x0], $0xffff;
	v28 =	vshll.u32 v28, $0x7  }
0xa7: {  	v47 =	vcvt.f32.s32 v47;
	v39 =	vshll.u32 v39, $0x7;
	v35 =	vld.idx.msk [tilespmem:v35+s11+$0x0], $0xffff;
	v28 =	vor.u32 v7, v28  }
0xa8: {  	v45 =	vtrunc.f32 v45;
	v56 =	vmax.f32 v14, $0.0e+00;
	v32 =	vld.idx.msk [tilespmem:v37+s9+$0x0], $0xffff;
	v39 =	vor.u32 v6, v39  }
0xa9: {  	v45 =	vcvt.f32.s32 v45;
	v37 =	vld.idx.msk [tilespmem:v37+s11+$0x0], $0xffff;
	v55 =	vshll.u32 v47, $0x7;
	v47 =	vmin.f32 v56, $1.500000000e+01  }
0xaa: {  	v43 =	vor.u32 v0, v43;
	v47 =	vtrunc.f32 v47;
	v27 =	vmul.f32 v58, v27;
	v34 =	vld.idx.msk [tilespmem:v25+s9+$0x0], $0xffff  }
0xab: {  	v54 =	vmax.f32 v24, $0.0e+00;
	v45 =	vshll.u32 v45, $0x7;
	v47 =	vcvt.f32.s32 v47;
	v25 =	vld.idx.msk [tilespmem:v25+s11+$0x0], $0xffff  }
0xac: {  	v10 =	vmul.f32 v40, v10;
	v61 =	vld.idx.msk [tilespmem:v28+s9+$0x0], $0xffff;
	v49 =	vadd.f32 v16, v27;
	v27 =	vmin.f32 v54, $1.500000000e+01  }
0xad: {  	v47 =	vshll.u32 v47, $0x7;
	v50 =	vld.idx.msk [tilespmem:v39+s9+$0x0], $0xffff;
	v16 =	vor.u32 v1, v45;
	v27 =	vtrunc.f32 v27  }
0xae: {  	v47 =	vor.u32 v4, v47;
	v28 =	vld.idx.msk [tilespmem:v28+s11+$0x0], $0xffff;
	v27 =	vcvt.f32.s32 v27;
	v58 =	vmax.f32 v49, $0.0e+00  }
0xaf: {  	v57 =	vld.idx.msk [tilespmem:v41+s9+$0x0], $0xffff;
	v22 =	vmul.f32 v63, v22;
	v45 =	vor.u32 v2, v55;
	v51 =	vmin.f32 v58, $1.500000000e+01  }
0xb0: {  	v39 =	vld.idx.msk [tilespmem:v39+s11+$0x0], $0xffff;
	v27 =	vshll.u32 v27, $0x7;
	v51 =	vtrunc.f32 v51;
	v26 =	vmul.f32 v34, v26  }
0xb1: {  	v41 =	vld.idx.msk [tilespmem:v41+s11+$0x0], $0xffff;
	v53 =	vor.u32 v3, v27;
	v27 =	vcvt.f32.s32 v51;
	v23 =	vmul.f32 v61, v23  }
0xb2: {  	v10 =	vadd.f32 v30, v10;
	v17 =	vmul.f32 v32, v17;
	v18 =	vmul.f32 v50, v18;
	v60 =	vld.idx.msk [tilespmem:v16+s9+$0x0], $0xffff  }
0xb3: {  	v61 =	vld.idx.msk [tilespmem:v16+s11+$0x0], $0xffff;
	v16 =	vshll.u32 v27, $0x7;
	v27 =	vadd.f32 v25, v26;
	v25 =	vadd.f32 v28, v23  }
0xb4: {  	v59 =	vld.idx.msk [tilespmem:v43+s9+$0x0], $0xffff;
	v20 =	vmul.f32 v46, v20;
	v26 =	vadd.f32 v29, v22;
	v22 =	vadd.f32 v37, v17  }
0xb5: {  	v62 =	vld.idx.msk [tilespmem:v45+s9+$0x0], $0xffff;
	v17 =	vmul.f32 v57, v12;
	v12 =	vadd.f32 v39, v18;
	v57 =	vmax.f32 v10, $0.0e+00  }
0xb6: {  	v63 =	vor.u32 v5, v16;
	v16 =	vmul.f32 v42, v19;
	v19 =	vmul.f32 v44, v11  }
0xb7: {  	v29 =	vmin.f32 v57, $1.500000000e+01;
	v23 =	vadd.f32 v41, v17;
	v56 =	vmax.f32 v26, $0.0e+00  }
0xb8: {  	v43 =	vld.idx.msk [tilespmem:v43+s11+$0x0], $0xffff;
	v29 =	vtrunc.f32 v29;
	v50 =	vmax.f32 v12, $0.0e+00;
	v11 =	vadd.f32 v31, v16  }
0xb9: {  	v19 =	vadd.f32 v33, v19;
	v16 =	vadd.f32 v35, v20;
	v20 =	vmul.f32 v59, v21  }
0xba: {  	v18 =	vmul.f32 v60, v13;
	v15 =	vmul.f32 v62, v15;
	v28 =	vmin.f32 v56, $1.500000000e+01  }
0xbb: {  	v42 =	vld.idx.msk [tilespmem:v45+s11+$0x0], $0xffff;
	v29 =	vcvt.f32.s32 v29;
	v62 =	vmax.f32 v22, $0.0e+00;
	v37 =	vmin.f32 v50, $1.500000000e+01  }
0xbc: {  	v28 =	vtrunc.f32 v28;
	v35 =	vmin.f32 v62, $1.500000000e+01;
	v37 =	vtrunc.f32 v37  }
0xbd: {  	v51 =	vmax.f32 v23, $0.0e+00;
	v13 =	vadd.f32 v43, v20;
	v28 =	vcvt.f32.s32 v28  }
0xbe: {  	v45 =	vld.idx.msk [tilespmem:v53+s9+$0x0], $0xffff;
	v58 =	vmax.f32 v11, $0.0e+00;
	v59 =	vmax.f32 v19, $0.0e+00;
	v29 =	vshll.u32 v29, $0x7  }
0xbf: {  	v46 =	vld.idx.msk [tilespmem:v53+s11+$0x0], $0xffff;
	v35 =	vtrunc.f32 v35;
	v37 =	vcvt.f32.s32 v37;
	v39 =	vmin.f32 v51, $1.500000000e+01  }
0xc0: {  	v53 =	vld.idx.msk [tilespmem:v47+s9+$0x0], $0xffff;
	v17 =	vadd.f32 v42, v15;
	v15 =	vmax.f32 v27, $0.0e+00;
	v30 =	vmin.f32 v58, $1.500000000e+01  }
0xc1: {  	v31 =	vmin.f32 v59, $1.500000000e+01;
	v29 =	vor.u32 v1, v29;
	v35 =	vcvt.f32.s32 v35  }
0xc2: {  	v39 =	vtrunc.f32 v39;
	v15 =	vmin.f32 v15, $1.500000000e+01;
	v28 =	vshll.u32 v28, $0x7  }
0xc3: {  	v30 =	vtrunc.f32 v30;
	v31 =	vtrunc.f32 v31;
	v52 =	vmax.f32 v13, $0.0e+00  }
0xc4: {  	v54 =	vld.idx.msk [tilespmem:v47+s11+$0x0], $0xffff;
	v37 =	vshll.u32 v37, $0x7;
	v39 =	vcvt.f32.s32 v39;
	v28 =	vor.u32 v0, v28  }
0xc5: {  	v21 =	vld.idx.msk [tilespmem:v63+s9+$0x0], $0xffff;
	v20 =	vmul.f32 v45, v24;
	v24 =	vadd.f32 v61, v18;
	v14 =	vmul.f32 v53, v14  }
0xc6: {  	v55 =	vld.idx.msk [tilespmem:v63+s11+$0x0], $0xffff;
	v15 =	vtrunc.f32 v15;
	v30 =	vcvt.f32.s32 v30;
	v37 =	vor.u32 v6, v37  }
0xc7: {  	v61 =	vmax.f32 v16, $0.0e+00;
	v31 =	vcvt.f32.s32 v31;
	v35 =	vshll.u32 v35, $0x7;
	v38 =	vld.idx.msk [tilespmem:v29+s9+$0x0], $0xffff  }
0xc8: {  	v41 =	vmin.f32 v52, $1.500000000e+01;
	v15 =	vcvt.f32.s32 v15;
	v35 =	vor.u32 v5, v35;
	v29 =	vld.idx.msk [tilespmem:v29+s11+$0x0], $0xffff  }
0xc9: {  	v33 =	vmin.f32 v61, $1.500000000e+01;
	v41 =	vtrunc.f32 v41;
	v30 =	vshll.u32 v30, $0x7;
	v63 =	vld.idx.msk [tilespmem:v28+s9+$0x0], $0xffff  }
0xca: {  	v39 =	vshll.u32 v39, $0x7;
	v20 =	vadd.f32 v46, v20;
	v30 =	vor.u32 v2, v30;
	v28 =	vld.idx.msk [tilespmem:v28+s11+$0x0], $0xffff  }
0xcb: {  	v14 =	vadd.f32 v54, v14;
	v33 =	vtrunc.f32 v33;
	v31 =	vshll.u32 v31, $0x7;
	v32 =	vld.idx.msk [tilespmem:v37+s9+$0x0], $0xffff  }
0xcc: {  	v53 =	vmax.f32 v24, $0.0e+00;
	v41 =	vcvt.f32.s32 v41;
	v31 =	vor.u32 v3, v31;
	v37 =	vld.idx.msk [tilespmem:v37+s11+$0x0], $0xffff  }
0xcd: {  	v39 =	vor.u32 v7, v39;
	v54 =	vmax.f32 v17, $0.0e+00;
	v15 =	vshll.u32 v15, $0x7;
	v46 =	vld.idx.msk [tilespmem:v35+s9+$0x0], $0xffff  }
0xce: {  	v18 =	vmul.f32 v21, v49;
	v21 =	vmax.f32 v25, $0.0e+00;
	v15 =	vor.u32 v6, v15;
	v35 =	vld.idx.msk [tilespmem:v35+s11+$0x0], $0xffff  }
0xcf: {  	v33 =	vcvt.f32.s32 v33;
	v43 =	vmin.f32 v53, $1.500000000e+01;
	v41 =	vshll.u32 v41, $0x7;
	v40 =	vld.idx.msk [tilespmem:v30+s9+$0x0], $0xffff  }
0xd0: {  	v21 =	vmin.f32 v21, $1.500000000e+01;
	v43 =	vtrunc.f32 v43;
	v41 =	vor.u32 v0, v41;
	v30 =	vld.idx.msk [tilespmem:v30+s11+$0x0], $0xffff  }
0xd1: {  	v21 =	vtrunc.f32 v21;
	v33 =	vshll.u32 v33, $0x7;
	v43 =	vcvt.f32.s32 v43;
	v42 =	vld.idx.msk [tilespmem:v31+s9+$0x0], $0xffff  }
0xd2: {  	v45 =	vmin.f32 v54, $1.500000000e+01;
	v21 =	vcvt.f32.s32 v21;
	v33 =	vor.u32 v4, v33;
	v31 =	vld.idx.msk [tilespmem:v31+s11+$0x0], $0xffff  }
0xd3: {  	v18 =	vadd.f32 v55, v18;
	v55 =	vmax.f32 v20, $0.0e+00;
	v43 =	vshll.u32 v43, $0x7;
	v60 =	vld.idx.msk [tilespmem:v15+s9+$0x0], $0xffff  }
0xd4: {  	v47 =	vmin.f32 v55, $1.500000000e+01;
	v21 =	vshll.u32 v21, $0x7;
	v43 =	vor.u32 v1, v43;
	v15 =	vld.idx.msk [tilespmem:v15+s11+$0x0], $0xffff  }
0xd5: {  	v47 =	vtrunc.f32 v47;
	v58 =	vmax.f32 v18, $0.0e+00;
	v21 =	vor.u32 v7, v21;
	v59 =	vld.idx.msk [tilespmem:v41+s9+$0x0], $0xffff  }
0xd6: {  	v45 =	vtrunc.f32 v45;
	v47 =	vcvt.f32.s32 v47;
	v48 =	vmin.f32 v58, $1.500000000e+01;
	v41 =	vld.idx.msk [tilespmem:v41+s11+$0x0], $0xffff  }
0xd7: {  	v56 =	vmax.f32 v14, $0.0e+00;
	v45 =	vcvt.f32.s32 v45;
	v48 =	vtrunc.f32 v48;
	v44 =	vld.idx.msk [tilespmem:v33+s9+$0x0], $0xffff  }
0xd8: {  	v57 =	vmin.f32 v56, $1.500000000e+01;
	v47 =	vshll.u32 v47, $0x7;
	v48 =	vcvt.f32.s32 v48;
	v33 =	vld.idx.msk [tilespmem:v33+s11+$0x0], $0xffff  }
0xd9: {  	v12 =	vmul.f32 v32, v12;
	v47 =	vor.u32 v3, v47;
	v61 =	vld.idx.msk [tilespmem:v43+s9+$0x0], $0xffff;
	v27 =	vmul.f32 v60, v27  }
0xda: {  	v45 =	vshll.u32 v45, $0x7;
	v26 =	vmul.f32 v63, v26;
	v48 =	vshll.u32 v48, $0x7;
	v34 =	vld.idx.msk [tilespmem:v21+s9+$0x0], $0xffff  }
0xdb: {  	v12 =	vadd.f32 v37, v12;
	v43 =	vld.idx.msk [tilespmem:v43+s11+$0x0], $0xffff;
	v48 =	vor.u32 v5, v48;
	v49 =	vadd.f32 v15, v27  }
0xdc: {  	v11 =	vmul.f32 v40, v11;
	v19 =	vmul.f32 v42, v19;
	v21 =	vld.idx.msk [tilespmem:v21+s11+$0x0], $0xffff;
	v15 =	vor.u32 v2, v45  }
0xdd: {  	v27 =	vld.idx.msk [tilespmem:v39+s9+$0x0], $0xffff;
	v45 =	vtrunc.f32 v57;
	v16 =	vmul.f32 v44, v16;
	v60 =	vmax.f32 v49, $0.0e+00  }
0xde: {  	v13 =	vmul.f32 v59, v13;
	v54 =	vld.idx.msk [tilespmem:v47+s9+$0x0], $0xffff;
	v45 =	vcvt.f32.s32 v45;
	v51 =	vmin.f32 v60, $1.500000000e+01  }
0xdf: {  	v39 =	vld.idx.msk [tilespmem:v39+s11+$0x0], $0xffff;
	v16 =	vadd.f32 v33, v16;
	v25 =	vmul.f32 v34, v25;
	v51 =	vtrunc.f32 v51  }
0xe0: {  	v55 =	vld.idx.msk [tilespmem:v47+s11+$0x0], $0xffff;
	v24 =	vmul.f32 v61, v24;
	v45 =	vshll.u32 v45, $0x7;
	v51 =	vcvt.f32.s32 v51  }
0xe1: {  	v59 =	vld.idx.msk [tilespmem:v48+s11+$0x0], $0xffff;
	v25 =	vadd.f32 v21, v25;
	v21 =	vmul.f32 v38, v10;
	v10 =	vadd.f32 v28, v26  }
0xe2: {  	v62 =	vld.idx.msk [tilespmem:v15+s9+$0x0], $0xffff;
	v26 =	vmul.f32 v46, v22;
	v22 =	vadd.f32 v31, v19;
	v19 =	vmul.f32 v27, v23  }
0xe3: {  	v45 =	vor.u32 v4, v45;
	v63 =	vld.idx.msk [tilespmem:v15+s11+$0x0], $0xffff;
	v20 =	vmul.f32 v54, v20;
	v27 =	vadd.f32 v43, v24  }
0xe4: {  	v23 =	vld.idx.msk [tilespmem:v48+s9+$0x0], $0xffff;
	v48 =	vmax.f32 v12, $0.0e+00;
	v15 =	vshll.u32 v51, $0x7;
	v19 =	vadd.f32 v39, v19  }
0xe5: {  	v60 =	vmax.f32 v10, $0.0e+00;
	v51 =	vor.u32 v6, v15;
	v15 =	vadd.f32 v29, v21  }
0xe6: {  	v61 =	vmax.f32 v22, $0.0e+00;
	v21 =	vadd.f32 v30, v11;
	v11 =	vadd.f32 v35, v26  }
0xe7: {  	v53 =	vmax.f32 v27, $0.0e+00;
	v26 =	vadd.f32 v41, v13;
	v13 =	vadd.f32 v55, v20  }
0xe8: {  	v20 =	vmax.f32 v25, $0.0e+00;
	v30 =	vmin.f32 v61, $1.500000000e+01;
	v35 =	vmin.f32 v48, $1.500000000e+01  }
0xe9: {  	v41 =	vmin.f32 v53, $1.500000000e+01;
	v30 =	vtrunc.f32 v30;
	v35 =	vtrunc.f32 v35  }
0xea: {  	v20 =	vmin.f32 v20, $1.500000000e+01;
	v41 =	vtrunc.f32 v41;
	v17 =	vmul.f32 v62, v17  }
0xeb: {  	v18 =	vmul.f32 v23, v18;
	v20 =	vtrunc.f32 v20;
	v62 =	vmax.f32 v16, $0.0e+00;
	v58 =	vld.idx.msk [tilespmem:v51+s9+$0x0], $0xffff  }
0xec: {  	v56 =	vld.idx.msk [tilespmem:v45+s9+$0x0], $0xffff;
	v30 =	vcvt.f32.s32 v30;
	v47 =	vmax.f32 v11, $0.0e+00;
	v50 =	vmax.f32 v26, $0.0e+00  }
0xed: {  	v41 =	vcvt.f32.s32 v41;
	v55 =	vmax.f32 v13, $0.0e+00;
	v31 =	vmin.f32 v62, $1.500000000e+01;
	v24 =	vld.idx.msk [tilespmem:v51+s11+$0x0], $0xffff  }
0xee: {  	v57 =	vld.idx.msk [tilespmem:v45+s11+$0x0], $0xffff;
	v33 =	vmin.f32 v47, $1.500000000e+01;
	v52 =	vmin.f32 v50, $1.500000000e+01;
	v45 =	vmin.f32 v55, $1.500000000e+01  }
0xef: {  	v17 =	vadd.f32 v63, v17;
	v28 =	vadd.f32 v59, v18;
	v30 =	vshll.u32 v30, $0x7  }
0xf0: {  	v18 =	vcvt.f32.s32 v20;
	v30 =	vor.u32 v3, v30;
	v23 =	vmul.f32 v58, v49  }
0xf1: {  	v20 =	vmin.f32 v60, $1.500000000e+01;
	v31 =	vtrunc.f32 v31;
	v41 =	vshll.u32 v41, $0x7  }
0xf2: {  	v41 =	vor.u32 v1, v41;
	v29 =	vadd.f32 v24, v23;
	v24 =	vmax.f32 v21, $0.0e+00  }
0xf3: {  	v31 =	vcvt.f32.s32 v31;
	v18 =	vshll.u32 v18, $0x7;
	v24 =	vmin.f32 v24, $1.500000000e+01  }
0xf4: {  	v14 =	vmul.f32 v56, v14;
	v18 =	vor.u32 v7, v18;
	v24 =	vtrunc.f32 v24  }
0xf5: {  	v33 =	vtrunc.f32 v33;
	v31 =	vshll.u32 v31, $0x7;
	v39 =	vld.idx.msk [tilespmem:v30+s9+$0x0], $0xffff;
	v24 =	vcvt.f32.s32 v24  }
0xf6: {  	v33 =	vcvt.f32.s32 v33;
	v14 =	vadd.f32 v57, v14;
	v31 =	vor.u32 v4, v31;
	v30 =	vld.idx.msk [tilespmem:v30+s11+$0x0], $0xffff  }
0xf7: {  	v45 =	vtrunc.f32 v45;
	v20 =	vtrunc.f32 v20;
	v50 =	vld.idx.msk [tilespmem:v41+s9+$0x0], $0xffff;
	v24 =	vshll.u32 v24, $0x7  }
0xf8: {  	v33 =	vshll.u32 v33, $0x7;
	v56 =	vmax.f32 v14, $0.0e+00;
	v41 =	vld.idx.msk [tilespmem:v41+s11+$0x0], $0xffff;
	v24 =	vor.u32 v2, v24  }
0xf9: {  	v20 =	vcvt.f32.s32 v20;
	v33 =	vor.u32 v5, v33;
	v58 =	vmin.f32 v56, $1.500000000e+01;
	v63 =	vld.idx.msk [tilespmem:v18+s9+$0x0], $0xffff  }
0xfa: {  	v57 =	vcvt.f32.s32 v45;
	v49 =	vmax.f32 v19, $0.0e+00;
	v18 =	vld.idx.msk [tilespmem:v18+s11+$0x0], $0xffff;
	v45 =	vtrunc.f32 v58  }
0xfb: {  	v20 =	vshll.u32 v20, $0x7;
	v37 =	vmin.f32 v49, $1.500000000e+01;
	v42 =	vld.idx.msk [tilespmem:v31+s9+$0x0], $0xffff;
	v45 =	vcvt.f32.s32 v45  }
0xfc: {  	v35 =	vcvt.f32.s32 v35;
	v20 =	vor.u32 v0, v20;
	v37 =	vtrunc.f32 v37;
	v31 =	vld.idx.msk [tilespmem:v31+s11+$0x0], $0xffff  }
0xfd: {  	v23 =	vmax.f32 v15, $0.0e+00;
	v51 =	vcvt.f32.s32 v37;
	v45 =	vshll.u32 v45, $0x7;
	v38 =	vld.idx.msk [tilespmem:v24+s9+$0x0], $0xffff  }
0xfe: {  	v37 =	vtrunc.f32 v52;
	v45 =	vor.u32 v4, v45;
	v40 =	vld.idx.msk [tilespmem:v24+s11+$0x0], $0xffff;
	v24 =	vshll.u32 v35, $0x7  }
0xff: {  	v23 =	vmin.f32 v23, $1.500000000e+01;
	v44 =	vld.idx.msk [tilespmem:v33+s9+$0x0], $0xffff;
	v37 =	vcvt.f32.s32 v37;
	v24 =	vor.u32 v6, v24  }
0x100: {  	v54 =	vmax.f32 v17, $0.0e+00;
	v33 =	vld.idx.msk [tilespmem:v33+s11+$0x0], $0xffff;
	v23 =	vtrunc.f32 v23  }
0x101: {  	v43 =	vmin.f32 v54, $1.500000000e+01;
	v34 =	vld.idx.msk [tilespmem:v20+s9+$0x0], $0xffff;
	v23 =	vcvt.f32.s32 v23;
	v37 =	vshll.u32 v37, $0x7  }
0x102: {  	v43 =	vtrunc.f32 v43;
	v20 =	vld.idx.msk [tilespmem:v20+s11+$0x0], $0xffff;
	v61 =	vmax.f32 v29, $0.0e+00;
	v37 =	vor.u32 v0, v37  }
0x103: {  	v43 =	vcvt.f32.s32 v43;
	v47 =	vmin.f32 v61, $1.500000000e+01;
	v23 =	vshll.u32 v23, $0x7;
	v55 =	vld.idx.msk [tilespmem:v45+s9+$0x0], $0xffff  }
0x104: {  	v47 =	vtrunc.f32 v47;
	v23 =	vor.u32 v1, v23;
	v46 =	vld.idx.msk [tilespmem:v24+s9+$0x0], $0xffff  }
0x105: {  	v25 =	vmul.f32 v63, v25;
	v47 =	vcvt.f32.s32 v47;
	v48 =	vld.idx.msk [tilespmem:v24+s11+$0x0], $0xffff;
	v24 =	vshll.u32 v43, $0x7  }
0x106: {  	v58 =	vld.idx.msk [tilespmem:v45+s11+$0x0], $0xffff;
	v24 =	vor.u32 v2, v24  }
0x107: {  	v59 =	vmax.f32 v28, $0.0e+00;
	v49 =	vadd.f32 v18, v25;
	v47 =	vshll.u32 v47, $0x7;
	v18 =	vld.idx.msk [tilespmem:v37+s9+$0x0], $0xffff  }
0x108: {  	v60 =	vmin.f32 v59, $1.500000000e+01;
	v47 =	vor.u32 v6, v47;
	v37 =	vld.idx.msk [tilespmem:v37+s11+$0x0], $0xffff;
	v35 =	vshll.u32 v51, $0x7  }
0x109: {  	v62 =	vmax.f32 v49, $0.0e+00;
	v36 =	vld.idx.msk [tilespmem:v23+s9+$0x0], $0xffff;
	v35 =	vor.u32 v7, v35;
	v43 =	vshll.u32 v57, $0x7  }
0x10a: {  	v23 =	vld.idx.msk [tilespmem:v23+s11+$0x0], $0xffff;
	v51 =	vmin.f32 v62, $1.500000000e+01;
	v25 =	vor.u32 v3, v43;
	v43 =	vtrunc.f32 v60  }
0x10b: {  	v51 =	vtrunc.f32 v51;
	v43 =	vcvt.f32.s32 v43;
	v52 =	vld.idx.msk [tilespmem:v24+s9+$0x0], $0xffff  }
0x10c: {  	v53 =	vld.idx.msk [tilespmem:v24+s11+$0x0], $0xffff;
	v24 =	vcvt.f32.s32 v51  }
0x10d: {  	v61 =	vld.idx.msk [tilespmem:v47+s9+$0x0], $0xffff;
	v43 =	vshll.u32 v43, $0x7  }
0x10e: {  	v32 =	vld.idx.msk [tilespmem:v35+s9+$0x0], $0xffff;
	v43 =	vor.u32 v5, v43;
	v24 =	vshll.u32 v24, $0x7  }
0x10f: {  	v10 =	vmul.f32 v34, v10;
	v35 =	vld.idx.msk [tilespmem:v35+s11+$0x0], $0xffff;
	v56 =	vor.u32 v7, v24  }
0x110: {  	v11 =	vmul.f32 v44, v11;
	v15 =	vmul.f32 v36, v15;
	v63 =	vld.idx.msk [tilespmem:v25+s9+$0x0], $0xffff  }
0x111: {  	v21 =	vmul.f32 v38, v21;
	v54 =	vld.idx.msk [tilespmem:v25+s11+$0x0], $0xffff;
	v25 =	vadd.f32 v20, v10;
	v10 =	vmul.f32 v42, v16  }
0x112: {  	v20 =	vadd.f32 v33, v11;
	v11 =	vmul.f32 v18, v26;
	v26 =	vld.idx.msk [tilespmem:v47+s11+$0x0], $0xffff;
	v24 =	vadd.f32 v23, v15  }
0x113: {  	v23 =	vadd.f32 v40, v21;
	v21 =	vadd.f32 v31, v10;
	v10 =	vmul.f32 v46, v12;
	v59 =	vld.idx.msk [tilespmem:v43+s9+$0x0], $0xffff  }
0x114: {  	v22 =	vmul.f32 v39, v22;
	v12 =	vmul.f32 v32, v19;
	v62 =	vld.idx.msk [tilespmem:v56+s9+$0x0], $0xffff  }
0x115: {  	v15 =	vmul.f32 v50, v27;
	v60 =	vld.idx.msk [tilespmem:v43+s11+$0x0], $0xffff;
	v19 =	vadd.f32 v48, v10;
	v10 =	vmul.f32 v52, v17  }
0x116: {  	p1 =	sne.s32 s31, $0x1;
	v22 =	vadd.f32 v30, v22;
	v17 =	vadd.f32 v37, v11;
	v11 =	vmul.f32 v63, v13;
	v27 =	vld.idx.msk [tilespmem:v56+s11+$0x0], $0xffff  }
.Ltmp0:
0x117: {  	v16 =	vadd.f32 v41, v15;
	v15 =	vadd.f32 v53, v10;
	(pc) =	sbr.rel @p1 .LBB2_3-.Ltmp0, $4  }
0x118: {  	v10 =	vmul.f32 v55, v14;
	v14 =	vadd.f32 v54, v11;
	v11 =	vmul.f32 v61, v29  }
0x119: {  	v18 =	vadd.f32 v35, v12;
	v12 =	vmul.f32 v59, v28;
	v63 =	vmul.f32 v62, v49  }
0x11a: {  	v13 =	vadd.f32 v58, v10;
	v11 =	vadd.f32 v26, v11  }
0x11b: {  	s31 =	sadd.s32 $0xFFFFFFFF, s31;
	v12 =	vadd.f32 v60, v12;
	v10 =	vadd.f32 v27, v63  }
0x11c: {  	v25 =	vmul.f32 $3.750000000e-01, v25;
	_ =	sdelay $0x1  }
0x11d: {  	vm0 =	vge.f32 v9, $1.000000000e+00;
	vm1 =	vle.f32 v9, $0.0e+00;
	v33 =	vadd.f32 $-3.000000000e+00, v25  }
0x11e: {  	vm0 =	vmor vm0, vm1  }
0x11f: {  	v8 =	vsel vm0, v8, v33  }
0x120: {  	[tilespmem:s23+$0x7000] =	vst v8  }
0x121: {  	v8 =	vld [tilespmem:s30+$0x0];
	_ =	sdelay $0x4  }
0x122: {  	v34 =	vadd.f32 $3.000000000e+00, v8;
	_ =	sdelay $0x1  }
0x123: {  	v24 =	vmul.f32 $3.750000000e-01, v24;
	v9 =	vmul.f32 $1.666666720e-01, v34;
	_ =	sdelay $0x1  }
0x124: {  	v35 =	vadd.f32 $-3.000000000e+00, v24;
	vm10 =	vge.f32 v9, $1.000000000e+00;
	vm11 =	vle.f32 v9, $0.0e+00  }
0x125: {  	vm0 =	vmor vm10, vm11  }
0x126: {  	v8 =	vsel vm0, v8, v35  }
0x127: {  	[tilespmem:s30+$0x7000] =	vst v8  }
0x128: {  	v8 =	vld [tilespmem:s29+$0x0];
	_ =	sdelay $0x4  }
0x129: {  	v36 =	vadd.f32 $3.000000000e+00, v8;
	_ =	sdelay $0x1  }
0x12a: {  	v23 =	vmul.f32 $3.750000000e-01, v23;
	v9 =	vmul.f32 $1.666666720e-01, v36;
	_ =	sdelay $0x1  }
0x12b: {  	v37 =	vadd.f32 $-3.000000000e+00, v23;
	vm12 =	vge.f32 v9, $1.000000000e+00;
	vm13 =	vle.f32 v9, $0.0e+00  }
0x12c: {  	vm0 =	vmor vm12, vm13  }
0x12d: {  	v8 =	vsel vm0, v8, v37  }
0x12e: {  	[tilespmem:s29+$0x7000] =	vst v8  }
0x12f: {  	v8 =	vld [tilespmem:s28+$0x0];
	_ =	sdelay $0x4  }
0x130: {  	v38 =	vadd.f32 $3.000000000e+00, v8;
	_ =	sdelay $0x1  }
0x131: {  	v22 =	vmul.f32 $3.750000000e-01, v22;
	v9 =	vmul.f32 $1.666666720e-01, v38;
	_ =	sdelay $0x1  }
0x132: {  	v39 =	vadd.f32 $-3.000000000e+00, v22;
	vm14 =	vge.f32 v9, $1.000000000e+00;
	vm15 =	vle.f32 v9, $0.0e+00  }
0x133: {  	vm0 =	vmor vm14, vm15  }
0x134: {  	v8 =	vsel vm0, v8, v39  }
0x135: {  	[tilespmem:s28+$0x7000] =	vst v8  }
0x136: {  	v8 =	vld [tilespmem:s26+$0x0];
	_ =	sdelay $0x4  }
0x137: {  	v40 =	vadd.f32 $3.000000000e+00, v8;
	_ =	sdelay $0x1  }
0x138: {  	v21 =	vmul.f32 $3.750000000e-01, v21;
	v9 =	vmul.f32 $1.666666720e-01, v40;
	_ =	sdelay $0x1  }
0x139: {  	v41 =	vadd.f32 $-3.000000000e+00, v21;
	vm4 =	vge.f32 v9, $1.000000000e+00;
	vm5 =	vle.f32 v9, $0.0e+00  }
0x13a: {  	vm0 =	vmor vm4, vm5  }
0x13b: {  	v8 =	vsel vm0, v8, v41  }
0x13c: {  	[tilespmem:s26+$0x7000] =	vst v8  }
0x13d: {  	v8 =	vld [tilespmem:s25+$0x0];
	_ =	sdelay $0x4  }
0x13e: {  	v42 =	vadd.f32 $3.000000000e+00, v8;
	_ =	sdelay $0x1  }
0x13f: {  	v20 =	vmul.f32 $3.750000000e-01, v20;
	v9 =	vmul.f32 $1.666666720e-01, v42;
	_ =	sdelay $0x1  }
0x140: {  	v43 =	vadd.f32 $-3.000000000e+00, v20;
	vm6 =	vge.f32 v9, $1.000000000e+00;
	vm7 =	vle.f32 v9, $0.0e+00  }
0x141: {  	vm0 =	vmor vm6, vm7  }
0x142: {  	v8 =	vsel vm0, v8, v43  }
0x143: {  	[tilespmem:s25+$0x7000] =	vst v8  }
0x144: {  	v8 =	vld [tilespmem:s24+$0x0];
	_ =	sdelay $0x4  }
0x145: {  	v44 =	vadd.f32 $3.000000000e+00, v8;
	_ =	sdelay $0x1  }
0x146: {  	v19 =	vmul.f32 $3.750000000e-01, v19;
	v9 =	vmul.f32 $1.666666720e-01, v44;
	_ =	sdelay $0x1  }
0x147: {  	v45 =	vadd.f32 $-3.000000000e+00, v19;
	vm8 =	vge.f32 v9, $1.000000000e+00;
	vm9 =	vle.f32 v9, $0.0e+00  }
0x148: {  	vm0 =	vmor vm8, vm9  }
0x149: {  	v8 =	vsel vm0, v8, v45  }
0x14a: {  	[tilespmem:s24+$0x7000] =	vst v8  }
0x14b: {  	v8 =	vld [tilespmem:s22+$0x0];
	_ =	sdelay $0x4  }
0x14c: {  	v46 =	vadd.f32 $3.000000000e+00, v8;
	_ =	sdelay $0x1  }
0x14d: {  	v18 =	vmul.f32 $3.750000000e-01, v18;
	v9 =	vmul.f32 $1.666666720e-01, v46;
	_ =	sdelay $0x1  }
0x14e: {  	v47 =	vadd.f32 $-3.000000000e+00, v18;
	vm10 =	vge.f32 v9, $1.000000000e+00;
	vm11 =	vle.f32 v9, $0.0e+00  }
0x14f: {  	vm0 =	vmor vm10, vm11  }
0x150: {  	v8 =	vsel vm0, v8, v47  }
0x151: {  	[tilespmem:s22+$0x7000] =	vst v8  }
0x152: {  	v8 =	vld [tilespmem:s21+$0x0];
	_ =	sdelay $0x4  }
0x153: {  	v48 =	vadd.f32 $3.000000000e+00, v8;
	_ =	sdelay $0x1  }
0x154: {  	v17 =	vmul.f32 $3.750000000e-01, v17;
	v9 =	vmul.f32 $1.666666720e-01, v48;
	_ =	sdelay $0x1  }
0x155: {  	v49 =	vadd.f32 $-3.000000000e+00, v17;
	vm12 =	vge.f32 v9, $1.000000000e+00;
	vm13 =	vle.f32 v9, $0.0e+00  }
0x156: {  	vm0 =	vmor vm12, vm13  }
0x157: {  	v8 =	vsel vm0, v8, v49  }
0x158: {  	[tilespmem:s21+$0x7000] =	vst v8  }
0x159: {  	v8 =	vld [tilespmem:s20+$0x0];
	_ =	sdelay $0x4  }
0x15a: {  	v50 =	vadd.f32 $3.000000000e+00, v8;
	_ =	sdelay $0x1  }
0x15b: {  	v16 =	vmul.f32 $3.750000000e-01, v16;
	v9 =	vmul.f32 $1.666666720e-01, v50;
	_ =	sdelay $0x1  }
0x15c: {  	v51 =	vadd.f32 $-3.000000000e+00, v16;
	vm14 =	vge.f32 v9, $1.000000000e+00;
	vm15 =	vle.f32 v9, $0.0e+00  }
0x15d: {  	vm0 =	vmor vm14, vm15  }
0x15e: {  	v8 =	vsel vm0, v8, v51  }
0x15f: {  	[tilespmem:s20+$0x7000] =	vst v8  }
0x160: {  	v8 =	vld [tilespmem:s19+$0x0];
	_ =	sdelay $0x4  }
0x161: {  	v52 =	vadd.f32 $3.000000000e+00, v8;
	_ =	sdelay $0x1  }
0x162: {  	v15 =	vmul.f32 $3.750000000e-01, v15;
	v9 =	vmul.f32 $1.666666720e-01, v52;
	_ =	sdelay $0x1  }
0x163: {  	v53 =	vadd.f32 $-3.000000000e+00, v15;
	vm4 =	vge.f32 v9, $1.000000000e+00;
	vm5 =	vle.f32 v9, $0.0e+00  }
0x164: {  	vm0 =	vmor vm4, vm5  }
0x165: {  	v8 =	vsel vm0, v8, v53  }
0x166: {  	[tilespmem:s19+$0x7000] =	vst v8  }
0x167: {  	v8 =	vld [tilespmem:s18+$0x0];
	_ =	sdelay $0x4  }
0x168: {  	v54 =	vadd.f32 $3.000000000e+00, v8;
	_ =	sdelay $0x1  }
0x169: {  	v14 =	vmul.f32 $3.750000000e-01, v14;
	v9 =	vmul.f32 $1.666666720e-01, v54;
	_ =	sdelay $0x1  }
0x16a: {  	v55 =	vadd.f32 $-3.000000000e+00, v14;
	vm6 =	vge.f32 v9, $1.000000000e+00;
	vm7 =	vle.f32 v9, $0.0e+00  }
0x16b: {  	vm0 =	vmor vm6, vm7  }
0x16c: {  	v8 =	vsel vm0, v8, v55  }
0x16d: {  	[tilespmem:s18+$0x7000] =	vst v8  }
0x16e: {  	v8 =	vld [tilespmem:s17+$0x0];
	_ =	sdelay $0x4  }
0x16f: {  	v56 =	vadd.f32 $3.000000000e+00, v8;
	_ =	sdelay $0x1  }
0x170: {  	v13 =	vmul.f32 $3.750000000e-01, v13;
	v9 =	vmul.f32 $1.666666720e-01, v56;
	_ =	sdelay $0x1  }
0x171: {  	v57 =	vadd.f32 $-3.000000000e+00, v13;
	vm8 =	vge.f32 v9, $1.000000000e+00;
	vm9 =	vle.f32 v9, $0.0e+00  }
0x172: {  	vm0 =	vmor vm8, vm9  }
0x173: {  	v8 =	vsel vm0, v8, v57  }
0x174: {  	[tilespmem:s17+$0x7000] =	vst v8  }
0x175: {  	v8 =	vld [tilespmem:s16+$0x0];
	_ =	sdelay $0x4  }
0x176: {  	v58 =	vadd.f32 $3.000000000e+00, v8;
	_ =	sdelay $0x1  }
0x177: {  	v12 =	vmul.f32 $3.750000000e-01, v12;
	v9 =	vmul.f32 $1.666666720e-01, v58;
	_ =	sdelay $0x1  }
0x178: {  	v59 =	vadd.f32 $-3.000000000e+00, v12;
	vm10 =	vge.f32 v9, $1.000000000e+00;
	vm11 =	vle.f32 v9, $0.0e+00  }
0x179: {  	vm0 =	vmor vm10, vm11  }
0x17a: {  	v8 =	vsel vm0, v8, v59  }
0x17b: {  	[tilespmem:s16+$0x7000] =	vst v8  }
0x17c: {  	v8 =	vld [tilespmem:s15+$0x0];
	_ =	sdelay $0x4  }
0x17d: {  	v60 =	vadd.f32 $3.000000000e+00, v8;
	_ =	sdelay $0x1  }
0x17e: {  	v11 =	vmul.f32 $3.750000000e-01, v11;
	v9 =	vmul.f32 $1.666666720e-01, v60;
	_ =	sdelay $0x1  }
0x17f: {  	v61 =	vadd.f32 $-3.000000000e+00, v11;
	vm12 =	vge.f32 v9, $1.000000000e+00;
	vm13 =	vle.f32 v9, $0.0e+00  }
0x180: {  	vm0 =	vmor vm12, vm13  }
0x181: {  	v8 =	vsel vm0, v8, v61  }
0x182: {  	[tilespmem:s15+$0x7000] =	vst v8  }
0x183: {  	v8 =	vld [tilespmem:s14+$0x0];
	_ =	sdelay $0x4  }
0x184: {  	v62 =	vadd.f32 $3.000000000e+00, v8  }
0x185: {  	s13 =	sadd.s32 $0x1, s13  }
0x186: {  	v10 =	vmul.f32 $3.750000000e-01, v10;
	p1 =	sne.s32 s13, s5;
	v9 =	vmul.f32 $1.666666720e-01, v62  }
.Ltmp1:
0x187: {  	_ = 	snop;
	(pc) =	sbr.rel @p1 .LBB2_2-.Ltmp1, $4  }
0x188: {  	v63 =	vadd.f32 $-3.000000000e+00, v10;
	vm14 =	vge.f32 v9, $1.000000000e+00;
	vm15 =	vle.f32 v9, $0.0e+00  }
0x189: {  	vm0 =	vmor vm14, vm15  }
0x18a: {  	v8 =	vsel vm0, v8, v63  }
0x18b: {  	[tilespmem:s14+$0x7000] =	vst v8  }
0x18c: {  	s13 =	simm.s32 @p0 $0x0;
	s14 =	simm.s32 @p0 $0x7000  }
0x18d: {  	[hbm4b:s7+s13] =	stream.linear.scatter @p0 [tilespmem:s14], [sflag:$0x1], $0x6F00, $0x38;
	[tilespmem:$0xF000] =	vst v63  }
0x18e: {  	s13 =	simm.s32 @p0 $0x1  }
0x18f: {  	_ =	swait.ge @p0 [sflag:s13], $0x6F00  }
0x190: {  	s12 =	sadd.s32 $0x1, s12;
	s14 =	simm.s32 @!p0 $0x7000;
	[sflag:s13] =	ssyncset.done @p0 $0x0  }
0x191: {  	p1 =	sne.s32 s12, s8;
	[sflag:s13] =	ssyncadd.s32 @p0 $0xFFFF9100;
	s13 =	simm.s32 @!p0 $0x0  }
0x192: {  	[hbm4b:s7+s13] =	stream.linear.scatter @!p0 [tilespmem:s14], [sflag:$0x1], $0x7000, $0x38;
	[tilespmem:$0xF000] =	vst v63  }
.Ltmp2:
0x193: {  	_ = 	snop;
	(pc) =	sbr.rel @p1 .LBB2_1-.Ltmp2, $4  }
0x194: {  	s13 =	simm.s32 @!p0 $0x1  }
0x195: {  	_ =	swait.ge @!p0 [sflag:s13], $0x7000  }
0x196: {  	[sflag:s13] =	ssyncset.done @!p0 $0x0  }
0x197: {  	[sflag:s13] =	ssyncadd.s32 @!p0 $0xFFFF9000  }
0x198: {  	_ =	sfence.sel $0x180000  }
0x199: {  	[bflag:$0x0] =	sbarrier.arrive $0xFFFF  }
0x19a: {  	p0 =	sne.s32 s0, $0x0;
	_ =	strace $0x90000047  }
0x19b: {  	s0 =	sadd.s32 @!p0 $0x100000, s1;
	[bflag:$0x2] =	sbarrier.arrive $0xFFFF  }
0x19c: {  	[sflag:s0] =	ssyncadd.tile.s32 @!p0 $0x1;
	_ =	shalt  }
.Lfunc_end2:
_tile_overlayer_lowered:
.L_overlay_start_2:
0x19d: {  	(tag) =	ssettag $0x2  }
0x19e: {  	s0 =	rddreg [dreg:$0x0];
	s2 =	stileid.u32  }
0x19f: {  	s1 =	rddreg [dreg:$0x1];
	p0 =	sne.s32 s2, $0x0  }
0x1a0: {  	s3 =	rddreg [dreg:$0x2];
	[bflag:$0x3] =	sbarrier.arrive $0xFFFF;
	s2 =	simm.s32 @!p0 $0x1C01  }
0x1a1: {  	[timem:s3], [sflag:s2] =	dma.local @!p0 [hbm:s0], s1  }
0x1a2: {  	s0 =	simm.s32 @!p0 $0x1  }
0x1a3: {  	_ =	swait.ge @!p0 [sflag:s0], s1  }
0x1a4: {  	s1 =	ssub.s32 @!p0 $0x0, s1;
	[sflag:s0] =	ssyncset.done @!p0 $0x0  }
0x1a5: {  	[sflag:s0] =	ssyncadd.s32 @!p0 s1  }
0x1a6: {  	[bflag:$0x3] =	sbarrier.arrive $0xFFFF  }
0x1a7: {  	_ =	shalt  }

</sc_bundles>
